<compile_context>
chip_gen: v7x
topology: tpu7x:2x2x1
jax: 0.10.2.dev20260603
libtpu: 0.0.44.dev20260713+nightly
codegen_flags: <defaults>
</compile_context>

<pallas_src>
import dataclasses
import functools

import jax
import jax.numpy as jnp
from jax import lax
from jax.experimental import pallas as pl
from jax.experimental.pallas import tpu as pltpu
from jax.experimental.pallas import tpu_sc as plsc

N = 10000
E = 320000
F_IN = 128
H = 4
C = 32
HC = H * C

NTILES = 32
EPW = 10240
E_PAD = EPW * NTILES
PADDST = 10100
TP = 1024
CHUNK = 80
NCHUNK = EPW // CHUNK
CHUNK1 = 512
NCHUNK1 = EPW // CHUNK1
NPAD = 10240
RPT = NPAD // 16


_R1 = 1000


def _pre_body(x_ref, w_ref, as_ref, ad_ref, h_ref, asrc_ref, adst_ref,
              k_ref, mx_ref):
    i = pl.program_id(0)
    xb = x_ref[...]
    hb = jnp.dot(xb, w_ref[...], preferred_element_type=jnp.float32)
    h_ref[...] = hb
    a_s = jnp.dot(hb, as_ref[...], preferred_element_type=jnp.float32)
    a_d = jnp.dot(hb, ad_ref[...], preferred_element_type=jnp.float32)
    asrc_ref[...] = a_s
    adst_ref[...] = a_d
    prev_s = jnp.where(i == 0, -jnp.inf, mx_ref[0])
    prev_d = jnp.where(i == 0, -jnp.inf, mx_ref[1])
    ms = jnp.maximum(prev_s, jnp.max(a_s))
    md = jnp.maximum(prev_d, jnp.max(a_d))
    mx_ref[0] = ms
    mx_ref[1] = md
    m = ms + md
    k = jnp.maximum(m, 0.2 * m)
    k_ref[...] = jnp.full((8, HC), k, jnp.float32)


def _tc_pre(x, W, A_src, A_dst):
    return pl.pallas_call(
        _pre_body,
        grid=(N // _R1,),
        in_specs=[
            pl.BlockSpec((_R1, F_IN), lambda i: (i, 0)),
            pl.BlockSpec((F_IN, HC), lambda i: (0, 0)),
            pl.BlockSpec((HC, H), lambda i: (0, 0)),
            pl.BlockSpec((HC, H), lambda i: (0, 0)),
        ],
        out_specs=[
            pl.BlockSpec((_R1, HC), lambda i: (i, 0)),
            pl.BlockSpec((_R1, H), lambda i: (i, 0)),
            pl.BlockSpec((_R1, H), lambda i: (i, 0)),
            pl.BlockSpec((8, HC), lambda i: (0, 0)),
        ],
        out_shape=[
            jax.ShapeDtypeStruct((N, HC), jnp.float32),
            jax.ShapeDtypeStruct((N, H), jnp.float32),
            jax.ShapeDtypeStruct((N, H), jnp.float32),
            jax.ShapeDtypeStruct((8, HC), jnp.float32),
        ],
        scratch_shapes=[pltpu.SMEM((2,), jnp.float32)],
    )(x, W, A_src, A_dst)



DR = NPAD // 32

_SC_MESH = dict(core_axis_name="c", subcore_axis_name="s")


def _sc_cp():
    cp = pltpu.CompilerParams()
    if "needs_layout_passes" in pltpu.CompilerParams.__dataclass_fields__:
        cp = dataclasses.replace(cp, needs_layout_passes=False)
    return cp


def _sc_logits_body(asrc_hbm, adst_hbm, src_hbm, dst_hbm, k_hbm, t_hbm,
                    asrc_v, adst_v, kv, srci, dsti, tbuf, sem):
    cid = lax.axis_index("c")
    sid = lax.axis_index("s")
    iota16 = lax.iota(jnp.int32, 16)

    pltpu.sync_copy(asrc_hbm, asrc_v)
    pltpu.sync_copy(adst_hbm, adst_v)
    pltpu.sync_copy(k_hbm, kv)
    kvec = kv[...]
    base = (cid * 16 + sid) * EPW

    @pl.loop(0, NCHUNK1)
    def _chunk(cn):
        off = base + cn * CHUNK1
        pltpu.sync_copy(src_hbm.at[pl.ds(off, CHUNK1)], srci)
        pltpu.sync_copy(dst_hbm.at[pl.ds(off, CHUNK1)], dsti)

        @plsc.parallel_loop(0, CHUNK1 // 16, unroll=2)
        def _grp(g):
            s16 = srci[pl.ds(g * 16, 16)]
            d16 = dsti[pl.ds(g * 16, 16)]
            rows4 = (g * 16 + iota16) * H
            s4 = s16 * H
            d4 = d16 * H
            for hh in range(H):
                a_s = plsc.load_gather(asrc_v, [s4 + hh])
                a_d = plsc.load_gather(adst_v, [d4 + hh])
                e = a_s + a_d
                e = jnp.maximum(e, 0.2 * e)
                t = jnp.exp(e - kvec)
                plsc.store_scatter(tbuf, [rows4 + hh], t)

        pltpu.sync_copy(tbuf, t_hbm.at[pl.ds(off * H, CHUNK1 * H)])


def _sc_logits(asrc_flat, adst_flat, src, dst, k16):
    kfn = pl.kernel(
        _sc_logits_body,
        mesh=plsc.VectorSubcoreMesh(**_SC_MESH),
        compiler_params=_sc_cp(),
        out_type=jax.ShapeDtypeStruct((E_PAD * H,), jnp.float32),
        scratch_types=[
            pltpu.VMEM((N * H + TP,), jnp.float32),
            pltpu.VMEM((N * H + TP,), jnp.float32),
            pltpu.VMEM((16,), jnp.float32),
            pltpu.VMEM((CHUNK1,), jnp.int32),
            pltpu.VMEM((CHUNK1,), jnp.int32),
            pltpu.VMEM((CHUNK1 * H,), jnp.float32),
            pltpu.SemaphoreType.DMA,
        ],
    )
    return kfn(asrc_flat, adst_flat, src, dst, k16)


ACC2 = NPAD + 512
SPT = ACC2 // 16


def _sc_body(h_hbm, src_hbm, dst_hbm, t_hbm, z_hbm,
             out_hbm, srci0, srci1, idxu0, idxu1, tbuf0, tbuf1,
             gin0, gin1, ustack, acc, sem_g, sem_i, sem_s):
    cid = lax.axis_index("c")
    sid = lax.axis_index("s")
    iota16 = lax.iota(jnp.int32, 16)

    pltpu.sync_copy(z_hbm, ustack.at[pl.ds(CHUNK, CHUNK)])

    @pl.loop(0, 8)
    def _za(j):
        pltpu.sync_copy(z_hbm, acc.at[pl.ds(sid * SPT + j * CHUNK, CHUNK)])

    pltpu.sync_copy(z_hbm.at[pl.ds(0, 32)],
                    acc.at[pl.ds(sid * SPT + 8 * CHUNK, 32)])

    plsc.subcore_barrier()

    zero16 = jnp.zeros((16,), jnp.float32)
    base = (cid * 16 + sid) * EPW
    bufs = ((srci0, idxu0, tbuf0, gin0), (srci1, idxu1, tbuf1, gin1))

    def idx_start(c, bid):
        srci, idxu, tbuf, _ = bufs[bid]
        off = base + c * CHUNK
        pltpu.async_copy(src_hbm.at[pl.ds(off, CHUNK)], srci, sem_i)
        pltpu.async_copy(dst_hbm.at[pl.ds(off, CHUNK)],
                         idxu.at[pl.ds(0, CHUNK)], sem_i)
        pltpu.async_copy(t_hbm.at[pl.ds(off * H, CHUNK * H)], tbuf, sem_i)

    def idx_wait(c, bid):
        srci, idxu, tbuf, _ = bufs[bid]
        off = base + c * CHUNK
        pltpu.make_async_copy(src_hbm.at[pl.ds(off, CHUNK)], srci,
                              sem_i).wait()
        pltpu.make_async_copy(dst_hbm.at[pl.ds(off, CHUNK)],
                              idxu.at[pl.ds(0, CHUNK)], sem_i).wait()
        pltpu.make_async_copy(t_hbm.at[pl.ds(off * H, CHUNK * H)], tbuf,
                              sem_i).wait()

    def gather_start(bid):
        srci, _, _, gin = bufs[bid]
        pltpu.async_copy(h_hbm.at[srci], gin, sem_g)

    def gather_wait(bid):
        srci, _, _, gin = bufs[bid]
        pltpu.make_async_copy(h_hbm.at[srci], gin, sem_g).wait()

    idx_start(0, 0)
    idx_wait(0, 0)
    gather_start(0)
    idx_start(1, 1)

    def pipe_iter(c, p):
        srci, idxu, tbuf, gin = bufs[p]
        q = 1 - p

        @pl.when(c + 1 < NCHUNK)
        def _nx():
            idx_wait(c + 1, q)
            gather_start(q)

        @plsc.parallel_loop(0, CHUNK // 16, unroll=2)
        def _grp(g):
            d16 = idxu[pl.ds(g * 16, 16)]
            rows = CHUNK + g * 16 + iota16
            rows4 = (g * 16 + iota16) * H
            cdt = (d16 & 31) * H
            idxu[pl.ds(CHUNK + g * 16, 16)] = (
                lax.shift_right_logical(d16, 5) + NPAD)
            for hh in range(H):
                t = plsc.load_gather(tbuf, [rows4 + hh])
                plsc.store_scatter(ustack, [rows, cdt + hh], t)

        gather_wait(p)

        @plsc.parallel_loop(0, CHUNK // H, unroll=2)
        def _equad(j):
            tq = tbuf[pl.ds(j * 16, 16)]
            for k in range(4):
                ee = j * H + k
                for hh in range(H):
                    tb = jnp.full((16,), tq[4 * k + hh], jnp.float32)
                    for half in range(2):
                        cc = hh * C + half * 16
                        v = gin[ee, pl.ds(cc, 16)]
                        ustack[ee, pl.ds(cc, 16)] = v * tb

        pltpu.sync_copy(ustack, acc.at[idxu], add=True)

        @plsc.parallel_loop(0, CHUNK // 16, unroll=2)
        def _rz(g):
            d16 = idxu[pl.ds(g * 16, 16)]
            rows = CHUNK + g * 16 + iota16
            cdt = (d16 & 31) * H
            for hh in range(H):
                plsc.store_scatter(ustack, [rows, cdt + hh], zero16)

        @pl.when(c + 2 < NCHUNK)
        def _pf():
            idx_start(c + 2, p)

    @pl.loop(0, NCHUNK, step=2)
    def _chunk(cn):
        pipe_iter(cn, 0)
        pipe_iter(cn + 1, 1)

    plsc.subcore_barrier()
    pltpu.sync_copy(acc.at[pl.ds(sid * SPT, SPT)],
                    out_hbm.at[cid, pl.ds(sid * SPT, SPT)])


def _sc_edges(h, src, dst, tflat):
    kfn = pl.kernel(
        _sc_body,
        mesh=plsc.VectorSubcoreMesh(**_SC_MESH),
        compiler_params=_sc_cp(),
        out_type=jax.ShapeDtypeStruct((2, ACC2, HC), jnp.float32),
        scratch_types=[
            pltpu.VMEM((CHUNK,), jnp.int32),
            pltpu.VMEM((CHUNK,), jnp.int32),
            pltpu.VMEM((2 * CHUNK,), jnp.int32),
            pltpu.VMEM((2 * CHUNK,), jnp.int32),
            pltpu.VMEM((CHUNK * H,), jnp.float32),
            pltpu.VMEM((CHUNK * H,), jnp.float32),
            pltpu.VMEM((CHUNK, HC), jnp.float32),
            pltpu.VMEM((CHUNK, HC), jnp.float32),
            pltpu.VMEM((2 * CHUNK, HC), jnp.float32),
            pltpu.VMEM_SHARED((ACC2, HC), jnp.float32),
            pltpu.SemaphoreType.DMA,
            pltpu.SemaphoreType.DMA,
            pltpu.SemaphoreType.DMA,
        ],
    )
    zeros = jnp.zeros((CHUNK, HC), jnp.float32)
    return kfn(h, src, dst, tflat, zeros)



_R2 = 1000


def _postA_body(acc0_ref, acc1_ref, dp0_ref, dp1_ref, h_ref, asrc_ref,
                adst_ref, k_ref, bias_ref, b_ref, tmp_ref, stats_ref,
                s_ref, q_ref):
    i = pl.program_id(0)
    kval = k_ref[0, 0]
    m = acc0_ref[...] + acc1_ref[...]
    d4 = dp0_ref[...] + dp1_ref[...]
    z = asrc_ref[...] + adst_ref[...]
    z = jnp.maximum(z, 0.2 * z)
    t4 = jnp.exp(z - kval)
    bmat = b_ref[...]
    d128 = jnp.dot(d4 + t4, bmat, preferred_element_type=jnp.float32)
    t128 = jnp.dot(t4, bmat, preferred_element_type=jnp.float32)
    o = (m + t128 * h_ref[...]) / (d128 + 1e-16) + bias_ref[...]
    tmp_ref[...] = o
    ps = jnp.sum(o, axis=0, keepdims=True)
    pq = jnp.sum(o * o, axis=0, keepdims=True)
    prev_s = jnp.where(i == 0, jnp.zeros_like(ps), s_ref[...])
    prev_q = jnp.where(i == 0, jnp.zeros_like(pq), q_ref[...])
    s_ref[...] = prev_s + ps
    q_ref[...] = prev_q + pq
    stats_ref[0:1, :] = s_ref[...]
    stats_ref[1:2, :] = q_ref[...]


def _tc_postA(acc0, acc1, dp0, dp1, h, asrc, adst, kmat, bias, Bmat):
    return pl.pallas_call(
        _postA_body,
        grid=(N // _R2,),
        in_specs=[
            pl.BlockSpec((_R2, HC), lambda i: (i, 0)),
            pl.BlockSpec((_R2, HC), lambda i: (i, 0)),
            pl.BlockSpec((_R2, H), lambda i: (i, 0)),
            pl.BlockSpec((_R2, H), lambda i: (i, 0)),
            pl.BlockSpec((_R2, HC), lambda i: (i, 0)),
            pl.BlockSpec((_R2, H), lambda i: (i, 0)),
            pl.BlockSpec((_R2, H), lambda i: (i, 0)),
            pl.BlockSpec((8, HC), lambda i: (0, 0)),
            pl.BlockSpec((HC,), lambda i: (0,)),
            pl.BlockSpec((H, HC), lambda i: (0, 0)),
        ],
        out_specs=[
            pl.BlockSpec((_R2, HC), lambda i: (i, 0)),
            pl.BlockSpec((2, HC), lambda i: (0, 0)),
        ],
        out_shape=[
            jax.ShapeDtypeStruct((N, HC), jnp.float32),
            jax.ShapeDtypeStruct((2, HC), jnp.float32),
        ],
        scratch_shapes=[
            pltpu.VMEM((1, HC), jnp.float32),
            pltpu.VMEM((1, HC), jnp.float32),
        ],
    )(acc0, acc1, dp0, dp1, h, asrc, adst, kmat, bias, Bmat)


def _postB_body(tmp_ref, stats_ref, gamma_ref, beta_ref, x_ref, y_ref):
    s = stats_ref[0:1, :]
    q = stats_ref[1:2, :]
    mu = s * (1.0 / N)
    var = q * (1.0 / N) - mu * mu
    inv = jax.lax.rsqrt(var + 1e-5)
    yv = (tmp_ref[...] - mu) * inv * gamma_ref[...] + beta_ref[...]
    y_ref[...] = jnp.maximum(yv, 0.0) + x_ref[...]


def _tc_postB(tmp, stats, gamma, beta, x):
    return pl.pallas_call(
        _postB_body,
        grid=(N // _R2,),
        in_specs=[
            pl.BlockSpec((_R2, HC), lambda i: (i, 0)),
            pl.BlockSpec((2, HC), lambda i: (0, 0)),
            pl.BlockSpec((HC,), lambda i: (0,)),
            pl.BlockSpec((HC,), lambda i: (0,)),
            pl.BlockSpec((_R2, HC), lambda i: (i, 0)),
        ],
        out_specs=pl.BlockSpec((_R2, HC), lambda i: (i, 0)),
        out_shape=jax.ShapeDtypeStruct((N, HC), jnp.float32),
    )(tmp, stats, gamma, beta, x)



def kernel(x, edge_index, W, att_src, att_dst, bias, gamma, beta):
    rows = jnp.arange(HC)
    heads = rows // C
    A_src = jnp.where(heads[:, None] == jnp.arange(H)[None, :],
                      att_src.reshape(-1)[:, None], 0.0).astype(jnp.float32)
    A_dst = jnp.where(heads[:, None] == jnp.arange(H)[None, :],
                      att_dst.reshape(-1)[:, None], 0.0).astype(jnp.float32)
    Bmat = (jnp.arange(H)[:, None] == heads[None, :]).astype(jnp.float32)

    h, asrc, adst, kmat = _tc_pre(x, W, A_src, A_dst)

    npadedges = E_PAD - E
    src = jnp.concatenate([edge_index[0],
                           jnp.zeros((npadedges,), edge_index.dtype)])
    dst = jnp.concatenate([edge_index[1],
                           jnp.full((npadedges,), PADDST, edge_index.dtype)])
    k16 = kmat[0, :16]
    tpad = jnp.zeros((TP,), jnp.float32)
    tflat = _sc_logits(jnp.concatenate([asrc.reshape(-1), tpad]),
                       jnp.concatenate([adst.reshape(-1), tpad]),
                       src, dst, k16)
    acc = _sc_edges(h, src, dst, tflat)

    dp0 = acc[0, NPAD:NPAD + DR].reshape(NPAD, H)[:N]
    dp1 = acc[1, NPAD:NPAD + DR].reshape(NPAD, H)[:N]
    tmp, stats = _tc_postA(acc[0, :N], acc[1, :N], dp0, dp1, h, asrc, adst,
                           kmat, bias, Bmat)
    return _tc_postB(tmp, stats, gamma, beta, x)

# --- scband reference (transcript-rebuilt; emitter-appended) ---
"""Pipeline reference for scband-gatlayer-25898652795467 (READ-ONLY COPY).

The authoritative reference and input builder live on the scoring server;
editing this copy changes nothing except your own understanding.
"""

import jax, jax.numpy as jnp
import numpy as np

N = 10000
E = 320000
F_IN = 128
H = 4
C = 32


def setup_inputs(seed: int = 0) -> dict:
    key = jax.random.key(seed)
    ks = jax.random.split(key, 8)
    x = jax.random.normal(ks[0], (N, F_IN), dtype=jnp.float32)
    edge_index = jax.random.randint(ks[1], (2, E), 0, N, dtype=jnp.int32)
    W = jax.random.normal(ks[2], (F_IN, H * C), dtype=jnp.float32) * 0.1
    att_src = jax.random.normal(ks[3], (H, C), dtype=jnp.float32) * 0.1
    att_dst = jax.random.normal(ks[4], (H, C), dtype=jnp.float32) * 0.1
    bias = jnp.zeros((H * C,), dtype=jnp.float32)
    gamma = jnp.ones((H * C,), dtype=jnp.float32)
    beta = jnp.zeros((H * C,), dtype=jnp.float32)
    return {"x": x, "edge_index": edge_index, "W": W, "att_src": att_src,
            "att_dst": att_dst, "bias": bias, "gamma": gamma, "beta": beta}


def reference(x, edge_index, W, att_src, att_dst, bias, gamma, beta):
    # GATConv (PyG semantics, add_self_loops=True, concat heads)
    loop = jnp.arange(N, dtype=edge_index.dtype)
    src = jnp.concatenate([edge_index[0], loop])
    dst = jnp.concatenate([edge_index[1], loop])
    h = (x @ W).reshape(N, H, C)                       # [N, H, C]
    a_src = (h * att_src[None, :, :]).sum(-1)           # [N, H]
    a_dst = (h * att_dst[None, :, :]).sum(-1)           # [N, H]
    e = a_src[src] + a_dst[dst]                         # [E+N, H]
    e = jax.nn.leaky_relu(e, negative_slope=0.2)
    # segment softmax over incoming edges of each dst node
    emax = jax.ops.segment_max(e, dst, num_segments=N)  # [N, H]
    ex = jnp.exp(e - emax[dst])
    denom = jax.ops.segment_sum(ex, dst, num_segments=N)
    alpha = ex / (denom[dst] + 1e-16)                   # [E+N, H]
    msg = h[src] * alpha[:, :, None]                    # [E+N, H, C]
    out = jax.ops.segment_sum(msg, dst, num_segments=N) # [N, H, C]
    out = out.reshape(N, H * C) + bias
    # BatchNorm1d (training-mode batch statistics)
    mu = out.mean(axis=0)
    var = out.var(axis=0)
    out = (out - mu) / jnp.sqrt(var + 1e-5) * gamma + beta
    # activation
    out = jax.nn.relu(out)
    # residual
    out = out + x
    # dropout p=0.0 -> identity
    return out

if __name__ == "__main__":
    import jax
    _d = setup_inputs()
    print(jax.jit(kernel)(*tuple(_d.values())))

</pallas_src>

<mosaic_0001>
#map = affine_map<(d0, d1) -> (0)>
module attributes {stable_mosaic.version = 14 : i64} {
  func.func @_sc_logits_body(%arg0: i32, %arg1: i32, %arg2: memref<41024xf32, #tpu.memory_space<hbm>>, %arg3: memref<41024xf32, #tpu.memory_space<hbm>>, %arg4: memref<327680xi32, #tpu.memory_space<hbm>>, %arg5: memref<327680xi32, #tpu.memory_space<hbm>>, %arg6: memref<16xf32, #tpu.memory_space<hbm>>, %arg7: memref<1310720xf32, #tpu.memory_space<hbm>>, %arg8: memref<41024xf32, #tpu.memory_space<vmem>>, %arg9: memref<41024xf32, #tpu.memory_space<vmem>>, %arg10: memref<16xf32, #tpu.memory_space<vmem>>, %arg11: memref<512xi32, #tpu.memory_space<vmem>>, %arg12: memref<512xi32, #tpu.memory_space<vmem>>, %arg13: memref<2048xf32, #tpu.memory_space<vmem>>, %arg14: memref<!tpu.dma_semaphore, #tpu.memory_space<semaphore_mem>>) attributes {dimension_semantics = [#tpu.dimension_semantics<core_parallel>, #tpu.dimension_semantics<subcore_parallel>], iteration_bounds = array<i64: 2, 16>, scalar_prefetch = 0 : i64, scratch_operands = 7 : i64, tpu.core_type = #tpu.core_type<sc_vector_subcore>, window_params = [{transform_indices = #map}, {transform_indices = #map}, {transform_indices = #map}, {transform_indices = #map}, {transform_indices = #map}, {transform_indices = #map}]} {
    %iota3A = tpu.iota {dimensions = array<i32: 0>} : vector<16xi32>
    "tpu.region"() ({
      %run_scoped3A = tpu.sem_alloc : memref<!tpu.dma_semaphore, #tpu.memory_space<semaphore_mem>>
      tpu.enqueue_dma source(%arg2 : memref<41024xf32, #tpu.memory_space<hbm>>) target(%arg8 : memref<41024xf32, #tpu.memory_space<vmem>>) target_semaphore(%run_scoped3A : memref<!tpu.dma_semaphore, #tpu.memory_space<semaphore_mem>>)
      tpu.wait_dma2 semaphore(%run_scoped3A : memref<!tpu.dma_semaphore, #tpu.memory_space<semaphore_mem>>) src(%arg2 : memref<41024xf32, #tpu.memory_space<hbm>>) dst(%arg8 : memref<41024xf32, #tpu.memory_space<vmem>>)
      tpu.yield
    }) : () -> ()
    "tpu.region"() ({
      %run_scoped3A = tpu.sem_alloc : memref<!tpu.dma_semaphore, #tpu.memory_space<semaphore_mem>>
      tpu.enqueue_dma source(%arg3 : memref<41024xf32, #tpu.memory_space<hbm>>) target(%arg9 : memref<41024xf32, #tpu.memory_space<vmem>>) target_semaphore(%run_scoped3A : memref<!tpu.dma_semaphore, #tpu.memory_space<semaphore_mem>>)
      tpu.wait_dma2 semaphore(%run_scoped3A : memref<!tpu.dma_semaphore, #tpu.memory_space<semaphore_mem>>) src(%arg3 : memref<41024xf32, #tpu.memory_space<hbm>>) dst(%arg9 : memref<41024xf32, #tpu.memory_space<vmem>>)
      tpu.yield
    }) : () -> ()
    "tpu.region"() ({
      %run_scoped3A = tpu.sem_alloc : memref<!tpu.dma_semaphore, #tpu.memory_space<semaphore_mem>>
      tpu.enqueue_dma source(%arg6 : memref<16xf32, #tpu.memory_space<hbm>>) target(%arg10 : memref<16xf32, #tpu.memory_space<vmem>>) target_semaphore(%run_scoped3A : memref<!tpu.dma_semaphore, #tpu.memory_space<semaphore_mem>>)
      tpu.wait_dma2 semaphore(%run_scoped3A : memref<!tpu.dma_semaphore, #tpu.memory_space<semaphore_mem>>) src(%arg6 : memref<16xf32, #tpu.memory_space<hbm>>) dst(%arg10 : memref<16xf32, #tpu.memory_space<vmem>>)
      tpu.yield
    }) : () -> ()
    %get3A = arith.constant 0 : index
    %get3A_0 = tpu.vector_load %arg10[%get3A] {strides = array<i32>} : memref<16xf32, #tpu.memory_space<vmem>>, vector<16xf32>,
    %mul3A = arith.constant 16 : i32
    %mul3A_1 = arith.muli %arg0, %mul3A : i32
    %add3A = arith.addi %mul3A_1, %arg1 : i32
    %mul3A_2 = arith.constant 10240 : i32
    %mul3A_3 = arith.muli %add3A, %mul3A_2 : i32
    %scan3A = arith.constant 0 : i32
    %scan3A_4 = arith.constant 20 : i32
    %scan3A_5 = arith.addi %scan3A, %scan3A_4 : i32
    %scan3A_6 = arith.constant 1 : i32
    scf.for %scan3A_8 = %scan3A to %scan3A_5 step %scan3A_6  : i32 {
      %mul3A_9 = arith.constant 1 : i32
      %mul3A_10 = arith.muli %scan3A_8, %mul3A_9 : i32
      %add3A_11 = arith.constant 0 : i32
      %add3A_12 = arith.addi %add3A_11, %mul3A_10 : i32
      %mul3A_13 = arith.constant 512 : i32
      %mul3A_14 = arith.muli %add3A_12, %mul3A_13 : i32
      %add3A_15 = arith.addi %mul3A_3, %mul3A_14 : i32
      "tpu.region"() ({
        %run_scoped3A = tpu.sem_alloc : memref<!tpu.dma_semaphore, #tpu.memory_space<semaphore_mem>>
        %dma_start3A = tpu.memref_slice %arg4[%add3A_15] : memref<327680xi32, #tpu.memory_space<hbm>> -> memref<512xi32, #tpu.memory_space<hbm>>
        %dma_start3A_20 = tpu.memref_slice %arg4[%add3A_15] : memref<327680xi32, #tpu.memory_space<hbm>> -> memref<512xi32, #tpu.memory_space<hbm>>
        tpu.enqueue_dma source(%dma_start3A_20 : memref<512xi32, #tpu.memory_space<hbm>>) target(%arg11 : memref<512xi32, #tpu.memory_space<vmem>>) target_semaphore(%run_scoped3A : memref<!tpu.dma_semaphore, #tpu.memory_space<semaphore_mem>>)
        %dma_wait3A = tpu.memref_slice %arg4[%add3A_15] : memref<327680xi32, #tpu.memory_space<hbm>> -> memref<512xi32, #tpu.memory_space<hbm>>
        %dma_wait3A_21 = tpu.memref_slice %arg4[%add3A_15] : memref<327680xi32, #tpu.memory_space<hbm>> -> memref<512xi32, #tpu.memory_space<hbm>>
        tpu.wait_dma2 semaphore(%run_scoped3A : memref<!tpu.dma_semaphore, #tpu.memory_space<semaphore_mem>>) src(%dma_wait3A_21 : memref<512xi32, #tpu.memory_space<hbm>>) dst(%arg11 : memref<512xi32, #tpu.memory_space<vmem>>)
        tpu.yield
      }) : () -> ()
      "tpu.region"() ({
        %run_scoped3A = tpu.sem_alloc : memref<!tpu.dma_semaphore, #tpu.memory_space<semaphore_mem>>
        %dma_start3A = tpu.memref_slice %arg5[%add3A_15] : memref<327680xi32, #tpu.memory_space<hbm>> -> memref<512xi32, #tpu.memory_space<hbm>>
        %dma_start3A_20 = tpu.memref_slice %arg5[%add3A_15] : memref<327680xi32, #tpu.memory_space<hbm>> -> memref<512xi32, #tpu.memory_space<hbm>>
        tpu.enqueue_dma source(%dma_start3A_20 : memref<512xi32, #tpu.memory_space<hbm>>) target(%arg12 : memref<512xi32, #tpu.memory_space<vmem>>) target_semaphore(%run_scoped3A : memref<!tpu.dma_semaphore, #tpu.memory_space<semaphore_mem>>)
        %dma_wait3A = tpu.memref_slice %arg5[%add3A_15] : memref<327680xi32, #tpu.memory_space<hbm>> -> memref<512xi32, #tpu.memory_space<hbm>>
        %dma_wait3A_21 = tpu.memref_slice %arg5[%add3A_15] : memref<327680xi32, #tpu.memory_space<hbm>> -> memref<512xi32, #tpu.memory_space<hbm>>
        tpu.wait_dma2 semaphore(%run_scoped3A : memref<!tpu.dma_semaphore, #tpu.memory_space<semaphore_mem>>) src(%dma_wait3A_21 : memref<512xi32, #tpu.memory_space<hbm>>) dst(%arg12 : memref<512xi32, #tpu.memory_space<vmem>>)
        tpu.yield
      }) : () -> ()
      %parallel_loop3A = arith.constant 0 : i32
      %parallel_loop3A_16 = arith.constant 32 : i32
      %parallel_loop3A_17 = arith.constant 1 : i32
      scf.for %parallel_loop3A_20 = %parallel_loop3A to %parallel_loop3A_16 step %parallel_loop3A_17  : i32 {
        %parallel_loop3A_21 = arith.constant 16 : i32
        %parallel_loop3A_22 = arith.muli %parallel_loop3A_20, %parallel_loop3A_21 : i32
        %parallel_loop3A_23 = arith.index_cast %parallel_loop3A_22 : i32 to index
        %parallel_loop3A_24 = tpu.vector_load %arg11[%parallel_loop3A_23] {strides = array<i32>} : memref<512xi32, #tpu.memory_space<vmem>>, vector<16xi32>,
        %parallel_loop3A_25 = arith.constant 16 : i32
        %parallel_loop3A_26 = arith.muli %parallel_loop3A_20, %parallel_loop3A_25 : i32
        %parallel_loop3A_27 = arith.index_cast %parallel_loop3A_26 : i32 to index
        %parallel_loop3A_28 = tpu.vector_load %arg12[%parallel_loop3A_27] {strides = array<i32>} : memref<512xi32, #tpu.memory_space<vmem>>, vector<16xi32>,
        %parallel_loop3A_29 = arith.constant 16 : i32
        %parallel_loop3A_30 = arith.muli %parallel_loop3A_20, %parallel_loop3A_29 : i32
        %parallel_loop3A_31 = vector.broadcast %parallel_loop3A_30 : i32 to vector<16xi32>
        %parallel_loop3A_32 = arith.addi %parallel_loop3A_31, %iota3A : vector<16xi32>
        %parallel_loop3A_33 = arith.constant 4 : i32
        %parallel_loop3A_34 = vector.broadcast %parallel_loop3A_33 : i32 to vector<16xi32>
        %parallel_loop3A_35 = arith.muli %parallel_loop3A_32, %parallel_loop3A_34 : vector<16xi32>
        %parallel_loop3A_36 = arith.constant 4 : i32
        %parallel_loop3A_37 = vector.broadcast %parallel_loop3A_36 : i32 to vector<16xi32>
        %parallel_loop3A_38 = arith.muli %parallel_loop3A_24, %parallel_loop3A_37 : vector<16xi32>
        %parallel_loop3A_39 = arith.constant 4 : i32
        %parallel_loop3A_40 = vector.broadcast %parallel_loop3A_39 : i32 to vector<16xi32>
        %parallel_loop3A_41 = arith.muli %parallel_loop3A_28, %parallel_loop3A_40 : vector<16xi32>
        %parallel_loop3A_42 = arith.constant 0 : i32
        %parallel_loop3A_43 = vector.broadcast %parallel_loop3A_42 : i32 to vector<16xi32>
        %parallel_loop3A_44 = arith.addi %parallel_loop3A_38, %parallel_loop3A_43 : vector<16xi32>
        %parallel_loop3A_45 = tpu.vector_load_idx %arg8[%parallel_loop3A_44] : memref<41024xf32, #tpu.memory_space<vmem>>[vector<16xi32>], vector<16xf32>,
        %parallel_loop3A_46 = arith.constant 0 : i32
        %parallel_loop3A_47 = vector.broadcast %parallel_loop3A_46 : i32 to vector<16xi32>
        %parallel_loop3A_48 = arith.addi %parallel_loop3A_41, %parallel_loop3A_47 : vector<16xi32>
        %parallel_loop3A_49 = tpu.vector_load_idx %arg9[%parallel_loop3A_48] : memref<41024xf32, #tpu.memory_space<vmem>>[vector<16xi32>], vector<16xf32>,
        %parallel_loop3A_50 = arith.addf %parallel_loop3A_45, %parallel_loop3A_49 : vector<16xf32>
        %parallel_loop3A_51 = arith.constant 2.000000e-01 : f32
        %parallel_loop3A_52 = vector.broadcast %parallel_loop3A_51 : f32 to vector<16xf32>
        %parallel_loop3A_53 = arith.mulf %parallel_loop3A_52, %parallel_loop3A_50 : vector<16xf32>
        %parallel_loop3A_54 = arith.maximumf %parallel_loop3A_50, %parallel_loop3A_53 : vector<16xf32>
        %parallel_loop3A_55 = arith.subf %parallel_loop3A_54, %get3A_0 : vector<16xf32>
        %parallel_loop3A_56 = math.exp %parallel_loop3A_55 : vector<16xf32>
        %parallel_loop3A_57 = arith.constant 0 : i32
        %parallel_loop3A_58 = vector.broadcast %parallel_loop3A_57 : i32 to vector<16xi32>
        %parallel_loop3A_59 = arith.addi %parallel_loop3A_35, %parallel_loop3A_58 : vector<16xi32>
        tpu.vector_store_idx %arg13[%parallel_loop3A_59], %parallel_loop3A_56 : memref<2048xf32, #tpu.memory_space<vmem>>[vector<16xi32>], vector<16xf32>,
        %parallel_loop3A_60 = arith.constant 1 : i32
        %parallel_loop3A_61 = vector.broadcast %parallel_loop3A_60 : i32 to vector<16xi32>
        %parallel_loop3A_62 = arith.addi %parallel_loop3A_38, %parallel_loop3A_61 : vector<16xi32>
        %parallel_loop3A_63 = tpu.vector_load_idx %arg8[%parallel_loop3A_62] : memref<41024xf32, #tpu.memory_space<vmem>>[vector<16xi32>], vector<16xf32>,
        %parallel_loop3A_64 = arith.constant 1 : i32
        %parallel_loop3A_65 = vector.broadcast %parallel_loop3A_64 : i32 to vector<16xi32>
        %parallel_loop3A_66 = arith.addi %parallel_loop3A_41, %parallel_loop3A_65 : vector<16xi32>
        %parallel_loop3A_67 = tpu.vector_load_idx %arg9[%parallel_loop3A_66] : memref<41024xf32, #tpu.memory_space<vmem>>[vector<16xi32>], vector<16xf32>,
        %parallel_loop3A_68 = arith.addf %parallel_loop3A_63, %parallel_loop3A_67 : vector<16xf32>
        %parallel_loop3A_69 = arith.constant 2.000000e-01 : f32
        %parallel_loop3A_70 = vector.broadcast %parallel_loop3A_69 : f32 to vector<16xf32>
        %parallel_loop3A_71 = arith.mulf %parallel_loop3A_70, %parallel_loop3A_68 : vector<16xf32>
        %parallel_loop3A_72 = arith.maximumf %parallel_loop3A_68, %parallel_loop3A_71 : vector<16xf32>
        %parallel_loop3A_73 = arith.subf %parallel_loop3A_72, %get3A_0 : vector<16xf32>
        %parallel_loop3A_74 = math.exp %parallel_loop3A_73 : vector<16xf32>
        %parallel_loop3A_75 = arith.constant 1 : i32
        %parallel_loop3A_76 = vector.broadcast %parallel_loop3A_75 : i32 to vector<16xi32>
        %parallel_loop3A_77 = arith.addi %parallel_loop3A_35, %parallel_loop3A_76 : vector<16xi32>
        tpu.vector_store_idx %arg13[%parallel_loop3A_77], %parallel_loop3A_74 : memref<2048xf32, #tpu.memory_space<vmem>>[vector<16xi32>], vector<16xf32>,
        %parallel_loop3A_78 = arith.constant 2 : i32
        %parallel_loop3A_79 = vector.broadcast %parallel_loop3A_78 : i32 to vector<16xi32>
        %parallel_loop3A_80 = arith.addi %parallel_loop3A_38, %parallel_loop3A_79 : vector<16xi32>
        %parallel_loop3A_81 = tpu.vector_load_idx %arg8[%parallel_loop3A_80] : memref<41024xf32, #tpu.memory_space<vmem>>[vector<16xi32>], vector<16xf32>,
        %parallel_loop3A_82 = arith.constant 2 : i32
        %parallel_loop3A_83 = vector.broadcast %parallel_loop3A_82 : i32 to vector<16xi32>
        %parallel_loop3A_84 = arith.addi %parallel_loop3A_41, %parallel_loop3A_83 : vector<16xi32>
        %parallel_loop3A_85 = tpu.vector_load_idx %arg9[%parallel_loop3A_84] : memref<41024xf32, #tpu.memory_space<vmem>>[vector<16xi32>], vector<16xf32>,
        %parallel_loop3A_86 = arith.addf %parallel_loop3A_81, %parallel_loop3A_85 : vector<16xf32>
        %parallel_loop3A_87 = arith.constant 2.000000e-01 : f32
        %parallel_loop3A_88 = vector.broadcast %parallel_loop3A_87 : f32 to vector<16xf32>
        %parallel_loop3A_89 = arith.mulf %parallel_loop3A_88, %parallel_loop3A_86 : vector<16xf32>
        %parallel_loop3A_90 = arith.maximumf %parallel_loop3A_86, %parallel_loop3A_89 : vector<16xf32>
        %parallel_loop3A_91 = arith.subf %parallel_loop3A_90, %get3A_0 : vector<16xf32>
        %parallel_loop3A_92 = math.exp %parallel_loop3A_91 : vector<16xf32>
        %parallel_loop3A_93 = arith.constant 2 : i32
        %parallel_loop3A_94 = vector.broadcast %parallel_loop3A_93 : i32 to vector<16xi32>
        %parallel_loop3A_95 = arith.addi %parallel_loop3A_35, %parallel_loop3A_94 : vector<16xi32>
        tpu.vector_store_idx %arg13[%parallel_loop3A_95], %parallel_loop3A_92 : memref<2048xf32, #tpu.memory_space<vmem>>[vector<16xi32>], vector<16xf32>,
        %parallel_loop3A_96 = arith.constant 3 : i32
        %parallel_loop3A_97 = vector.broadcast %parallel_loop3A_96 : i32 to vector<16xi32>
        %parallel_loop3A_98 = arith.addi %parallel_loop3A_38, %parallel_loop3A_97 : vector<16xi32>
        %parallel_loop3A_99 = tpu.vector_load_idx %arg8[%parallel_loop3A_98] : memref<41024xf32, #tpu.memory_space<vmem>>[vector<16xi32>], vector<16xf32>,
        %parallel_loop3A_100 = arith.constant 3 : i32
        %parallel_loop3A_101 = vector.broadcast %parallel_loop3A_100 : i32 to vector<16xi32>
        %parallel_loop3A_102 = arith.addi %parallel_loop3A_41, %parallel_loop3A_101 : vector<16xi32>
        %parallel_loop3A_103 = tpu.vector_load_idx %arg9[%parallel_loop3A_102] : memref<41024xf32, #tpu.memory_space<vmem>>[vector<16xi32>], vector<16xf32>,
        %parallel_loop3A_104 = arith.addf %parallel_loop3A_99, %parallel_loop3A_103 : vector<16xf32>
        %parallel_loop3A_105 = arith.constant 2.000000e-01 : f32
        %parallel_loop3A_106 = vector.broadcast %parallel_loop3A_105 : f32 to vector<16xf32>
        %parallel_loop3A_107 = arith.mulf %parallel_loop3A_106, %parallel_loop3A_104 : vector<16xf32>
        %parallel_loop3A_108 = arith.maximumf %parallel_loop3A_104, %parallel_loop3A_107 : vector<16xf32>
        %parallel_loop3A_109 = arith.subf %parallel_loop3A_108, %get3A_0 : vector<16xf32>
        %parallel_loop3A_110 = math.exp %parallel_loop3A_109 : vector<16xf32>
        %parallel_loop3A_111 = arith.constant 3 : i32
        %parallel_loop3A_112 = vector.broadcast %parallel_loop3A_111 : i32 to vector<16xi32>
        %parallel_loop3A_113 = arith.addi %parallel_loop3A_35, %parallel_loop3A_112 : vector<16xi32>
        tpu.vector_store_idx %arg13[%parallel_loop3A_113], %parallel_loop3A_110 : memref<2048xf32, #tpu.memory_space<vmem>>[vector<16xi32>], vector<16xf32>,
      } {sc.loop_unroll_factor = 2 : i64, sc.parallel_access}
      %mul3A_18 = arith.constant 4 : i32
      %mul3A_19 = arith.muli %add3A_15, %mul3A_18 : i32
      "tpu.region"() ({
        %run_scoped3A = tpu.sem_alloc : memref<!tpu.dma_semaphore, #tpu.memory_space<semaphore_mem>>
        %dma_start3A = tpu.memref_slice %arg7[%mul3A_19] : memref<1310720xf32, #tpu.memory_space<hbm>> -> memref<2048xf32, #tpu.memory_space<hbm>>
        %dma_start3A_20 = tpu.memref_slice %arg7[%mul3A_19] : memref<1310720xf32, #tpu.memory_space<hbm>> -> memref<2048xf32, #tpu.memory_space<hbm>>
        tpu.enqueue_dma source(%arg13 : memref<2048xf32, #tpu.memory_space<vmem>>) target(%dma_start3A_20 : memref<2048xf32, #tpu.memory_space<hbm>>) target_semaphore(%run_scoped3A : memref<!tpu.dma_semaphore, #tpu.memory_space<semaphore_mem>>)
        %dma_wait3A = tpu.memref_slice %arg7[%mul3A_19] : memref<1310720xf32, #tpu.memory_space<hbm>> -> memref<2048xf32, #tpu.memory_space<hbm>>
        %dma_wait3A_21 = tpu.memref_slice %arg7[%mul3A_19] : memref<1310720xf32, #tpu.memory_space<hbm>> -> memref<2048xf32, #tpu.memory_space<hbm>>
        tpu.wait_dma2 semaphore(%run_scoped3A : memref<!tpu.dma_semaphore, #tpu.memory_space<semaphore_mem>>) src(%arg13 : memref<2048xf32, #tpu.memory_space<vmem>>) dst(%dma_wait3A_21 : memref<2048xf32, #tpu.memory_space<hbm>>)
        tpu.yield
      }) : () -> ()
    }
    %scan3A_7 = arith.constant 20 : i32
    return
  }
}

#map = affine_map<(d0, d1) -> (0, 0)>
#map1 = affine_map<(d0, d1) -> (0)>
#map2 = affine_map<(d0, d1) -> (0, 0, 0)>
module attributes {stable_mosaic.version = 14 : i64} {
  func.func @_sc_body(%arg0: i32, %arg1: i32, %arg2: memref<10000x128xf32, #tpu.memory_space<hbm>>, %arg3: memref<327680xi32, #tpu.memory_space<hbm>>, %arg4: memref<327680xi32, #tpu.memory_space<hbm>>, %arg5: memref<1310720xf32, #tpu.memory_space<hbm>>, %arg6: memref<80x128xf32, #tpu.memory_space<hbm>>, %arg7: memref<2x10752x128xf32, #tpu.memory_space<hbm>>, %arg8: memref<80xi32, #tpu.memory_space<vmem>>, %arg9: memref<80xi32, #tpu.memory_space<vmem>>, %arg10: memref<160xi32, #tpu.memory_space<vmem>>, %arg11: memref<160xi32, #tpu.memory_space<vmem>>, %arg12: memref<320xf32, #tpu.memory_space<vmem>>, %arg13: memref<320xf32, #tpu.memory_space<vmem>>, %arg14: memref<80x128xf32, #tpu.memory_space<vmem>>, %arg15: memref<80x128xf32, #tpu.memory_space<vmem>>, %arg16: memref<160x128xf32, #tpu.memory_space<vmem>>, %arg17: memref<10752x128xf32, #tpu.memory_space<vmem_shared>>, %arg18: memref<!tpu.dma_semaphore, #tpu.memory_space<semaphore_mem>>, %arg19: memref<!tpu.dma_semaphore, #tpu.memory_space<semaphore_mem>>, %arg20: memref<!tpu.dma_semaphore, #tpu.memory_space<semaphore_mem>>) attributes {dimension_semantics = [#tpu.dimension_semantics<core_parallel>, #tpu.dimension_semantics<subcore_parallel>], iteration_bounds = array<i64: 2, 16>, scalar_prefetch = 0 : i64, scratch_operands = 13 : i64, tpu.core_type = #tpu.core_type<sc_vector_subcore>, window_params = [{transform_indices = #map}, {transform_indices = #map1}, {transform_indices = #map1}, {transform_indices = #map1}, {transform_indices = #map}, {transform_indices = #map2}]} {
    %iota3A = tpu.iota {dimensions = array<i32: 0>} : vector<16xi32>
    "tpu.region"() ({
      %run_scoped3A = tpu.sem_alloc : memref<!tpu.dma_semaphore, #tpu.memory_space<semaphore_mem>>
      %dma_start3A_65 = arith.constant 80 : i32
      %dma_start3A_66 = arith.constant 0 : i32
      %dma_start3A_67 = tpu.memref_slice %arg16[%dma_start3A_65, %dma_start3A_66] : memref<160x128xf32, #tpu.memory_space<vmem>> -> memref<80x128xf32, #tpu.memory_space<vmem>>
      %dma_start3A_68 = arith.constant 80 : i32
      %dma_start3A_69 = arith.constant 0 : i32
      %dma_start3A_70 = tpu.memref_slice %arg16[%dma_start3A_68, %dma_start3A_69] : memref<160x128xf32, #tpu.memory_space<vmem>> -> memref<80x128xf32, #tpu.memory_space<vmem>>
      tpu.enqueue_dma source(%arg6 : memref<80x128xf32, #tpu.memory_space<hbm>>) target(%dma_start3A_70 : memref<80x128xf32, #tpu.memory_space<vmem>>) target_semaphore(%run_scoped3A : memref<!tpu.dma_semaphore, #tpu.memory_space<semaphore_mem>>)
      %dma_wait3A_71 = arith.constant 80 : i32
      %dma_wait3A_72 = arith.constant 0 : i32
      %dma_wait3A_73 = tpu.memref_slice %arg16[%dma_wait3A_71, %dma_wait3A_72] : memref<160x128xf32, #tpu.memory_space<vmem>> -> memref<80x128xf32, #tpu.memory_space<vmem>>
      %dma_wait3A_74 = arith.constant 80 : i32
      %dma_wait3A_75 = arith.constant 0 : i32
      %dma_wait3A_76 = tpu.memref_slice %arg16[%dma_wait3A_74, %dma_wait3A_75] : memref<160x128xf32, #tpu.memory_space<vmem>> -> memref<80x128xf32, #tpu.memory_space<vmem>>
      tpu.wait_dma2 semaphore(%run_scoped3A : memref<!tpu.dma_semaphore, #tpu.memory_space<semaphore_mem>>) src(%arg6 : memref<80x128xf32, #tpu.memory_space<hbm>>) dst(%dma_wait3A_76 : memref<80x128xf32, #tpu.memory_space<vmem>>)
      tpu.yield
    }) : () -> ()
    %scan3A = arith.constant 0 : i32
    %scan3A_0 = arith.constant 8 : i32
    %scan3A_1 = arith.addi %scan3A, %scan3A_0 : i32
    %scan3A_2 = arith.constant 1 : i32
    scf.for %scan3A_65 = %scan3A to %scan3A_1 step %scan3A_2  : i32 {
      %mul3A_66 = arith.constant 1 : i32
      %mul3A_67 = arith.muli %scan3A_65, %mul3A_66 : i32
      %add3A_68 = arith.constant 0 : i32
      %add3A_69 = arith.addi %add3A_68, %mul3A_67 : i32
      %mul3A_70 = arith.constant 672 : i32
      %mul3A_71 = arith.muli %arg1, %mul3A_70 : i32
      %mul3A_72 = arith.constant 80 : i32
      %mul3A_73 = arith.muli %add3A_69, %mul3A_72 : i32
      %add3A_74 = arith.addi %mul3A_71, %mul3A_73 : i32
      "tpu.region"() ({
        %run_scoped3A = tpu.sem_alloc : memref<!tpu.dma_semaphore, #tpu.memory_space<semaphore_mem>>
        %dma_start3A_75 = arith.constant 0 : i32
        %dma_start3A_76 = tpu.memref_slice %arg17[%add3A_74, %dma_start3A_75] : memref<10752x128xf32, #tpu.memory_space<vmem_shared>> -> memref<80x128xf32, #tpu.memory_space<vmem_shared>>
        tpu.enqueue_dma source(%arg6 : memref<80x128xf32, #tpu.memory_space<hbm>>) target(%dma_start3A_76 : memref<80x128xf32, #tpu.memory_space<vmem_shared>>) target_semaphore(%run_scoped3A : memref<!tpu.dma_semaphore, #tpu.memory_space<semaphore_mem>>)
        %dma_wait3A_77 = arith.constant 0 : i32
        %dma_wait3A_78 = tpu.memref_slice %arg17[%add3A_74, %dma_wait3A_77] : memref<10752x128xf32, #tpu.memory_space<vmem_shared>> -> memref<80x128xf32, #tpu.memory_space<vmem_shared>>
        tpu.wait_dma2 semaphore(%run_scoped3A : memref<!tpu.dma_semaphore, #tpu.memory_space<semaphore_mem>>) src(%arg6 : memref<80x128xf32, #tpu.memory_space<hbm>>) dst(%dma_wait3A_78 : memref<80x128xf32, #tpu.memory_space<vmem_shared>>)
        tpu.yield
      }) : () -> ()
    }
    %scan3A_3 = arith.constant 8 : i32
    %mul3A = arith.constant 672 : i32
    %mul3A_4 = arith.muli %arg1, %mul3A : i32
    %add3A = arith.constant 640 : i32
    %add3A_5 = arith.addi %mul3A_4, %add3A : i32
    "tpu.region"() ({
      %run_scoped3A = tpu.sem_alloc : memref<!tpu.dma_semaphore, #tpu.memory_space<semaphore_mem>>
      %dma_start3A_65 = arith.constant 0 : i32
      %dma_start3A_66 = tpu.memref_slice %arg17[%add3A_5, %dma_start3A_65] : memref<10752x128xf32, #tpu.memory_space<vmem_shared>> -> memref<32x128xf32, #tpu.memory_space<vmem_shared>>
      %dma_start3A_67 = arith.constant 0 : i32
      %dma_start3A_68 = arith.constant 0 : i32
      %dma_start3A_69 = tpu.memref_slice %arg6[%dma_start3A_67, %dma_start3A_68] : memref<80x128xf32, #tpu.memory_space<hbm>> -> memref<32x128xf32, #tpu.memory_space<hbm>>
      tpu.enqueue_dma source(%dma_start3A_69 : memref<32x128xf32, #tpu.memory_space<hbm>>) target(%dma_start3A_66 : memref<32x128xf32, #tpu.memory_space<vmem_shared>>) target_semaphore(%run_scoped3A : memref<!tpu.dma_semaphore, #tpu.memory_space<semaphore_mem>>)
      %dma_wait3A_70 = arith.constant 0 : i32
      %dma_wait3A_71 = tpu.memref_slice %arg17[%add3A_5, %dma_wait3A_70] : memref<10752x128xf32, #tpu.memory_space<vmem_shared>> -> memref<32x128xf32, #tpu.memory_space<vmem_shared>>
      %dma_wait3A_72 = arith.constant 0 : i32
      %dma_wait3A_73 = arith.constant 0 : i32
      %dma_wait3A_74 = tpu.memref_slice %arg6[%dma_wait3A_72, %dma_wait3A_73] : memref<80x128xf32, #tpu.memory_space<hbm>> -> memref<32x128xf32, #tpu.memory_space<hbm>>
      tpu.wait_dma2 semaphore(%run_scoped3A : memref<!tpu.dma_semaphore, #tpu.memory_space<semaphore_mem>>) src(%dma_wait3A_74 : memref<32x128xf32, #tpu.memory_space<hbm>>) dst(%dma_wait3A_71 : memref<32x128xf32, #tpu.memory_space<vmem_shared>>)
      tpu.yield
    }) : () -> ()
    %barrier3A = arith.constant 0 : index
    tpu.barrier barrier_id(%barrier3A)
    %broadcast_in_dim3A = arith.constant 0.000000e+00 : f32
    %broadcast_in_dim3A_6 = vector.broadcast %broadcast_in_dim3A : f32 to vector<16xf32>
    %mul3A_7 = arith.constant 16 : i32
    %mul3A_8 = arith.muli %arg0, %mul3A_7 : i32
    %add3A_9 = arith.addi %mul3A_8, %arg1 : i32
    %mul3A_10 = arith.constant 10240 : i32
    %mul3A_11 = arith.muli %add3A_9, %mul3A_10 : i32
    %add3A_12 = arith.constant 0 : i32
    %add3A_13 = arith.addi %mul3A_11, %add3A_12 : i32
    %dma_start3A = tpu.memref_slice %arg3[%add3A_13] : memref<327680xi32, #tpu.memory_space<hbm>> -> memref<80xi32, #tpu.memory_space<hbm>>
    %dma_start3A_14 = tpu.memref_slice %arg3[%add3A_13] : memref<327680xi32, #tpu.memory_space<hbm>> -> memref<80xi32, #tpu.memory_space<hbm>>
    tpu.enqueue_dma source(%dma_start3A_14 : memref<80xi32, #tpu.memory_space<hbm>>) target(%arg8 : memref<80xi32, #tpu.memory_space<vmem>>) target_semaphore(%arg19 : memref<!tpu.dma_semaphore, #tpu.memory_space<semaphore_mem>>)
    %dma_start3A_15 = arith.constant 0 : i32
    %dma_start3A_16 = tpu.memref_slice %arg10[%dma_start3A_15] : memref<160xi32, #tpu.memory_space<vmem>> -> memref<80xi32, #tpu.memory_space<vmem>>
    %dma_start3A_17 = tpu.memref_slice %arg4[%add3A_13] : memref<327680xi32, #tpu.memory_space<hbm>> -> memref<80xi32, #tpu.memory_space<hbm>>
    %dma_start3A_18 = arith.constant 0 : i32
    %dma_start3A_19 = tpu.memref_slice %arg10[%dma_start3A_18] : memref<160xi32, #tpu.memory_space<vmem>> -> memref<80xi32, #tpu.memory_space<vmem>>
    %dma_start3A_20 = tpu.memref_slice %arg4[%add3A_13] : memref<327680xi32, #tpu.memory_space<hbm>> -> memref<80xi32, #tpu.memory_space<hbm>>
    tpu.enqueue_dma source(%dma_start3A_20 : memref<80xi32, #tpu.memory_space<hbm>>) target(%dma_start3A_19 : memref<80xi32, #tpu.memory_space<vmem>>) target_semaphore(%arg19 : memref<!tpu.dma_semaphore, #tpu.memory_space<semaphore_mem>>)
    %mul3A_21 = arith.constant 4 : i32
    %mul3A_22 = arith.muli %add3A_13, %mul3A_21 : i32
    %dma_start3A_23 = tpu.memref_slice %arg5[%mul3A_22] : memref<1310720xf32, #tpu.memory_space<hbm>> -> memref<320xf32, #tpu.memory_space<hbm>>
    %dma_start3A_24 = tpu.memref_slice %arg5[%mul3A_22] : memref<1310720xf32, #tpu.memory_space<hbm>> -> memref<320xf32, #tpu.memory_space<hbm>>
    tpu.enqueue_dma source(%dma_start3A_24 : memref<320xf32, #tpu.memory_space<hbm>>) target(%arg12 : memref<320xf32, #tpu.memory_space<vmem>>) target_semaphore(%arg19 : memref<!tpu.dma_semaphore, #tpu.memory_space<semaphore_mem>>)
    %add3A_25 = arith.constant 0 : i32
    %add3A_26 = arith.addi %mul3A_11, %add3A_25 : i32
    %dma_wait3A = tpu.memref_slice %arg3[%add3A_26] : memref<327680xi32, #tpu.memory_space<hbm>> -> memref<80xi32, #tpu.memory_space<hbm>>
    %dma_wait3A_27 = tpu.memref_slice %arg3[%add3A_26] : memref<327680xi32, #tpu.memory_space<hbm>> -> memref<80xi32, #tpu.memory_space<hbm>>
    tpu.wait_dma2 semaphore(%arg19 : memref<!tpu.dma_semaphore, #tpu.memory_space<semaphore_mem>>) src(%dma_wait3A_27 : memref<80xi32, #tpu.memory_space<hbm>>) dst(%arg8 : memref<80xi32, #tpu.memory_space<vmem>>)
    %dma_wait3A_28 = arith.constant 0 : i32
    %dma_wait3A_29 = tpu.memref_slice %arg10[%dma_wait3A_28] : memref<160xi32, #tpu.memory_space<vmem>> -> memref<80xi32, #tpu.memory_space<vmem>>
    %dma_wait3A_30 = tpu.memref_slice %arg4[%add3A_26] : memref<327680xi32, #tpu.memory_space<hbm>> -> memref<80xi32, #tpu.memory_space<hbm>>
    %dma_wait3A_31 = arith.constant 0 : i32
    %dma_wait3A_32 = tpu.memref_slice %arg10[%dma_wait3A_31] : memref<160xi32, #tpu.memory_space<vmem>> -> memref<80xi32, #tpu.memory_space<vmem>>
    %dma_wait3A_33 = tpu.memref_slice %arg4[%add3A_26] : memref<327680xi32, #tpu.memory_space<hbm>> -> memref<80xi32, #tpu.memory_space<hbm>>
    tpu.wait_dma2 semaphore(%arg19 : memref<!tpu.dma_semaphore, #tpu.memory_space<semaphore_mem>>) src(%dma_wait3A_33 : memref<80xi32, #tpu.memory_space<hbm>>) dst(%dma_wait3A_32 : memref<80xi32, #tpu.memory_space<vmem>>)
    %mul3A_34 = arith.constant 4 : i32
    %mul3A_35 = arith.muli %add3A_26, %mul3A_34 : i32
    %dma_wait3A_36 = tpu.memref_slice %arg5[%mul3A_35] : memref<1310720xf32, #tpu.memory_space<hbm>> -> memref<320xf32, #tpu.memory_space<hbm>>
    %dma_wait3A_37 = tpu.memref_slice %arg5[%mul3A_35] : memref<1310720xf32, #tpu.memory_space<hbm>> -> memref<320xf32, #tpu.memory_space<hbm>>
    tpu.wait_dma2 semaphore(%arg19 : memref<!tpu.dma_semaphore, #tpu.memory_space<semaphore_mem>>) src(%dma_wait3A_37 : memref<320xf32, #tpu.memory_space<hbm>>) dst(%arg12 : memref<320xf32, #tpu.memory_space<vmem>>)
    %dma_start3A_38 = arith.constant 0 : i32
    %dma_start3A_39 = arith.constant 0 : i32
    %dma_start3A_40 = tpu.memref_slice %arg2[%dma_start3A_38, %dma_start3A_39] : memref<10000x128xf32, #tpu.memory_space<hbm>> -> memref<10000x128xf32, #tpu.memory_space<hbm>>
    tpu.enqueue_indirect_dma source(%dma_start3A_40 : memref<10000x128xf32, #tpu.memory_space<hbm>>) target(%arg14 : memref<80x128xf32, #tpu.memory_space<vmem>>) offsets(%arg8 : memref<80xi32, #tpu.memory_space<vmem>>) semaphore(%arg18 : memref<!tpu.dma_semaphore, #tpu.memory_space<semaphore_mem>>)
    %add3A_41 = arith.constant 80 : i32
    %add3A_42 = arith.addi %mul3A_11, %add3A_41 : i32
    %dma_start3A_43 = tpu.memref_slice %arg3[%add3A_42] : memref<327680xi32, #tpu.memory_space<hbm>> -> memref<80xi32, #tpu.memory_space<hbm>>
    %dma_start3A_44 = tpu.memref_slice %arg3[%add3A_42] : memref<327680xi32, #tpu.memory_space<hbm>> -> memref<80xi32, #tpu.memory_space<hbm>>
    tpu.enqueue_dma source(%dma_start3A_44 : memref<80xi32, #tpu.memory_space<hbm>>) target(%arg9 : memref<80xi32, #tpu.memory_space<vmem>>) target_semaphore(%arg19 : memref<!tpu.dma_semaphore, #tpu.memory_space<semaphore_mem>>)
    %dma_start3A_45 = arith.constant 0 : i32
    %dma_start3A_46 = tpu.memref_slice %arg11[%dma_start3A_45] : memref<160xi32, #tpu.memory_space<vmem>> -> memref<80xi32, #tpu.memory_space<vmem>>
    %dma_start3A_47 = tpu.memref_slice %arg4[%add3A_42] : memref<327680xi32, #tpu.memory_space<hbm>> -> memref<80xi32, #tpu.memory_space<hbm>>
    %dma_start3A_48 = arith.constant 0 : i32
    %dma_start3A_49 = tpu.memref_slice %arg11[%dma_start3A_48] : memref<160xi32, #tpu.memory_space<vmem>> -> memref<80xi32, #tpu.memory_space<vmem>>
    %dma_start3A_50 = tpu.memref_slice %arg4[%add3A_42] : memref<327680xi32, #tpu.memory_space<hbm>> -> memref<80xi32, #tpu.memory_space<hbm>>
    tpu.enqueue_dma source(%dma_start3A_50 : memref<80xi32, #tpu.memory_space<hbm>>) target(%dma_start3A_49 : memref<80xi32, #tpu.memory_space<vmem>>) target_semaphore(%arg19 : memref<!tpu.dma_semaphore, #tpu.memory_space<semaphore_mem>>)
    %mul3A_51 = arith.constant 4 : i32
    %mul3A_52 = arith.muli %add3A_42, %mul3A_51 : i32
    %dma_start3A_53 = tpu.memref_slice %arg5[%mul3A_52] : memref<1310720xf32, #tpu.memory_space<hbm>> -> memref<320xf32, #tpu.memory_space<hbm>>
    %dma_start3A_54 = tpu.memref_slice %arg5[%mul3A_52] : memref<1310720xf32, #tpu.memory_space<hbm>> -> memref<320xf32, #tpu.memory_space<hbm>>
    tpu.enqueue_dma source(%dma_start3A_54 : memref<320xf32, #tpu.memory_space<hbm>>) target(%arg13 : memref<320xf32, #tpu.memory_space<vmem>>) target_semaphore(%arg19 : memref<!tpu.dma_semaphore, #tpu.memory_space<semaphore_mem>>)
    %scan3A_55 = arith.constant 0 : i32
    %scan3A_56 = arith.constant 64 : i32
    %scan3A_57 = arith.addi %scan3A_55, %scan3A_56 : i32
    %scan3A_58 = arith.constant 1 : i32
    scf.for %scan3A_65 = %scan3A_55 to %scan3A_57 step %scan3A_58  : i32 {
      %mul3A_66 = arith.constant 2 : i32
      %mul3A_67 = arith.muli %scan3A_65, %mul3A_66 : i32
      %add3A_68 = arith.constant 0 : i32
      %add3A_69 = arith.addi %add3A_68, %mul3A_67 : i32
      %add3A_70 = arith.constant 1 : i32
      %add3A_71 = arith.addi %add3A_69, %add3A_70 : i32
      %lt3A = arith.constant 128 : i32
      %lt3A_72 = arith.cmpi slt, %add3A_71, %lt3A : i32
      %convert_element_type3A = arith.extui %lt3A_72 : i1 to i32
      %cond3A = arith.constant 0 : i32
      %cond3A_73 = arith.cmpi ne, %convert_element_type3A, %cond3A : i32
      scf.if %cond3A_73 {
        %add3A_120 = arith.constant 1 : i32
        %add3A_121 = arith.addi %add3A_69, %add3A_120 : i32
        %mul3A_122 = arith.constant 80 : i32
        %mul3A_123 = arith.muli %add3A_121, %mul3A_122 : i32
        %add3A_124 = arith.addi %mul3A_11, %mul3A_123 : i32
        %dma_wait3A_125 = tpu.memref_slice %arg3[%add3A_124] : memref<327680xi32, #tpu.memory_space<hbm>> -> memref<80xi32, #tpu.memory_space<hbm>>
        %dma_wait3A_126 = tpu.memref_slice %arg3[%add3A_124] : memref<327680xi32, #tpu.memory_space<hbm>> -> memref<80xi32, #tpu.memory_space<hbm>>
        tpu.wait_dma2 semaphore(%arg19 : memref<!tpu.dma_semaphore, #tpu.memory_space<semaphore_mem>>) src(%dma_wait3A_126 : memref<80xi32, #tpu.memory_space<hbm>>) dst(%arg9 : memref<80xi32, #tpu.memory_space<vmem>>)
        %dma_wait3A_127 = arith.constant 0 : i32
        %dma_wait3A_128 = tpu.memref_slice %arg11[%dma_wait3A_127] : memref<160xi32, #tpu.memory_space<vmem>> -> memref<80xi32, #tpu.memory_space<vmem>>
        %dma_wait3A_129 = tpu.memref_slice %arg4[%add3A_124] : memref<327680xi32, #tpu.memory_space<hbm>> -> memref<80xi32, #tpu.memory_space<hbm>>
        %dma_wait3A_130 = arith.constant 0 : i32
        %dma_wait3A_131 = tpu.memref_slice %arg11[%dma_wait3A_130] : memref<160xi32, #tpu.memory_space<vmem>> -> memref<80xi32, #tpu.memory_space<vmem>>
        %dma_wait3A_132 = tpu.memref_slice %arg4[%add3A_124] : memref<327680xi32, #tpu.memory_space<hbm>> -> memref<80xi32, #tpu.memory_space<hbm>>
        tpu.wait_dma2 semaphore(%arg19 : memref<!tpu.dma_semaphore, #tpu.memory_space<semaphore_mem>>) src(%dma_wait3A_132 : memref<80xi32, #tpu.memory_space<hbm>>) dst(%dma_wait3A_131 : memref<80xi32, #tpu.memory_space<vmem>>)
        %mul3A_133 = arith.constant 4 : i32
        %mul3A_134 = arith.muli %add3A_124, %mul3A_133 : i32
        %dma_wait3A_135 = tpu.memref_slice %arg5[%mul3A_134] : memref<1310720xf32, #tpu.memory_space<hbm>> -> memref<320xf32, #tpu.memory_space<hbm>>
        %dma_wait3A_136 = tpu.memref_slice %arg5[%mul3A_134] : memref<1310720xf32, #tpu.memory_space<hbm>> -> memref<320xf32, #tpu.memory_space<hbm>>
        tpu.wait_dma2 semaphore(%arg19 : memref<!tpu.dma_semaphore, #tpu.memory_space<semaphore_mem>>) src(%dma_wait3A_136 : memref<320xf32, #tpu.memory_space<hbm>>) dst(%arg13 : memref<320xf32, #tpu.memory_space<vmem>>)
        %dma_start3A_137 = arith.constant 0 : i32
        %dma_start3A_138 = arith.constant 0 : i32
        %dma_start3A_139 = tpu.memref_slice %arg2[%dma_start3A_137, %dma_start3A_138] : memref<10000x128xf32, #tpu.memory_space<hbm>> -> memref<10000x128xf32, #tpu.memory_space<hbm>>
        tpu.enqueue_indirect_dma source(%dma_start3A_139 : memref<10000x128xf32, #tpu.memory_space<hbm>>) target(%arg15 : memref<80x128xf32, #tpu.memory_space<vmem>>) offsets(%arg9 : memref<80xi32, #tpu.memory_space<vmem>>) semaphore(%arg18 : memref<!tpu.dma_semaphore, #tpu.memory_space<semaphore_mem>>)
      } else {
      }
      %parallel_loop3A = arith.constant 0 : i32
      %parallel_loop3A_74 = arith.constant 5 : i32
      %parallel_loop3A_75 = arith.constant 1 : i32
      scf.for %parallel_loop3A_120 = %parallel_loop3A to %parallel_loop3A_74 step %parallel_loop3A_75  : i32 {
        %parallel_loop3A_121 = arith.constant 16 : i32
        %parallel_loop3A_122 = arith.muli %parallel_loop3A_120, %parallel_loop3A_121 : i32
        %parallel_loop3A_123 = arith.index_cast %parallel_loop3A_122 : i32 to index
        %parallel_loop3A_124 = tpu.vector_load %arg10[%parallel_loop3A_123] {strides = array<i32>} : memref<160xi32, #tpu.memory_space<vmem>>, vector<16xi32>,
        %parallel_loop3A_125 = arith.constant 16 : i32
        %parallel_loop3A_126 = arith.muli %parallel_loop3A_120, %parallel_loop3A_125 : i32
        %parallel_loop3A_127 = arith.constant 80 : i32
        %parallel_loop3A_128 = arith.addi %parallel_loop3A_127, %parallel_loop3A_126 : i32
        %parallel_loop3A_129 = vector.broadcast %parallel_loop3A_128 : i32 to vector<16xi32>
        %parallel_loop3A_130 = arith.addi %parallel_loop3A_129, %iota3A : vector<16xi32>
        %parallel_loop3A_131 = arith.constant 16 : i32
        %parallel_loop3A_132 = arith.muli %parallel_loop3A_120, %parallel_loop3A_131 : i32
        %parallel_loop3A_133 = vector.broadcast %parallel_loop3A_132 : i32 to vector<16xi32>
        %parallel_loop3A_134 = arith.addi %parallel_loop3A_133, %iota3A : vector<16xi32>
        %parallel_loop3A_135 = arith.constant 4 : i32
        %parallel_loop3A_136 = vector.broadcast %parallel_loop3A_135 : i32 to vector<16xi32>
        %parallel_loop3A_137 = arith.muli %parallel_loop3A_134, %parallel_loop3A_136 : vector<16xi32>
        %parallel_loop3A_138 = arith.constant 31 : i32
        %parallel_loop3A_139 = vector.broadcast %parallel_loop3A_138 : i32 to vector<16xi32>
        %parallel_loop3A_140 = arith.andi %parallel_loop3A_124, %parallel_loop3A_139 : vector<16xi32>
        %parallel_loop3A_141 = arith.constant 4 : i32
        %parallel_loop3A_142 = vector.broadcast %parallel_loop3A_141 : i32 to vector<16xi32>
        %parallel_loop3A_143 = arith.muli %parallel_loop3A_140, %parallel_loop3A_142 : vector<16xi32>
        %parallel_loop3A_144 = arith.constant 5 : i32
        %parallel_loop3A_145 = vector.broadcast %parallel_loop3A_144 : i32 to vector<16xi32>
        %parallel_loop3A_146 = arith.shrui %parallel_loop3A_124, %parallel_loop3A_145 : vector<16xi32>
        %parallel_loop3A_147 = arith.constant 10240 : i32
        %parallel_loop3A_148 = vector.broadcast %parallel_loop3A_147 : i32 to vector<16xi32>
        %parallel_loop3A_149 = arith.addi %parallel_loop3A_146, %parallel_loop3A_148 : vector<16xi32>
        %parallel_loop3A_150 = arith.constant 16 : i32
        %parallel_loop3A_151 = arith.muli %parallel_loop3A_120, %parallel_loop3A_150 : i32
        %parallel_loop3A_152 = arith.constant 80 : i32
        %parallel_loop3A_153 = arith.addi %parallel_loop3A_152, %parallel_loop3A_151 : i32
        %parallel_loop3A_154 = arith.index_cast %parallel_loop3A_153 : i32 to index
        %parallel_loop3A_155 = tpu.vector_load %arg10[%parallel_loop3A_154] {strides = array<i32>} : memref<160xi32, #tpu.memory_space<vmem>>, vector<16xi32>,
        tpu.vector_store %arg10[%parallel_loop3A_154], %parallel_loop3A_149 {strides = array<i32>} : memref<160xi32, #tpu.memory_space<vmem>>, vector<16xi32>,
        %parallel_loop3A_156 = arith.constant 0 : i32
        %parallel_loop3A_157 = vector.broadcast %parallel_loop3A_156 : i32 to vector<16xi32>
        %parallel_loop3A_158 = arith.addi %parallel_loop3A_137, %parallel_loop3A_157 : vector<16xi32>
        %parallel_loop3A_159 = tpu.vector_load_idx %arg12[%parallel_loop3A_158] : memref<320xf32, #tpu.memory_space<vmem>>[vector<16xi32>], vector<16xf32>,
        %parallel_loop3A_160 = arith.constant 0 : i32
        %parallel_loop3A_161 = vector.broadcast %parallel_loop3A_160 : i32 to vector<16xi32>
        %parallel_loop3A_162 = arith.addi %parallel_loop3A_143, %parallel_loop3A_161 : vector<16xi32>
        tpu.vector_store_idx %arg16[%parallel_loop3A_130, %parallel_loop3A_162], %parallel_loop3A_159 : memref<160x128xf32, #tpu.memory_space<vmem>>[vector<16xi32>, vector<16xi32>], vector<16xf32>,
        %parallel_loop3A_163 = arith.constant 1 : i32
        %parallel_loop3A_164 = vector.broadcast %parallel_loop3A_163 : i32 to vector<16xi32>
        %parallel_loop3A_165 = arith.addi %parallel_loop3A_137, %parallel_loop3A_164 : vector<16xi32>
        %parallel_loop3A_166 = tpu.vector_load_idx %arg12[%parallel_loop3A_165] : memref<320xf32, #tpu.memory_space<vmem>>[vector<16xi32>], vector<16xf32>,
        %parallel_loop3A_167 = arith.constant 1 : i32
        %parallel_loop3A_168 = vector.broadcast %parallel_loop3A_167 : i32 to vector<16xi32>
        %parallel_loop3A_169 = arith.addi %parallel_loop3A_143, %parallel_loop3A_168 : vector<16xi32>
        tpu.vector_store_idx %arg16[%parallel_loop3A_130, %parallel_loop3A_169], %parallel_loop3A_166 : memref<160x128xf32, #tpu.memory_space<vmem>>[vector<16xi32>, vector<16xi32>], vector<16xf32>,
        %parallel_loop3A_170 = arith.constant 2 : i32
        %parallel_loop3A_171 = vector.broadcast %parallel_loop3A_170 : i32 to vector<16xi32>
        %parallel_loop3A_172 = arith.addi %parallel_loop3A_137, %parallel_loop3A_171 : vector<16xi32>
        %parallel_loop3A_173 = tpu.vector_load_idx %arg12[%parallel_loop3A_172] : memref<320xf32, #tpu.memory_space<vmem>>[vector<16xi32>], vector<16xf32>,
        %parallel_loop3A_174 = arith.constant 2 : i32
        %parallel_loop3A_175 = vector.broadcast %parallel_loop3A_174 : i32 to vector<16xi32>
        %parallel_loop3A_176 = arith.addi %parallel_loop3A_143, %parallel_loop3A_175 : vector<16xi32>
        tpu.vector_store_idx %arg16[%parallel_loop3A_130, %parallel_loop3A_176], %parallel_loop3A_173 : memref<160x128xf32, #tpu.memory_space<vmem>>[vector<16xi32>, vector<16xi32>], vector<16xf32>,
        %parallel_loop3A_177 = arith.constant 3 : i32
        %parallel_loop3A_178 = vector.broadcast %parallel_loop3A_177 : i32 to vector<16xi32>
        %parallel_loop3A_179 = arith.addi %parallel_loop3A_137, %parallel_loop3A_178 : vector<16xi32>
        %parallel_loop3A_180 = tpu.vector_load_idx %arg12[%parallel_loop3A_179] : memref<320xf32, #tpu.memory_space<vmem>>[vector<16xi32>], vector<16xf32>,
        %parallel_loop3A_181 = arith.constant 3 : i32
        %parallel_loop3A_182 = vector.broadcast %parallel_loop3A_181 : i32 to vector<16xi32>
        %parallel_loop3A_183 = arith.addi %parallel_loop3A_143, %parallel_loop3A_182 : vector<16xi32>
        tpu.vector_store_idx %arg16[%parallel_loop3A_130, %parallel_loop3A_183], %parallel_loop3A_180 : memref<160x128xf32, #tpu.memory_space<vmem>>[vector<16xi32>, vector<16xi32>], vector<16xf32>,
      } {sc.loop_unroll_factor = 2 : i64, sc.parallel_access}
      %dma_wait3A_76 = arith.constant 0 : i32
      %dma_wait3A_77 = arith.constant 0 : i32
      %dma_wait3A_78 = tpu.memref_slice %arg2[%dma_wait3A_76, %dma_wait3A_77] : memref<10000x128xf32, #tpu.memory_space<hbm>> -> memref<10000x128xf32, #tpu.memory_space<hbm>>
      tpu.wait_indirect_dma semaphore(%arg18 : memref<!tpu.dma_semaphore, #tpu.memory_space<semaphore_mem>>) src(%dma_wait3A_78 : memref<10000x128xf32, #tpu.memory_space<hbm>>) dst(%arg14 : memref<80x128xf32, #tpu.memory_space<vmem>>)
      %parallel_loop3A_79 = arith.constant 0 : i32
      %parallel_loop3A_80 = arith.constant 20 : i32
      %parallel_loop3A_81 = arith.constant 1 : i32
      scf.for %parallel_loop3A_120 = %parallel_loop3A_79 to %parallel_loop3A_80 step %parallel_loop3A_81  : i32 {
        %parallel_loop3A_121 = arith.constant 16 : i32
        %parallel_loop3A_122 = arith.muli %parallel_loop3A_120, %parallel_loop3A_121 : i32
        %parallel_loop3A_123 = arith.index_cast %parallel_loop3A_122 : i32 to index
        %parallel_loop3A_124 = tpu.vector_load %arg12[%parallel_loop3A_123] {strides = array<i32>} : memref<320xf32, #tpu.memory_space<vmem>>, vector<16xf32>,
        %parallel_loop3A_125 = arith.constant 4 : i32
        %parallel_loop3A_126 = arith.muli %parallel_loop3A_120, %parallel_loop3A_125 : i32
        %parallel_loop3A_127 = arith.constant 0 : i32
        %parallel_loop3A_128 = arith.addi %parallel_loop3A_126, %parallel_loop3A_127 : i32
        %parallel_loop3A_129 = vector.extract_strided_slice %parallel_loop3A_124 {offsets = [0], sizes = [1], strides = [1]} : vector<16xf32> to vector<1xf32>
        %parallel_loop3A_130 = vector.extract %parallel_loop3A_129[0] : f32 from vector<1xf32>
        %parallel_loop3A_131 = vector.broadcast %parallel_loop3A_130 : f32 to vector<16xf32>
        %parallel_loop3A_132 = arith.index_cast %parallel_loop3A_128 : i32 to index
        %parallel_loop3A_133 = arith.constant 0 : index
        %parallel_loop3A_134 = tpu.vector_load %arg14[%parallel_loop3A_132, %parallel_loop3A_133] {strides = array<i32>} : memref<80x128xf32, #tpu.memory_space<vmem>>, vector<16xf32>,
        %parallel_loop3A_135 = arith.mulf %parallel_loop3A_134, %parallel_loop3A_131 : vector<16xf32>
        %parallel_loop3A_136 = arith.index_cast %parallel_loop3A_128 : i32 to index
        %parallel_loop3A_137 = arith.constant 0 : index
        %parallel_loop3A_138 = tpu.vector_load %arg16[%parallel_loop3A_136, %parallel_loop3A_137] {strides = array<i32>} : memref<160x128xf32, #tpu.memory_space<vmem>>, vector<16xf32>,
        tpu.vector_store %arg16[%parallel_loop3A_136, %parallel_loop3A_137], %parallel_loop3A_135 {strides = array<i32>} : memref<160x128xf32, #tpu.memory_space<vmem>>, vector<16xf32>,
        %parallel_loop3A_139 = arith.index_cast %parallel_loop3A_128 : i32 to index
        %parallel_loop3A_140 = arith.constant 16 : index
        %parallel_loop3A_141 = tpu.vector_load %arg14[%parallel_loop3A_139, %parallel_loop3A_140] {strides = array<i32>} : memref<80x128xf32, #tpu.memory_space<vmem>>, vector<16xf32>,
        %parallel_loop3A_142 = arith.mulf %parallel_loop3A_141, %parallel_loop3A_131 : vector<16xf32>
        %parallel_loop3A_143 = arith.index_cast %parallel_loop3A_128 : i32 to index
        %parallel_loop3A_144 = arith.constant 16 : index
        %parallel_loop3A_145 = tpu.vector_load %arg16[%parallel_loop3A_143, %parallel_loop3A_144] {strides = array<i32>} : memref<160x128xf32, #tpu.memory_space<vmem>>, vector<16xf32>,
        tpu.vector_store %arg16[%parallel_loop3A_143, %parallel_loop3A_144], %parallel_loop3A_142 {strides = array<i32>} : memref<160x128xf32, #tpu.memory_space<vmem>>, vector<16xf32>,
        %parallel_loop3A_146 = vector.extract_strided_slice %parallel_loop3A_124 {offsets = [1], sizes = [1], strides = [1]} : vector<16xf32> to vector<1xf32>
        %parallel_loop3A_147 = vector.extract %parallel_loop3A_146[0] : f32 from vector<1xf32>
        %parallel_loop3A_148 = vector.broadcast %parallel_loop3A_147 : f32 to vector<16xf32>
        %parallel_loop3A_149 = arith.index_cast %parallel_loop3A_128 : i32 to index
        %parallel_loop3A_150 = arith.constant 32 : index
        %parallel_loop3A_151 = tpu.vector_load %arg14[%parallel_loop3A_149, %parallel_loop3A_150] {strides = array<i32>} : memref<80x128xf32, #tpu.memory_space<vmem>>, vector<16xf32>,
        %parallel_loop3A_152 = arith.mulf %parallel_loop3A_151, %parallel_loop3A_148 : vector<16xf32>
        %parallel_loop3A_153 = arith.index_cast %parallel_loop3A_128 : i32 to index
        %parallel_loop3A_154 = arith.constant 32 : index
        %parallel_loop3A_155 = tpu.vector_load %arg16[%parallel_loop3A_153, %parallel_loop3A_154] {strides = array<i32>} : memref<160x128xf32, #tpu.memory_space<vmem>>, vector<16xf32>,
        tpu.vector_store %arg16[%parallel_loop3A_153, %parallel_loop3A_154], %parallel_loop3A_152 {strides = array<i32>} : memref<160x128xf32, #tpu.memory_space<vmem>>, vector<16xf32>,
        %parallel_loop3A_156 = arith.index_cast %parallel_loop3A_128 : i32 to index
        %parallel_loop3A_157 = arith.constant 48 : index
        %parallel_loop3A_158 = tpu.vector_load %arg14[%parallel_loop3A_156, %parallel_loop3A_157] {strides = array<i32>} : memref<80x128xf32, #tpu.memory_space<vmem>>, vector<16xf32>,
        %parallel_loop3A_159 = arith.mulf %parallel_loop3A_158, %parallel_loop3A_148 : vector<16xf32>
        %parallel_loop3A_160 = arith.index_cast %parallel_loop3A_128 : i32 to index
        %parallel_loop3A_161 = arith.constant 48 : index
        %parallel_loop3A_162 = tpu.vector_load %arg16[%parallel_loop3A_160, %parallel_loop3A_161] {strides = array<i32>} : memref<160x128xf32, #tpu.memory_space<vmem>>, vector<16xf32>,
        tpu.vector_store %arg16[%parallel_loop3A_160, %parallel_loop3A_161], %parallel_loop3A_159 {strides = array<i32>} : memref<160x128xf32, #tpu.memory_space<vmem>>, vector<16xf32>,
        %parallel_loop3A_163 = vector.extract_strided_slice %parallel_loop3A_124 {offsets = [2], sizes = [1], strides = [1]} : vector<16xf32> to vector<1xf32>
        %parallel_loop3A_164 = vector.extract %parallel_loop3A_163[0] : f32 from vector<1xf32>
        %parallel_loop3A_165 = vector.broadcast %parallel_loop3A_164 : f32 to vector<16xf32>
        %parallel_loop3A_166 = arith.index_cast %parallel_loop3A_128 : i32 to index
        %parallel_loop3A_167 = arith.constant 64 : index
        %parallel_loop3A_168 = tpu.vector_load %arg14[%parallel_loop3A_166, %parallel_loop3A_167] {strides = array<i32>} : memref<80x128xf32, #tpu.memory_space<vmem>>, vector<16xf32>,
        %parallel_loop3A_169 = arith.mulf %parallel_loop3A_168, %parallel_loop3A_165 : vector<16xf32>
        %parallel_loop3A_170 = arith.index_cast %parallel_loop3A_128 : i32 to index
        %parallel_loop3A_171 = arith.constant 64 : index
        %parallel_loop3A_172 = tpu.vector_load %arg16[%parallel_loop3A_170, %parallel_loop3A_171] {strides = array<i32>} : memref<160x128xf32, #tpu.memory_space<vmem>>, vector<16xf32>,
        tpu.vector_store %arg16[%parallel_loop3A_170, %parallel_loop3A_171], %parallel_loop3A_169 {strides = array<i32>} : memref<160x128xf32, #tpu.memory_space<vmem>>, vector<16xf32>,
        %parallel_loop3A_173 = arith.index_cast %parallel_loop3A_128 : i32 to index
        %parallel_loop3A_174 = arith.constant 80 : index
        %parallel_loop3A_175 = tpu.vector_load %arg14[%parallel_loop3A_173, %parallel_loop3A_174] {strides = array<i32>} : memref<80x128xf32, #tpu.memory_space<vmem>>, vector<16xf32>,
        %parallel_loop3A_176 = arith.mulf %parallel_loop3A_175, %parallel_loop3A_165 : vector<16xf32>
        %parallel_loop3A_177 = arith.index_cast %parallel_loop3A_128 : i32 to index
        %parallel_loop3A_178 = arith.constant 80 : index
        %parallel_loop3A_179 = tpu.vector_load %arg16[%parallel_loop3A_177, %parallel_loop3A_178] {strides = array<i32>} : memref<160x128xf32, #tpu.memory_space<vmem>>, vector<16xf32>,
        tpu.vector_store %arg16[%parallel_loop3A_177, %parallel_loop3A_178], %parallel_loop3A_176 {strides = array<i32>} : memref<160x128xf32, #tpu.memory_space<vmem>>, vector<16xf32>,
        %parallel_loop3A_180 = vector.extract_strided_slice %parallel_loop3A_124 {offsets = [3], sizes = [1], strides = [1]} : vector<16xf32> to vector<1xf32>
        %parallel_loop3A_181 = vector.extract %parallel_loop3A_180[0] : f32 from vector<1xf32>
        %parallel_loop3A_182 = vector.broadcast %parallel_loop3A_181 : f32 to vector<16xf32>
        %parallel_loop3A_183 = arith.index_cast %parallel_loop3A_128 : i32 to index
        %parallel_loop3A_184 = arith.constant 96 : index
        %parallel_loop3A_185 = tpu.vector_load %arg14[%parallel_loop3A_183, %parallel_loop3A_184] {strides = array<i32>} : memref<80x128xf32, #tpu.memory_space<vmem>>, vector<16xf32>,
        %parallel_loop3A_186 = arith.mulf %parallel_loop3A_185, %parallel_loop3A_182 : vector<16xf32>
        %parallel_loop3A_187 = arith.index_cast %parallel_loop3A_128 : i32 to index
        %parallel_loop3A_188 = arith.constant 96 : index
        %parallel_loop3A_189 = tpu.vector_load %arg16[%parallel_loop3A_187, %parallel_loop3A_188] {strides = array<i32>} : memref<160x128xf32, #tpu.memory_space<vmem>>, vector<16xf32>,
        tpu.vector_store %arg16[%parallel_loop3A_187, %parallel_loop3A_188], %parallel_loop3A_186 {strides = array<i32>} : memref<160x128xf32, #tpu.memory_space<vmem>>, vector<16xf32>,
        %parallel_loop3A_190 = arith.index_cast %parallel_loop3A_128 : i32 to index
        %parallel_loop3A_191 = arith.constant 112 : index
        %parallel_loop3A_192 = tpu.vector_load %arg14[%parallel_loop3A_190, %parallel_loop3A_191] {strides = array<i32>} : memref<80x128xf32, #tpu.memory_space<vmem>>, vector<16xf32>,
        %parallel_loop3A_193 = arith.mulf %parallel_loop3A_192, %parallel_loop3A_182 : vector<16xf32>
        %parallel_loop3A_194 = arith.index_cast %parallel_loop3A_128 : i32 to index
        %parallel_loop3A_195 = arith.constant 112 : index
        %parallel_loop3A_196 = tpu.vector_load %arg16[%parallel_loop3A_194, %parallel_loop3A_195] {strides = array<i32>} : memref<160x128xf32, #tpu.memory_space<vmem>>, vector<16xf32>,
        tpu.vector_store %arg16[%parallel_loop3A_194, %parallel_loop3A_195], %parallel_loop3A_193 {strides = array<i32>} : memref<160x128xf32, #tpu.memory_space<vmem>>, vector<16xf32>,
        %parallel_loop3A_197 = arith.constant 4 : i32
        %parallel_loop3A_198 = arith.muli %parallel_loop3A_120, %parallel_loop3A_197 : i32
        %parallel_loop3A_199 = arith.constant 1 : i32
        %parallel_loop3A_200 = arith.addi %parallel_loop3A_198, %parallel_loop3A_199 : i32
        %parallel_loop3A_201 = vector.extract_strided_slice %parallel_loop3A_124 {offsets = [4], sizes = [1], strides = [1]} : vector<16xf32> to vector<1xf32>
        %parallel_loop3A_202 = vector.extract %parallel_loop3A_201[0] : f32 from vector<1xf32>
        %parallel_loop3A_203 = vector.broadcast %parallel_loop3A_202 : f32 to vector<16xf32>
        %parallel_loop3A_204 = arith.index_cast %parallel_loop3A_200 : i32 to index
        %parallel_loop3A_205 = arith.constant 0 : index
        %parallel_loop3A_206 = tpu.vector_load %arg14[%parallel_loop3A_204, %parallel_loop3A_205] {strides = array<i32>} : memref<80x128xf32, #tpu.memory_space<vmem>>, vector<16xf32>,
        %parallel_loop3A_207 = arith.mulf %parallel_loop3A_206, %parallel_loop3A_203 : vector<16xf32>
        %parallel_loop3A_208 = arith.index_cast %parallel_loop3A_200 : i32 to index
        %parallel_loop3A_209 = arith.constant 0 : index
        %parallel_loop3A_210 = tpu.vector_load %arg16[%parallel_loop3A_208, %parallel_loop3A_209] {strides = array<i32>} : memref<160x128xf32, #tpu.memory_space<vmem>>, vector<16xf32>,
        tpu.vector_store %arg16[%parallel_loop3A_208, %parallel_loop3A_209], %parallel_loop3A_207 {strides = array<i32>} : memref<160x128xf32, #tpu.memory_space<vmem>>, vector<16xf32>,
        %parallel_loop3A_211 = arith.index_cast %parallel_loop3A_200 : i32 to index
        %parallel_loop3A_212 = arith.constant 16 : index
        %parallel_loop3A_213 = tpu.vector_load %arg14[%parallel_loop3A_211, %parallel_loop3A_212] {strides = array<i32>} : memref<80x128xf32, #tpu.memory_space<vmem>>, vector<16xf32>,
        %parallel_loop3A_214 = arith.mulf %parallel_loop3A_213, %parallel_loop3A_203 : vector<16xf32>
        %parallel_loop3A_215 = arith.index_cast %parallel_loop3A_200 : i32 to index
        %parallel_loop3A_216 = arith.constant 16 : index
        %parallel_loop3A_217 = tpu.vector_load %arg16[%parallel_loop3A_215, %parallel_loop3A_216] {strides = array<i32>} : memref<160x128xf32, #tpu.memory_space<vmem>>, vector<16xf32>,
        tpu.vector_store %arg16[%parallel_loop3A_215, %parallel_loop3A_216], %parallel_loop3A_214 {strides = array<i32>} : memref<160x128xf32, #tpu.memory_space<vmem>>, vector<16xf32>,
        %parallel_loop3A_218 = vector.extract_strided_slice %parallel_loop3A_124 {offsets = [5], sizes = [1], strides = [1]} : vector<16xf32> to vector<1xf32>
        %parallel_loop3A_219 = vector.extract %parallel_loop3A_218[0] : f32 from vector<1xf32>
        %parallel_loop3A_220 = vector.broadcast %parallel_loop3A_219 : f32 to vector<16xf32>
        %parallel_loop3A_221 = arith.index_cast %parallel_loop3A_200 : i32 to index
        %parallel_loop3A_222 = arith.constant 32 : index
        %parallel_loop3A_223 = tpu.vector_load %arg14[%parallel_loop3A_221, %parallel_loop3A_222] {strides = array<i32>} : memref<80x128xf32, #tpu.memory_space<vmem>>, vector<16xf32>,
        %parallel_loop3A_224 = arith.mulf %parallel_loop3A_223, %parallel_loop3A_220 : vector<16xf32>
        %parallel_loop3A_225 = arith.index_cast %parallel_loop3A_200 : i32 to index
        %parallel_loop3A_226 = arith.constant 32 : index
        %parallel_loop3A_227 = tpu.vector_load %arg16[%parallel_loop3A_225, %parallel_loop3A_226] {strides = array<i32>} : memref<160x128xf32, #tpu.memory_space<vmem>>, vector<16xf32>,
        tpu.vector_store %arg16[%parallel_loop3A_225, %parallel_loop3A_226], %parallel_loop3A_224 {strides = array<i32>} : memref<160x128xf32, #tpu.memory_space<vmem>>, vector<16xf32>,
        %parallel_loop3A_228 = arith.index_cast %parallel_loop3A_200 : i32 to index
        %parallel_loop3A_229 = arith.constant 48 : index
        %parallel_loop3A_230 = tpu.vector_load %arg14[%parallel_loop3A_228, %parallel_loop3A_229] {strides = array<i32>} : memref<80x128xf32, #tpu.memory_space<vmem>>, vector<16xf32>,
        %parallel_loop3A_231 = arith.mulf %parallel_loop3A_230, %parallel_loop3A_220 : vector<16xf32>
        %parallel_loop3A_232 = arith.index_cast %parallel_loop3A_200 : i32 to index
        %parallel_loop3A_233 = arith.constant 48 : index
        %parallel_loop3A_234 = tpu.vector_load %arg16[%parallel_loop3A_232, %parallel_loop3A_233] {strides = array<i32>} : memref<160x128xf32, #tpu.memory_space<vmem>>, vector<16xf32>,
        tpu.vector_store %arg16[%parallel_loop3A_232, %parallel_loop3A_233], %parallel_loop3A_231 {strides = array<i32>} : memref<160x128xf32, #tpu.memory_space<vmem>>, vector<16xf32>,
        %parallel_loop3A_235 = vector.extract_strided_slice %parallel_loop3A_124 {offsets = [6], sizes = [1], strides = [1]} : vector<16xf32> to vector<1xf32>
        %parallel_loop3A_236 = vector.extract %parallel_loop3A_235[0] : f32 from vector<1xf32>
        %parallel_loop3A_237 = vector.broadcast %parallel_loop3A_236 : f32 to vector<16xf32>
        %parallel_loop3A_238 = arith.index_cast %parallel_loop3A_200 : i32 to index
        %parallel_loop3A_239 = arith.constant 64 : index
        %parallel_loop3A_240 = tpu.vector_load %arg14[%parallel_loop3A_238, %parallel_loop3A_239] {strides = array<i32>} : memref<80x128xf32, #tpu.memory_space<vmem>>, vector<16xf32>,
        %parallel_loop3A_241 = arith.mulf %parallel_loop3A_240, %parallel_loop3A_237 : vector<16xf32>
        %parallel_loop3A_242 = arith.index_cast %parallel_loop3A_200 : i32 to index
        %parallel_loop3A_243 = arith.constant 64 : index
        %parallel_loop3A_244 = tpu.vector_load %arg16[%parallel_loop3A_242, %parallel_loop3A_243] {strides = array<i32>} : memref<160x128xf32, #tpu.memory_space<vmem>>, vector<16xf32>,
        tpu.vector_store %arg16[%parallel_loop3A_242, %parallel_loop3A_243], %parallel_loop3A_241 {strides = array<i32>} : memref<160x128xf32, #tpu.memory_space<vmem>>, vector<16xf32>,
        %parallel_loop3A_245 = arith.index_cast %parallel_loop3A_200 : i32 to index
        %parallel_loop3A_246 = arith.constant 80 : index
        %parallel_loop3A_247 = tpu.vector_load %arg14[%parallel_loop3A_245, %parallel_loop3A_246] {strides = array<i32>} : memref<80x128xf32, #tpu.memory_space<vmem>>, vector<16xf32>,
        %parallel_loop3A_248 = arith.mulf %parallel_loop3A_247, %parallel_loop3A_237 : vector<16xf32>
        %parallel_loop3A_249 = arith.index_cast %parallel_loop3A_200 : i32 to index
        %parallel_loop3A_250 = arith.constant 80 : index
        %parallel_loop3A_251 = tpu.vector_load %arg16[%parallel_loop3A_249, %parallel_loop3A_250] {strides = array<i32>} : memref<160x128xf32, #tpu.memory_space<vmem>>, vector<16xf32>,
        tpu.vector_store %arg16[%parallel_loop3A_249, %parallel_loop3A_250], %parallel_loop3A_248 {strides = array<i32>} : memref<160x128xf32, #tpu.memory_space<vmem>>, vector<16xf32>,
        %parallel_loop3A_252 = vector.extract_strided_slice %parallel_loop3A_124 {offsets = [7], sizes = [1], strides = [1]} : vector<16xf32> to vector<1xf32>
        %parallel_loop3A_253 = vector.extract %parallel_loop3A_252[0] : f32 from vector<1xf32>
        %parallel_loop3A_254 = vector.broadcast %parallel_loop3A_253 : f32 to vector<16xf32>
        %parallel_loop3A_255 = arith.index_cast %parallel_loop3A_200 : i32 to index
        %parallel_loop3A_256 = arith.constant 96 : index
        %parallel_loop3A_257 = tpu.vector_load %arg14[%parallel_loop3A_255, %parallel_loop3A_256] {strides = array<i32>} : memref<80x128xf32, #tpu.memory_space<vmem>>, vector<16xf32>,
        %parallel_loop3A_258 = arith.mulf %parallel_loop3A_257, %parallel_loop3A_254 : vector<16xf32>
        %parallel_loop3A_259 = arith.index_cast %parallel_loop3A_200 : i32 to index
        %parallel_loop3A_260 = arith.constant 96 : index
        %parallel_loop3A_261 = tpu.vector_load %arg16[%parallel_loop3A_259, %parallel_loop3A_260] {strides = array<i32>} : memref<160x128xf32, #tpu.memory_space<vmem>>, vector<16xf32>,
        tpu.vector_store %arg16[%parallel_loop3A_259, %parallel_loop3A_260], %parallel_loop3A_258 {strides = array<i32>} : memref<160x128xf32, #tpu.memory_space<vmem>>, vector<16xf32>,
        %parallel_loop3A_262 = arith.index_cast %parallel_loop3A_200 : i32 to index
        %parallel_loop3A_263 = arith.constant 112 : index
        %parallel_loop3A_264 = tpu.vector_load %arg14[%parallel_loop3A_262, %parallel_loop3A_263] {strides = array<i32>} : memref<80x128xf32, #tpu.memory_space<vmem>>, vector<16xf32>,
        %parallel_loop3A_265 = arith.mulf %parallel_loop3A_264, %parallel_loop3A_254 : vector<16xf32>
        %parallel_loop3A_266 = arith.index_cast %parallel_loop3A_200 : i32 to index
        %parallel_loop3A_267 = arith.constant 112 : index
        %parallel_loop3A_268 = tpu.vector_load %arg16[%parallel_loop3A_266, %parallel_loop3A_267] {strides = array<i32>} : memref<160x128xf32, #tpu.memory_space<vmem>>, vector<16xf32>,
        tpu.vector_store %arg16[%parallel_loop3A_266, %parallel_loop3A_267], %parallel_loop3A_265 {strides = array<i32>} : memref<160x128xf32, #tpu.memory_space<vmem>>, vector<16xf32>,
        %parallel_loop3A_269 = arith.constant 4 : i32
        %parallel_loop3A_270 = arith.muli %parallel_loop3A_120, %parallel_loop3A_269 : i32
        %parallel_loop3A_271 = arith.constant 2 : i32
        %parallel_loop3A_272 = arith.addi %parallel_loop3A_270, %parallel_loop3A_271 : i32
        %parallel_loop3A_273 = vector.extract_strided_slice %parallel_loop3A_124 {offsets = [8], sizes = [1], strides = [1]} : vector<16xf32> to vector<1xf32>
        %parallel_loop3A_274 = vector.extract %parallel_loop3A_273[0] : f32 from vector<1xf32>
        %parallel_loop3A_275 = vector.broadcast %parallel_loop3A_274 : f32 to vector<16xf32>
        %parallel_loop3A_276 = arith.index_cast %parallel_loop3A_272 : i32 to index
        %parallel_loop3A_277 = arith.constant 0 : index
        %parallel_loop3A_278 = tpu.vector_load %arg14[%parallel_loop3A_276, %parallel_loop3A_277] {strides = array<i32>} : memref<80x128xf32, #tpu.memory_space<vmem>>, vector<16xf32>,
        %parallel_loop3A_279 = arith.mulf %parallel_loop3A_278, %parallel_loop3A_275 : vector<16xf32>
        %parallel_loop3A_280 = arith.index_cast %parallel_loop3A_272 : i32 to index
        %parallel_loop3A_281 = arith.constant 0 : index
        %parallel_loop3A_282 = tpu.vector_load %arg16[%parallel_loop3A_280, %parallel_loop3A_281] {strides = array<i32>} : memref<160x128xf32, #tpu.memory_space<vmem>>, vector<16xf32>,
        tpu.vector_store %arg16[%parallel_loop3A_280, %parallel_loop3A_281], %parallel_loop3A_279 {strides = array<i32>} : memref<160x128xf32, #tpu.memory_space<vmem>>, vector<16xf32>,
        %parallel_loop3A_283 = arith.index_cast %parallel_loop3A_272 : i32 to index
        %parallel_loop3A_284 = arith.constant 16 : index
        %parallel_loop3A_285 = tpu.vector_load %arg14[%parallel_loop3A_283, %parallel_loop3A_284] {strides = array<i32>} : memref<80x128xf32, #tpu.memory_space<vmem>>, vector<16xf32>,
        %parallel_loop3A_286 = arith.mulf %parallel_loop3A_285, %parallel_loop3A_275 : vector<16xf32>
        %parallel_loop3A_287 = arith.index_cast %parallel_loop3A_272 : i32 to index
        %parallel_loop3A_288 = arith.constant 16 : index
        %parallel_loop3A_289 = tpu.vector_load %arg16[%parallel_loop3A_287, %parallel_loop3A_288] {strides = array<i32>} : memref<160x128xf32, #tpu.memory_space<vmem>>, vector<16xf32>,
        tpu.vector_store %arg16[%parallel_loop3A_287, %parallel_loop3A_288], %parallel_loop3A_286 {strides = array<i32>} : memref<160x128xf32, #tpu.memory_space<vmem>>, vector<16xf32>,
        %parallel_loop3A_290 = vector.extract_strided_slice %parallel_loop3A_124 {offsets = [9], sizes = [1], strides = [1]} : vector<16xf32> to vector<1xf32>
        %parallel_loop3A_291 = vector.extract %parallel_loop3A_290[0] : f32 from vector<1xf32>
        %parallel_loop3A_292 = vector.broadcast %parallel_loop3A_291 : f32 to vector<16xf32>
        %parallel_loop3A_293 = arith.index_cast %parallel_loop3A_272 : i32 to index
        %parallel_loop3A_294 = arith.constant 32 : index
        %parallel_loop3A_295 = tpu.vector_load %arg14[%parallel_loop3A_293, %parallel_loop3A_294] {strides = array<i32>} : memref<80x128xf32, #tpu.memory_space<vmem>>, vector<16xf32>,
        %parallel_loop3A_296 = arith.mulf %parallel_loop3A_295, %parallel_loop3A_292 : vector<16xf32>
        %parallel_loop3A_297 = arith.index_cast %parallel_loop3A_272 : i32 to index
        %parallel_loop3A_298 = arith.constant 32 : index
        %parallel_loop3A_299 = tpu.vector_load %arg16[%parallel_loop3A_297, %parallel_loop3A_298] {strides = array<i32>} : memref<160x128xf32, #tpu.memory_space<vmem>>, vector<16xf32>,
        tpu.vector_store %arg16[%parallel_loop3A_297, %parallel_loop3A_298], %parallel_loop3A_296 {strides = array<i32>} : memref<160x128xf32, #tpu.memory_space<vmem>>, vector<16xf32>,
        %parallel_loop3A_300 = arith.index_cast %parallel_loop3A_272 : i32 to index
        %parallel_loop3A_301 = arith.constant 48 : index
        %parallel_loop3A_302 = tpu.vector_load %arg14[%parallel_loop3A_300, %parallel_loop3A_301] {strides = array<i32>} : memref<80x128xf32, #tpu.memory_space<vmem>>, vector<16xf32>,
        %parallel_loop3A_303 = arith.mulf %parallel_loop3A_302, %parallel_loop3A_292 : vector<16xf32>
        %parallel_loop3A_304 = arith.index_cast %parallel_loop3A_272 : i32 to index
        %parallel_loop3A_305 = arith.constant 48 : index
        %parallel_loop3A_306 = tpu.vector_load %arg16[%parallel_loop3A_304, %parallel_loop3A_305] {strides = array<i32>} : memref<160x128xf32, #tpu.memory_space<vmem>>, vector<16xf32>,
        tpu.vector_store %arg16[%parallel_loop3A_304, %parallel_loop3A_305], %parallel_loop3A_303 {strides = array<i32>} : memref<160x128xf32, #tpu.memory_space<vmem>>, vector<16xf32>,
        %parallel_loop3A_307 = vector.extract_strided_slice %parallel_loop3A_124 {offsets = [10], sizes = [1], strides = [1]} : vector<16xf32> to vector<1xf32>
        %parallel_loop3A_308 = vector.extract %parallel_loop3A_307[0] : f32 from vector<1xf32>
        %parallel_loop3A_309 = vector.broadcast %parallel_loop3A_308 : f32 to vector<16xf32>
        %parallel_loop3A_310 = arith.index_cast %parallel_loop3A_272 : i32 to index
        %parallel_loop3A_311 = arith.constant 64 : index
        %parallel_loop3A_312 = tpu.vector_load %arg14[%parallel_loop3A_310, %parallel_loop3A_311] {strides = array<i32>} : memref<80x128xf32, #tpu.memory_space<vmem>>, vector<16xf32>,
        %parallel_loop3A_313 = arith.mulf %parallel_loop3A_312, %parallel_loop3A_309 : vector<16xf32>
        %parallel_loop3A_314 = arith.index_cast %parallel_loop3A_272 : i32 to index
        %parallel_loop3A_315 = arith.constant 64 : index
        %parallel_loop3A_316 = tpu.vector_load %arg16[%parallel_loop3A_314, %parallel_loop3A_315] {strides = array<i32>} : memref<160x128xf32, #tpu.memory_space<vmem>>, vector<16xf32>,
        tpu.vector_store %arg16[%parallel_loop3A_314, %parallel_loop3A_315], %parallel_loop3A_313 {strides = array<i32>} : memref<160x128xf32, #tpu.memory_space<vmem>>, vector<16xf32>,
        %parallel_loop3A_317 = arith.index_cast %parallel_loop3A_272 : i32 to index
        %parallel_loop3A_318 = arith.constant 80 : index
        %parallel_loop3A_319 = tpu.vector_load %arg14[%parallel_loop3A_317, %parallel_loop3A_318] {strides = array<i32>} : memref<80x128xf32, #tpu.memory_space<vmem>>, vector<16xf32>,
        %parallel_loop3A_320 = arith.mulf %parallel_loop3A_319, %parallel_loop3A_309 : vector<16xf32>
        %parallel_loop3A_321 = arith.index_cast %parallel_loop3A_272 : i32 to index
        %parallel_loop3A_322 = arith.constant 80 : index
        %parallel_loop3A_323 = tpu.vector_load %arg16[%parallel_loop3A_321, %parallel_loop3A_322] {strides = array<i32>} : memref<160x128xf32, #tpu.memory_space<vmem>>, vector<16xf32>,
        tpu.vector_store %arg16[%parallel_loop3A_321, %parallel_loop3A_322], %parallel_loop3A_320 {strides = array<i32>} : memref<160x128xf32, #tpu.memory_space<vmem>>, vector<16xf32>,
        %parallel_loop3A_324 = vector.extract_strided_slice %parallel_loop3A_124 {offsets = [11], sizes = [1], strides = [1]} : vector<16xf32> to vector<1xf32>
        %parallel_loop3A_325 = vector.extract %parallel_loop3A_324[0] : f32 from vector<1xf32>
        %parallel_loop3A_326 = vector.broadcast %parallel_loop3A_325 : f32 to vector<16xf32>
        %parallel_loop3A_327 = arith.index_cast %parallel_loop3A_272 : i32 to index
        %parallel_loop3A_328 = arith.constant 96 : index
        %parallel_loop3A_329 = tpu.vector_load %arg14[%parallel_loop3A_327, %parallel_loop3A_328] {strides = array<i32>} : memref<80x128xf32, #tpu.memory_space<vmem>>, vector<16xf32>,
        %parallel_loop3A_330 = arith.mulf %parallel_loop3A_329, %parallel_loop3A_326 : vector<16xf32>
        %parallel_loop3A_331 = arith.index_cast %parallel_loop3A_272 : i32 to index
        %parallel_loop3A_332 = arith.constant 96 : index
        %parallel_loop3A_333 = tpu.vector_load %arg16[%parallel_loop3A_331, %parallel_loop3A_332] {strides = array<i32>} : memref<160x128xf32, #tpu.memory_space<vmem>>, vector<16xf32>,
        tpu.vector_store %arg16[%parallel_loop3A_331, %parallel_loop3A_332], %parallel_loop3A_330 {strides = array<i32>} : memref<160x128xf32, #tpu.memory_space<vmem>>, vector<16xf32>,
        %parallel_loop3A_334 = arith.index_cast %parallel_loop3A_272 : i32 to index
        %parallel_loop3A_335 = arith.constant 112 : index
        %parallel_loop3A_336 = tpu.vector_load %arg14[%parallel_loop3A_334, %parallel_loop3A_335] {strides = array<i32>} : memref<80x128xf32, #tpu.memory_space<vmem>>, vector<16xf32>,
        %parallel_loop3A_337 = arith.mulf %parallel_loop3A_336, %parallel_loop3A_326 : vector<16xf32>
        %parallel_loop3A_338 = arith.index_cast %parallel_loop3A_272 : i32 to index
        %parallel_loop3A_339 = arith.constant 112 : index
        %parallel_loop3A_340 = tpu.vector_load %arg16[%parallel_loop3A_338, %parallel_loop3A_339] {strides = array<i32>} : memref<160x128xf32, #tpu.memory_space<vmem>>, vector<16xf32>,
        tpu.vector_store %arg16[%parallel_loop3A_338, %parallel_loop3A_339], %parallel_loop3A_337 {strides = array<i32>} : memref<160x128xf32, #tpu.memory_space<vmem>>, vector<16xf32>,
        %parallel_loop3A_341 = arith.constant 4 : i32
        %parallel_loop3A_342 = arith.muli %parallel_loop3A_120, %parallel_loop3A_341 : i32
        %parallel_loop3A_343 = arith.constant 3 : i32
        %parallel_loop3A_344 = arith.addi %parallel_loop3A_342, %parallel_loop3A_343 : i32
        %parallel_loop3A_345 = vector.extract_strided_slice %parallel_loop3A_124 {offsets = [12], sizes = [1], strides = [1]} : vector<16xf32> to vector<1xf32>
        %parallel_loop3A_346 = vector.extract %parallel_loop3A_345[0] : f32 from vector<1xf32>
        %parallel_loop3A_347 = vector.broadcast %parallel_loop3A_346 : f32 to vector<16xf32>
        %parallel_loop3A_348 = arith.index_cast %parallel_loop3A_344 : i32 to index
        %parallel_loop3A_349 = arith.constant 0 : index
        %parallel_loop3A_350 = tpu.vector_load %arg14[%parallel_loop3A_348, %parallel_loop3A_349] {strides = array<i32>} : memref<80x128xf32, #tpu.memory_space<vmem>>, vector<16xf32>,
        %parallel_loop3A_351 = arith.mulf %parallel_loop3A_350, %parallel_loop3A_347 : vector<16xf32>
        %parallel_loop3A_352 = arith.index_cast %parallel_loop3A_344 : i32 to index
        %parallel_loop3A_353 = arith.constant 0 : index
        %parallel_loop3A_354 = tpu.vector_load %arg16[%parallel_loop3A_352, %parallel_loop3A_353] {strides = array<i32>} : memref<160x128xf32, #tpu.memory_space<vmem>>, vector<16xf32>,
        tpu.vector_store %arg16[%parallel_loop3A_352, %parallel_loop3A_353], %parallel_loop3A_351 {strides = array<i32>} : memref<160x128xf32, #tpu.memory_space<vmem>>, vector<16xf32>,
        %parallel_loop3A_355 = arith.index_cast %parallel_loop3A_344 : i32 to index
        %parallel_loop3A_356 = arith.constant 16 : index
        %parallel_loop3A_357 = tpu.vector_load %arg14[%parallel_loop3A_355, %parallel_loop3A_356] {strides = array<i32>} : memref<80x128xf32, #tpu.memory_space<vmem>>, vector<16xf32>,
        %parallel_loop3A_358 = arith.mulf %parallel_loop3A_357, %parallel_loop3A_347 : vector<16xf32>
        %parallel_loop3A_359 = arith.index_cast %parallel_loop3A_344 : i32 to index
        %parallel_loop3A_360 = arith.constant 16 : index
        %parallel_loop3A_361 = tpu.vector_load %arg16[%parallel_loop3A_359, %parallel_loop3A_360] {strides = array<i32>} : memref<160x128xf32, #tpu.memory_space<vmem>>, vector<16xf32>,
        tpu.vector_store %arg16[%parallel_loop3A_359, %parallel_loop3A_360], %parallel_loop3A_358 {strides = array<i32>} : memref<160x128xf32, #tpu.memory_space<vmem>>, vector<16xf32>,
        %parallel_loop3A_362 = vector.extract_strided_slice %parallel_loop3A_124 {offsets = [13], sizes = [1], strides = [1]} : vector<16xf32> to vector<1xf32>
        %parallel_loop3A_363 = vector.extract %parallel_loop3A_362[0] : f32 from vector<1xf32>
        %parallel_loop3A_364 = vector.broadcast %parallel_loop3A_363 : f32 to vector<16xf32>
        %parallel_loop3A_365 = arith.index_cast %parallel_loop3A_344 : i32 to index
        %parallel_loop3A_366 = arith.constant 32 : index
        %parallel_loop3A_367 = tpu.vector_load %arg14[%parallel_loop3A_365, %parallel_loop3A_366] {strides = array<i32>} : memref<80x128xf32, #tpu.memory_space<vmem>>, vector<16xf32>,
        %parallel_loop3A_368 = arith.mulf %parallel_loop3A_367, %parallel_loop3A_364 : vector<16xf32>
        %parallel_loop3A_369 = arith.index_cast %parallel_loop3A_344 : i32 to index
        %parallel_loop3A_370 = arith.constant 32 : index
        %parallel_loop3A_371 = tpu.vector_load %arg16[%parallel_loop3A_369, %parallel_loop3A_370] {strides = array<i32>} : memref<160x128xf32, #tpu.memory_space<vmem>>, vector<16xf32>,
        tpu.vector_store %arg16[%parallel_loop3A_369, %parallel_loop3A_370], %parallel_loop3A_368 {strides = array<i32>} : memref<160x128xf32, #tpu.memory_space<vmem>>, vector<16xf32>,
        %parallel_loop3A_372 = arith.index_cast %parallel_loop3A_344 : i32 to index
        %parallel_loop3A_373 = arith.constant 48 : index
        %parallel_loop3A_374 = tpu.vector_load %arg14[%parallel_loop3A_372, %parallel_loop3A_373] {strides = array<i32>} : memref<80x128xf32, #tpu.memory_space<vmem>>, vector<16xf32>,
        %parallel_loop3A_375 = arith.mulf %parallel_loop3A_374, %parallel_loop3A_364 : vector<16xf32>
        %parallel_loop3A_376 = arith.index_cast %parallel_loop3A_344 : i32 to index
        %parallel_loop3A_377 = arith.constant 48 : index
        %parallel_loop3A_378 = tpu.vector_load %arg16[%parallel_loop3A_376, %parallel_loop3A_377] {strides = array<i32>} : memref<160x128xf32, #tpu.memory_space<vmem>>, vector<16xf32>,
        tpu.vector_store %arg16[%parallel_loop3A_376, %parallel_loop3A_377], %parallel_loop3A_375 {strides = array<i32>} : memref<160x128xf32, #tpu.memory_space<vmem>>, vector<16xf32>,
        %parallel_loop3A_379 = vector.extract_strided_slice %parallel_loop3A_124 {offsets = [14], sizes = [1], strides = [1]} : vector<16xf32> to vector<1xf32>
        %parallel_loop3A_380 = vector.extract %parallel_loop3A_379[0] : f32 from vector<1xf32>
        %parallel_loop3A_381 = vector.broadcast %parallel_loop3A_380 : f32 to vector<16xf32>
        %parallel_loop3A_382 = arith.index_cast %parallel_loop3A_344 : i32 to index
        %parallel_loop3A_383 = arith.constant 64 : index
        %parallel_loop3A_384 = tpu.vector_load %arg14[%parallel_loop3A_382, %parallel_loop3A_383] {strides = array<i32>} : memref<80x128xf32, #tpu.memory_space<vmem>>, vector<16xf32>,
        %parallel_loop3A_385 = arith.mulf %parallel_loop3A_384, %parallel_loop3A_381 : vector<16xf32>
        %parallel_loop3A_386 = arith.index_cast %parallel_loop3A_344 : i32 to index
        %parallel_loop3A_387 = arith.constant 64 : index
        %parallel_loop3A_388 = tpu.vector_load %arg16[%parallel_loop3A_386, %parallel_loop3A_387] {strides = array<i32>} : memref<160x128xf32, #tpu.memory_space<vmem>>, vector<16xf32>,
        tpu.vector_store %arg16[%parallel_loop3A_386, %parallel_loop3A_387], %parallel_loop3A_385 {strides = array<i32>} : memref<160x128xf32, #tpu.memory_space<vmem>>, vector<16xf32>,
        %parallel_loop3A_389 = arith.index_cast %parallel_loop3A_344 : i32 to index
        %parallel_loop3A_390 = arith.constant 80 : index
        %parallel_loop3A_391 = tpu.vector_load %arg14[%parallel_loop3A_389, %parallel_loop3A_390] {strides = array<i32>} : memref<80x128xf32, #tpu.memory_space<vmem>>, vector<16xf32>,
        %parallel_loop3A_392 = arith.mulf %parallel_loop3A_391, %parallel_loop3A_381 : vector<16xf32>
        %parallel_loop3A_393 = arith.index_cast %parallel_loop3A_344 : i32 to index
        %parallel_loop3A_394 = arith.constant 80 : index
        %parallel_loop3A_395 = tpu.vector_load %arg16[%parallel_loop3A_393, %parallel_loop3A_394] {strides = array<i32>} : memref<160x128xf32, #tpu.memory_space<vmem>>, vector<16xf32>,
        tpu.vector_store %arg16[%parallel_loop3A_393, %parallel_loop3A_394], %parallel_loop3A_392 {strides = array<i32>} : memref<160x128xf32, #tpu.memory_space<vmem>>, vector<16xf32>,
        %parallel_loop3A_396 = vector.extract_strided_slice %parallel_loop3A_124 {offsets = [15], sizes = [1], strides = [1]} : vector<16xf32> to vector<1xf32>
        %parallel_loop3A_397 = vector.extract %parallel_loop3A_396[0] : f32 from vector<1xf32>
        %parallel_loop3A_398 = vector.broadcast %parallel_loop3A_397 : f32 to vector<16xf32>
        %parallel_loop3A_399 = arith.index_cast %parallel_loop3A_344 : i32 to index
        %parallel_loop3A_400 = arith.constant 96 : index
        %parallel_loop3A_401 = tpu.vector_load %arg14[%parallel_loop3A_399, %parallel_loop3A_400] {strides = array<i32>} : memref<80x128xf32, #tpu.memory_space<vmem>>, vector<16xf32>,
        %parallel_loop3A_402 = arith.mulf %parallel_loop3A_401, %parallel_loop3A_398 : vector<16xf32>
        %parallel_loop3A_403 = arith.index_cast %parallel_loop3A_344 : i32 to index
        %parallel_loop3A_404 = arith.constant 96 : index
        %parallel_loop3A_405 = tpu.vector_load %arg16[%parallel_loop3A_403, %parallel_loop3A_404] {strides = array<i32>} : memref<160x128xf32, #tpu.memory_space<vmem>>, vector<16xf32>,
        tpu.vector_store %arg16[%parallel_loop3A_403, %parallel_loop3A_404], %parallel_loop3A_402 {strides = array<i32>} : memref<160x128xf32, #tpu.memory_space<vmem>>, vector<16xf32>,
        %parallel_loop3A_406 = arith.index_cast %parallel_loop3A_344 : i32 to index
        %parallel_loop3A_407 = arith.constant 112 : index
        %parallel_loop3A_408 = tpu.vector_load %arg14[%parallel_loop3A_406, %parallel_loop3A_407] {strides = array<i32>} : memref<80x128xf32, #tpu.memory_space<vmem>>, vector<16xf32>,
        %parallel_loop3A_409 = arith.mulf %parallel_loop3A_408, %parallel_loop3A_398 : vector<16xf32>
        %parallel_loop3A_410 = arith.index_cast %parallel_loop3A_344 : i32 to index
        %parallel_loop3A_411 = arith.constant 112 : index
        %parallel_loop3A_412 = tpu.vector_load %arg16[%parallel_loop3A_410, %parallel_loop3A_411] {strides = array<i32>} : memref<160x128xf32, #tpu.memory_space<vmem>>, vector<16xf32>,
        tpu.vector_store %arg16[%parallel_loop3A_410, %parallel_loop3A_411], %parallel_loop3A_409 {strides = array<i32>} : memref<160x128xf32, #tpu.memory_space<vmem>>, vector<16xf32>,
      } {sc.loop_unroll_factor = 2 : i64, sc.parallel_access}
      "tpu.region"() ({
        %run_scoped3A = tpu.sem_alloc : memref<!tpu.dma_semaphore, #tpu.memory_space<semaphore_mem>>
        %dma_start3A_120 = arith.constant 0 : i32
        %dma_start3A_121 = arith.constant 0 : i32
        %dma_start3A_122 = tpu.memref_slice %arg17[%dma_start3A_120, %dma_start3A_121] : memref<10752x128xf32, #tpu.memory_space<vmem_shared>> -> memref<10752x128xf32, #tpu.memory_space<vmem_shared>>
        tpu.enqueue_indirect_dma source(%arg16 : memref<160x128xf32, #tpu.memory_space<vmem>>) target(%dma_start3A_122 : memref<10752x128xf32, #tpu.memory_space<vmem_shared>>) offsets(%arg10 : memref<160xi32, #tpu.memory_space<vmem>>) semaphore(%run_scoped3A : memref<!tpu.dma_semaphore, #tpu.memory_space<semaphore_mem>>) {add = true}
        %dma_wait3A_123 = arith.constant 0 : i32
        %dma_wait3A_124 = arith.constant 0 : i32
        %dma_wait3A_125 = tpu.memref_slice %arg17[%dma_wait3A_123, %dma_wait3A_124] : memref<10752x128xf32, #tpu.memory_space<vmem_shared>> -> memref<10752x128xf32, #tpu.memory_space<vmem_shared>>
        tpu.wait_indirect_dma semaphore(%run_scoped3A : memref<!tpu.dma_semaphore, #tpu.memory_space<semaphore_mem>>) src(%arg16 : memref<160x128xf32, #tpu.memory_space<vmem>>) dst(%dma_wait3A_125 : memref<10752x128xf32, #tpu.memory_space<vmem_shared>>)
        tpu.yield
      }) : () -> ()
      %parallel_loop3A_82 = arith.constant 0 : i32
      %parallel_loop3A_83 = arith.constant 5 : i32
      %parallel_loop3A_84 = arith.constant 1 : i32
      scf.for %parallel_loop3A_120 = %parallel_loop3A_82 to %parallel_loop3A_83 step %parallel_loop3A_84  : i32 {
        %parallel_loop3A_121 = arith.constant 16 : i32
        %parallel_loop3A_122 = arith.muli %parallel_loop3A_120, %parallel_loop3A_121 : i32
        %parallel_loop3A_123 = arith.index_cast %parallel_loop3A_122 : i32 to index
        %parallel_loop3A_124 = tpu.vector_load %arg10[%parallel_loop3A_123] {strides = array<i32>} : memref<160xi32, #tpu.memory_space<vmem>>, vector<16xi32>,
        %parallel_loop3A_125 = arith.constant 16 : i32
        %parallel_loop3A_126 = arith.muli %parallel_loop3A_120, %parallel_loop3A_125 : i32
        %parallel_loop3A_127 = arith.constant 80 : i32
        %parallel_loop3A_128 = arith.addi %parallel_loop3A_127, %parallel_loop3A_126 : i32
        %parallel_loop3A_129 = vector.broadcast %parallel_loop3A_128 : i32 to vector<16xi32>
        %parallel_loop3A_130 = arith.addi %parallel_loop3A_129, %iota3A : vector<16xi32>
        %parallel_loop3A_131 = arith.constant 31 : i32
        %parallel_loop3A_132 = vector.broadcast %parallel_loop3A_131 : i32 to vector<16xi32>
        %parallel_loop3A_133 = arith.andi %parallel_loop3A_124, %parallel_loop3A_132 : vector<16xi32>
        %parallel_loop3A_134 = arith.constant 4 : i32
        %parallel_loop3A_135 = vector.broadcast %parallel_loop3A_134 : i32 to vector<16xi32>
        %parallel_loop3A_136 = arith.muli %parallel_loop3A_133, %parallel_loop3A_135 : vector<16xi32>
        %parallel_loop3A_137 = arith.constant 0 : i32
        %parallel_loop3A_138 = vector.broadcast %parallel_loop3A_137 : i32 to vector<16xi32>
        %parallel_loop3A_139 = arith.addi %parallel_loop3A_136, %parallel_loop3A_138 : vector<16xi32>
        tpu.vector_store_idx %arg16[%parallel_loop3A_130, %parallel_loop3A_139], %broadcast_in_dim3A_6 : memref<160x128xf32, #tpu.memory_space<vmem>>[vector<16xi32>, vector<16xi32>], vector<16xf32>,
        %parallel_loop3A_140 = arith.constant 1 : i32
        %parallel_loop3A_141 = vector.broadcast %parallel_loop3A_140 : i32 to vector<16xi32>
        %parallel_loop3A_142 = arith.addi %parallel_loop3A_136, %parallel_loop3A_141 : vector<16xi32>
        tpu.vector_store_idx %arg16[%parallel_loop3A_130, %parallel_loop3A_142], %broadcast_in_dim3A_6 : memref<160x128xf32, #tpu.memory_space<vmem>>[vector<16xi32>, vector<16xi32>], vector<16xf32>,
        %parallel_loop3A_143 = arith.constant 2 : i32
        %parallel_loop3A_144 = vector.broadcast %parallel_loop3A_143 : i32 to vector<16xi32>
        %parallel_loop3A_145 = arith.addi %parallel_loop3A_136, %parallel_loop3A_144 : vector<16xi32>
        tpu.vector_store_idx %arg16[%parallel_loop3A_130, %parallel_loop3A_145], %broadcast_in_dim3A_6 : memref<160x128xf32, #tpu.memory_space<vmem>>[vector<16xi32>, vector<16xi32>], vector<16xf32>,
        %parallel_loop3A_146 = arith.constant 3 : i32
        %parallel_loop3A_147 = vector.broadcast %parallel_loop3A_146 : i32 to vector<16xi32>
        %parallel_loop3A_148 = arith.addi %parallel_loop3A_136, %parallel_loop3A_147 : vector<16xi32>
        tpu.vector_store_idx %arg16[%parallel_loop3A_130, %parallel_loop3A_148], %broadcast_in_dim3A_6 : memref<160x128xf32, #tpu.memory_space<vmem>>[vector<16xi32>, vector<16xi32>], vector<16xf32>,
      } {sc.loop_unroll_factor = 2 : i64, sc.parallel_access}
      %add3A_85 = arith.constant 2 : i32
      %add3A_86 = arith.addi %add3A_69, %add3A_85 : i32
      %lt3A_87 = arith.constant 128 : i32
      %lt3A_88 = arith.cmpi slt, %add3A_86, %lt3A_87 : i32
      %convert_element_type3A_89 = arith.extui %lt3A_88 : i1 to i32
      %cond3A_90 = arith.constant 0 : i32
      %cond3A_91 = arith.cmpi ne, %convert_element_type3A_89, %cond3A_90 : i32
      scf.if %cond3A_91 {
        %add3A_120 = arith.constant 2 : i32
        %add3A_121 = arith.addi %add3A_69, %add3A_120 : i32
        %mul3A_122 = arith.constant 80 : i32
        %mul3A_123 = arith.muli %add3A_121, %mul3A_122 : i32
        %add3A_124 = arith.addi %mul3A_11, %mul3A_123 : i32
        %dma_start3A_125 = tpu.memref_slice %arg3[%add3A_124] : memref<327680xi32, #tpu.memory_space<hbm>> -> memref<80xi32, #tpu.memory_space<hbm>>
        %dma_start3A_126 = tpu.memref_slice %arg3[%add3A_124] : memref<327680xi32, #tpu.memory_space<hbm>> -> memref<80xi32, #tpu.memory_space<hbm>>
        tpu.enqueue_dma source(%dma_start3A_126 : memref<80xi32, #tpu.memory_space<hbm>>) target(%arg8 : memref<80xi32, #tpu.memory_space<vmem>>) target_semaphore(%arg19 : memref<!tpu.dma_semaphore, #tpu.memory_space<semaphore_mem>>)
        %dma_start3A_127 = arith.constant 0 : i32
        %dma_start3A_128 = tpu.memref_slice %arg10[%dma_start3A_127] : memref<160xi32, #tpu.memory_space<vmem>> -> memref<80xi32, #tpu.memory_space<vmem>>
        %dma_start3A_129 = tpu.memref_slice %arg4[%add3A_124] : memref<327680xi32, #tpu.memory_space<hbm>> -> memref<80xi32, #tpu.memory_space<hbm>>
        %dma_start3A_130 = arith.constant 0 : i32
        %dma_start3A_131 = tpu.memref_slice %arg10[%dma_start3A_130] : memref<160xi32, #tpu.memory_space<vmem>> -> memref<80xi32, #tpu.memory_space<vmem>>
        %dma_start3A_132 = tpu.memref_slice %arg4[%add3A_124] : memref<327680xi32, #tpu.memory_space<hbm>> -> memref<80xi32, #tpu.memory_space<hbm>>
        tpu.enqueue_dma source(%dma_start3A_132 : memref<80xi32, #tpu.memory_space<hbm>>) target(%dma_start3A_131 : memref<80xi32, #tpu.memory_space<vmem>>) target_semaphore(%arg19 : memref<!tpu.dma_semaphore, #tpu.memory_space<semaphore_mem>>)
        %mul3A_133 = arith.constant 4 : i32
        %mul3A_134 = arith.muli %add3A_124, %mul3A_133 : i32
        %dma_start3A_135 = tpu.memref_slice %arg5[%mul3A_134] : memref<1310720xf32, #tpu.memory_space<hbm>> -> memref<320xf32, #tpu.memory_space<hbm>>
        %dma_start3A_136 = tpu.memref_slice %arg5[%mul3A_134] : memref<1310720xf32, #tpu.memory_space<hbm>> -> memref<320xf32, #tpu.memory_space<hbm>>
        tpu.enqueue_dma source(%dma_start3A_136 : memref<320xf32, #tpu.memory_space<hbm>>) target(%arg12 : memref<320xf32, #tpu.memory_space<vmem>>) target_semaphore(%arg19 : memref<!tpu.dma_semaphore, #tpu.memory_space<semaphore_mem>>)
      } else {
      }
      %add3A_92 = arith.constant 1 : i32
      %add3A_93 = arith.addi %add3A_69, %add3A_92 : i32
      %add3A_94 = arith.constant 1 : i32
      %add3A_95 = arith.addi %add3A_93, %add3A_94 : i32
      %lt3A_96 = arith.constant 128 : i32
      %lt3A_97 = arith.cmpi slt, %add3A_95, %lt3A_96 : i32
      %convert_element_type3A_98 = arith.extui %lt3A_97 : i1 to i32
      %cond3A_99 = arith.constant 0 : i32
      %cond3A_100 = arith.cmpi ne, %convert_element_type3A_98, %cond3A_99 : i32
      scf.if %cond3A_100 {
        %add3A_120 = arith.constant 1 : i32
        %add3A_121 = arith.addi %add3A_93, %add3A_120 : i32
        %mul3A_122 = arith.constant 80 : i32
        %mul3A_123 = arith.muli %add3A_121, %mul3A_122 : i32
        %add3A_124 = arith.addi %mul3A_11, %mul3A_123 : i32
        %dma_wait3A_125 = tpu.memref_slice %arg3[%add3A_124] : memref<327680xi32, #tpu.memory_space<hbm>> -> memref<80xi32, #tpu.memory_space<hbm>>
        %dma_wait3A_126 = tpu.memref_slice %arg3[%add3A_124] : memref<327680xi32, #tpu.memory_space<hbm>> -> memref<80xi32, #tpu.memory_space<hbm>>
        tpu.wait_dma2 semaphore(%arg19 : memref<!tpu.dma_semaphore, #tpu.memory_space<semaphore_mem>>) src(%dma_wait3A_126 : memref<80xi32, #tpu.memory_space<hbm>>) dst(%arg8 : memref<80xi32, #tpu.memory_space<vmem>>)
        %dma_wait3A_127 = arith.constant 0 : i32
        %dma_wait3A_128 = tpu.memref_slice %arg10[%dma_wait3A_127] : memref<160xi32, #tpu.memory_space<vmem>> -> memref<80xi32, #tpu.memory_space<vmem>>
        %dma_wait3A_129 = tpu.memref_slice %arg4[%add3A_124] : memref<327680xi32, #tpu.memory_space<hbm>> -> memref<80xi32, #tpu.memory_space<hbm>>
        %dma_wait3A_130 = arith.constant 0 : i32
        %dma_wait3A_131 = tpu.memref_slice %arg10[%dma_wait3A_130] : memref<160xi32, #tpu.memory_space<vmem>> -> memref<80xi32, #tpu.memory_space<vmem>>
        %dma_wait3A_132 = tpu.memref_slice %arg4[%add3A_124] : memref<327680xi32, #tpu.memory_space<hbm>> -> memref<80xi32, #tpu.memory_space<hbm>>
        tpu.wait_dma2 semaphore(%arg19 : memref<!tpu.dma_semaphore, #tpu.memory_space<semaphore_mem>>) src(%dma_wait3A_132 : memref<80xi32, #tpu.memory_space<hbm>>) dst(%dma_wait3A_131 : memref<80xi32, #tpu.memory_space<vmem>>)
        %mul3A_133 = arith.constant 4 : i32
        %mul3A_134 = arith.muli %add3A_124, %mul3A_133 : i32
        %dma_wait3A_135 = tpu.memref_slice %arg5[%mul3A_134] : memref<1310720xf32, #tpu.memory_space<hbm>> -> memref<320xf32, #tpu.memory_space<hbm>>
        %dma_wait3A_136 = tpu.memref_slice %arg5[%mul3A_134] : memref<1310720xf32, #tpu.memory_space<hbm>> -> memref<320xf32, #tpu.memory_space<hbm>>
        tpu.wait_dma2 semaphore(%arg19 : memref<!tpu.dma_semaphore, #tpu.memory_space<semaphore_mem>>) src(%dma_wait3A_136 : memref<320xf32, #tpu.memory_space<hbm>>) dst(%arg12 : memref<320xf32, #tpu.memory_space<vmem>>)
        %dma_start3A_137 = arith.constant 0 : i32
        %dma_start3A_138 = arith.constant 0 : i32
        %dma_start3A_139 = tpu.memref_slice %arg2[%dma_start3A_137, %dma_start3A_138] : memref<10000x128xf32, #tpu.memory_space<hbm>> -> memref<10000x128xf32, #tpu.memory_space<hbm>>
        tpu.enqueue_indirect_dma source(%dma_start3A_139 : memref<10000x128xf32, #tpu.memory_space<hbm>>) target(%arg14 : memref<80x128xf32, #tpu.memory_space<vmem>>) offsets(%arg8 : memref<80xi32, #tpu.memory_space<vmem>>) semaphore(%arg18 : memref<!tpu.dma_semaphore, #tpu.memory_space<semaphore_mem>>)
      } else {
      }
      %parallel_loop3A_101 = arith.constant 0 : i32
      %parallel_loop3A_102 = arith.constant 5 : i32
      %parallel_loop3A_103 = arith.constant 1 : i32
      scf.for %parallel_loop3A_120 = %parallel_loop3A_101 to %parallel_loop3A_102 step %parallel_loop3A_103  : i32 {
        %parallel_loop3A_121 = arith.constant 16 : i32
        %parallel_loop3A_122 = arith.muli %parallel_loop3A_120, %parallel_loop3A_121 : i32
        %parallel_loop3A_123 = arith.index_cast %parallel_loop3A_122 : i32 to index
        %parallel_loop3A_124 = tpu.vector_load %arg11[%parallel_loop3A_123] {strides = array<i32>} : memref<160xi32, #tpu.memory_space<vmem>>, vector<16xi32>,
        %parallel_loop3A_125 = arith.constant 16 : i32
        %parallel_loop3A_126 = arith.muli %parallel_loop3A_120, %parallel_loop3A_125 : i32
        %parallel_loop3A_127 = arith.constant 80 : i32
        %parallel_loop3A_128 = arith.addi %parallel_loop3A_127, %parallel_loop3A_126 : i32
        %parallel_loop3A_129 = vector.broadcast %parallel_loop3A_128 : i32 to vector<16xi32>
        %parallel_loop3A_130 = arith.addi %parallel_loop3A_129, %iota3A : vector<16xi32>
        %parallel_loop3A_131 = arith.constant 16 : i32
        %parallel_loop3A_132 = arith.muli %parallel_loop3A_120, %parallel_loop3A_131 : i32
        %parallel_loop3A_133 = vector.broadcast %parallel_loop3A_132 : i32 to vector<16xi32>
        %parallel_loop3A_134 = arith.addi %parallel_loop3A_133, %iota3A : vector<16xi32>
        %parallel_loop3A_135 = arith.constant 4 : i32
        %parallel_loop3A_136 = vector.broadcast %parallel_loop3A_135 : i32 to vector<16xi32>
        %parallel_loop3A_137 = arith.muli %parallel_loop3A_134, %parallel_loop3A_136 : vector<16xi32>
        %parallel_loop3A_138 = arith.constant 31 : i32
        %parallel_loop3A_139 = vector.broadcast %parallel_loop3A_138 : i32 to vector<16xi32>
        %parallel_loop3A_140 = arith.andi %parallel_loop3A_124, %parallel_loop3A_139 : vector<16xi32>
        %parallel_loop3A_141 = arith.constant 4 : i32
        %parallel_loop3A_142 = vector.broadcast %parallel_loop3A_141 : i32 to vector<16xi32>
        %parallel_loop3A_143 = arith.muli %parallel_loop3A_140, %parallel_loop3A_142 : vector<16xi32>
        %parallel_loop3A_144 = arith.constant 5 : i32
        %parallel_loop3A_145 = vector.broadcast %parallel_loop3A_144 : i32 to vector<16xi32>
        %parallel_loop3A_146 = arith.shrui %parallel_loop3A_124, %parallel_loop3A_145 : vector<16xi32>
        %parallel_loop3A_147 = arith.constant 10240 : i32
        %parallel_loop3A_148 = vector.broadcast %parallel_loop3A_147 : i32 to vector<16xi32>
        %parallel_loop3A_149 = arith.addi %parallel_loop3A_146, %parallel_loop3A_148 : vector<16xi32>
        %parallel_loop3A_150 = arith.constant 16 : i32
        %parallel_loop3A_151 = arith.muli %parallel_loop3A_120, %parallel_loop3A_150 : i32
        %parallel_loop3A_152 = arith.constant 80 : i32
        %parallel_loop3A_153 = arith.addi %parallel_loop3A_152, %parallel_loop3A_151 : i32
        %parallel_loop3A_154 = arith.index_cast %parallel_loop3A_153 : i32 to index
        %parallel_loop3A_155 = tpu.vector_load %arg11[%parallel_loop3A_154] {strides = array<i32>} : memref<160xi32, #tpu.memory_space<vmem>>, vector<16xi32>,
        tpu.vector_store %arg11[%parallel_loop3A_154], %parallel_loop3A_149 {strides = array<i32>} : memref<160xi32, #tpu.memory_space<vmem>>, vector<16xi32>,
        %parallel_loop3A_156 = arith.constant 0 : i32
        %parallel_loop3A_157 = vector.broadcast %parallel_loop3A_156 : i32 to vector<16xi32>
        %parallel_loop3A_158 = arith.addi %parallel_loop3A_137, %parallel_loop3A_157 : vector<16xi32>
        %parallel_loop3A_159 = tpu.vector_load_idx %arg13[%parallel_loop3A_158] : memref<320xf32, #tpu.memory_space<vmem>>[vector<16xi32>], vector<16xf32>,
        %parallel_loop3A_160 = arith.constant 0 : i32
        %parallel_loop3A_161 = vector.broadcast %parallel_loop3A_160 : i32 to vector<16xi32>
        %parallel_loop3A_162 = arith.addi %parallel_loop3A_143, %parallel_loop3A_161 : vector<16xi32>
        tpu.vector_store_idx %arg16[%parallel_loop3A_130, %parallel_loop3A_162], %parallel_loop3A_159 : memref<160x128xf32, #tpu.memory_space<vmem>>[vector<16xi32>, vector<16xi32>], vector<16xf32>,
        %parallel_loop3A_163 = arith.constant 1 : i32
        %parallel_loop3A_164 = vector.broadcast %parallel_loop3A_163 : i32 to vector<16xi32>
        %parallel_loop3A_165 = arith.addi %parallel_loop3A_137, %parallel_loop3A_164 : vector<16xi32>
        %parallel_loop3A_166 = tpu.vector_load_idx %arg13[%parallel_loop3A_165] : memref<320xf32, #tpu.memory_space<vmem>>[vector<16xi32>], vector<16xf32>,
        %parallel_loop3A_167 = arith.constant 1 : i32
        %parallel_loop3A_168 = vector.broadcast %parallel_loop3A_167 : i32 to vector<16xi32>
        %parallel_loop3A_169 = arith.addi %parallel_loop3A_143, %parallel_loop3A_168 : vector<16xi32>
        tpu.vector_store_idx %arg16[%parallel_loop3A_130, %parallel_loop3A_169], %parallel_loop3A_166 : memref<160x128xf32, #tpu.memory_space<vmem>>[vector<16xi32>, vector<16xi32>], vector<16xf32>,
        %parallel_loop3A_170 = arith.constant 2 : i32
        %parallel_loop3A_171 = vector.broadcast %parallel_loop3A_170 : i32 to vector<16xi32>
        %parallel_loop3A_172 = arith.addi %parallel_loop3A_137, %parallel_loop3A_171 : vector<16xi32>
        %parallel_loop3A_173 = tpu.vector_load_idx %arg13[%parallel_loop3A_172] : memref<320xf32, #tpu.memory_space<vmem>>[vector<16xi32>], vector<16xf32>,
        %parallel_loop3A_174 = arith.constant 2 : i32
        %parallel_loop3A_175 = vector.broadcast %parallel_loop3A_174 : i32 to vector<16xi32>
        %parallel_loop3A_176 = arith.addi %parallel_loop3A_143, %parallel_loop3A_175 : vector<16xi32>
        tpu.vector_store_idx %arg16[%parallel_loop3A_130, %parallel_loop3A_176], %parallel_loop3A_173 : memref<160x128xf32, #tpu.memory_space<vmem>>[vector<16xi32>, vector<16xi32>], vector<16xf32>,
        %parallel_loop3A_177 = arith.constant 3 : i32
        %parallel_loop3A_178 = vector.broadcast %parallel_loop3A_177 : i32 to vector<16xi32>
        %parallel_loop3A_179 = arith.addi %parallel_loop3A_137, %parallel_loop3A_178 : vector<16xi32>
        %parallel_loop3A_180 = tpu.vector_load_idx %arg13[%parallel_loop3A_179] : memref<320xf32, #tpu.memory_space<vmem>>[vector<16xi32>], vector<16xf32>,
        %parallel_loop3A_181 = arith.constant 3 : i32
        %parallel_loop3A_182 = vector.broadcast %parallel_loop3A_181 : i32 to vector<16xi32>
        %parallel_loop3A_183 = arith.addi %parallel_loop3A_143, %parallel_loop3A_182 : vector<16xi32>
        tpu.vector_store_idx %arg16[%parallel_loop3A_130, %parallel_loop3A_183], %parallel_loop3A_180 : memref<160x128xf32, #tpu.memory_space<vmem>>[vector<16xi32>, vector<16xi32>], vector<16xf32>,
      } {sc.loop_unroll_factor = 2 : i64, sc.parallel_access}
      %dma_wait3A_104 = arith.constant 0 : i32
      %dma_wait3A_105 = arith.constant 0 : i32
      %dma_wait3A_106 = tpu.memref_slice %arg2[%dma_wait3A_104, %dma_wait3A_105] : memref<10000x128xf32, #tpu.memory_space<hbm>> -> memref<10000x128xf32, #tpu.memory_space<hbm>>
      tpu.wait_indirect_dma semaphore(%arg18 : memref<!tpu.dma_semaphore, #tpu.memory_space<semaphore_mem>>) src(%dma_wait3A_106 : memref<10000x128xf32, #tpu.memory_space<hbm>>) dst(%arg15 : memref<80x128xf32, #tpu.memory_space<vmem>>)
      %parallel_loop3A_107 = arith.constant 0 : i32
      %parallel_loop3A_108 = arith.constant 20 : i32
      %parallel_loop3A_109 = arith.constant 1 : i32
      scf.for %parallel_loop3A_120 = %parallel_loop3A_107 to %parallel_loop3A_108 step %parallel_loop3A_109  : i32 {
        %parallel_loop3A_121 = arith.constant 16 : i32
        %parallel_loop3A_122 = arith.muli %parallel_loop3A_120, %parallel_loop3A_121 : i32
        %parallel_loop3A_123 = arith.index_cast %parallel_loop3A_122 : i32 to index
        %parallel_loop3A_124 = tpu.vector_load %arg13[%parallel_loop3A_123] {strides = array<i32>} : memref<320xf32, #tpu.memory_space<vmem>>, vector<16xf32>,
        %parallel_loop3A_125 = arith.constant 4 : i32
        %parallel_loop3A_126 = arith.muli %parallel_loop3A_120, %parallel_loop3A_125 : i32
        %parallel_loop3A_127 = arith.constant 0 : i32
        %parallel_loop3A_128 = arith.addi %parallel_loop3A_126, %parallel_loop3A_127 : i32
        %parallel_loop3A_129 = vector.extract_strided_slice %parallel_loop3A_124 {offsets = [0], sizes = [1], strides = [1]} : vector<16xf32> to vector<1xf32>
        %parallel_loop3A_130 = vector.extract %parallel_loop3A_129[0] : f32 from vector<1xf32>
        %parallel_loop3A_131 = vector.broadcast %parallel_loop3A_130 : f32 to vector<16xf32>
        %parallel_loop3A_132 = arith.index_cast %parallel_loop3A_128 : i32 to index
        %parallel_loop3A_133 = arith.constant 0 : index
        %parallel_loop3A_134 = tpu.vector_load %arg15[%parallel_loop3A_132, %parallel_loop3A_133] {strides = array<i32>} : memref<80x128xf32, #tpu.memory_space<vmem>>, vector<16xf32>,
        %parallel_loop3A_135 = arith.mulf %parallel_loop3A_134, %parallel_loop3A_131 : vector<16xf32>
        %parallel_loop3A_136 = arith.index_cast %parallel_loop3A_128 : i32 to index
        %parallel_loop3A_137 = arith.constant 0 : index
        %parallel_loop3A_138 = tpu.vector_load %arg16[%parallel_loop3A_136, %parallel_loop3A_137] {strides = array<i32>} : memref<160x128xf32, #tpu.memory_space<vmem>>, vector<16xf32>,
        tpu.vector_store %arg16[%parallel_loop3A_136, %parallel_loop3A_137], %parallel_loop3A_135 {strides = array<i32>} : memref<160x128xf32, #tpu.memory_space<vmem>>, vector<16xf32>,
        %parallel_loop3A_139 = arith.index_cast %parallel_loop3A_128 : i32 to index
        %parallel_loop3A_140 = arith.constant 16 : index
        %parallel_loop3A_141 = tpu.vector_load %arg15[%parallel_loop3A_139, %parallel_loop3A_140] {strides = array<i32>} : memref<80x128xf32, #tpu.memory_space<vmem>>, vector<16xf32>,
        %parallel_loop3A_142 = arith.mulf %parallel_loop3A_141, %parallel_loop3A_131 : vector<16xf32>
        %parallel_loop3A_143 = arith.index_cast %parallel_loop3A_128 : i32 to index
        %parallel_loop3A_144 = arith.constant 16 : index
        %parallel_loop3A_145 = tpu.vector_load %arg16[%parallel_loop3A_143, %parallel_loop3A_144] {strides = array<i32>} : memref<160x128xf32, #tpu.memory_space<vmem>>, vector<16xf32>,
        tpu.vector_store %arg16[%parallel_loop3A_143, %parallel_loop3A_144], %parallel_loop3A_142 {strides = array<i32>} : memref<160x128xf32, #tpu.memory_space<vmem>>, vector<16xf32>,
        %parallel_loop3A_146 = vector.extract_strided_slice %parallel_loop3A_124 {offsets = [1], sizes = [1], strides = [1]} : vector<16xf32> to vector<1xf32>
        %parallel_loop3A_147 = vector.extract %parallel_loop3A_146[0] : f32 from vector<1xf32>
        %parallel_loop3A_148 = vector.broadcast %parallel_loop3A_147 : f32 to vector<16xf32>
        %parallel_loop3A_149 = arith.index_cast %parallel_loop3A_128 : i32 to index
        %parallel_loop3A_150 = arith.constant 32 : index
        %parallel_loop3A_151 = tpu.vector_load %arg15[%parallel_loop3A_149, %parallel_loop3A_150] {strides = array<i32>} : memref<80x128xf32, #tpu.memory_space<vmem>>, vector<16xf32>,
        %parallel_loop3A_152 = arith.mulf %parallel_loop3A_151, %parallel_loop3A_148 : vector<16xf32>
        %parallel_loop3A_153 = arith.index_cast %parallel_loop3A_128 : i32 to index
        %parallel_loop3A_154 = arith.constant 32 : index
        %parallel_loop3A_155 = tpu.vector_load %arg16[%parallel_loop3A_153, %parallel_loop3A_154] {strides = array<i32>} : memref<160x128xf32, #tpu.memory_space<vmem>>, vector<16xf32>,
        tpu.vector_store %arg16[%parallel_loop3A_153, %parallel_loop3A_154], %parallel_loop3A_152 {strides = array<i32>} : memref<160x128xf32, #tpu.memory_space<vmem>>, vector<16xf32>,
        %parallel_loop3A_156 = arith.index_cast %parallel_loop3A_128 : i32 to index
        %parallel_loop3A_157 = arith.constant 48 : index
        %parallel_loop3A_158 = tpu.vector_load %arg15[%parallel_loop3A_156, %parallel_loop3A_157] {strides = array<i32>} : memref<80x128xf32, #tpu.memory_space<vmem>>, vector<16xf32>,
        %parallel_loop3A_159 = arith.mulf %parallel_loop3A_158, %parallel_loop3A_148 : vector<16xf32>
        %parallel_loop3A_160 = arith.index_cast %parallel_loop3A_128 : i32 to index
        %parallel_loop3A_161 = arith.constant 48 : index
        %parallel_loop3A_162 = tpu.vector_load %arg16[%parallel_loop3A_160, %parallel_loop3A_161] {strides = array<i32>} : memref<160x128xf32, #tpu.memory_space<vmem>>, vector<16xf32>,
        tpu.vector_store %arg16[%parallel_loop3A_160, %parallel_loop3A_161], %parallel_loop3A_159 {strides = array<i32>} : memref<160x128xf32, #tpu.memory_space<vmem>>, vector<16xf32>,
        %parallel_loop3A_163 = vector.extract_strided_slice %parallel_loop3A_124 {offsets = [2], sizes = [1], strides = [1]} : vector<16xf32> to vector<1xf32>
        %parallel_loop3A_164 = vector.extract %parallel_loop3A_163[0] : f32 from vector<1xf32>
        %parallel_loop3A_165 = vector.broadcast %parallel_loop3A_164 : f32 to vector<16xf32>
        %parallel_loop3A_166 = arith.index_cast %parallel_loop3A_128 : i32 to index
        %parallel_loop3A_167 = arith.constant 64 : index
        %parallel_loop3A_168 = tpu.vector_load %arg15[%parallel_loop3A_166, %parallel_loop3A_167] {strides = array<i32>} : memref<80x128xf32, #tpu.memory_space<vmem>>, vector<16xf32>,
        %parallel_loop3A_169 = arith.mulf %parallel_loop3A_168, %parallel_loop3A_165 : vector<16xf32>
        %parallel_loop3A_170 = arith.index_cast %parallel_loop3A_128 : i32 to index
        %parallel_loop3A_171 = arith.constant 64 : index
        %parallel_loop3A_172 = tpu.vector_load %arg16[%parallel_loop3A_170, %parallel_loop3A_171] {strides = array<i32>} : memref<160x128xf32, #tpu.memory_space<vmem>>, vector<16xf32>,
        tpu.vector_store %arg16[%parallel_loop3A_170, %parallel_loop3A_171], %parallel_loop3A_169 {strides = array<i32>} : memref<160x128xf32, #tpu.memory_space<vmem>>, vector<16xf32>,
        %parallel_loop3A_173 = arith.index_cast %parallel_loop3A_128 : i32 to index
        %parallel_loop3A_174 = arith.constant 80 : index
        %parallel_loop3A_175 = tpu.vector_load %arg15[%parallel_loop3A_173, %parallel_loop3A_174] {strides = array<i32>} : memref<80x128xf32, #tpu.memory_space<vmem>>, vector<16xf32>,
        %parallel_loop3A_176 = arith.mulf %parallel_loop3A_175, %parallel_loop3A_165 : vector<16xf32>
        %parallel_loop3A_177 = arith.index_cast %parallel_loop3A_128 : i32 to index
        %parallel_loop3A_178 = arith.constant 80 : index
        %parallel_loop3A_179 = tpu.vector_load %arg16[%parallel_loop3A_177, %parallel_loop3A_178] {strides = array<i32>} : memref<160x128xf32, #tpu.memory_space<vmem>>, vector<16xf32>,
        tpu.vector_store %arg16[%parallel_loop3A_177, %parallel_loop3A_178], %parallel_loop3A_176 {strides = array<i32>} : memref<160x128xf32, #tpu.memory_space<vmem>>, vector<16xf32>,
        %parallel_loop3A_180 = vector.extract_strided_slice %parallel_loop3A_124 {offsets = [3], sizes = [1], strides = [1]} : vector<16xf32> to vector<1xf32>
        %parallel_loop3A_181 = vector.extract %parallel_loop3A_180[0] : f32 from vector<1xf32>
        %parallel_loop3A_182 = vector.broadcast %parallel_loop3A_181 : f32 to vector<16xf32>
        %parallel_loop3A_183 = arith.index_cast %parallel_loop3A_128 : i32 to index
        %parallel_loop3A_184 = arith.constant 96 : index
        %parallel_loop3A_185 = tpu.vector_load %arg15[%parallel_loop3A_183, %parallel_loop3A_184] {strides = array<i32>} : memref<80x128xf32, #tpu.memory_space<vmem>>, vector<16xf32>,
        %parallel_loop3A_186 = arith.mulf %parallel_loop3A_185, %parallel_loop3A_182 : vector<16xf32>
        %parallel_loop3A_187 = arith.index_cast %parallel_loop3A_128 : i32 to index
        %parallel_loop3A_188 = arith.constant 96 : index
        %parallel_loop3A_189 = tpu.vector_load %arg16[%parallel_loop3A_187, %parallel_loop3A_188] {strides = array<i32>} : memref<160x128xf32, #tpu.memory_space<vmem>>, vector<16xf32>,
        tpu.vector_store %arg16[%parallel_loop3A_187, %parallel_loop3A_188], %parallel_loop3A_186 {strides = array<i32>} : memref<160x128xf32, #tpu.memory_space<vmem>>, vector<16xf32>,
        %parallel_loop3A_190 = arith.index_cast %parallel_loop3A_128 : i32 to index
        %parallel_loop3A_191 = arith.constant 112 : index
        %parallel_loop3A_192 = tpu.vector_load %arg15[%parallel_loop3A_190, %parallel_loop3A_191] {strides = array<i32>} : memref<80x128xf32, #tpu.memory_space<vmem>>, vector<16xf32>,
        %parallel_loop3A_193 = arith.mulf %parallel_loop3A_192, %parallel_loop3A_182 : vector<16xf32>
        %parallel_loop3A_194 = arith.index_cast %parallel_loop3A_128 : i32 to index
        %parallel_loop3A_195 = arith.constant 112 : index
        %parallel_loop3A_196 = tpu.vector_load %arg16[%parallel_loop3A_194, %parallel_loop3A_195] {strides = array<i32>} : memref<160x128xf32, #tpu.memory_space<vmem>>, vector<16xf32>,
        tpu.vector_store %arg16[%parallel_loop3A_194, %parallel_loop3A_195], %parallel_loop3A_193 {strides = array<i32>} : memref<160x128xf32, #tpu.memory_space<vmem>>, vector<16xf32>,
        %parallel_loop3A_197 = arith.constant 4 : i32
        %parallel_loop3A_198 = arith.muli %parallel_loop3A_120, %parallel_loop3A_197 : i32
        %parallel_loop3A_199 = arith.constant 1 : i32
        %parallel_loop3A_200 = arith.addi %parallel_loop3A_198, %parallel_loop3A_199 : i32
        %parallel_loop3A_201 = vector.extract_strided_slice %parallel_loop3A_124 {offsets = [4], sizes = [1], strides = [1]} : vector<16xf32> to vector<1xf32>
        %parallel_loop3A_202 = vector.extract %parallel_loop3A_201[0] : f32 from vector<1xf32>
        %parallel_loop3A_203 = vector.broadcast %parallel_loop3A_202 : f32 to vector<16xf32>
        %parallel_loop3A_204 = arith.index_cast %parallel_loop3A_200 : i32 to index
        %parallel_loop3A_205 = arith.constant 0 : index
        %parallel_loop3A_206 = tpu.vector_load %arg15[%parallel_loop3A_204, %parallel_loop3A_205] {strides = array<i32>} : memref<80x128xf32, #tpu.memory_space<vmem>>, vector<16xf32>,
        %parallel_loop3A_207 = arith.mulf %parallel_loop3A_206, %parallel_loop3A_203 : vector<16xf32>
        %parallel_loop3A_208 = arith.index_cast %parallel_loop3A_200 : i32 to index
        %parallel_loop3A_209 = arith.constant 0 : index
        %parallel_loop3A_210 = tpu.vector_load %arg16[%parallel_loop3A_208, %parallel_loop3A_209] {strides = array<i32>} : memref<160x128xf32, #tpu.memory_space<vmem>>, vector<16xf32>,
        tpu.vector_store %arg16[%parallel_loop3A_208, %parallel_loop3A_209], %parallel_loop3A_207 {strides = array<i32>} : memref<160x128xf32, #tpu.memory_space<vmem>>, vector<16xf32>,
        %parallel_loop3A_211 = arith.index_cast %parallel_loop3A_200 : i32 to index
        %parallel_loop3A_212 = arith.constant 16 : index
        %parallel_loop3A_213 = tpu.vector_load %arg15[%parallel_loop3A_211, %parallel_loop3A_212] {strides = array<i32>} : memref<80x128xf32, #tpu.memory_space<vmem>>, vector<16xf32>,
        %parallel_loop3A_214 = arith.mulf %parallel_loop3A_213, %parallel_loop3A_203 : vector<16xf32>
        %parallel_loop3A_215 = arith.index_cast %parallel_loop3A_200 : i32 to index
        %parallel_loop3A_216 = arith.constant 16 : index
        %parallel_loop3A_217 = tpu.vector_load %arg16[%parallel_loop3A_215, %parallel_loop3A_216] {strides = array<i32>} : memref<160x128xf32, #tpu.memory_space<vmem>>, vector<16xf32>,
        tpu.vector_store %arg16[%parallel_loop3A_215, %parallel_loop3A_216], %parallel_loop3A_214 {strides = array<i32>} : memref<160x128xf32, #tpu.memory_space<vmem>>, vector<16xf32>,
        %parallel_loop3A_218 = vector.extract_strided_slice %parallel_loop3A_124 {offsets = [5], sizes = [1], strides = [1]} : vector<16xf32> to vector<1xf32>
        %parallel_loop3A_219 = vector.extract %parallel_loop3A_218[0] : f32 from vector<1xf32>
        %parallel_loop3A_220 = vector.broadcast %parallel_loop3A_219 : f32 to vector<16xf32>
        %parallel_loop3A_221 = arith.index_cast %parallel_loop3A_200 : i32 to index
        %parallel_loop3A_222 = arith.constant 32 : index
        %parallel_loop3A_223 = tpu.vector_load %arg15[%parallel_loop3A_221, %parallel_loop3A_222] {strides = array<i32>} : memref<80x128xf32, #tpu.memory_space<vmem>>, vector<16xf32>,
        %parallel_loop3A_224 = arith.mulf %parallel_loop3A_223, %parallel_loop3A_220 : vector<16xf32>
        %parallel_loop3A_225 = arith.index_cast %parallel_loop3A_200 : i32 to index
        %parallel_loop3A_226 = arith.constant 32 : index
        %parallel_loop3A_227 = tpu.vector_load %arg16[%parallel_loop3A_225, %parallel_loop3A_226] {strides = array<i32>} : memref<160x128xf32, #tpu.memory_space<vmem>>, vector<16xf32>,
        tpu.vector_store %arg16[%parallel_loop3A_225, %parallel_loop3A_226], %parallel_loop3A_224 {strides = array<i32>} : memref<160x128xf32, #tpu.memory_space<vmem>>, vector<16xf32>,
        %parallel_loop3A_228 = arith.index_cast %parallel_loop3A_200 : i32 to index
        %parallel_loop3A_229 = arith.constant 48 : index
        %parallel_loop3A_230 = tpu.vector_load %arg15[%parallel_loop3A_228, %parallel_loop3A_229] {strides = array<i32>} : memref<80x128xf32, #tpu.memory_space<vmem>>, vector<16xf32>,
        %parallel_loop3A_231 = arith.mulf %parallel_loop3A_230, %parallel_loop3A_220 : vector<16xf32>
        %parallel_loop3A_232 = arith.index_cast %parallel_loop3A_200 : i32 to index
        %parallel_loop3A_233 = arith.constant 48 : index
        %parallel_loop3A_234 = tpu.vector_load %arg16[%parallel_loop3A_232, %parallel_loop3A_233] {strides = array<i32>} : memref<160x128xf32, #tpu.memory_space<vmem>>, vector<16xf32>,
        tpu.vector_store %arg16[%parallel_loop3A_232, %parallel_loop3A_233], %parallel_loop3A_231 {strides = array<i32>} : memref<160x128xf32, #tpu.memory_space<vmem>>, vector<16xf32>,
        %parallel_loop3A_235 = vector.extract_strided_slice %parallel_loop3A_124 {offsets = [6], sizes = [1], strides = [1]} : vector<16xf32> to vector<1xf32>
        %parallel_loop3A_236 = vector.extract %parallel_loop3A_235[0] : f32 from vector<1xf32>
        %parallel_loop3A_237 = vector.broadcast %parallel_loop3A_236 : f32 to vector<16xf32>
        %parallel_loop3A_238 = arith.index_cast %parallel_loop3A_200 : i32 to index
        %parallel_loop3A_239 = arith.constant 64 : index
        %parallel_loop3A_240 = tpu.vector_load %arg15[%parallel_loop3A_238, %parallel_loop3A_239] {strides = array<i32>} : memref<80x128xf32, #tpu.memory_space<vmem>>, vector<16xf32>,
        %parallel_loop3A_241 = arith.mulf %parallel_loop3A_240, %parallel_loop3A_237 : vector<16xf32>
        %parallel_loop3A_242 = arith.index_cast %parallel_loop3A_200 : i32 to index
        %parallel_loop3A_243 = arith.constant 64 : index
        %parallel_loop3A_244 = tpu.vector_load %arg16[%parallel_loop3A_242, %parallel_loop3A_243] {strides = array<i32>} : memref<160x128xf32, #tpu.memory_space<vmem>>, vector<16xf32>,
        tpu.vector_store %arg16[%parallel_loop3A_242, %parallel_loop3A_243], %parallel_loop3A_241 {strides = array<i32>} : memref<160x128xf32, #tpu.memory_space<vmem>>, vector<16xf32>,
        %parallel_loop3A_245 = arith.index_cast %parallel_loop3A_200 : i32 to index
        %parallel_loop3A_246 = arith.constant 80 : index
        %parallel_loop3A_247 = tpu.vector_load %arg15[%parallel_loop3A_245, %parallel_loop3A_246] {strides = array<i32>} : memref<80x128xf32, #tpu.memory_space<vmem>>, vector<16xf32>,
        %parallel_loop3A_248 = arith.mulf %parallel_loop3A_247, %parallel_loop3A_237 : vector<16xf32>
        %parallel_loop3A_249 = arith.index_cast %parallel_loop3A_200 : i32 to index
        %parallel_loop3A_250 = arith.constant 80 : index
        %parallel_loop3A_251 = tpu.vector_load %arg16[%parallel_loop3A_249, %parallel_loop3A_250] {strides = array<i32>} : memref<160x128xf32, #tpu.memory_space<vmem>>, vector<16xf32>,
        tpu.vector_store %arg16[%parallel_loop3A_249, %parallel_loop3A_250], %parallel_loop3A_248 {strides = array<i32>} : memref<160x128xf32, #tpu.memory_space<vmem>>, vector<16xf32>,
        %parallel_loop3A_252 = vector.extract_strided_slice %parallel_loop3A_124 {offsets = [7], sizes = [1], strides = [1]} : vector<16xf32> to vector<1xf32>
        %parallel_loop3A_253 = vector.extract %parallel_loop3A_252[0] : f32 from vector<1xf32>
        %parallel_loop3A_254 = vector.broadcast %parallel_loop3A_253 : f32 to vector<16xf32>
        %parallel_loop3A_255 = arith.index_cast %parallel_loop3A_200 : i32 to index
        %parallel_loop3A_256 = arith.constant 96 : index
        %parallel_loop3A_257 = tpu.vector_load %arg15[%parallel_loop3A_255, %parallel_loop3A_256] {strides = array<i32>} : memref<80x128xf32, #tpu.memory_space<vmem>>, vector<16xf32>,
        %parallel_loop3A_258 = arith.mulf %parallel_loop3A_257, %parallel_loop3A_254 : vector<16xf32>
        %parallel_loop3A_259 = arith.index_cast %parallel_loop3A_200 : i32 to index
        %parallel_loop3A_260 = arith.constant 96 : index
        %parallel_loop3A_261 = tpu.vector_load %arg16[%parallel_loop3A_259, %parallel_loop3A_260] {strides = array<i32>} : memref<160x128xf32, #tpu.memory_space<vmem>>, vector<16xf32>,
        tpu.vector_store %arg16[%parallel_loop3A_259, %parallel_loop3A_260], %parallel_loop3A_258 {strides = array<i32>} : memref<160x128xf32, #tpu.memory_space<vmem>>, vector<16xf32>,
        %parallel_loop3A_262 = arith.index_cast %parallel_loop3A_200 : i32 to index
        %parallel_loop3A_263 = arith.constant 112 : index
        %parallel_loop3A_264 = tpu.vector_load %arg15[%parallel_loop3A_262, %parallel_loop3A_263] {strides = array<i32>} : memref<80x128xf32, #tpu.memory_space<vmem>>, vector<16xf32>,
        %parallel_loop3A_265 = arith.mulf %parallel_loop3A_264, %parallel_loop3A_254 : vector<16xf32>
        %parallel_loop3A_266 = arith.index_cast %parallel_loop3A_200 : i32 to index
        %parallel_loop3A_267 = arith.constant 112 : index
        %parallel_loop3A_268 = tpu.vector_load %arg16[%parallel_loop3A_266, %parallel_loop3A_267] {strides = array<i32>} : memref<160x128xf32, #tpu.memory_space<vmem>>, vector<16xf32>,
        tpu.vector_store %arg16[%parallel_loop3A_266, %parallel_loop3A_267], %parallel_loop3A_265 {strides = array<i32>} : memref<160x128xf32, #tpu.memory_space<vmem>>, vector<16xf32>,
        %parallel_loop3A_269 = arith.constant 4 : i32
        %parallel_loop3A_270 = arith.muli %parallel_loop3A_120, %parallel_loop3A_269 : i32
        %parallel_loop3A_271 = arith.constant 2 : i32
        %parallel_loop3A_272 = arith.addi %parallel_loop3A_270, %parallel_loop3A_271 : i32
        %parallel_loop3A_273 = vector.extract_strided_slice %parallel_loop3A_124 {offsets = [8], sizes = [1], strides = [1]} : vector<16xf32> to vector<1xf32>
        %parallel_loop3A_274 = vector.extract %parallel_loop3A_273[0] : f32 from vector<1xf32>
        %parallel_loop3A_275 = vector.broadcast %parallel_loop3A_274 : f32 to vector<16xf32>
        %parallel_loop3A_276 = arith.index_cast %parallel_loop3A_272 : i32 to index
        %parallel_loop3A_277 = arith.constant 0 : index
        %parallel_loop3A_278 = tpu.vector_load %arg15[%parallel_loop3A_276, %parallel_loop3A_277] {strides = array<i32>} : memref<80x128xf32, #tpu.memory_space<vmem>>, vector<16xf32>,
        %parallel_loop3A_279 = arith.mulf %parallel_loop3A_278, %parallel_loop3A_275 : vector<16xf32>
        %parallel_loop3A_280 = arith.index_cast %parallel_loop3A_272 : i32 to index
        %parallel_loop3A_281 = arith.constant 0 : index
        %parallel_loop3A_282 = tpu.vector_load %arg16[%parallel_loop3A_280, %parallel_loop3A_281] {strides = array<i32>} : memref<160x128xf32, #tpu.memory_space<vmem>>, vector<16xf32>,
        tpu.vector_store %arg16[%parallel_loop3A_280, %parallel_loop3A_281], %parallel_loop3A_279 {strides = array<i32>} : memref<160x128xf32, #tpu.memory_space<vmem>>, vector<16xf32>,
        %parallel_loop3A_283 = arith.index_cast %parallel_loop3A_272 : i32 to index
        %parallel_loop3A_284 = arith.constant 16 : index
        %parallel_loop3A_285 = tpu.vector_load %arg15[%parallel_loop3A_283, %parallel_loop3A_284] {strides = array<i32>} : memref<80x128xf32, #tpu.memory_space<vmem>>, vector<16xf32>,
        %parallel_loop3A_286 = arith.mulf %parallel_loop3A_285, %parallel_loop3A_275 : vector<16xf32>
        %parallel_loop3A_287 = arith.index_cast %parallel_loop3A_272 : i32 to index
        %parallel_loop3A_288 = arith.constant 16 : index
        %parallel_loop3A_289 = tpu.vector_load %arg16[%parallel_loop3A_287, %parallel_loop3A_288] {strides = array<i32>} : memref<160x128xf32, #tpu.memory_space<vmem>>, vector<16xf32>,
        tpu.vector_store %arg16[%parallel_loop3A_287, %parallel_loop3A_288], %parallel_loop3A_286 {strides = array<i32>} : memref<160x128xf32, #tpu.memory_space<vmem>>, vector<16xf32>,
        %parallel_loop3A_290 = vector.extract_strided_slice %parallel_loop3A_124 {offsets = [9], sizes = [1], strides = [1]} : vector<16xf32> to vector<1xf32>
        %parallel_loop3A_291 = vector.extract %parallel_loop3A_290[0] : f32 from vector<1xf32>
        %parallel_loop3A_292 = vector.broadcast %parallel_loop3A_291 : f32 to vector<16xf32>
        %parallel_loop3A_293 = arith.index_cast %parallel_loop3A_272 : i32 to index
        %parallel_loop3A_294 = arith.constant 32 : index
        %parallel_loop3A_295 = tpu.vector_load %arg15[%parallel_loop3A_293, %parallel_loop3A_294] {strides = array<i32>} : memref<80x128xf32, #tpu.memory_space<vmem>>, vector<16xf32>,
        %parallel_loop3A_296 = arith.mulf %parallel_loop3A_295, %parallel_loop3A_292 : vector<16xf32>
        %parallel_loop3A_297 = arith.index_cast %parallel_loop3A_272 : i32 to index
        %parallel_loop3A_298 = arith.constant 32 : index
        %parallel_loop3A_299 = tpu.vector_load %arg16[%parallel_loop3A_297, %parallel_loop3A_298] {strides = array<i32>} : memref<160x128xf32, #tpu.memory_space<vmem>>, vector<16xf32>,
        tpu.vector_store %arg16[%parallel_loop3A_297, %parallel_loop3A_298], %parallel_loop3A_296 {strides = array<i32>} : memref<160x128xf32, #tpu.memory_space<vmem>>, vector<16xf32>,
        %parallel_loop3A_300 = arith.index_cast %parallel_loop3A_272 : i32 to index
        %parallel_loop3A_301 = arith.constant 48 : index
        %parallel_loop3A_302 = tpu.vector_load %arg15[%parallel_loop3A_300, %parallel_loop3A_301] {strides = array<i32>} : memref<80x128xf32, #tpu.memory_space<vmem>>, vector<16xf32>,
        %parallel_loop3A_303 = arith.mulf %parallel_loop3A_302, %parallel_loop3A_292 : vector<16xf32>
        %parallel_loop3A_304 = arith.index_cast %parallel_loop3A_272 : i32 to index
        %parallel_loop3A_305 = arith.constant 48 : index
        %parallel_loop3A_306 = tpu.vector_load %arg16[%parallel_loop3A_304, %parallel_loop3A_305] {strides = array<i32>} : memref<160x128xf32, #tpu.memory_space<vmem>>, vector<16xf32>,
        tpu.vector_store %arg16[%parallel_loop3A_304, %parallel_loop3A_305], %parallel_loop3A_303 {strides = array<i32>} : memref<160x128xf32, #tpu.memory_space<vmem>>, vector<16xf32>,
        %parallel_loop3A_307 = vector.extract_strided_slice %parallel_loop3A_124 {offsets = [10], sizes = [1], strides = [1]} : vector<16xf32> to vector<1xf32>
        %parallel_loop3A_308 = vector.extract %parallel_loop3A_307[0] : f32 from vector<1xf32>
        %parallel_loop3A_309 = vector.broadcast %parallel_loop3A_308 : f32 to vector<16xf32>
        %parallel_loop3A_310 = arith.index_cast %parallel_loop3A_272 : i32 to index
        %parallel_loop3A_311 = arith.constant 64 : index
        %parallel_loop3A_312 = tpu.vector_load %arg15[%parallel_loop3A_310, %parallel_loop3A_311] {strides = array<i32>} : memref<80x128xf32, #tpu.memory_space<vmem>>, vector<16xf32>,
        %parallel_loop3A_313 = arith.mulf %parallel_loop3A_312, %parallel_loop3A_309 : vector<16xf32>
        %parallel_loop3A_314 = arith.index_cast %parallel_loop3A_272 : i32 to index
        %parallel_loop3A_315 = arith.constant 64 : index
        %parallel_loop3A_316 = tpu.vector_load %arg16[%parallel_loop3A_314, %parallel_loop3A_315] {strides = array<i32>} : memref<160x128xf32, #tpu.memory_space<vmem>>, vector<16xf32>,
        tpu.vector_store %arg16[%parallel_loop3A_314, %parallel_loop3A_315], %parallel_loop3A_313 {strides = array<i32>} : memref<160x128xf32, #tpu.memory_space<vmem>>, vector<16xf32>,
        %parallel_loop3A_317 = arith.index_cast %parallel_loop3A_272 : i32 to index
        %parallel_loop3A_318 = arith.constant 80 : index
        %parallel_loop3A_319 = tpu.vector_load %arg15[%parallel_loop3A_317, %parallel_loop3A_318] {strides = array<i32>} : memref<80x128xf32, #tpu.memory_space<vmem>>, vector<16xf32>,
        %parallel_loop3A_320 = arith.mulf %parallel_loop3A_319, %parallel_loop3A_309 : vector<16xf32>
        %parallel_loop3A_321 = arith.index_cast %parallel_loop3A_272 : i32 to index
        %parallel_loop3A_322 = arith.constant 80 : index
        %parallel_loop3A_323 = tpu.vector_load %arg16[%parallel_loop3A_321, %parallel_loop3A_322] {strides = array<i32>} : memref<160x128xf32, #tpu.memory_space<vmem>>, vector<16xf32>,
        tpu.vector_store %arg16[%parallel_loop3A_321, %parallel_loop3A_322], %parallel_loop3A_320 {strides = array<i32>} : memref<160x128xf32, #tpu.memory_space<vmem>>, vector<16xf32>,
        %parallel_loop3A_324 = vector.extract_strided_slice %parallel_loop3A_124 {offsets = [11], sizes = [1], strides = [1]} : vector<16xf32> to vector<1xf32>
        %parallel_loop3A_325 = vector.extract %parallel_loop3A_324[0] : f32 from vector<1xf32>
        %parallel_loop3A_326 = vector.broadcast %parallel_loop3A_325 : f32 to vector<16xf32>
        %parallel_loop3A_327 = arith.index_cast %parallel_loop3A_272 : i32 to index
        %parallel_loop3A_328 = arith.constant 96 : index
        %parallel_loop3A_329 = tpu.vector_load %arg15[%parallel_loop3A_327, %parallel_loop3A_328] {strides = array<i32>} : memref<80x128xf32, #tpu.memory_space<vmem>>, vector<16xf32>,
        %parallel_loop3A_330 = arith.mulf %parallel_loop3A_329, %parallel_loop3A_326 : vector<16xf32>
        %parallel_loop3A_331 = arith.index_cast %parallel_loop3A_272 : i32 to index
        %parallel_loop3A_332 = arith.constant 96 : index
        %parallel_loop3A_333 = tpu.vector_load %arg16[%parallel_loop3A_331, %parallel_loop3A_332] {strides = array<i32>} : memref<160x128xf32, #tpu.memory_space<vmem>>, vector<16xf32>,
        tpu.vector_store %arg16[%parallel_loop3A_331, %parallel_loop3A_332], %parallel_loop3A_330 {strides = array<i32>} : memref<160x128xf32, #tpu.memory_space<vmem>>, vector<16xf32>,
        %parallel_loop3A_334 = arith.index_cast %parallel_loop3A_272 : i32 to index
        %parallel_loop3A_335 = arith.constant 112 : index
        %parallel_loop3A_336 = tpu.vector_load %arg15[%parallel_loop3A_334, %parallel_loop3A_335] {strides = array<i32>} : memref<80x128xf32, #tpu.memory_space<vmem>>, vector<16xf32>,
        %parallel_loop3A_337 = arith.mulf %parallel_loop3A_336, %parallel_loop3A_326 : vector<16xf32>
        %parallel_loop3A_338 = arith.index_cast %parallel_loop3A_272 : i32 to index
        %parallel_loop3A_339 = arith.constant 112 : index
        %parallel_loop3A_340 = tpu.vector_load %arg16[%parallel_loop3A_338, %parallel_loop3A_339] {strides = array<i32>} : memref<160x128xf32, #tpu.memory_space<vmem>>, vector<16xf32>,
        tpu.vector_store %arg16[%parallel_loop3A_338, %parallel_loop3A_339], %parallel_loop3A_337 {strides = array<i32>} : memref<160x128xf32, #tpu.memory_space<vmem>>, vector<16xf32>,
        %parallel_loop3A_341 = arith.constant 4 : i32
        %parallel_loop3A_342 = arith.muli %parallel_loop3A_120, %parallel_loop3A_341 : i32
        %parallel_loop3A_343 = arith.constant 3 : i32
        %parallel_loop3A_344 = arith.addi %parallel_loop3A_342, %parallel_loop3A_343 : i32
        %parallel_loop3A_345 = vector.extract_strided_slice %parallel_loop3A_124 {offsets = [12], sizes = [1], strides = [1]} : vector<16xf32> to vector<1xf32>
        %parallel_loop3A_346 = vector.extract %parallel_loop3A_345[0] : f32 from vector<1xf32>
        %parallel_loop3A_347 = vector.broadcast %parallel_loop3A_346 : f32 to vector<16xf32>
        %parallel_loop3A_348 = arith.index_cast %parallel_loop3A_344 : i32 to index
        %parallel_loop3A_349 = arith.constant 0 : index
        %parallel_loop3A_350 = tpu.vector_load %arg15[%parallel_loop3A_348, %parallel_loop3A_349] {strides = array<i32>} : memref<80x128xf32, #tpu.memory_space<vmem>>, vector<16xf32>,
        %parallel_loop3A_351 = arith.mulf %parallel_loop3A_350, %parallel_loop3A_347 : vector<16xf32>
        %parallel_loop3A_352 = arith.index_cast %parallel_loop3A_344 : i32 to index
        %parallel_loop3A_353 = arith.constant 0 : index
        %parallel_loop3A_354 = tpu.vector_load %arg16[%parallel_loop3A_352, %parallel_loop3A_353] {strides = array<i32>} : memref<160x128xf32, #tpu.memory_space<vmem>>, vector<16xf32>,
        tpu.vector_store %arg16[%parallel_loop3A_352, %parallel_loop3A_353], %parallel_loop3A_351 {strides = array<i32>} : memref<160x128xf32, #tpu.memory_space<vmem>>, vector<16xf32>,
        %parallel_loop3A_355 = arith.index_cast %parallel_loop3A_344 : i32 to index
        %parallel_loop3A_356 = arith.constant 16 : index
        %parallel_loop3A_357 = tpu.vector_load %arg15[%parallel_loop3A_355, %parallel_loop3A_356] {strides = array<i32>} : memref<80x128xf32, #tpu.memory_space<vmem>>, vector<16xf32>,
        %parallel_loop3A_358 = arith.mulf %parallel_loop3A_357, %parallel_loop3A_347 : vector<16xf32>
        %parallel_loop3A_359 = arith.index_cast %parallel_loop3A_344 : i32 to index
        %parallel_loop3A_360 = arith.constant 16 : index
        %parallel_loop3A_361 = tpu.vector_load %arg16[%parallel_loop3A_359, %parallel_loop3A_360] {strides = array<i32>} : memref<160x128xf32, #tpu.memory_space<vmem>>, vector<16xf32>,
        tpu.vector_store %arg16[%parallel_loop3A_359, %parallel_loop3A_360], %parallel_loop3A_358 {strides = array<i32>} : memref<160x128xf32, #tpu.memory_space<vmem>>, vector<16xf32>,
        %parallel_loop3A_362 = vector.extract_strided_slice %parallel_loop3A_124 {offsets = [13], sizes = [1], strides = [1]} : vector<16xf32> to vector<1xf32>
        %parallel_loop3A_363 = vector.extract %parallel_loop3A_362[0] : f32 from vector<1xf32>
        %parallel_loop3A_364 = vector.broadcast %parallel_loop3A_363 : f32 to vector<16xf32>
        %parallel_loop3A_365 = arith.index_cast %parallel_loop3A_344 : i32 to index
        %parallel_loop3A_366 = arith.constant 32 : index
        %parallel_loop3A_367 = tpu.vector_load %arg15[%parallel_loop3A_365, %parallel_loop3A_366] {strides = array<i32>} : memref<80x128xf32, #tpu.memory_space<vmem>>, vector<16xf32>,
        %parallel_loop3A_368 = arith.mulf %parallel_loop3A_367, %parallel_loop3A_364 : vector<16xf32>
        %parallel_loop3A_369 = arith.index_cast %parallel_loop3A_344 : i32 to index
        %parallel_loop3A_370 = arith.constant 32 : index
        %parallel_loop3A_371 = tpu.vector_load %arg16[%parallel_loop3A_369, %parallel_loop3A_370] {strides = array<i32>} : memref<160x128xf32, #tpu.memory_space<vmem>>, vector<16xf32>,
        tpu.vector_store %arg16[%parallel_loop3A_369, %parallel_loop3A_370], %parallel_loop3A_368 {strides = array<i32>} : memref<160x128xf32, #tpu.memory_space<vmem>>, vector<16xf32>,
        %parallel_loop3A_372 = arith.index_cast %parallel_loop3A_344 : i32 to index
        %parallel_loop3A_373 = arith.constant 48 : index
        %parallel_loop3A_374 = tpu.vector_load %arg15[%parallel_loop3A_372, %parallel_loop3A_373] {strides = array<i32>} : memref<80x128xf32, #tpu.memory_space<vmem>>, vector<16xf32>,
        %parallel_loop3A_375 = arith.mulf %parallel_loop3A_374, %parallel_loop3A_364 : vector<16xf32>
        %parallel_loop3A_376 = arith.index_cast %parallel_loop3A_344 : i32 to index
        %parallel_loop3A_377 = arith.constant 48 : index
        %parallel_loop3A_378 = tpu.vector_load %arg16[%parallel_loop3A_376, %parallel_loop3A_377] {strides = array<i32>} : memref<160x128xf32, #tpu.memory_space<vmem>>, vector<16xf32>,
        tpu.vector_store %arg16[%parallel_loop3A_376, %parallel_loop3A_377], %parallel_loop3A_375 {strides = array<i32>} : memref<160x128xf32, #tpu.memory_space<vmem>>, vector<16xf32>,
        %parallel_loop3A_379 = vector.extract_strided_slice %parallel_loop3A_124 {offsets = [14], sizes = [1], strides = [1]} : vector<16xf32> to vector<1xf32>
        %parallel_loop3A_380 = vector.extract %parallel_loop3A_379[0] : f32 from vector<1xf32>
        %parallel_loop3A_381 = vector.broadcast %parallel_loop3A_380 : f32 to vector<16xf32>
        %parallel_loop3A_382 = arith.index_cast %parallel_loop3A_344 : i32 to index
        %parallel_loop3A_383 = arith.constant 64 : index
        %parallel_loop3A_384 = tpu.vector_load %arg15[%parallel_loop3A_382, %parallel_loop3A_383] {strides = array<i32>} : memref<80x128xf32, #tpu.memory_space<vmem>>, vector<16xf32>,
        %parallel_loop3A_385 = arith.mulf %parallel_loop3A_384, %parallel_loop3A_381 : vector<16xf32>
        %parallel_loop3A_386 = arith.index_cast %parallel_loop3A_344 : i32 to index
        %parallel_loop3A_387 = arith.constant 64 : index
        %parallel_loop3A_388 = tpu.vector_load %arg16[%parallel_loop3A_386, %parallel_loop3A_387] {strides = array<i32>} : memref<160x128xf32, #tpu.memory_space<vmem>>, vector<16xf32>,
        tpu.vector_store %arg16[%parallel_loop3A_386, %parallel_loop3A_387], %parallel_loop3A_385 {strides = array<i32>} : memref<160x128xf32, #tpu.memory_space<vmem>>, vector<16xf32>,
        %parallel_loop3A_389 = arith.index_cast %parallel_loop3A_344 : i32 to index
        %parallel_loop3A_390 = arith.constant 80 : index
        %parallel_loop3A_391 = tpu.vector_load %arg15[%parallel_loop3A_389, %parallel_loop3A_390] {strides = array<i32>} : memref<80x128xf32, #tpu.memory_space<vmem>>, vector<16xf32>,
        %parallel_loop3A_392 = arith.mulf %parallel_loop3A_391, %parallel_loop3A_381 : vector<16xf32>
        %parallel_loop3A_393 = arith.index_cast %parallel_loop3A_344 : i32 to index
        %parallel_loop3A_394 = arith.constant 80 : index
        %parallel_loop3A_395 = tpu.vector_load %arg16[%parallel_loop3A_393, %parallel_loop3A_394] {strides = array<i32>} : memref<160x128xf32, #tpu.memory_space<vmem>>, vector<16xf32>,
        tpu.vector_store %arg16[%parallel_loop3A_393, %parallel_loop3A_394], %parallel_loop3A_392 {strides = array<i32>} : memref<160x128xf32, #tpu.memory_space<vmem>>, vector<16xf32>,
        %parallel_loop3A_396 = vector.extract_strided_slice %parallel_loop3A_124 {offsets = [15], sizes = [1], strides = [1]} : vector<16xf32> to vector<1xf32>
        %parallel_loop3A_397 = vector.extract %parallel_loop3A_396[0] : f32 from vector<1xf32>
        %parallel_loop3A_398 = vector.broadcast %parallel_loop3A_397 : f32 to vector<16xf32>
        %parallel_loop3A_399 = arith.index_cast %parallel_loop3A_344 : i32 to index
        %parallel_loop3A_400 = arith.constant 96 : index
        %parallel_loop3A_401 = tpu.vector_load %arg15[%parallel_loop3A_399, %parallel_loop3A_400] {strides = array<i32>} : memref<80x128xf32, #tpu.memory_space<vmem>>, vector<16xf32>,
        %parallel_loop3A_402 = arith.mulf %parallel_loop3A_401, %parallel_loop3A_398 : vector<16xf32>
        %parallel_loop3A_403 = arith.index_cast %parallel_loop3A_344 : i32 to index
        %parallel_loop3A_404 = arith.constant 96 : index
        %parallel_loop3A_405 = tpu.vector_load %arg16[%parallel_loop3A_403, %parallel_loop3A_404] {strides = array<i32>} : memref<160x128xf32, #tpu.memory_space<vmem>>, vector<16xf32>,
        tpu.vector_store %arg16[%parallel_loop3A_403, %parallel_loop3A_404], %parallel_loop3A_402 {strides = array<i32>} : memref<160x128xf32, #tpu.memory_space<vmem>>, vector<16xf32>,
        %parallel_loop3A_406 = arith.index_cast %parallel_loop3A_344 : i32 to index
        %parallel_loop3A_407 = arith.constant 112 : index
        %parallel_loop3A_408 = tpu.vector_load %arg15[%parallel_loop3A_406, %parallel_loop3A_407] {strides = array<i32>} : memref<80x128xf32, #tpu.memory_space<vmem>>, vector<16xf32>,
        %parallel_loop3A_409 = arith.mulf %parallel_loop3A_408, %parallel_loop3A_398 : vector<16xf32>
        %parallel_loop3A_410 = arith.index_cast %parallel_loop3A_344 : i32 to index
        %parallel_loop3A_411 = arith.constant 112 : index
        %parallel_loop3A_412 = tpu.vector_load %arg16[%parallel_loop3A_410, %parallel_loop3A_411] {strides = array<i32>} : memref<160x128xf32, #tpu.memory_space<vmem>>, vector<16xf32>,
        tpu.vector_store %arg16[%parallel_loop3A_410, %parallel_loop3A_411], %parallel_loop3A_409 {strides = array<i32>} : memref<160x128xf32, #tpu.memory_space<vmem>>, vector<16xf32>,
      } {sc.loop_unroll_factor = 2 : i64, sc.parallel_access}
      "tpu.region"() ({
        %run_scoped3A = tpu.sem_alloc : memref<!tpu.dma_semaphore, #tpu.memory_space<semaphore_mem>>
        %dma_start3A_120 = arith.constant 0 : i32
        %dma_start3A_121 = arith.constant 0 : i32
        %dma_start3A_122 = tpu.memref_slice %arg17[%dma_start3A_120, %dma_start3A_121] : memref<10752x128xf32, #tpu.memory_space<vmem_shared>> -> memref<10752x128xf32, #tpu.memory_space<vmem_shared>>
        tpu.enqueue_indirect_dma source(%arg16 : memref<160x128xf32, #tpu.memory_space<vmem>>) target(%dma_start3A_122 : memref<10752x128xf32, #tpu.memory_space<vmem_shared>>) offsets(%arg11 : memref<160xi32, #tpu.memory_space<vmem>>) semaphore(%run_scoped3A : memref<!tpu.dma_semaphore, #tpu.memory_space<semaphore_mem>>) {add = true}
        %dma_wait3A_123 = arith.constant 0 : i32
        %dma_wait3A_124 = arith.constant 0 : i32
        %dma_wait3A_125 = tpu.memref_slice %arg17[%dma_wait3A_123, %dma_wait3A_124] : memref<10752x128xf32, #tpu.memory_space<vmem_shared>> -> memref<10752x128xf32, #tpu.memory_space<vmem_shared>>
        tpu.wait_indirect_dma semaphore(%run_scoped3A : memref<!tpu.dma_semaphore, #tpu.memory_space<semaphore_mem>>) src(%arg16 : memref<160x128xf32, #tpu.memory_space<vmem>>) dst(%dma_wait3A_125 : memref<10752x128xf32, #tpu.memory_space<vmem_shared>>)
        tpu.yield
      }) : () -> ()
      %parallel_loop3A_110 = arith.constant 0 : i32
      %parallel_loop3A_111 = arith.constant 5 : i32
      %parallel_loop3A_112 = arith.constant 1 : i32
      scf.for %parallel_loop3A_120 = %parallel_loop3A_110 to %parallel_loop3A_111 step %parallel_loop3A_112  : i32 {
        %parallel_loop3A_121 = arith.constant 16 : i32
        %parallel_loop3A_122 = arith.muli %parallel_loop3A_120, %parallel_loop3A_121 : i32
        %parallel_loop3A_123 = arith.index_cast %parallel_loop3A_122 : i32 to index
        %parallel_loop3A_124 = tpu.vector_load %arg11[%parallel_loop3A_123] {strides = array<i32>} : memref<160xi32, #tpu.memory_space<vmem>>, vector<16xi32>,
        %parallel_loop3A_125 = arith.constant 16 : i32
        %parallel_loop3A_126 = arith.muli %parallel_loop3A_120, %parallel_loop3A_125 : i32
        %parallel_loop3A_127 = arith.constant 80 : i32
        %parallel_loop3A_128 = arith.addi %parallel_loop3A_127, %parallel_loop3A_126 : i32
        %parallel_loop3A_129 = vector.broadcast %parallel_loop3A_128 : i32 to vector<16xi32>
        %parallel_loop3A_130 = arith.addi %parallel_loop3A_129, %iota3A : vector<16xi32>
        %parallel_loop3A_131 = arith.constant 31 : i32
        %parallel_loop3A_132 = vector.broadcast %parallel_loop3A_131 : i32 to vector<16xi32>
        %parallel_loop3A_133 = arith.andi %parallel_loop3A_124, %parallel_loop3A_132 : vector<16xi32>
        %parallel_loop3A_134 = arith.constant 4 : i32
        %parallel_loop3A_135 = vector.broadcast %parallel_loop3A_134 : i32 to vector<16xi32>
        %parallel_loop3A_136 = arith.muli %parallel_loop3A_133, %parallel_loop3A_135 : vector<16xi32>
        %parallel_loop3A_137 = arith.constant 0 : i32
        %parallel_loop3A_138 = vector.broadcast %parallel_loop3A_137 : i32 to vector<16xi32>
        %parallel_loop3A_139 = arith.addi %parallel_loop3A_136, %parallel_loop3A_138 : vector<16xi32>
        tpu.vector_store_idx %arg16[%parallel_loop3A_130, %parallel_loop3A_139], %broadcast_in_dim3A_6 : memref<160x128xf32, #tpu.memory_space<vmem>>[vector<16xi32>, vector<16xi32>], vector<16xf32>,
        %parallel_loop3A_140 = arith.constant 1 : i32
        %parallel_loop3A_141 = vector.broadcast %parallel_loop3A_140 : i32 to vector<16xi32>
        %parallel_loop3A_142 = arith.addi %parallel_loop3A_136, %parallel_loop3A_141 : vector<16xi32>
        tpu.vector_store_idx %arg16[%parallel_loop3A_130, %parallel_loop3A_142], %broadcast_in_dim3A_6 : memref<160x128xf32, #tpu.memory_space<vmem>>[vector<16xi32>, vector<16xi32>], vector<16xf32>,
        %parallel_loop3A_143 = arith.constant 2 : i32
        %parallel_loop3A_144 = vector.broadcast %parallel_loop3A_143 : i32 to vector<16xi32>
        %parallel_loop3A_145 = arith.addi %parallel_loop3A_136, %parallel_loop3A_144 : vector<16xi32>
        tpu.vector_store_idx %arg16[%parallel_loop3A_130, %parallel_loop3A_145], %broadcast_in_dim3A_6 : memref<160x128xf32, #tpu.memory_space<vmem>>[vector<16xi32>, vector<16xi32>], vector<16xf32>,
        %parallel_loop3A_146 = arith.constant 3 : i32
        %parallel_loop3A_147 = vector.broadcast %parallel_loop3A_146 : i32 to vector<16xi32>
        %parallel_loop3A_148 = arith.addi %parallel_loop3A_136, %parallel_loop3A_147 : vector<16xi32>
        tpu.vector_store_idx %arg16[%parallel_loop3A_130, %parallel_loop3A_148], %broadcast_in_dim3A_6 : memref<160x128xf32, #tpu.memory_space<vmem>>[vector<16xi32>, vector<16xi32>], vector<16xf32>,
      } {sc.loop_unroll_factor = 2 : i64, sc.parallel_access}
      %add3A_113 = arith.constant 2 : i32
      %add3A_114 = arith.addi %add3A_93, %add3A_113 : i32
      %lt3A_115 = arith.constant 128 : i32
      %lt3A_116 = arith.cmpi slt, %add3A_114, %lt3A_115 : i32
      %convert_element_type3A_117 = arith.extui %lt3A_116 : i1 to i32
      %cond3A_118 = arith.constant 0 : i32
      %cond3A_119 = arith.cmpi ne, %convert_element_type3A_117, %cond3A_118 : i32
      scf.if %cond3A_119 {
        %add3A_120 = arith.constant 2 : i32
        %add3A_121 = arith.addi %add3A_93, %add3A_120 : i32
        %mul3A_122 = arith.constant 80 : i32
        %mul3A_123 = arith.muli %add3A_121, %mul3A_122 : i32
        %add3A_124 = arith.addi %mul3A_11, %mul3A_123 : i32
        %dma_start3A_125 = tpu.memref_slice %arg3[%add3A_124] : memref<327680xi32, #tpu.memory_space<hbm>> -> memref<80xi32, #tpu.memory_space<hbm>>
        %dma_start3A_126 = tpu.memref_slice %arg3[%add3A_124] : memref<327680xi32, #tpu.memory_space<hbm>> -> memref<80xi32, #tpu.memory_space<hbm>>
        tpu.enqueue_dma source(%dma_start3A_126 : memref<80xi32, #tpu.memory_space<hbm>>) target(%arg9 : memref<80xi32, #tpu.memory_space<vmem>>) target_semaphore(%arg19 : memref<!tpu.dma_semaphore, #tpu.memory_space<semaphore_mem>>)
        %dma_start3A_127 = arith.constant 0 : i32
        %dma_start3A_128 = tpu.memref_slice %arg11[%dma_start3A_127] : memref<160xi32, #tpu.memory_space<vmem>> -> memref<80xi32, #tpu.memory_space<vmem>>
        %dma_start3A_129 = tpu.memref_slice %arg4[%add3A_124] : memref<327680xi32, #tpu.memory_space<hbm>> -> memref<80xi32, #tpu.memory_space<hbm>>
        %dma_start3A_130 = arith.constant 0 : i32
        %dma_start3A_131 = tpu.memref_slice %arg11[%dma_start3A_130] : memref<160xi32, #tpu.memory_space<vmem>> -> memref<80xi32, #tpu.memory_space<vmem>>
        %dma_start3A_132 = tpu.memref_slice %arg4[%add3A_124] : memref<327680xi32, #tpu.memory_space<hbm>> -> memref<80xi32, #tpu.memory_space<hbm>>
        tpu.enqueue_dma source(%dma_start3A_132 : memref<80xi32, #tpu.memory_space<hbm>>) target(%dma_start3A_131 : memref<80xi32, #tpu.memory_space<vmem>>) target_semaphore(%arg19 : memref<!tpu.dma_semaphore, #tpu.memory_space<semaphore_mem>>)
        %mul3A_133 = arith.constant 4 : i32
        %mul3A_134 = arith.muli %add3A_124, %mul3A_133 : i32
        %dma_start3A_135 = tpu.memref_slice %arg5[%mul3A_134] : memref<1310720xf32, #tpu.memory_space<hbm>> -> memref<320xf32, #tpu.memory_space<hbm>>
        %dma_start3A_136 = tpu.memref_slice %arg5[%mul3A_134] : memref<1310720xf32, #tpu.memory_space<hbm>> -> memref<320xf32, #tpu.memory_space<hbm>>
        tpu.enqueue_dma source(%dma_start3A_136 : memref<320xf32, #tpu.memory_space<hbm>>) target(%arg13 : memref<320xf32, #tpu.memory_space<vmem>>) target_semaphore(%arg19 : memref<!tpu.dma_semaphore, #tpu.memory_space<semaphore_mem>>)
      } else {
      }
    }
    %scan3A_59 = arith.constant 64 : i32
    %barrier3A_60 = arith.constant 0 : index
    tpu.barrier barrier_id(%barrier3A_60)
    %mul3A_61 = arith.constant 672 : i32
    %mul3A_62 = arith.muli %arg1, %mul3A_61 : i32
    %mul3A_63 = arith.constant 672 : i32
    %mul3A_64 = arith.muli %arg1, %mul3A_63 : i32
    "tpu.region"() ({
      %run_scoped3A = tpu.sem_alloc : memref<!tpu.dma_semaphore, #tpu.memory_space<semaphore_mem>>
      %dma_start3A_65 = arith.constant 0 : i32
      %dma_start3A_66 = tpu.memref_slice %arg7[%arg0, %mul3A_64, %dma_start3A_65] : memref<2x10752x128xf32, #tpu.memory_space<hbm>> -> memref<1x672x128xf32, #tpu.memory_space<hbm>>
      %dma_start3A_67 = tpu.memref_squeeze %dma_start3A_66 : memref<1x672x128xf32, #tpu.memory_space<hbm>> -> memref<672x128xf32, #tpu.memory_space<hbm>>
      %dma_start3A_68 = arith.constant 0 : i32
      %dma_start3A_69 = tpu.memref_slice %arg17[%mul3A_62, %dma_start3A_68] : memref<10752x128xf32, #tpu.memory_space<vmem_shared>> -> memref<672x128xf32, #tpu.memory_space<vmem_shared>>
      tpu.enqueue_dma source(%dma_start3A_69 : memref<672x128xf32, #tpu.memory_space<vmem_shared>>) target(%dma_start3A_67 : memref<672x128xf32, #tpu.memory_space<hbm>>) target_semaphore(%run_scoped3A : memref<!tpu.dma_semaphore, #tpu.memory_space<semaphore_mem>>)
      %dma_wait3A_70 = arith.constant 0 : i32
      %dma_wait3A_71 = tpu.memref_slice %arg7[%arg0, %mul3A_64, %dma_wait3A_70] : memref<2x10752x128xf32, #tpu.memory_space<hbm>> -> memref<1x672x128xf32, #tpu.memory_space<hbm>>
      %dma_wait3A_72 = tpu.memref_squeeze %dma_wait3A_71 : memref<1x672x128xf32, #tpu.memory_space<hbm>> -> memref<672x128xf32, #tpu.memory_space<hbm>>
      %dma_wait3A_73 = arith.constant 0 : i32
      %dma_wait3A_74 = tpu.memref_slice %arg17[%mul3A_62, %dma_wait3A_73] : memref<10752x128xf32, #tpu.memory_space<vmem_shared>> -> memref<672x128xf32, #tpu.memory_space<vmem_shared>>
      tpu.wait_dma2 semaphore(%run_scoped3A : memref<!tpu.dma_semaphore, #tpu.memory_space<semaphore_mem>>) src(%dma_wait3A_74 : memref<672x128xf32, #tpu.memory_space<vmem_shared>>) dst(%dma_wait3A_72 : memref<672x128xf32, #tpu.memory_space<hbm>>)
      tpu.yield
    }) : () -> ()
    return
  }
}

module attributes {stable_mosaic.version = 14 : i64} {
  func.func @_pre_body(%arg0: i32, %arg1: memref<1000x128xf32, #tpu.memory_space<vmem>>, %arg2: memref<128x128xf32, #tpu.memory_space<vmem>>, %arg3: memref<128x4xf32, #tpu.memory_space<vmem>>, %arg4: memref<128x4xf32, #tpu.memory_space<vmem>>, %arg5: memref<1000x128xf32, #tpu.memory_space<vmem>>, %arg6: memref<1000x4xf32, #tpu.memory_space<vmem>>, %arg7: memref<1000x4xf32, #tpu.memory_space<vmem>>, %arg8: memref<8x128xf32, #tpu.memory_space<vmem>>, %arg9: memref<2xf32, #tpu.memory_space<smem>>) attributes {dimension_semantics = [#tpu.dimension_semantics<arbitrary>], iteration_bounds = array<i64: 10>, scalar_prefetch = 0 : i64, scratch_operands = 1 : i64, tpu.core_type = #tpu.core_type<tc>, window_params = [{transform_indices = @transform_0, window_bounds = array<i64: 1000, 128>}, {pipeline_mode = #tpu.pipeline_mode<synchronous>, transform_indices = @transform_1, window_bounds = array<i64: 128, 128>}, {pipeline_mode = #tpu.pipeline_mode<synchronous>, transform_indices = @transform_2, window_bounds = array<i64: 128, 4>}, {pipeline_mode = #tpu.pipeline_mode<synchronous>, transform_indices = @transform_3, window_bounds = array<i64: 128, 4>}, {transform_indices = @transform_4, window_bounds = array<i64: 1000, 128>}, {transform_indices = @transform_5, window_bounds = array<i64: 1000, 4>}, {transform_indices = @transform_6, window_bounds = array<i64: 1000, 4>}, {pipeline_mode = #tpu.pipeline_mode<synchronous>, transform_indices = @transform_7, window_bounds = array<i64: 8, 128>}]} {
    %get3A = arith.constant 0 : index
    %get3A_0 = arith.constant 0 : index
    %get3A_1 = vector.load %arg1[%get3A, %get3A_0] : memref<1000x128xf32, #tpu.memory_space<vmem>>, vector<1000x128xf32>
    %get3A_2 = arith.constant 0 : index
    %get3A_3 = arith.constant 0 : index
    %get3A_4 = vector.load %arg2[%get3A_2, %get3A_3] : memref<128x128xf32, #tpu.memory_space<vmem>>, vector<128x128xf32>
    %dot_general3A = arith.constant dense<0.000000e+00> : vector<1000x128xf32>
    %dot_general3A_5 = tpu.matmul %get3A_1, %get3A_4, %dot_general3A {dimension_numbers = #tpu.dot_dimension_numbers<[1], [0], [0], [1], [0, 0, 1, 1], [], []>, transpose_lhs_hint = false} : vector<1000x128xf32>, vector<128x128xf32>, vector<1000x128xf32> -> vector<1000x128xf32>
    %swap3A = arith.constant 0 : index
    %swap3A_6 = arith.constant 0 : index
    %swap3A_7 = vector.load %arg5[%swap3A, %swap3A_6] : memref<1000x128xf32, #tpu.memory_space<vmem>>, vector<1000x128xf32>
    tpu.vector_store %arg5[%swap3A, %swap3A_6], %dot_general3A_5 {strides = array<i32>} : memref<1000x128xf32, #tpu.memory_space<vmem>>, vector<1000x128xf32>,
    %get3A_8 = arith.constant 0 : index
    %get3A_9 = arith.constant 0 : index
    %get3A_10 = vector.load %arg3[%get3A_8, %get3A_9] : memref<128x4xf32, #tpu.memory_space<vmem>>, vector<128x4xf32>
    %dot_general3A_11 = arith.constant dense<0.000000e+00> : vector<1000x4xf32>
    %dot_general3A_12 = tpu.matmul %dot_general3A_5, %get3A_10, %dot_general3A_11 {dimension_numbers = #tpu.dot_dimension_numbers<[1], [0], [0], [1], [0, 0, 1, 1], [], []>, transpose_lhs_hint = false} : vector<1000x128xf32>, vector<128x4xf32>, vector<1000x4xf32> -> vector<1000x4xf32>
    %get3A_13 = arith.constant 0 : index
    %get3A_14 = arith.constant 0 : index
    %get3A_15 = vector.load %arg4[%get3A_13, %get3A_14] : memref<128x4xf32, #tpu.memory_space<vmem>>, vector<128x4xf32>
    %dot_general3A_16 = arith.constant dense<0.000000e+00> : vector<1000x4xf32>
    %dot_general3A_17 = tpu.matmul %dot_general3A_5, %get3A_15, %dot_general3A_16 {dimension_numbers = #tpu.dot_dimension_numbers<[1], [0], [0], [1], [0, 0, 1, 1], [], []>, transpose_lhs_hint = false} : vector<1000x128xf32>, vector<128x4xf32>, vector<1000x4xf32> -> vector<1000x4xf32>
    %swap3A_18 = arith.constant 0 : index
    %swap3A_19 = arith.constant 0 : index
    %swap3A_20 = vector.load %arg6[%swap3A_18, %swap3A_19] : memref<1000x4xf32, #tpu.memory_space<vmem>>, vector<1000x4xf32>
    tpu.vector_store %arg6[%swap3A_18, %swap3A_19], %dot_general3A_12 {strides = array<i32>} : memref<1000x4xf32, #tpu.memory_space<vmem>>, vector<1000x4xf32>,
    %swap3A_21 = arith.constant 0 : index
    %swap3A_22 = arith.constant 0 : index
    %swap3A_23 = vector.load %arg7[%swap3A_21, %swap3A_22] : memref<1000x4xf32, #tpu.memory_space<vmem>>, vector<1000x4xf32>
    tpu.vector_store %arg7[%swap3A_21, %swap3A_22], %dot_general3A_17 {strides = array<i32>} : memref<1000x4xf32, #tpu.memory_space<vmem>>, vector<1000x4xf32>,
    %eq3A = arith.constant 0 : i32
    %eq3A_24 = arith.cmpi eq, %arg0, %eq3A : i32
    %get3A_25 = arith.constant 0 : index
    %get3A_26 = memref.load %arg9[%get3A_25] : memref<2xf32, #tpu.memory_space<smem>>
    %jit3A = arith.constant 0xFF800000 : f32
    %select_n3A = arith.select %eq3A_24, %jit3A, %get3A_26 : f32
    %eq3A_27 = arith.constant 0 : i32
    %eq3A_28 = arith.cmpi eq, %arg0, %eq3A_27 : i32
    %get3A_29 = arith.constant 1 : index
    %get3A_30 = memref.load %arg9[%get3A_29] : memref<2xf32, #tpu.memory_space<smem>>
    %jit3A_31 = arith.constant 0xFF800000 : f32
    %select_n3A_32 = arith.select %eq3A_28, %jit3A_31, %get3A_30 : f32
    %reduce_max3A = vector.shape_cast %dot_general3A_12 : vector<1000x4xf32> to vector<1x1000x4xf32>
    %reduce_max3A_33 = arith.constant dense<0xFF800000> : vector<1xf32>
    %reduce_max3A_34 = vector.multi_reduction <maximumf>, %reduce_max3A, %reduce_max3A_33 [1, 2] : vector<1x1000x4xf32> to vector<1xf32>
    %reduce_max3A_35 = vector.shape_cast %reduce_max3A_34 : vector<1xf32> to vector<1x1x1xf32>
    %reduce_max3A_36 = vector.extract %reduce_max3A_35[0, 0, 0] : f32 from vector<1x1x1xf32>
    %max3A = arith.maximumf %select_n3A, %reduce_max3A_36 : f32
    %reduce_max3A_37 = vector.shape_cast %dot_general3A_17 : vector<1000x4xf32> to vector<1x1000x4xf32>
    %reduce_max3A_38 = arith.constant dense<0xFF800000> : vector<1xf32>
    %reduce_max3A_39 = vector.multi_reduction <maximumf>, %reduce_max3A_37, %reduce_max3A_38 [1, 2] : vector<1x1000x4xf32> to vector<1xf32>
    %reduce_max3A_40 = vector.shape_cast %reduce_max3A_39 : vector<1xf32> to vector<1x1x1xf32>
    %reduce_max3A_41 = vector.extract %reduce_max3A_40[0, 0, 0] : f32 from vector<1x1x1xf32>
    %max3A_42 = arith.maximumf %select_n3A_32, %reduce_max3A_41 : f32
    %swap3A_43 = arith.constant 0 : index
    %swap3A_44 = memref.load %arg9[%swap3A_43] : memref<2xf32, #tpu.memory_space<smem>>
    memref.store %max3A, %arg9[%swap3A_43] : memref<2xf32, #tpu.memory_space<smem>>
    %swap3A_45 = arith.constant 1 : index
    %swap3A_46 = memref.load %arg9[%swap3A_45] : memref<2xf32, #tpu.memory_space<smem>>
    memref.store %max3A_42, %arg9[%swap3A_45] : memref<2xf32, #tpu.memory_space<smem>>
    %add3A = arith.addf %max3A, %max3A_42 : f32
    %mul3A = arith.constant 2.000000e-01 : f32
    %mul3A_47 = arith.mulf %mul3A, %add3A : f32
    %max3A_48 = arith.maximumf %add3A, %mul3A_47 : f32
    %broadcast_in_dim3A = vector.broadcast %max3A_48 : f32 to vector<8x128xf32>
    %swap3A_49 = arith.constant 0 : index
    %swap3A_50 = arith.constant 0 : index
    %swap3A_51 = vector.load %arg8[%swap3A_49, %swap3A_50] : memref<8x128xf32, #tpu.memory_space<vmem>>, vector<8x128xf32>
    tpu.vector_store %arg8[%swap3A_49, %swap3A_50], %broadcast_in_dim3A {strides = array<i32>} : memref<8x128xf32, #tpu.memory_space<vmem>>, vector<8x128xf32>,
    return
  }
  func.func @transform_0(%arg0: i32) -> (i32, i32) {
    %c0_i32 = arith.constant 0 : i32
    %c0_i32_0 = arith.constant 0 : i32
    return %arg0, %c0_i32 : i32, i32
  }
  func.func @transform_1(%arg0: i32) -> (i32, i32) {
    %c0_i32 = arith.constant 0 : i32
    %c0_i32_0 = arith.constant 0 : i32
    %c0_i32_1 = arith.constant 0 : i32
    return %c0_i32, %c0_i32_0 : i32, i32
  }
  func.func @transform_2(%arg0: i32) -> (i32, i32) {
    %c0_i32 = arith.constant 0 : i32
    %c0_i32_0 = arith.constant 0 : i32
    %c0_i32_1 = arith.constant 0 : i32
    return %c0_i32, %c0_i32_0 : i32, i32
  }
  func.func @transform_3(%arg0: i32) -> (i32, i32) {
    %c0_i32 = arith.constant 0 : i32
    %c0_i32_0 = arith.constant 0 : i32
    %c0_i32_1 = arith.constant 0 : i32
    return %c0_i32, %c0_i32_0 : i32, i32
  }
  func.func @transform_4(%arg0: i32) -> (i32, i32) {
    %c0_i32 = arith.constant 0 : i32
    %c0_i32_0 = arith.constant 0 : i32
    return %arg0, %c0_i32 : i32, i32
  }
  func.func @transform_5(%arg0: i32) -> (i32, i32) {
    %c0_i32 = arith.constant 0 : i32
    %c0_i32_0 = arith.constant 0 : i32
    return %arg0, %c0_i32 : i32, i32
  }
  func.func @transform_6(%arg0: i32) -> (i32, i32) {
    %c0_i32 = arith.constant 0 : i32
    %c0_i32_0 = arith.constant 0 : i32
    return %arg0, %c0_i32 : i32, i32
  }
  func.func @transform_7(%arg0: i32) -> (i32, i32) {
    %c0_i32 = arith.constant 0 : i32
    %c0_i32_0 = arith.constant 0 : i32
    %c0_i32_1 = arith.constant 0 : i32
    return %c0_i32, %c0_i32_0 : i32, i32
  }
}

module attributes {stable_mosaic.version = 14 : i64} {
  func.func @_postA_body(%arg0: i32, %arg1: memref<1000x128xf32, #tpu.memory_space<vmem>>, %arg2: memref<1000x128xf32, #tpu.memory_space<vmem>>, %arg3: memref<1000x4xf32, #tpu.memory_space<vmem>>, %arg4: memref<1000x4xf32, #tpu.memory_space<vmem>>, %arg5: memref<1000x128xf32, #tpu.memory_space<vmem>>, %arg6: memref<1000x4xf32, #tpu.memory_space<vmem>>, %arg7: memref<1000x4xf32, #tpu.memory_space<vmem>>, %arg8: memref<8x128xf32, #tpu.memory_space<vmem>>, %arg9: memref<128xf32, #tpu.memory_space<vmem>>, %arg10: memref<4x128xf32, #tpu.memory_space<vmem>>, %arg11: memref<1000x128xf32, #tpu.memory_space<vmem>>, %arg12: memref<2x128xf32, #tpu.memory_space<vmem>>, %arg13: memref<1x128xf32, #tpu.memory_space<vmem>>, %arg14: memref<1x128xf32, #tpu.memory_space<vmem>>) attributes {dimension_semantics = [#tpu.dimension_semantics<arbitrary>], iteration_bounds = array<i64: 10>, scalar_prefetch = 0 : i64, scratch_operands = 2 : i64, tpu.core_type = #tpu.core_type<tc>, window_params = [{transform_indices = @transform_0, window_bounds = array<i64: 1000, 128>}, {transform_indices = @transform_1, window_bounds = array<i64: 1000, 128>}, {transform_indices = @transform_2, window_bounds = array<i64: 1000, 4>}, {transform_indices = @transform_3, window_bounds = array<i64: 1000, 4>}, {transform_indices = @transform_4, window_bounds = array<i64: 1000, 128>}, {transform_indices = @transform_5, window_bounds = array<i64: 1000, 4>}, {transform_indices = @transform_6, window_bounds = array<i64: 1000, 4>}, {pipeline_mode = #tpu.pipeline_mode<synchronous>, transform_indices = @transform_7, window_bounds = array<i64: 8, 128>}, {pipeline_mode = #tpu.pipeline_mode<synchronous>, transform_indices = @transform_8, window_bounds = array<i64: 128>}, {pipeline_mode = #tpu.pipeline_mode<synchronous>, transform_indices = @transform_9, window_bounds = array<i64: 4, 128>}, {transform_indices = @transform_10, window_bounds = array<i64: 1000, 128>}, {pipeline_mode = #tpu.pipeline_mode<synchronous>, transform_indices = @transform_11, window_bounds = array<i64: 2, 128>}]} {
    %get3A = arith.constant 0 : index
    %get3A_0 = arith.constant 0 : index
    %get3A_1 = vector.load %arg8[%get3A, %get3A_0] : memref<8x128xf32, #tpu.memory_space<vmem>>, vector<1x1xf32>
    %get3A_2 = vector.extract %get3A_1[0, 0] : f32 from vector<1x1xf32>
    %get3A_3 = arith.constant 0 : index
    %get3A_4 = arith.constant 0 : index
    %get3A_5 = vector.load %arg1[%get3A_3, %get3A_4] : memref<1000x128xf32, #tpu.memory_space<vmem>>, vector<1000x128xf32>
    %get3A_6 = arith.constant 0 : index
    %get3A_7 = arith.constant 0 : index
    %get3A_8 = vector.load %arg2[%get3A_6, %get3A_7] : memref<1000x128xf32, #tpu.memory_space<vmem>>, vector<1000x128xf32>
    %add3A = arith.addf %get3A_5, %get3A_8 : vector<1000x128xf32>
    %get3A_9 = arith.constant 0 : index
    %get3A_10 = arith.constant 0 : index
    %get3A_11 = vector.load %arg3[%get3A_9, %get3A_10] : memref<1000x4xf32, #tpu.memory_space<vmem>>, vector<1000x4xf32>
    %get3A_12 = arith.constant 0 : index
    %get3A_13 = arith.constant 0 : index
    %get3A_14 = vector.load %arg4[%get3A_12, %get3A_13] : memref<1000x4xf32, #tpu.memory_space<vmem>>, vector<1000x4xf32>
    %add3A_15 = arith.addf %get3A_11, %get3A_14 : vector<1000x4xf32>
    %get3A_16 = arith.constant 0 : index
    %get3A_17 = arith.constant 0 : index
    %get3A_18 = vector.load %arg6[%get3A_16, %get3A_17] : memref<1000x4xf32, #tpu.memory_space<vmem>>, vector<1000x4xf32>
    %get3A_19 = arith.constant 0 : index
    %get3A_20 = arith.constant 0 : index
    %get3A_21 = vector.load %arg7[%get3A_19, %get3A_20] : memref<1000x4xf32, #tpu.memory_space<vmem>>, vector<1000x4xf32>
    %add3A_22 = arith.addf %get3A_18, %get3A_21 : vector<1000x4xf32>
    %mul3A = arith.constant 2.000000e-01 : f32
    %mul3A_23 = vector.broadcast %mul3A : f32 to vector<1000x4xf32>
    %mul3A_24 = arith.mulf %mul3A_23, %add3A_22 : vector<1000x4xf32>
    %max3A = arith.maximumf %add3A_22, %mul3A_24 : vector<1000x4xf32>
    %sub3A = vector.broadcast %get3A_2 : f32 to vector<1000x4xf32>
    %sub3A_25 = arith.subf %max3A, %sub3A : vector<1000x4xf32>
    %exp3A = math.exp %sub3A_25 : vector<1000x4xf32>
    %get3A_26 = arith.constant 0 : index
    %get3A_27 = arith.constant 0 : index
    %get3A_28 = vector.load %arg10[%get3A_26, %get3A_27] : memref<4x128xf32, #tpu.memory_space<vmem>>, vector<4x128xf32>
    %add3A_29 = arith.addf %add3A_15, %exp3A : vector<1000x4xf32>
    %dot_general3A = arith.constant dense<0.000000e+00> : vector<1000x128xf32>
    %dot_general3A_30 = tpu.matmul %add3A_29, %get3A_28, %dot_general3A {dimension_numbers = #tpu.dot_dimension_numbers<[1], [0], [0], [1], [0, 0, 1, 1], [], []>, transpose_lhs_hint = false} : vector<1000x4xf32>, vector<4x128xf32>, vector<1000x128xf32> -> vector<1000x128xf32>
    %dot_general3A_31 = arith.constant dense<0.000000e+00> : vector<1000x128xf32>
    %dot_general3A_32 = tpu.matmul %exp3A, %get3A_28, %dot_general3A_31 {dimension_numbers = #tpu.dot_dimension_numbers<[1], [0], [0], [1], [0, 0, 1, 1], [], []>, transpose_lhs_hint = false} : vector<1000x4xf32>, vector<4x128xf32>, vector<1000x128xf32> -> vector<1000x128xf32>
    %get3A_33 = arith.constant 0 : index
    %get3A_34 = arith.constant 0 : index
    %get3A_35 = vector.load %arg5[%get3A_33, %get3A_34] : memref<1000x128xf32, #tpu.memory_space<vmem>>, vector<1000x128xf32>
    %mul3A_36 = arith.mulf %dot_general3A_32, %get3A_35 : vector<1000x128xf32>
    %add3A_37 = arith.addf %add3A, %mul3A_36 : vector<1000x128xf32>
    %add3A_38 = arith.constant 1.000000e-16 : f32
    %add3A_39 = vector.broadcast %add3A_38 : f32 to vector<1000x128xf32>
    %add3A_40 = arith.addf %dot_general3A_30, %add3A_39 : vector<1000x128xf32>
    %div3A = arith.divf %add3A_37, %add3A_40 : vector<1000x128xf32>
    %get3A_41 = arith.constant 0 : index
    %get3A_42 = vector.load %arg9[%get3A_41] : memref<128xf32, #tpu.memory_space<vmem>>, vector<128xf32>
    %broadcast_in_dim3A = vector.shape_cast %get3A_42 : vector<128xf32> to vector<1x128xf32>
    %add3A_43 = vector.broadcast %broadcast_in_dim3A : vector<1x128xf32> to vector<1000x128xf32>
    %add3A_44 = arith.addf %div3A, %add3A_43 : vector<1000x128xf32>
    %swap3A = arith.constant 0 : index
    %swap3A_45 = arith.constant 0 : index
    %swap3A_46 = vector.load %arg11[%swap3A, %swap3A_45] : memref<1000x128xf32, #tpu.memory_space<vmem>>, vector<1000x128xf32>
    tpu.vector_store %arg11[%swap3A, %swap3A_45], %add3A_44 {strides = array<i32>} : memref<1000x128xf32, #tpu.memory_space<vmem>>, vector<1000x128xf32>,
    %reduce_sum3A = arith.constant dense<0.000000e+00> : vector<128xf32>
    %reduce_sum3A_47 = vector.multi_reduction <add>, %add3A_44, %reduce_sum3A [0] : vector<1000x128xf32> to vector<128xf32>
    %broadcast_in_dim3A_48 = vector.shape_cast %reduce_sum3A_47 : vector<128xf32> to vector<1x128xf32>
    %mul3A_49 = arith.mulf %add3A_44, %add3A_44 : vector<1000x128xf32>
    %reduce_sum3A_50 = arith.constant dense<0.000000e+00> : vector<128xf32>
    %reduce_sum3A_51 = vector.multi_reduction <add>, %mul3A_49, %reduce_sum3A_50 [0] : vector<1000x128xf32> to vector<128xf32>
    %broadcast_in_dim3A_52 = vector.shape_cast %reduce_sum3A_51 : vector<128xf32> to vector<1x128xf32>
    %eq3A = arith.constant 0 : i32
    %eq3A_53 = arith.cmpi eq, %arg0, %eq3A : i32
    %broadcast_in_dim3A_54 = arith.constant 0.000000e+00 : f32
    %broadcast_in_dim3A_55 = vector.broadcast %broadcast_in_dim3A_54 : f32 to vector<1x128xf32>
    %get3A_56 = arith.constant 0 : index
    %get3A_57 = arith.constant 0 : index
    %get3A_58 = vector.load %arg13[%get3A_56, %get3A_57] : memref<1x128xf32, #tpu.memory_space<vmem>>, vector<1x128xf32>
    %select_n3A = arith.select %eq3A_53, %broadcast_in_dim3A_55, %get3A_58 : vector<1x128xf32>
    %eq3A_59 = arith.constant 0 : i32
    %eq3A_60 = arith.cmpi eq, %arg0, %eq3A_59 : i32
    %broadcast_in_dim3A_61 = arith.constant 0.000000e+00 : f32
    %broadcast_in_dim3A_62 = vector.broadcast %broadcast_in_dim3A_61 : f32 to vector<1x128xf32>
    %get3A_63 = arith.constant 0 : index
    %get3A_64 = arith.constant 0 : index
    %get3A_65 = vector.load %arg14[%get3A_63, %get3A_64] : memref<1x128xf32, #tpu.memory_space<vmem>>, vector<1x128xf32>
    %select_n3A_66 = arith.select %eq3A_60, %broadcast_in_dim3A_62, %get3A_65 : vector<1x128xf32>
    %add3A_67 = arith.addf %select_n3A, %broadcast_in_dim3A_48 : vector<1x128xf32>
    %swap3A_68 = arith.constant 0 : index
    %swap3A_69 = arith.constant 0 : index
    %swap3A_70 = vector.load %arg13[%swap3A_68, %swap3A_69] : memref<1x128xf32, #tpu.memory_space<vmem>>, vector<1x128xf32>
    tpu.vector_store %arg13[%swap3A_68, %swap3A_69], %add3A_67 {strides = array<i32>} : memref<1x128xf32, #tpu.memory_space<vmem>>, vector<1x128xf32>,
    %add3A_71 = arith.addf %select_n3A_66, %broadcast_in_dim3A_52 : vector<1x128xf32>
    %swap3A_72 = arith.constant 0 : index
    %swap3A_73 = arith.constant 0 : index
    %swap3A_74 = vector.load %arg14[%swap3A_72, %swap3A_73] : memref<1x128xf32, #tpu.memory_space<vmem>>, vector<1x128xf32>
    tpu.vector_store %arg14[%swap3A_72, %swap3A_73], %add3A_71 {strides = array<i32>} : memref<1x128xf32, #tpu.memory_space<vmem>>, vector<1x128xf32>,
    %get3A_75 = arith.constant 0 : index
    %get3A_76 = arith.constant 0 : index
    %get3A_77 = vector.load %arg13[%get3A_75, %get3A_76] : memref<1x128xf32, #tpu.memory_space<vmem>>, vector<1x128xf32>
    %swap3A_78 = arith.constant 0 : index
    %swap3A_79 = arith.constant 0 : index
    %swap3A_80 = vector.load %arg12[%swap3A_78, %swap3A_79] : memref<2x128xf32, #tpu.memory_space<vmem>>, vector<1x128xf32>
    tpu.vector_store %arg12[%swap3A_78, %swap3A_79], %get3A_77 {strides = array<i32>} : memref<2x128xf32, #tpu.memory_space<vmem>>, vector<1x128xf32>,
    %get3A_81 = arith.constant 0 : index
    %get3A_82 = arith.constant 0 : index
    %get3A_83 = vector.load %arg14[%get3A_81, %get3A_82] : memref<1x128xf32, #tpu.memory_space<vmem>>, vector<1x128xf32>
    %swap3A_84 = arith.constant 1 : index
    %swap3A_85 = arith.constant 0 : index
    %swap3A_86 = vector.load %arg12[%swap3A_84, %swap3A_85] : memref<2x128xf32, #tpu.memory_space<vmem>>, vector<1x128xf32>
    tpu.vector_store %arg12[%swap3A_84, %swap3A_85], %get3A_83 {strides = array<i32>} : memref<2x128xf32, #tpu.memory_space<vmem>>, vector<1x128xf32>,
    return
  }
  func.func @transform_0(%arg0: i32) -> (i32, i32) {
    %c0_i32 = arith.constant 0 : i32
    %c0_i32_0 = arith.constant 0 : i32
    return %arg0, %c0_i32 : i32, i32
  }
  func.func @transform_1(%arg0: i32) -> (i32, i32) {
    %c0_i32 = arith.constant 0 : i32
    %c0_i32_0 = arith.constant 0 : i32
    return %arg0, %c0_i32 : i32, i32
  }
  func.func @transform_2(%arg0: i32) -> (i32, i32) {
    %c0_i32 = arith.constant 0 : i32
    %c0_i32_0 = arith.constant 0 : i32
    return %arg0, %c0_i32 : i32, i32
  }
  func.func @transform_3(%arg0: i32) -> (i32, i32) {
    %c0_i32 = arith.constant 0 : i32
    %c0_i32_0 = arith.constant 0 : i32
    return %arg0, %c0_i32 : i32, i32
  }
  func.func @transform_4(%arg0: i32) -> (i32, i32) {
    %c0_i32 = arith.constant 0 : i32
    %c0_i32_0 = arith.constant 0 : i32
    return %arg0, %c0_i32 : i32, i32
  }
  func.func @transform_5(%arg0: i32) -> (i32, i32) {
    %c0_i32 = arith.constant 0 : i32
    %c0_i32_0 = arith.constant 0 : i32
    return %arg0, %c0_i32 : i32, i32
  }
  func.func @transform_6(%arg0: i32) -> (i32, i32) {
    %c0_i32 = arith.constant 0 : i32
    %c0_i32_0 = arith.constant 0 : i32
    return %arg0, %c0_i32 : i32, i32
  }
  func.func @transform_7(%arg0: i32) -> (i32, i32) {
    %c0_i32 = arith.constant 0 : i32
    %c0_i32_0 = arith.constant 0 : i32
    %c0_i32_1 = arith.constant 0 : i32
    return %c0_i32, %c0_i32_0 : i32, i32
  }
  func.func @transform_8(%arg0: i32) -> i32 {
    %c0_i32 = arith.constant 0 : i32
    %c0_i32_0 = arith.constant 0 : i32
    return %c0_i32 : i32
  }
  func.func @transform_9(%arg0: i32) -> (i32, i32) {
    %c0_i32 = arith.constant 0 : i32
    %c0_i32_0 = arith.constant 0 : i32
    %c0_i32_1 = arith.constant 0 : i32
    return %c0_i32, %c0_i32_0 : i32, i32
  }
  func.func @transform_10(%arg0: i32) -> (i32, i32) {
    %c0_i32 = arith.constant 0 : i32
    %c0_i32_0 = arith.constant 0 : i32
    return %arg0, %c0_i32 : i32, i32
  }
  func.func @transform_11(%arg0: i32) -> (i32, i32) {
    %c0_i32 = arith.constant 0 : i32
    %c0_i32_0 = arith.constant 0 : i32
    %c0_i32_1 = arith.constant 0 : i32
    return %c0_i32, %c0_i32_0 : i32, i32
  }
}

module attributes {stable_mosaic.version = 14 : i64} {
  func.func @_postB_body(%arg0: i32, %arg1: memref<1000x128xf32, #tpu.memory_space<vmem>>, %arg2: memref<2x128xf32, #tpu.memory_space<vmem>>, %arg3: memref<128xf32, #tpu.memory_space<vmem>>, %arg4: memref<128xf32, #tpu.memory_space<vmem>>, %arg5: memref<1000x128xf32, #tpu.memory_space<vmem>>, %arg6: memref<1000x128xf32, #tpu.memory_space<vmem>>) attributes {dimension_semantics = [#tpu.dimension_semantics<arbitrary>], iteration_bounds = array<i64: 10>, scalar_prefetch = 0 : i64, scratch_operands = 0 : i64, tpu.core_type = #tpu.core_type<tc>, window_params = [{transform_indices = @transform_0, window_bounds = array<i64: 1000, 128>}, {pipeline_mode = #tpu.pipeline_mode<synchronous>, transform_indices = @transform_1, window_bounds = array<i64: 2, 128>}, {pipeline_mode = #tpu.pipeline_mode<synchronous>, transform_indices = @transform_2, window_bounds = array<i64: 128>}, {pipeline_mode = #tpu.pipeline_mode<synchronous>, transform_indices = @transform_3, window_bounds = array<i64: 128>}, {transform_indices = @transform_4, window_bounds = array<i64: 1000, 128>}, {transform_indices = @transform_5, window_bounds = array<i64: 1000, 128>}]} {
    %get3A = arith.constant 0 : index
    %get3A_0 = arith.constant 0 : index
    %get3A_1 = vector.load %arg2[%get3A, %get3A_0] : memref<2x128xf32, #tpu.memory_space<vmem>>, vector<1x128xf32>
    %get3A_2 = arith.constant 1 : index
    %get3A_3 = arith.constant 0 : index
    %get3A_4 = vector.load %arg2[%get3A_2, %get3A_3] : memref<2x128xf32, #tpu.memory_space<vmem>>, vector<1x128xf32>
    %mul3A = arith.constant 9.99999974E-5 : f32
    %mul3A_5 = vector.broadcast %mul3A : f32 to vector<1x128xf32>
    %mul3A_6 = arith.mulf %get3A_1, %mul3A_5 : vector<1x128xf32>
    %mul3A_7 = arith.constant 9.99999974E-5 : f32
    %mul3A_8 = vector.broadcast %mul3A_7 : f32 to vector<1x128xf32>
    %mul3A_9 = arith.mulf %get3A_4, %mul3A_8 : vector<1x128xf32>
    %mul3A_10 = arith.mulf %mul3A_6, %mul3A_6 : vector<1x128xf32>
    %sub3A = arith.subf %mul3A_9, %mul3A_10 : vector<1x128xf32>
    %add3A = arith.constant 9.99999974E-6 : f32
    %add3A_11 = vector.broadcast %add3A : f32 to vector<1x128xf32>
    %add3A_12 = arith.addf %sub3A, %add3A_11 : vector<1x128xf32>
    %rsqrt3A = math.rsqrt %add3A_12 : vector<1x128xf32>
    %get3A_13 = arith.constant 0 : index
    %get3A_14 = arith.constant 0 : index
    %get3A_15 = vector.load %arg1[%get3A_13, %get3A_14] : memref<1000x128xf32, #tpu.memory_space<vmem>>, vector<1000x128xf32>
    %sub3A_16 = vector.broadcast %mul3A_6 : vector<1x128xf32> to vector<1000x128xf32>
    %sub3A_17 = arith.subf %get3A_15, %sub3A_16 : vector<1000x128xf32>
    %mul3A_18 = vector.broadcast %rsqrt3A : vector<1x128xf32> to vector<1000x128xf32>
    %mul3A_19 = arith.mulf %sub3A_17, %mul3A_18 : vector<1000x128xf32>
    %get3A_20 = arith.constant 0 : index
    %get3A_21 = vector.load %arg3[%get3A_20] : memref<128xf32, #tpu.memory_space<vmem>>, vector<128xf32>
    %broadcast_in_dim3A = vector.shape_cast %get3A_21 : vector<128xf32> to vector<1x128xf32>
    %mul3A_22 = vector.broadcast %broadcast_in_dim3A : vector<1x128xf32> to vector<1000x128xf32>
    %mul3A_23 = arith.mulf %mul3A_19, %mul3A_22 : vector<1000x128xf32>
    %get3A_24 = arith.constant 0 : index
    %get3A_25 = vector.load %arg4[%get3A_24] : memref<128xf32, #tpu.memory_space<vmem>>, vector<128xf32>
    %broadcast_in_dim3A_26 = vector.shape_cast %get3A_25 : vector<128xf32> to vector<1x128xf32>
    %add3A_27 = vector.broadcast %broadcast_in_dim3A_26 : vector<1x128xf32> to vector<1000x128xf32>
    %add3A_28 = arith.addf %mul3A_23, %add3A_27 : vector<1000x128xf32>
    %max3A = arith.constant 0.000000e+00 : f32
    %max3A_29 = vector.broadcast %max3A : f32 to vector<1000x128xf32>
    %max3A_30 = arith.maximumf %add3A_28, %max3A_29 : vector<1000x128xf32>
    %get3A_31 = arith.constant 0 : index
    %get3A_32 = arith.constant 0 : index
    %get3A_33 = vector.load %arg5[%get3A_31, %get3A_32] : memref<1000x128xf32, #tpu.memory_space<vmem>>, vector<1000x128xf32>
    %add3A_34 = arith.addf %max3A_30, %get3A_33 : vector<1000x128xf32>
    %swap3A = arith.constant 0 : index
    %swap3A_35 = arith.constant 0 : index
    %swap3A_36 = vector.load %arg6[%swap3A, %swap3A_35] : memref<1000x128xf32, #tpu.memory_space<vmem>>, vector<1000x128xf32>
    tpu.vector_store %arg6[%swap3A, %swap3A_35], %add3A_34 {strides = array<i32>} : memref<1000x128xf32, #tpu.memory_space<vmem>>, vector<1000x128xf32>,
    return
  }
  func.func @transform_0(%arg0: i32) -> (i32, i32) {
    %c0_i32 = arith.constant 0 : i32
    %c0_i32_0 = arith.constant 0 : i32
    return %arg0, %c0_i32 : i32, i32
  }
  func.func @transform_1(%arg0: i32) -> (i32, i32) {
    %c0_i32 = arith.constant 0 : i32
    %c0_i32_0 = arith.constant 0 : i32
    %c0_i32_1 = arith.constant 0 : i32
    return %c0_i32, %c0_i32_0 : i32, i32
  }
  func.func @transform_2(%arg0: i32) -> i32 {
    %c0_i32 = arith.constant 0 : i32
    %c0_i32_0 = arith.constant 0 : i32
    return %c0_i32 : i32
  }
  func.func @transform_3(%arg0: i32) -> i32 {
    %c0_i32 = arith.constant 0 : i32
    %c0_i32_0 = arith.constant 0 : i32
    return %c0_i32 : i32
  }
  func.func @transform_4(%arg0: i32) -> (i32, i32) {
    %c0_i32 = arith.constant 0 : i32
    %c0_i32_0 = arith.constant 0 : i32
    return %arg0, %c0_i32 : i32, i32
  }
  func.func @transform_5(%arg0: i32) -> (i32, i32) {
    %c0_i32 = arith.constant 0 : i32
    %c0_i32_0 = arith.constant 0 : i32
    return %arg0, %c0_i32 : i32, i32
  }
}

</mosaic_0001>

<sc_bundles>
// kernel: kernel.10.cloned.1.call-start
scs
__scs_entry_jumppad:
0x0: {  	(pc) =	sbr.rel $0x88, $3  }
0x1: {  	(tag) =	ssettag $0x0;
	lr =	simm.s32 $0x1  }
0x2: {  	[smem:$0x3F99] =	sst lr;
	_ =	strace $0xD0000000  }
0x3: {  	_ = 	snop  }
0x4: {  	_ = 	snop  }
0x5: {  	_ = 	snop  }
0x6: {  	_ = 	snop  }
0x7: {  	_ = 	snop  }
__scs_overlays_trampoline_lowered:
0x8: {  	[smem:$0x3FA8] =	sst s0  }
0x9: {  	[smem:$0x3FA9] =	sst s1  }
0xa: {  	[smem:$0x3FAA] =	sst s2  }
0xb: {  	[smem:$0x3FAB] =	sst s3  }
0xc: {  	[smem:$0x3FAC] =	sst s4  }
0xd: {  	[smem:$0x3FAD] =	sst s5  }
0xe: {  	[smem:$0x3FAE] =	sst s6  }
0xf: {  	[smem:$0x3FAF] =	sst s7  }
0x10: {  	[smem:$0x3FB0] =	sst s8  }
0x11: {  	[smem:$0x3FB1] =	sst s9;
	s0 =	simm.s32 @!p0 $0x0  }
0x12: {  	s1 =	sld [smem:$0x3F97];
	s0 =	simm.s32 @p0 $0x1  }
0x13: {  	[smem:$0x3FB2] =	sst s0;
	s0 =	simm.s32 @!p1 $0x0  }
0x14: {  	s2 =	sld [smem:$0x3F96];
	s0 =	simm.s32 @p1 $0x1  }
0x15: {  	[smem:$0x3FB3] =	sst s0;
	s0 =	simm.s32 @!p2 $0x0  }
0x16: {  	s3 =	sld [smem:$0x3FDB];
	s0 =	simm.s32 @p2 $0x1  }
0x17: {  	s4 =	simm.s32 $0x1BF5;
	[smem:$0x3FB5] =	sst s0  }
0x18: {  	s0 =	sld [smem:$0x3F98];
	_ =	swait.ge [sflag:s4], $0x0  }
0x19: {  	s7 =	sld [smem:$0x3F99]  }
0x1a: {  	s8 =	sadd.s32 $0xFFFFE003, lr  }
0x1b: {  	s9 =	sadd.s32 $0xFFFFFEF7, lr;
	s5 =	simm.s32 $0xFFFFFFFF;
	p2 =	slt.u32 s8, $0xFFFFF086  }
0x1c: {  	p1 =	slt.u32 s9, $0xF7A;
	s5 =	simm.s32 @!p2 $0x0  }
0x1d: {  	s5 =	simm.s32 @p1 $0x1;
	p0 =	seq.s32 s7, s2  }
0x1e: {  	s7 =	smul.u32 @!p0 $0xF7A, s2;
	p2 =	seq.s32 @!p0 s5, $0x0  }
0x1f: {  	s9 =	smul.u32 $0xF7A, s1;
	s8 =	simm.s32 @!p0 $0x1BF5;
	p2 =	por !p2, p0  }
0x20: {  	[sflag:s8] =	ssyncset.s32 @!p0 $0xFFFFF086;
	s6 =	sadd.s32 @!p0 s3, s7;
	s7 =	simm.s32 @!p0 $0x108  }
0x21: {  	s3 =	sadd.s32 s3, s9;
	s6 =	sadd.s32 @!p0 $0x88, s6;
	s7 =	simm.s32 @p2 $0x1082  }
0x22: {  	[simem:s7], [sflag:s8] =	dma.local @!p0 [hbm:s6], $0xF7A  }
0x23: {  	s9 =	sor.u32 $0xD0000000, s2;
	s6 =	simm.s32 $0x108;
	_ =	swait.ge @!p0 [sflag:s8], $0x0  }
0x24: {  	s3 =	sadd.s32 $0x88, s3;
	s6 =	simm.s32 @!p1 $0x1082;
	[sflag:s4] =	ssyncset.s32 $0xFFFFF086  }
0x25: {  	[simem:s6], [sflag:s4] =	dma.local [hbm:s3], $0xF7A  }
0x26: {  	[smem:$0x3F99] =	sst s1;
	(tag) =	ssettag s2;
	_ =	strace s9  }
0x27: {  	s1 =	sld [smem:$0x3FA9]  }
0x28: {  	s2 =	sld [smem:$0x3FAA]  }
0x29: {  	s4 =	sld [smem:$0x3FAC]  }
0x2a: {  	p0 =	seq.s32 s5, $0x0;
	s5 =	sld [smem:$0x3FAD]  }
0x2b: {  	s6 =	sld [smem:$0x3FAE]  }
0x2c: {  	s7 =	sld [smem:$0x3FAF]  }
0x2d: {  	s3 =	simm.s32 $0x108;
	s8 =	sld [smem:$0x3FB0]  }
0x2e: {  	s3 =	simm.s32 @!p0 $0x1082;
	s9 =	sld [smem:$0x3FB1]  }
0x2f: {  	lr =	sadd.s32 s0, s3;
	s0 =	sld [smem:$0x3FA8]  }
0x30: {  	s3 =	sld [smem:$0x3FAB]  }
0x31: {  	[smem:$0x3FB4] =	sst s10  }
0x32: {  	s10 =	sld [smem:$0x3FB2];
	_ =	sdelay $0x3  }
0x33: {  	p0 =	seq.s32 s10, $0x1;
	s10 =	sld [smem:$0x3FB4];
	_ =	sdelay $0x3  }
0x34: {  	[smem:$0x3FB4] =	sst s10  }
0x35: {  	s10 =	sld [smem:$0x3FB3];
	_ =	sdelay $0x3  }
0x36: {  	p1 =	seq.s32 s10, $0x1;
	s10 =	sld [smem:$0x3FB4];
	_ =	sdelay $0x3  }
0x37: {  	[smem:$0x3FB4] =	sst s10  }
0x38: {  	s10 =	sld [smem:$0x3FB5]  }
0x39: {  	_ = 	snop;
	(pc) =	sbr.ind lr, $3  }
0x3a: {  	_ = 	snop  }
0x3b: {  	_ = 	snop  }
0x3c: {  	p2 =	seq.s32 s10, $0x1;
	s10 =	sld [smem:$0x3FB4]  }
0x3d: {  	_ =	shalt  }
0x3e: {  	_ =	shalt  }
0x3f: {  	_ =	shalt  }
0x40: {  	_ =	shalt  }
0x41: {  	_ =	shalt  }
0x42: {  	_ =	shalt  }
0x43: {  	_ =	shalt  }
0x44: {  	_ =	shalt  }
0x45: {  	_ =	shalt  }
0x46: {  	_ =	shalt  }
0x47: {  	_ =	shalt  }
0x48: {  	_ =	shalt  }
0x49: {  	_ =	shalt  }
0x4a: {  	_ =	shalt  }
0x4b: {  	_ =	shalt  }
0x4c: {  	_ =	shalt  }
0x4d: {  	_ =	shalt  }
0x4e: {  	_ =	shalt  }
0x4f: {  	_ =	shalt  }
0x50: {  	_ =	shalt  }
0x51: {  	_ =	shalt  }
0x52: {  	_ =	shalt  }
0x53: {  	_ =	shalt  }
0x54: {  	_ =	shalt  }
0x55: {  	_ =	shalt  }
0x56: {  	_ =	shalt  }
0x57: {  	_ =	shalt  }
0x58: {  	_ =	shalt  }
0x59: {  	_ =	shalt  }
0x5a: {  	_ =	shalt  }
0x5b: {  	_ =	shalt  }
0x5c: {  	_ =	shalt  }
0x5d: {  	_ =	shalt  }
0x5e: {  	_ =	shalt  }
0x5f: {  	_ =	shalt  }
0x60: {  	_ =	shalt  }
0x61: {  	_ =	shalt  }
0x62: {  	_ =	shalt  }
0x63: {  	_ =	shalt  }
0x64: {  	_ =	shalt  }
0x65: {  	_ =	shalt  }
0x66: {  	_ =	shalt  }
0x67: {  	_ =	shalt  }
0x68: {  	_ =	shalt  }
0x69: {  	_ =	shalt  }
0x6a: {  	_ =	shalt  }
0x6b: {  	_ =	shalt  }
0x6c: {  	_ =	shalt  }
0x6d: {  	_ =	shalt  }
0x6e: {  	_ =	shalt  }
0x6f: {  	_ =	shalt  }
0x70: {  	_ =	shalt  }
0x71: {  	_ =	shalt  }
0x72: {  	_ =	shalt  }
0x73: {  	_ =	shalt  }
0x74: {  	_ =	shalt  }
0x75: {  	_ =	shalt  }
0x76: {  	_ =	shalt  }
0x77: {  	_ =	shalt  }
0x78: {  	_ =	shalt  }
0x79: {  	_ =	shalt  }
0x7a: {  	_ =	shalt  }
0x7b: {  	_ =	shalt  }
0x7c: {  	_ =	shalt  }
0x7d: {  	_ =	shalt  }
0x7e: {  	_ =	shalt  }
0x7f: {  	_ =	shalt  }
0x80: {  	_ =	shalt  }
0x81: {  	_ =	shalt  }
0x82: {  	_ =	shalt  }
0x83: {  	_ =	shalt  }
0x84: {  	_ =	shalt  }
0x85: {  	_ =	shalt  }
0x86: {  	_ =	shalt  }
0x87: {  	_ =	shalt  }
.Lfunc_end0:
.L_simem_size_0:
called_computation.1_lowered:
.L_overlay_start_0:
0x88: {  	s2 =	sld [smem:$0x3FD9]  }
0x89: {  	s3 =	sld [smem:$0x3FFE];
	_ =	sdelay $0x1  }
0x8a: {  	s1 =	srdreg.scid  }
0x8b: {  	s0 =	sand.u32 $0x1, s1  }
0x8c: {  	s17 =	sshll.u32 s0, $0xA;
	s2 =	sadd.s32 s3, s2  }
0x8d: {  	s2 =	sadd.s32 s2, s17  }
0x8e: {  	[smem:$0x3FC0] =	sst s2  }
0x8f: {  	_ = 	snop  }
0x90: {  	s2 =	sld [smem:$0x3FD0];
	(tm) =	ssettm $0x1  }
0x91: {  	s18 =	sld [smem:$0x3FFB];
	_ =	sdelay $0x3  }
0x92: {  	_ =	strace s18  }
0x93: {  	s3 =	sld [smem:$0x3FFC];
	_ =	sdelay $0x3  }
0x94: {  	_ =	strace s3  }
0x95: {  	s3 =	sld [smem:$0x3FFD];
	_ =	sdelay $0x3  }
0x96: {  	_ =	strace s3  }
0x97: {  	_ =	strace $0x8FFFFFFF  }
0x98: {  	s19 =	sld [smem:$0x3FDB];
	_ =	sdelay $0x1  }
0x99: {  	s4 =	simm.s32 $_scs_section_size  }
0x9a: {  	s5 =	simm.s32 $_size__tile_overlayer_lowered;
	s6 =	simm.s32 $_tile_overlayer_lowered  }
0x9b: {  	s22 =	simm.s32 $0x1BFF;
	s21 =	sshll.u32 s6, $0x1;
	s3 =	sadd.s32 s4, s19  }
0x9c: {  	s7 =	simm.s32 $0x0;
	s20 =	sshll.u32 s5, $0x1;
	s5 =	sadd.s32 s21, s3  }
0x9d: {  	[timem:s7], [sflag:s22] =	dma.local [hbm:s5], s20  }
0x9e: {  	_ =	swait.ge [sflag:s22], s20  }
0x9f: {  	s4 =	ssub.s32 $0x0, s20;
	[sflag:s22] =	ssyncset.done $0x0  }
0xa0: {  	[sflag:s22] =	ssyncadd.s32 s4;
	_ =	sdelay $0x1  }
0xa1: {  	s23 =	simm.s32 $0x1B8B  }
0xa2: {  	_ =	swait.ge [sflag:s23], $0x1  }
0xa3: {  	[sflag:s23] =	ssyncset.done $0x0  }
0xa4: {  	s25 =	simm.s32 $0x1B8E;
	s24 =	sld [smem:$0x3FFE];
	[sflag:s23] =	ssyncadd.s32 $0xFFFFFFFF  }
0xa5: {  	s26 =	simm.s32 $execute0_lowered;
	[smem:$0x3FD2] =	sst s25  }
0xa6: {  	s5 =	sshll.u32 s26, $0x1;
	_ =	strace $0x80000049;
	[dreg:$0x1] =	wrdreg $0xFFFFFFFF  }
0xa7: {  	s28 =	simm.s32 $_size_execute0_lowered;
	s3 =	sadd.s32 s3, s5;
	[dreg:$0x0] =	wrdreg $0x0  }
0xa8: {  	s5 =	sshll.u32 s28, $0x1;
	[dreg:$0x2] =	wrdreg s3  }
0xa9: {  	[dreg:$0x3] =	wrdreg s5  }
0xaa: {  	[dreg:$0x4] =	wrdreg $0xC0  }
0xab: {  	_ =	task [dreg:s7], $0x5FFFF  }
0xac: {  	[dreg:$0x1] =	wrdreg $0xFFFFFFFF  }
0xad: {  	[dreg:$0x0] =	wrdreg $0x60  }
0xae: {  	[dreg:$0x2] =	wrdreg s2  }
0xaf: {  	[dreg:$0x3] =	wrdreg s24  }
0xb0: {  	[dreg:$0x4] =	wrdreg $0xA6000  }
0xb1: {  	[dreg:$0x5] =	wrdreg $0x9  }
0xb2: {  	_ =	task.clear_ibuf [dreg:s7], $0x6FFFF;
	_ =	strace $0x90000049  }
0xb3: {  	s29 =	simm.s32 $0x9;
	_ =	strace $0x8000004B  }
0xb4: {  	_ =	swait.ge [sflag:s29], $0x1  }
0xb5: {  	[sflag:s29] =	ssyncadd.s32 $0xFFFFFFFF  }
0xb6: {  	_ =	strace $0x9000004B  }
0xb7: {  	_ =	sfence  }
0xb8: {  	s30 =	sld [smem:$0x0];
	_ =	sdelay $0x2  }
0xb9: {  	s31 =	sshll.u32 s1, $0xD;
	s1 =	sshrl.u32 s1, $0x2  }
0xba: {  	s3 =	sand.u32 $0x4000, s31;
	s1 =	sadd.s32 s1, s30  }
0xbb: {  	s0 =	sor.u32 s3, s0;
	s1 =	sshll.u32 s1, $0x11  }
0xbc: {  	s0 =	sor.u32 s1, s0  }
0xbd: {  	s0 =	sadd.s32 $0x8F2B, s0  }
0xbe: {  	[sflag:s0] =	ssyncadd.remote.s32 $0x1  }
0xbf: {  	_ =	sfence.sel $0xFFFF  }
0xc0: {  	[dreg:$0x0] =	wrdreg $0xFFFFFFFF;
	(pc) =	sbr.abs _section_cstart, $3  }
0xc1: {  	[dreg:$0x1] =	wrdreg $0xFFFFFFFF  }
0xc2: {  	_ =	task.clear_ibuf [dreg:s7], $0x2FFFF;
	_ =	strace $0x9FFFFFFF  }
0xc3: {  	(tm) =	ssettm $0x7FFFFFFF  }
tec
execute0_lowered:
.L_overlay_start_1:
0x0: {  	(tag) =	ssettag $0x1  }
0x1: {  	s1 =	rddreg [dreg:$0x0]  }
0x2: {  	s0 =	rddreg [dreg:$0x1]  }
0x3: {  	s2 =	rddreg [dreg:$0x2];
	s3 =	srdreg.scid  }
0x4: {  	s4 =	simm.s32 $0x0;
	s11 =	stileid.u32;
	s30 =	simm.s32 $0x3  }
0x5: {  	s29 =	simm.s32 $0x2;
	s3 =	sand.u32 $0x1, s3;
	[smem:$0x7FF] =	sst s4  }
0x6: {  	s9 =	smul.u32 $0x15000, s11;
	s5 =	sadd.s32 $0x53400, s0;
	s6 =	sadd.s32 $0x5D400, s0  }
0x7: {  	s7 =	sadd.s32 $0x67400, s0;
	s22 =	smul.u32 $0x54000, s11;
	s10 =	sadd.s32 $0x50600, s0  }
0x8: {  	s8 =	smul.u32 $0x150000, s3;
	_ =	strace $0x8000004A;
	s23 =	sshll.u32 s3, $0x4  }
0x9: {  	[dreg:$0x4] =	wrdreg s10;
	s3 =	ssub.s32 $0x2, s3;
	s10 =	sor.u32 s11, s23  }
0xa: {  	s24 =	sshrl.u32 s3, $0x1;
	s8 =	sadd.s32 s9, s8;
	s9 =	sshrl.u32 s22, $0x2  }
0xb: {  	s25 =	smul.u32 $0x2800, s10;
	s3 =	ssub.s32 s3, s24;
	s8 =	sshrl.u32 s8, $0x3  }
0xc: {  	s10 =	smul.u32 $0x1400, s10;
	s13 =	sadd.s32 s9, s2;
	s0 =	sadd.s32 s8, s0  }
0xd: {  	s8 =	sadd.s32 $0x14000, s13;
	s26 =	sshrl.u32 s25, $0x3;
	s12 =	sor.u32 $0x50, s25  }
0xe: {  	s10 =	sadd.s32 s7, s10;
	s16 =	sor.u32 $0xA0, s25;
	[dreg:$0x5] =	wrdreg s13  }
0xf: {  	s9 =	sor.u32 $0xF0, s25;
	s15 =	sadd.s32 $0x2800, s13;
	[dreg:$0x8] =	wrdreg s10  }
0x10: {  	s17 =	sadd.s32 $0x5000, s13;
	s14 =	sadd.s32 s5, s26;
	[dreg:$0xc] =	wrdreg s9  }
0x11: {  	s18 =	sadd.s32 $0x7800, s13;
	s11 =	sadd.s32 s6, s26;
	[dreg:$0x6] =	wrdreg s14  }
0x12: {  	s19 =	sadd.s32 $0xA000, s13;
	s0 =	sadd.s32 $0x8F400, s0;
	[dreg:$0x7] =	wrdreg s11  }
0x13: {  	s20 =	sadd.s32 $0xC800, s13;
	s21 =	sshrl.u32 s17, $0x3;
	[dreg:$0xd] =	wrdreg s0  }
0x14: {  	s25 =	sadd.s32 $0xF000, s13;
	s22 =	sshrl.u32 s18, $0x3;
	[dreg:$0x10] =	wrdreg s21  }
0x15: {  	s28 =	sshrl.u32 s12, $0x3;
	s23 =	sshrl.u32 s19, $0x3;
	[dreg:$0x11] =	wrdreg s22  }
0x16: {  	s12 =	sshrl.u32 s12, $0x1;
	s24 =	sshrl.u32 s20, $0x3;
	[dreg:$0x12] =	wrdreg s23  }
0x17: {  	s26 =	sadd.s32 $0x11800, s13;
	s31 =	sadd.s32 s5, s28;
	[dreg:$0x13] =	wrdreg s24  }
0x18: {  	v1 =	vlaneseq.u32;
	s18 =	simm.s32 $0xA0;
	s11 =	sadd.s32 s6, s28;
	[dreg:$0x9] =	wrdreg s31  }
0x19: {  	v0 =	vmul.u32 $0x4, v1;
	s10 =	sadd.s32 s7, s12;
	s14 =	smax.u32 s3, $0x1;
	[dreg:$0xa] =	wrdreg s11  }
0x1a: {  	s0 =	sshrl.u32 s15, $0x3;
	s28 =	sshrl.u32 s26, $0x3;
	[dreg:$0xb] =	wrdreg s10  }
.Ltmp0:
0x1b: {  	v2 =	vor.u32 $0x100, v0;
	s12 =	simm.s32 $0x480;
	[dreg:$0xe] =	wrdreg s14;
	(pc) =	sbr.rel .LBB2_1-.Ltmp0, $4  }
0x1c: {  	v1 =	vmul.u32 $0x80, v1;
	[tilespmem:$0x1FFC0] =	vst v2;
	v2 =	vor.u32 $0x101, v0;
	s15 =	simm.s32 $0x1;
	[dreg:$0xf] =	wrdreg s0;
	s0 =	sshrl.u32 s25, $0x3  }
0x1d: {  	[tilespmem:$0x1FFD0] =	vst v2;
	v2 =	vor.u32 $0x102, v0;
	[dreg:$0x15] =	wrdreg s28;
	s31 =	sshrl.u32 s8, $0x3;
	s10 =	simm.s32 $0x80  }
0x1e: {  	v10 =	vimm.f32 $0.0e+00;
	v3 =	vor.u32 $0x4800, v1;
	[tilespmem:$0x1FFE0] =	vst v2;
	v2 =	vor.u32 $0x103, v0;
	s11 =	simm.s32 $0x200;
	s14 =	simm.s32 $0x5600;
	[dreg:$0x14] =	wrdreg s0  }
0x1f: {  	v5 =	vor.u32 $0x4801, v1;
	v7 =	vor.u32 $0x4802, v1;
	v9 =	vor.u32 $0x4803, v1;
	[tilespmem:$0x1FFF0] =	vst v2;
	s8 =	simm.s32 $0x0;
	[dreg:$0x16] =	wrdreg s31;
	s0 =	simm.s32 $0x300  }
.LBB2_16:
0x20: {  	[bflag:$0x0] =	sbarrier.arrive $0xFFFF  }
0x21: {  	s3 =	rddreg [dreg:$0xd]  }
0x22: {  	s8 =	rddreg [dreg:$0x18]  }
0x23: {  	s9 =	rddreg [dreg:$0x19]  }
0x24: {  	[hbm:s3], [sflag:s8] =	dma.local [spmem:s9], $0x2A00  }
0x25: {  	_ =	swait.ge [sflag:s30], $0x2A00  }
0x26: {  	s28 =	rddreg [dreg:$0x17]  }
0x27: {  	s31 =	rddreg [dreg:$0xe];
	s8 =	sadd.s32 $0x1, s28  }
0x28: {  	p0 =	sne.s32 s8, s31  }
.Ltmp1:
0x29: {  	_ = 	snop;
	(pc) =	sbr.rel @!p0 .LBB2_17-.Ltmp1, $3  }
0x2a: {  	_ =	sdelay $0x1  }
0x2b: {  	[sflag:s30] =	ssyncset.done $0x0  }
0x2c: {  	[sflag:s30] =	ssyncadd.s32 $0xFFFFD600  }
.LBB2_1:
0x2d: {  	[dreg:$0x17] =	wrdreg s8  }
0x2e: {  	s21 =	rddreg [dreg:$0x4];
	s3 =	simm.s32 $0x7E00  }
0x2f: {  	[tilespmem:s3], [sflag:$0x3] =	stream.linear.gather [hbm4b:s21+s4], $0x2800, $0x38;
	[tilespmem:$0x1F600] =	vst v63  }
0x30: {  	s22 =	stileid.u32;
	_ =	swait.ge [sflag:s30], $0x2800  }
0x31: {  	s3 =	sshll.u32 s22, $0x6;
	s23 =	rddreg [dreg:$0x5]  }
0x32: {  	s9 =	sor.u32 $0x1C03, s3;
	[sflag:s30] =	ssyncset.done $0x0;
	s3 =	sshrl.u32 s23, $0x3  }
0x33: {  	[sflag:s30] =	ssyncadd.s32 $0xFFFFD800;
	[dreg:$0x19] =	wrdreg s3  }
0x34: {  	[spmem:s3], [sflag:s9] =	dma.local [hbm:s21], $0x500  }
0x35: {  	_ =	swait.ge [sflag:s30], $0x500  }
0x36: {  	[sflag:s30] =	ssyncset.done $0x0  }
0x37: {  	s24 =	rddreg [dreg:$0xf];
	[sflag:s30] =	ssyncadd.s32 $0xFFFFFB00  }
0x38: {  	[spmem:s24], [sflag:s9] =	dma.local [hbm:s21], $0x500  }
0x39: {  	_ =	swait.ge [sflag:s30], $0x500  }
0x3a: {  	[sflag:s30] =	ssyncset.done $0x0  }
0x3b: {  	s25 =	rddreg [dreg:$0x10];
	[sflag:s30] =	ssyncadd.s32 $0xFFFFFB00  }
0x3c: {  	[spmem:s25], [sflag:s9] =	dma.local [hbm:s21], $0x500  }
0x3d: {  	_ =	swait.ge [sflag:s30], $0x500  }
0x3e: {  	[sflag:s30] =	ssyncset.done $0x0  }
0x3f: {  	s26 =	rddreg [dreg:$0x11];
	[sflag:s30] =	ssyncadd.s32 $0xFFFFFB00  }
0x40: {  	[spmem:s26], [sflag:s9] =	dma.local [hbm:s21], $0x500  }
0x41: {  	_ =	swait.ge [sflag:s30], $0x500  }
0x42: {  	[sflag:s30] =	ssyncset.done $0x0  }
0x43: {  	s28 =	rddreg [dreg:$0x12];
	[sflag:s30] =	ssyncadd.s32 $0xFFFFFB00  }
0x44: {  	[spmem:s28], [sflag:s9] =	dma.local [hbm:s21], $0x500  }
0x45: {  	_ =	swait.ge [sflag:s30], $0x500  }
0x46: {  	[sflag:s30] =	ssyncset.done $0x0  }
0x47: {  	s31 =	rddreg [dreg:$0x13];
	[sflag:s30] =	ssyncadd.s32 $0xFFFFFB00  }
0x48: {  	[spmem:s31], [sflag:s9] =	dma.local [hbm:s21], $0x500  }
0x49: {  	_ =	swait.ge [sflag:s30], $0x500  }
0x4a: {  	[sflag:s30] =	ssyncset.done $0x0  }
0x4b: {  	s13 =	rddreg [dreg:$0x14];
	[sflag:s30] =	ssyncadd.s32 $0xFFFFFB00  }
0x4c: {  	[spmem:s13], [sflag:s9] =	dma.local [hbm:s21], $0x500  }
0x4d: {  	_ =	swait.ge [sflag:s30], $0x500  }
0x4e: {  	[sflag:s30] =	ssyncset.done $0x0  }
0x4f: {  	s17 =	rddreg [dreg:$0x15];
	[sflag:s30] =	ssyncadd.s32 $0xFFFFFB00  }
0x50: {  	[spmem:s17], [sflag:s9] =	dma.local [hbm:s21], $0x500  }
0x51: {  	_ =	swait.ge [sflag:s30], $0x500  }
0x52: {  	[dreg:$0x18] =	wrdreg s9;
	[sflag:s30] =	ssyncset.done $0x0  }
0x53: {  	s19 =	rddreg [dreg:$0x16];
	[sflag:s30] =	ssyncadd.s32 $0xFFFFFB00  }
0x54: {  	[spmem:s19], [sflag:s9] =	dma.local [hbm:s21], $0x200  }
0x55: {  	_ =	swait.ge [sflag:s30], $0x200  }
0x56: {  	[sflag:s30] =	ssyncset.done $0x0  }
0x57: {  	[sflag:s30] =	ssyncadd.s32 $0xFFFFFE00  }
0x58: {  	[bflag:$0x0] =	sbarrier.arrive $0xFFFF  }
0x59: {  	s20 =	rddreg [dreg:$0x6]  }
0x5a: {  	[tilespmem:s4], [sflag:$0x2] =	stream.linear.gather [hbm4b:s20+s4], $0x50, $0x38;
	[tilespmem:$0x1F600] =	vst v63  }
0x5b: {  	s22 =	simm.s32 $0x100;
	s21 =	rddreg [dreg:$0x7]  }
0x5c: {  	[tilespmem:s22], [sflag:$0x2] =	stream.linear.gather [hbm4b:s21+s4], $0x50, $0x38;
	[tilespmem:$0x1F600] =	vst v63  }
0x5d: {  	s23 =	rddreg [dreg:$0x8]  }
0x5e: {  	[tilespmem:s0], [sflag:$0x2] =	stream.linear.gather [hbm4b:s23+s4], $0x140, $0x38;
	[tilespmem:$0x1F600] =	vst v63  }
0x5f: {  	_ =	swait.ge [sflag:s29], $0x50  }
0x60: {  	[sflag:s29] =	ssyncset.done $0x0  }
0x61: {  	[sflag:s29] =	ssyncadd.s32 $0xFFFFFFB0  }
0x62: {  	_ =	swait.ge [sflag:s29], $0x50  }
0x63: {  	[sflag:s29] =	ssyncset.done $0x0  }
0x64: {  	[sflag:s29] =	ssyncadd.s32 $0xFFFFFFB0  }
0x65: {  	_ =	swait.ge [sflag:s29], $0x140  }
0x66: {  	[sflag:s29] =	ssyncset.done $0x0  }
0x67: {  	s24 =	simm.s32 $0x50;
	s25 =	simm.s32 $0x600;
	[sflag:s29] =	ssyncadd.s32 $0xFFFFFEC0  }
0x68: {  	[tilespmem:s25], [sflag:$0x1] =	stream.indirect.gather [hbm4b:s1+s24], $0x80, s4, s24, $0xb8;
	[tilespmem:$0x1F600] =	vst v63  }
0x69: {  	s26 =	rddreg [dreg:$0x9]  }
0x6a: {  	[tilespmem:s10], [sflag:$0x2] =	stream.linear.gather [hbm4b:s26+s4], $0x50, $0x38;
	[tilespmem:$0x1F600] =	vst v63  }
0x6b: {  	s28 =	rddreg [dreg:$0xa]  }
0x6c: {  	[tilespmem:s11], [sflag:$0x2] =	stream.linear.gather [hbm4b:s28+s4], $0x50, $0x38;
	[tilespmem:$0x1F600] =	vst v63  }
0x6d: {  	s22 =	simm.s32 $0x0;
	s31 =	rddreg [dreg:$0xb]  }
0x6e: {  	[tilespmem:s12], [sflag:$0x2] =	stream.linear.gather [hbm4b:s31+s4], $0x140, $0x38;
	[tilespmem:$0x1F600] =	vst v63  }
.LBB2_2:
0x6f: {  	_ =	swait.ge [sflag:s29], $0x50  }
0x70: {  	[sflag:s29] =	ssyncset.done $0x0  }
0x71: {  	[sflag:s29] =	ssyncadd.s32 $0xFFFFFFB0  }
0x72: {  	_ =	swait.ge [sflag:s29], $0x50  }
0x73: {  	[sflag:s29] =	ssyncset.done $0x0  }
0x74: {  	[sflag:s29] =	ssyncadd.s32 $0xFFFFFFB0  }
0x75: {  	_ =	swait.ge [sflag:s29], $0x140  }
0x76: {  	[sflag:s29] =	ssyncset.done $0x0  }
0x77: {  	s3 =	simm.s32 $0x50;
	s8 =	simm.s32 $0x2E00;
	[sflag:s29] =	ssyncadd.s32 $0xFFFFFEC0  }
0x78: {  	[tilespmem:s8], [sflag:$0x1] =	stream.indirect.gather [hbm4b:s1+s3], $0x80, s10, s3, $0xb8;
	[tilespmem:$0x1F600] =	vst v63  }
0x79: {  	p0 =	por $0x1, $0x1;
	s3 =	simm.s32 $0x0  }
.LBB2_3:
0x7a: {  	v11 =	vld [tilespmem:s3+$0x100]  }
0x7b: {  	v12 =	vmov s3;
	s8 =	sor.u32 $0x10, s3;
	v13 =	vld [tilespmem:s3+$0x110]  }
0x7c: {  	s9 =	sor.u32 $0x50, s3;
	v12 =	vshll.u32 v12, $0x2;
	v14 =	vmov s8  }
0x7d: {  	s31 =	sadd.s32 $0x60, s3;
	v15 =	vmov s9;
	v12 =	vor.u32 v0, v12;
	v14 =	vshll.u32 v14, $0x2  }
0x7e: {  	v17 =	vmov s31;
	v15 =	vshll.u32 v15, $0x7;
	v14 =	vor.u32 v0, v14  }
0x7f: {  	v15 =	vor.u32 v1, v15;
	v16 =	vshll.u32 v11, $0x2;
	v11 =	vshrl.u32 v11, $0x5  }
0x80: {  	v18 =	vshrl.u32 v13, $0x5;
	v13 =	vshll.u32 v13, $0x2;
	v11 =	vadd.s32 $0x2800, v11  }
0x81: {  	v16 =	vand.u32 $0x7C, v16;
	v54 =	vadd.s32 $0x2800, v18;
	[tilespmem:s3+$0x150] =	vst v11;
	v11 =	vshll.u32 v17, $0x7  }
0x82: {  	v13 =	vand.u32 $0x7C, v13;
	v15 =	vor.u32 v15, v16;
	[tilespmem:s3+$0x160] =	vst v54;
	v55 =	vld.idx.msk [tilespmem:v12+s0+$0x0], $0xffff;
	v11 =	vor.u32 v1, v11  }
0x83: {  	v56 =	vor.u32 $0x1, v12;
	v17 =	vld.idx.msk [tilespmem:v14+s0+$0x0], $0xffff;
	v11 =	vor.u32 v11, v13  }
0x84: {  	v57 =	vor.u32 $0x1, v14;
	_ =	sdelay $0x2  }
0x85: {  	[tilespmem:v15+s14+$0x0] =	vst.idx.msk $0xffff, v55  }
0x86: {  	v58 =	vor.u32 $0x1, v15;
	v16 =	vld.idx.msk [tilespmem:v56+s0+$0x0], $0xffff;
	[tilespmem:v11+s14+$0x0] =	vst.idx.msk $0xffff, v17  }
0x87: {  	v59 =	vor.u32 $0x2, v12;
	v19 =	vor.u32 $0x1, v11;
	v13 =	vld.idx.msk [tilespmem:v57+s0+$0x0], $0xffff  }
0x88: {  	v20 =	vor.u32 $0x2, v14;
	_ =	sdelay $0x2  }
0x89: {  	[tilespmem:v58+s14+$0x0] =	vst.idx.msk $0xffff, v16  }
0x8a: {  	v60 =	vor.u32 $0x2, v15;
	v16 =	vld.idx.msk [tilespmem:v59+s0+$0x0], $0xffff;
	[tilespmem:v19+s14+$0x0] =	vst.idx.msk $0xffff, v13  }
0x8b: {  	v12 =	vor.u32 $0x3, v12;
	v62 =	vor.u32 $0x2, v11;
	v61 =	vld.idx.msk [tilespmem:v20+s0+$0x0], $0xffff  }
0x8c: {  	v14 =	vor.u32 $0x3, v14;
	_ =	sdelay $0x2  }
0x8d: {  	[tilespmem:v60+s14+$0x0] =	vst.idx.msk $0xffff, v16  }
0x8e: {  	v63 =	vor.u32 $0x3, v15;
	[tilespmem:v62+s14+$0x0] =	vst.idx.msk $0xffff, v61;
	v12 =	vld.idx.msk [tilespmem:v12+s0+$0x0], $0xffff  }
0x8f: {  	p1 =	por p0, p0;
	v11 =	vor.u32 $0x3, v11;
	v14 =	vld.idx.msk [tilespmem:v14+s0+$0x0], $0xffff  }
.Ltmp2:
0x90: {  	_ = 	snop;
	(pc) =	sbr.rel @p1 .LBB2_3-.Ltmp2, $3  }
0x91: {  	_ =	sdelay $0x1  }
0x92: {  	[tilespmem:v63+s14+$0x0] =	vst.idx.msk $0xffff, v12  }
0x93: {  	p0 =	por $0x0, $0x0;
	s3 =	simm.s32 $0x20;
	[tilespmem:v11+s14+$0x0] =	vst.idx.msk $0xffff, v14  }
0x94: {  	v11 =	vld [tilespmem:$0x140]  }
0x95: {  	v2 =	vld [tilespmem:$0x1FFC0];
	_ =	sdelay $0x4  }
0x96: {  	v12 =	vshrl.u32 v11, $0x5  }
0x97: {  	v12 =	vadd.s32 $0x2800, v12  }
0x98: {  	[tilespmem:$0x190] =	vst v12  }
0x99: {  	v12 =	vld.idx.msk [tilespmem:v2+s0+$0x0], $0xffff  }
0x9a: {  	v11 =	vshll.u32 v11, $0x2;
	v2 =	vld [tilespmem:$0x1FFD0]  }
0x9b: {  	v11 =	vand.u32 $0x7C, v11  }
0x9c: {  	v13 =	vor.u32 v3, v11;
	_ =	sdelay $0x4  }
0x9d: {  	[tilespmem:v13+s14+$0x0] =	vst.idx.msk $0xffff, v12  }
0x9e: {  	v12 =	vld.idx.msk [tilespmem:v2+s0+$0x0], $0xffff  }
0x9f: {  	v2 =	vld [tilespmem:$0x1FFE0];
	_ =	sdelay $0x1  }
0xa0: {  	v13 =	vor.u32 v5, v11;
	_ =	sdelay $0x4  }
0xa1: {  	[tilespmem:v13+s14+$0x0] =	vst.idx.msk $0xffff, v12  }
0xa2: {  	v12 =	vld.idx.msk [tilespmem:v2+s0+$0x0], $0xffff  }
0xa3: {  	v2 =	vld [tilespmem:$0x1FFF0];
	_ =	sdelay $0x1  }
0xa4: {  	v13 =	vor.u32 v7, v11;
	_ =	sdelay $0x4  }
0xa5: {  	[tilespmem:v13+s14+$0x0] =	vst.idx.msk $0xffff, v12  }
0xa6: {  	v11 =	vor.u32 v9, v11;
	v12 =	vld.idx.msk [tilespmem:v2+s0+$0x0], $0xffff;
	_ =	sdelay $0x4  }
0xa7: {  	[tilespmem:v11+s14+$0x0] =	vst.idx.msk $0xffff, v12  }
0xa8: {  	_ =	swait.ge [sflag:s15], $0x2800  }
0xa9: {  	[sflag:s15] =	ssyncset.done $0x0  }
0xaa: {  	s3 =	simm.s32 $0x310;
	[sflag:s15] =	ssyncadd.s32 $0xFFFFD800  }
0xab: {  	v12 =	vld [tilespmem:s3+$0x0]  }
0xac: {  	s20 =	simm.s32 $0x800  }
0xad: {  	v11 =	vld [tilespmem:s20+$0x0];
	_ =	sdelay $0x2  }
0xae: {  	v13 =	vbroadcast v12, $0x0  }
0xaf: {  	v14 =	vld [tilespmem:s3+$0xFFFFFFF0]  }
0xb0: {  	v11 =	vmul.f32 v13, v11  }
0xb1: {  	s23 =	simm.s32 $0x5800;
	v15 =	vld [tilespmem:s20+$0xFFFFFE00]  }
0xb2: {  	[tilespmem:s23+$0x0] =	vst v11  }
0xb3: {  	v11 =	vld [tilespmem:s20+$0x10]  }
0xb4: {  	v16 =	vbroadcast v14, $0x0;
	_ =	sdelay $0x1  }
0xb5: {  	v15 =	vmul.f32 v16, v15;
	_ =	sdelay $0x1  }
0xb6: {  	[tilespmem:s23+$0xFFFFFE00] =	vst v15;
	v11 =	vmul.f32 v11, v13  }
0xb7: {  	v13 =	vld [tilespmem:s20+$0xFFFFFE10]  }
0xb8: {  	[tilespmem:s23+$0x10] =	vst v11  }
0xb9: {  	v11 =	vld [tilespmem:s20+$0x20];
	_ =	sdelay $0x2  }
0xba: {  	v15 =	vbroadcast v12, $0x1;
	v13 =	vmul.f32 v13, v16;
	_ =	sdelay $0x1  }
0xbb: {  	[tilespmem:s23+$0xFFFFFE10] =	vst v13;
	v11 =	vmul.f32 v11, v15  }
0xbc: {  	v13 =	vld [tilespmem:s20+$0xFFFFFE20]  }
0xbd: {  	[tilespmem:s23+$0x20] =	vst v11  }
0xbe: {  	v11 =	vld [tilespmem:s20+$0x30]  }
0xbf: {  	v16 =	vbroadcast v14, $0x1;
	_ =	sdelay $0x1  }
0xc0: {  	v13 =	vmul.f32 v13, v16;
	_ =	sdelay $0x1  }
0xc1: {  	[tilespmem:s23+$0xFFFFFE20] =	vst v13;
	v11 =	vmul.f32 v11, v15  }
0xc2: {  	v13 =	vld [tilespmem:s20+$0xFFFFFE30]  }
0xc3: {  	[tilespmem:s23+$0x30] =	vst v11  }
0xc4: {  	v11 =	vld [tilespmem:s20+$0x40];
	_ =	sdelay $0x2  }
0xc5: {  	v15 =	vbroadcast v12, $0x2;
	v13 =	vmul.f32 v13, v16;
	_ =	sdelay $0x1  }
0xc6: {  	[tilespmem:s23+$0xFFFFFE30] =	vst v13;
	v11 =	vmul.f32 v11, v15  }
0xc7: {  	v13 =	vld [tilespmem:s20+$0xFFFFFE40]  }
0xc8: {  	[tilespmem:s23+$0x40] =	vst v11  }
0xc9: {  	v11 =	vld [tilespmem:s20+$0x50]  }
0xca: {  	v16 =	vbroadcast v14, $0x2;
	_ =	sdelay $0x1  }
0xcb: {  	v13 =	vmul.f32 v13, v16;
	_ =	sdelay $0x1  }
0xcc: {  	[tilespmem:s23+$0xFFFFFE40] =	vst v13;
	v11 =	vmul.f32 v11, v15  }
0xcd: {  	v13 =	vld [tilespmem:s20+$0xFFFFFE50]  }
0xce: {  	[tilespmem:s23+$0x50] =	vst v11  }
0xcf: {  	v11 =	vld [tilespmem:s20+$0x60];
	_ =	sdelay $0x2  }
0xd0: {  	v15 =	vbroadcast v12, $0x3;
	v13 =	vmul.f32 v13, v16;
	_ =	sdelay $0x1  }
0xd1: {  	[tilespmem:s23+$0xFFFFFE50] =	vst v13;
	v11 =	vmul.f32 v11, v15  }
0xd2: {  	v13 =	vld [tilespmem:s20+$0xFFFFFE60]  }
0xd3: {  	[tilespmem:s23+$0x60] =	vst v11  }
0xd4: {  	v11 =	vld [tilespmem:s20+$0x70]  }
0xd5: {  	v16 =	vbroadcast v14, $0x3;
	_ =	sdelay $0x1  }
0xd6: {  	v13 =	vmul.f32 v13, v16  }
0xd7: {  	s19 =	simm.s32 $0x330  }
0xd8: {  	[tilespmem:s23+$0xFFFFFE60] =	vst v13;
	v13 =	vld [tilespmem:s19+$0x0];
	v11 =	vmul.f32 v11, v15  }
0xd9: {  	v17 =	vld [tilespmem:s20+$0xFFFFFE70]  }
0xda: {  	v15 =	vld [tilespmem:s19+$0xFFFFFFF0];
	[tilespmem:s23+$0x70] =	vst v11  }
0xdb: {  	s25 =	simm.s32 $0xC00;
	v11 =	vld [tilespmem:s20+$0x80]  }
0xdc: {  	v18 =	vld [tilespmem:s25+$0x0]  }
0xdd: {  	v19 =	vld [tilespmem:s25+$0xFFFFFE00]  }
0xde: {  	v20 =	vbroadcast v12, $0x4  }
0xdf: {  	v16 =	vmul.f32 v17, v16;
	v17 =	vbroadcast v13, $0x0  }
0xe0: {  	v21 =	vbroadcast v15, $0x0;
	v11 =	vmul.f32 v11, v20  }
0xe1: {  	[tilespmem:s23+$0xFFFFFE70] =	vst v16;
	v16 =	vmul.f32 v17, v18  }
0xe2: {  	s24 =	simm.s32 $0x5C00;
	v18 =	vld [tilespmem:s20+$0xFFFFFE80];
	[tilespmem:s23+$0x80] =	vst v11;
	v11 =	vmul.f32 v21, v19  }
0xe3: {  	[tilespmem:s24+$0x0] =	vst v16;
	v19 =	vld [tilespmem:s20+$0x90]  }
0xe4: {  	[tilespmem:s24+$0xFFFFFE00] =	vst v11;
	v11 =	vld [tilespmem:s25+$0x10]  }
0xe5: {  	v16 =	vbroadcast v14, $0x4;
	v22 =	vld [tilespmem:s25+$0xFFFFFE10];
	_ =	sdelay $0x1  }
0xe6: {  	v18 =	vmul.f32 v18, v16  }
0xe7: {  	v19 =	vmul.f32 v19, v20  }
0xe8: {  	[tilespmem:s23+$0xFFFFFE80] =	vst v18;
	v11 =	vmul.f32 v11, v17  }
0xe9: {  	v17 =	vld [tilespmem:s20+$0xFFFFFE90];
	[tilespmem:s23+$0x90] =	vst v19;
	v18 =	vmul.f32 v22, v21  }
0xea: {  	v19 =	vld [tilespmem:s20+$0xA0];
	[tilespmem:s24+$0x10] =	vst v11  }
0xeb: {  	[tilespmem:s24+$0xFFFFFE10] =	vst v18;
	v11 =	vld [tilespmem:s25+$0x20]  }
0xec: {  	v18 =	vld [tilespmem:s25+$0xFFFFFE20]  }
0xed: {  	v20 =	vbroadcast v12, $0x5  }
0xee: {  	v16 =	vmul.f32 v17, v16;
	v17 =	vbroadcast v13, $0x1  }
0xef: {  	v21 =	vbroadcast v15, $0x1;
	v19 =	vmul.f32 v19, v20  }
0xf0: {  	[tilespmem:s23+$0xFFFFFE90] =	vst v16;
	v11 =	vmul.f32 v11, v17  }
0xf1: {  	v16 =	vld [tilespmem:s20+$0xFFFFFEA0];
	[tilespmem:s23+$0xA0] =	vst v19;
	v18 =	vmul.f32 v18, v21  }
0xf2: {  	v19 =	vld [tilespmem:s20+$0xB0];
	[tilespmem:s24+$0x20] =	vst v11  }
0xf3: {  	[tilespmem:s24+$0xFFFFFE20] =	vst v18;
	v11 =	vld [tilespmem:s25+$0x30]  }
0xf4: {  	v18 =	vbroadcast v14, $0x5;
	v22 =	vld [tilespmem:s25+$0xFFFFFE30];
	_ =	sdelay $0x1  }
0xf5: {  	v16 =	vmul.f32 v16, v18  }
0xf6: {  	v19 =	vmul.f32 v19, v20  }
0xf7: {  	[tilespmem:s23+$0xFFFFFEA0] =	vst v16;
	v11 =	vmul.f32 v11, v17  }
0xf8: {  	v16 =	vld [tilespmem:s20+$0xFFFFFEB0];
	[tilespmem:s23+$0xB0] =	vst v19;
	v17 =	vmul.f32 v22, v21  }
0xf9: {  	v19 =	vld [tilespmem:s20+$0xC0];
	[tilespmem:s24+$0x30] =	vst v11  }
0xfa: {  	[tilespmem:s24+$0xFFFFFE30] =	vst v17;
	v11 =	vld [tilespmem:s25+$0x40]  }
0xfb: {  	v17 =	vld [tilespmem:s25+$0xFFFFFE40]  }
0xfc: {  	v20 =	vbroadcast v12, $0x6  }
0xfd: {  	v16 =	vmul.f32 v16, v18;
	v18 =	vbroadcast v13, $0x2  }
0xfe: {  	v21 =	vbroadcast v15, $0x2;
	v19 =	vmul.f32 v19, v20  }
0xff: {  	[tilespmem:s23+$0xFFFFFEB0] =	vst v16;
	v11 =	vmul.f32 v11, v18  }
0x100: {  	[tilespmem:s23+$0xC0] =	vst v19;
	v16 =	vmul.f32 v17, v21  }
0x101: {  	v17 =	vld [tilespmem:s20+$0xFFFFFEC0];
	[tilespmem:s24+$0x40] =	vst v11  }
0x102: {  	v11 =	vld [tilespmem:s20+$0xD0];
	[tilespmem:s24+$0xFFFFFE40] =	vst v16  }
0x103: {  	v16 =	vld [tilespmem:s25+$0x50];
	_ =	sdelay $0x4  }
0x104: {  	v16 =	vmul.f32 v16, v18;
	_ =	sdelay $0x1  }
0x105: {  	v11 =	vmul.f32 v11, v20;
	[tilespmem:s24+$0x50] =	vst v16  }
0x106: {  	v16 =	vld [tilespmem:s25+$0x60]  }
0x107: {  	[tilespmem:s23+$0xD0] =	vst v11  }
0x108: {  	v11 =	vld [tilespmem:s20+$0xE0]  }
0x109: {  	v18 =	vbroadcast v13, $0x3;
	_ =	sdelay $0x1  }
0x10a: {  	v19 =	vld [tilespmem:s25+$0xFFFFFE50];
	v20 =	vbroadcast v12, $0x7;
	v16 =	vmul.f32 v16, v18  }
0x10b: {  	v22 =	vbroadcast v14, $0x6  }
0x10c: {  	v11 =	vmul.f32 v11, v20;
	[tilespmem:s24+$0x60] =	vst v16  }
0x10d: {  	v17 =	vmul.f32 v17, v22;
	v16 =	vld [tilespmem:s25+$0x70]  }
0x10e: {  	[tilespmem:s23+$0xE0] =	vst v11  }
0x10f: {  	[tilespmem:s23+$0xFFFFFEC0] =	vst v17;
	v11 =	vmul.f32 v19, v21;
	v19 =	vld [tilespmem:s20+$0xF0]  }
0x110: {  	v21 =	vld [tilespmem:s20+$0xFFFFFED0]  }
0x111: {  	[tilespmem:s24+$0xFFFFFE50] =	vst v11  }
0x112: {  	v11 =	vmul.f32 v16, v18;
	v16 =	vld [tilespmem:s25+$0xFFFFFE60]  }
0x113: {  	s21 =	simm.s32 $0x350  }
0x114: {  	v17 =	vld [tilespmem:s21+$0x0];
	[tilespmem:s24+$0x70] =	vst v11;
	v11 =	vmul.f32 v19, v20  }
0x115: {  	s26 =	simm.s32 $0x1000;
	v19 =	vbroadcast v15, $0x3;
	v20 =	vmul.f32 v21, v22;
	v18 =	vld [tilespmem:s25+$0x80]  }
0x116: {  	[tilespmem:s23+$0xF0] =	vst v11;
	v11 =	vld [tilespmem:s26+$0x0]  }
0x117: {  	[tilespmem:s23+$0xFFFFFED0] =	vst v20;
	v16 =	vmul.f32 v16, v19;
	v20 =	vld [tilespmem:s20+$0x100]  }
0x118: {  	v21 =	vbroadcast v13, $0x4;
	v22 =	vld [tilespmem:s20+$0xFFFFFEE0]  }
0x119: {  	v23 =	vbroadcast v17, $0x0;
	[tilespmem:s24+$0xFFFFFE60] =	vst v16;
	v16 =	vld [tilespmem:s21+$0xFFFFFFF0]  }
0x11a: {  	v25 =	vbroadcast v12, $0x8;
	v18 =	vmul.f32 v18, v21;
	v24 =	vld [tilespmem:s25+$0xFFFFFE70]  }
0x11b: {  	v11 =	vmul.f32 v23, v11  }
0x11c: {  	s28 =	simm.s32 $0x6000;
	v26 =	vld [tilespmem:s26+$0xFFFFFE00];
	[tilespmem:s24+$0x80] =	vst v18;
	v18 =	vbroadcast v14, $0x7;
	v20 =	vmul.f32 v20, v25  }
0x11d: {  	v27 =	vld [tilespmem:s25+$0x90];
	[tilespmem:s28+$0x0] =	vst v11  }
0x11e: {  	v11 =	vmul.f32 v22, v18;
	[tilespmem:s23+$0x100] =	vst v20;
	v22 =	vld [tilespmem:s26+$0x10]  }
0x11f: {  	v20 =	vbroadcast v16, $0x0;
	v19 =	vmul.f32 v24, v19;
	v24 =	vld [tilespmem:s20+$0x110]  }
0x120: {  	[tilespmem:s23+$0xFFFFFEE0] =	vst v11  }
0x121: {  	v11 =	vmul.f32 v20, v26;
	v26 =	vld [tilespmem:s20+$0xFFFFFEF0];
	[tilespmem:s24+$0xFFFFFE70] =	vst v19  }
0x122: {  	v19 =	vmul.f32 v27, v21;
	v21 =	vld [tilespmem:s25+$0xFFFFFE80]  }
0x123: {  	[tilespmem:s28+$0xFFFFFE00] =	vst v11;
	v22 =	vmul.f32 v22, v23  }
0x124: {  	v11 =	vld [tilespmem:s26+$0xFFFFFE10];
	[tilespmem:s24+$0x90] =	vst v19;
	v19 =	vmul.f32 v24, v25  }
0x125: {  	v24 =	vbroadcast v15, $0x4;
	v23 =	vld [tilespmem:s25+$0xA0];
	[tilespmem:s28+$0x10] =	vst v22  }
0x126: {  	v18 =	vmul.f32 v26, v18;
	[tilespmem:s23+$0x110] =	vst v19;
	v19 =	vld [tilespmem:s26+$0x20]  }
0x127: {  	v21 =	vmul.f32 v21, v24;
	v22 =	vld [tilespmem:s20+$0x120]  }
0x128: {  	v25 =	vbroadcast v13, $0x5;
	[tilespmem:s23+$0xFFFFFEF0] =	vst v18  }
0x129: {  	v11 =	vmul.f32 v11, v20;
	v20 =	vbroadcast v17, $0x1;
	v18 =	vld [tilespmem:s20+$0xFFFFFF00];
	[tilespmem:s24+$0xFFFFFE80] =	vst v21  }
0x12a: {  	v26 =	vbroadcast v12, $0x9;
	v21 =	vmul.f32 v23, v25;
	v23 =	vld [tilespmem:s25+$0xFFFFFE90]  }
0x12b: {  	[tilespmem:s28+$0xFFFFFE10] =	vst v11;
	v19 =	vmul.f32 v19, v20  }
0x12c: {  	v11 =	vld [tilespmem:s26+$0xFFFFFE20];
	[tilespmem:s24+$0xA0] =	vst v21;
	v21 =	vbroadcast v14, $0x8;
	v22 =	vmul.f32 v22, v26  }
0x12d: {  	v27 =	vld [tilespmem:s25+$0xB0];
	[tilespmem:s28+$0x20] =	vst v19  }
0x12e: {  	v18 =	vmul.f32 v18, v21;
	[tilespmem:s23+$0x120] =	vst v22;
	v22 =	vld [tilespmem:s26+$0x30]  }
0x12f: {  	v19 =	vbroadcast v16, $0x1;
	v23 =	vmul.f32 v23, v24;
	v24 =	vld [tilespmem:s20+$0x130]  }
0x130: {  	[tilespmem:s23+$0xFFFFFF00] =	vst v18  }
0x131: {  	v11 =	vmul.f32 v11, v19;
	v18 =	vld [tilespmem:s20+$0xFFFFFF10];
	[tilespmem:s24+$0xFFFFFE90] =	vst v23  }
0x132: {  	v23 =	vmul.f32 v27, v25;
	v25 =	vld [tilespmem:s25+$0xFFFFFEA0]  }
0x133: {  	[tilespmem:s28+$0xFFFFFE20] =	vst v11;
	v20 =	vmul.f32 v22, v20  }
0x134: {  	v11 =	vld [tilespmem:s26+$0xFFFFFE30];
	[tilespmem:s24+$0xB0] =	vst v23;
	v22 =	vmul.f32 v24, v26  }
0x135: {  	v24 =	vbroadcast v15, $0x5;
	v23 =	vld [tilespmem:s25+$0xC0];
	[tilespmem:s28+$0x30] =	vst v20  }
0x136: {  	v18 =	vmul.f32 v18, v21;
	[tilespmem:s23+$0x130] =	vst v22;
	v20 =	vld [tilespmem:s26+$0x40]  }
0x137: {  	v21 =	vmul.f32 v25, v24;
	v22 =	vld [tilespmem:s20+$0x140]  }
0x138: {  	v25 =	vbroadcast v13, $0x6;
	[tilespmem:s23+$0xFFFFFF10] =	vst v18  }
0x139: {  	v11 =	vmul.f32 v11, v19;
	v19 =	vbroadcast v17, $0x2;
	v18 =	vld [tilespmem:s20+$0xFFFFFF20];
	[tilespmem:s24+$0xFFFFFEA0] =	vst v21  }
0x13a: {  	v26 =	vbroadcast v12, $0xA;
	v21 =	vmul.f32 v23, v25;
	v23 =	vld [tilespmem:s25+$0xFFFFFEB0]  }
0x13b: {  	[tilespmem:s28+$0xFFFFFE30] =	vst v11;
	v20 =	vmul.f32 v20, v19  }
0x13c: {  	v11 =	vld [tilespmem:s26+$0xFFFFFE40];
	[tilespmem:s24+$0xC0] =	vst v21;
	v21 =	vbroadcast v14, $0x9;
	v22 =	vmul.f32 v22, v26  }
0x13d: {  	v27 =	vld [tilespmem:s25+$0xD0];
	[tilespmem:s28+$0x40] =	vst v20  }
0x13e: {  	v18 =	vmul.f32 v18, v21;
	[tilespmem:s23+$0x140] =	vst v22;
	v22 =	vld [tilespmem:s26+$0x50]  }
0x13f: {  	v20 =	vbroadcast v16, $0x2;
	v23 =	vmul.f32 v23, v24;
	v24 =	vld [tilespmem:s20+$0x150]  }
0x140: {  	[tilespmem:s23+$0xFFFFFF20] =	vst v18  }
0x141: {  	v11 =	vmul.f32 v11, v20;
	v18 =	vld [tilespmem:s20+$0xFFFFFF30];
	[tilespmem:s24+$0xFFFFFEB0] =	vst v23  }
0x142: {  	v23 =	vmul.f32 v27, v25;
	v25 =	vld [tilespmem:s25+$0xFFFFFEC0]  }
0x143: {  	[tilespmem:s28+$0xFFFFFE40] =	vst v11;
	v19 =	vmul.f32 v22, v19  }
0x144: {  	v11 =	vld [tilespmem:s26+$0xFFFFFE50];
	[tilespmem:s24+$0xD0] =	vst v23;
	v22 =	vmul.f32 v24, v26  }
0x145: {  	v24 =	vbroadcast v15, $0x6;
	v23 =	vld [tilespmem:s25+$0xE0];
	[tilespmem:s28+$0x50] =	vst v19  }
0x146: {  	v18 =	vmul.f32 v18, v21;
	[tilespmem:s23+$0x150] =	vst v22;
	v19 =	vld [tilespmem:s26+$0x60]  }
0x147: {  	v21 =	vmul.f32 v25, v24;
	v22 =	vld [tilespmem:s20+$0x160]  }
0x148: {  	v25 =	vbroadcast v13, $0x7;
	[tilespmem:s23+$0xFFFFFF30] =	vst v18  }
0x149: {  	v11 =	vmul.f32 v11, v20;
	v20 =	vbroadcast v17, $0x3;
	v18 =	vld [tilespmem:s20+$0xFFFFFF40];
	[tilespmem:s24+$0xFFFFFEC0] =	vst v21  }
0x14a: {  	v26 =	vbroadcast v12, $0xB;
	v21 =	vmul.f32 v23, v25;
	v23 =	vld [tilespmem:s25+$0xFFFFFED0]  }
0x14b: {  	[tilespmem:s28+$0xFFFFFE50] =	vst v11;
	v19 =	vmul.f32 v19, v20  }
0x14c: {  	v11 =	vld [tilespmem:s26+$0xFFFFFE60];
	[tilespmem:s24+$0xE0] =	vst v21;
	v21 =	vbroadcast v14, $0xA;
	v22 =	vmul.f32 v22, v26  }
0x14d: {  	v27 =	vld [tilespmem:s25+$0xF0];
	[tilespmem:s28+$0x60] =	vst v19  }
0x14e: {  	v18 =	vmul.f32 v18, v21;
	[tilespmem:s23+$0x160] =	vst v22;
	v22 =	vld [tilespmem:s26+$0x70]  }
0x14f: {  	v19 =	vbroadcast v16, $0x3;
	v23 =	vmul.f32 v23, v24;
	v24 =	vld [tilespmem:s20+$0x170]  }
0x150: {  	[tilespmem:s23+$0xFFFFFF40] =	vst v18  }
0x151: {  	v11 =	vmul.f32 v11, v19;
	v28 =	vld [tilespmem:s20+$0xFFFFFF50];
	[tilespmem:s24+$0xFFFFFED0] =	vst v23  }
0x152: {  	s8 =	simm.s32 $0x370;
	v18 =	vmul.f32 v27, v25;
	v23 =	vld [tilespmem:s25+$0xFFFFFEE0]  }
0x153: {  	[tilespmem:s28+$0xFFFFFE60] =	vst v11;
	v11 =	vld [tilespmem:s8+$0x0];
	v20 =	vmul.f32 v22, v20  }
0x154: {  	v25 =	vld [tilespmem:s26+$0xFFFFFE70];
	[tilespmem:s24+$0xF0] =	vst v18;
	v18 =	vmul.f32 v24, v26  }
0x155: {  	v24 =	vbroadcast v15, $0x7;
	v22 =	vld [tilespmem:s25+$0x100];
	[tilespmem:s28+$0x70] =	vst v20  }
0x156: {  	[tilespmem:s23+$0x170] =	vst v18;
	v20 =	vld [tilespmem:s26+$0x80]  }
0x157: {  	s9 =	simm.s32 $0x1400;
	v18 =	vmul.f32 v23, v24;
	v23 =	vld [tilespmem:s20+$0x180]  }
0x158: {  	v27 =	vld [tilespmem:s9+$0x0];
	v26 =	vbroadcast v13, $0x8  }
0x159: {  	v19 =	vmul.f32 v25, v19;
	v25 =	vbroadcast v17, $0x4;
	[tilespmem:s24+$0xFFFFFEE0] =	vst v18;
	v18 =	vld [tilespmem:s8+$0xFFFFFFF0]  }
0x15a: {  	v30 =	vbroadcast v12, $0xC;
	v29 =	vld [tilespmem:s25+$0xFFFFFEF0];
	v22 =	vmul.f32 v22, v26  }
0x15b: {  	v31 =	vbroadcast v11, $0x0;
	[tilespmem:s28+$0xFFFFFE70] =	vst v19;
	v19 =	vld [tilespmem:s9+$0xFFFFFE00];
	v20 =	vmul.f32 v20, v25  }
0x15c: {  	v32 =	vld [tilespmem:s26+$0xFFFFFE80];
	v23 =	vmul.f32 v23, v30;
	[tilespmem:s24+$0x100] =	vst v22  }
0x15d: {  	v27 =	vmul.f32 v31, v27;
	v22 =	vld [tilespmem:s25+$0x110];
	[tilespmem:s28+$0x80] =	vst v20  }
0x15e: {  	s21 =	simm.s32 $0x6400;
	v20 =	vmul.f32 v28, v21;
	[tilespmem:s23+$0x180] =	vst v23;
	v21 =	vbroadcast v18, $0x0;
	v23 =	vld [tilespmem:s26+$0x90]  }
0x15f: {  	[tilespmem:s21+$0x0] =	vst v27;
	v28 =	vbroadcast v16, $0x4;
	v24 =	vmul.f32 v29, v24;
	v29 =	vld [tilespmem:s20+$0x190]  }
0x160: {  	[tilespmem:s23+$0xFFFFFF50] =	vst v20;
	v20 =	vld [tilespmem:s9+$0x10];
	v19 =	vmul.f32 v21, v19  }
0x161: {  	v27 =	vld [tilespmem:s20+$0xFFFFFF60];
	[tilespmem:s24+$0xFFFFFEF0] =	vst v24;
	v24 =	vmul.f32 v32, v28  }
0x162: {  	v48 =	vld [tilespmem:s25+$0xFFFFFF00];
	[tilespmem:s21+$0xFFFFFE00] =	vst v19;
	v19 =	vmul.f32 v22, v26  }
0x163: {  	v22 =	vld [tilespmem:s9+$0xFFFFFE10];
	[tilespmem:s28+$0xFFFFFE80] =	vst v24;
	v23 =	vmul.f32 v23, v25  }
0x164: {  	v24 =	vbroadcast v14, $0xB;
	v25 =	vmul.f32 v29, v30;
	v26 =	vld [tilespmem:s26+$0xFFFFFE90];
	[tilespmem:s24+$0x110] =	vst v19  }
0x165: {  	v19 =	vbroadcast v15, $0x8;
	v20 =	vmul.f32 v20, v31;
	v29 =	vld [tilespmem:s25+$0x120];
	[tilespmem:s28+$0x90] =	vst v23  }
0x166: {  	v23 =	vmul.f32 v27, v24;
	[tilespmem:s23+$0x190] =	vst v25;
	v25 =	vld [tilespmem:s26+$0xA0]  }
0x167: {  	[tilespmem:s21+$0x10] =	vst v20;
	v27 =	vld [tilespmem:s20+$0x1A0];
	v30 =	vmul.f32 v48, v19  }
0x168: {  	[tilespmem:s23+$0xFFFFFF60] =	vst v23;
	v20 =	vmul.f32 v22, v21;
	v21 =	vbroadcast v13, $0x9;
	v22 =	vld [tilespmem:s9+$0x20]  }
0x169: {  	v23 =	vld [tilespmem:s20+$0xFFFFFF70];
	[tilespmem:s24+$0xFFFFFF00] =	vst v30;
	v26 =	vmul.f32 v26, v28;
	v28 =	vbroadcast v17, $0x5  }
0x16a: {  	v30 =	vbroadcast v12, $0xD;
	v31 =	vld [tilespmem:s25+$0xFFFFFF10];
	[tilespmem:s21+$0xFFFFFE10] =	vst v20;
	v20 =	vmul.f32 v29, v21  }
0x16b: {  	v29 =	vld [tilespmem:s9+$0xFFFFFE20];
	[tilespmem:s28+$0xFFFFFE90] =	vst v26;
	v26 =	vbroadcast v11, $0x1;
	v25 =	vmul.f32 v25, v28  }
0x16c: {  	v27 =	vmul.f32 v27, v30;
	v49 =	vld [tilespmem:s26+$0xFFFFFEA0];
	[tilespmem:s24+$0x120] =	vst v20  }
0x16d: {  	v20 =	vld [tilespmem:s25+$0x130];
	v22 =	vmul.f32 v22, v26;
	[tilespmem:s28+$0xA0] =	vst v25  }
0x16e: {  	v25 =	vbroadcast v18, $0x1;
	v23 =	vmul.f32 v23, v24;
	[tilespmem:s23+$0x1A0] =	vst v27;
	v24 =	vld [tilespmem:s26+$0xB0]  }
0x16f: {  	v27 =	vbroadcast v16, $0x5;
	v33 =	vld [tilespmem:s20+$0x1B0];
	v19 =	vmul.f32 v31, v19;
	[tilespmem:s21+$0x20] =	vst v22  }
0x170: {  	[tilespmem:s23+$0xFFFFFF70] =	vst v23;
	v22 =	vmul.f32 v29, v25;
	v23 =	vld [tilespmem:s9+$0x30]  }
0x171: {  	v29 =	vld [tilespmem:s20+$0xFFFFFF80];
	[tilespmem:s24+$0xFFFFFF10] =	vst v19;
	v19 =	vmul.f32 v49, v27  }
0x172: {  	v31 =	vld [tilespmem:s25+$0xFFFFFF20];
	[tilespmem:s21+$0xFFFFFE20] =	vst v22;
	v20 =	vmul.f32 v20, v21  }
0x173: {  	v21 =	vld [tilespmem:s9+$0xFFFFFE30];
	[tilespmem:s28+$0xFFFFFEA0] =	vst v19;
	v19 =	vmul.f32 v24, v28  }
0x174: {  	v22 =	vbroadcast v14, $0xC;
	v24 =	vmul.f32 v33, v30;
	v28 =	vld [tilespmem:s26+$0xFFFFFEB0];
	[tilespmem:s24+$0x130] =	vst v20  }
0x175: {  	v20 =	vbroadcast v15, $0x9;
	v30 =	vld [tilespmem:s25+$0x140];
	v23 =	vmul.f32 v23, v26;
	[tilespmem:s28+$0xB0] =	vst v19  }
0x176: {  	v19 =	vmul.f32 v29, v22;
	[tilespmem:s23+$0x1B0] =	vst v24;
	v24 =	vld [tilespmem:s26+$0xC0]  }
0x177: {  	v26 =	vld [tilespmem:s20+$0x1C0];
	v29 =	vmul.f32 v31, v20;
	[tilespmem:s21+$0x30] =	vst v23  }
0x178: {  	[tilespmem:s23+$0xFFFFFF80] =	vst v19;
	v19 =	vmul.f32 v21, v25;
	v21 =	vbroadcast v13, $0xA;
	v23 =	vld [tilespmem:s9+$0x40]  }
0x179: {  	v25 =	vld [tilespmem:s20+$0xFFFFFF90];
	[tilespmem:s24+$0xFFFFFF20] =	vst v29;
	v27 =	vmul.f32 v28, v27;
	v28 =	vbroadcast v17, $0x6  }
0x17a: {  	v29 =	vbroadcast v12, $0xE;
	v31 =	vld [tilespmem:s25+$0xFFFFFF30];
	[tilespmem:s21+$0xFFFFFE30] =	vst v19;
	v19 =	vmul.f32 v30, v21  }
0x17b: {  	v30 =	vld [tilespmem:s9+$0xFFFFFE40];
	[tilespmem:s28+$0xFFFFFEB0] =	vst v27;
	v27 =	vbroadcast v11, $0x2;
	v24 =	vmul.f32 v24, v28  }
0x17c: {  	v26 =	vmul.f32 v26, v29;
	v50 =	vld [tilespmem:s26+$0xFFFFFEC0];
	[tilespmem:s24+$0x140] =	vst v19  }
0x17d: {  	v19 =	vld [tilespmem:s25+$0x150];
	v23 =	vmul.f32 v23, v27;
	[tilespmem:s28+$0xC0] =	vst v24  }
0x17e: {  	v24 =	vbroadcast v18, $0x2;
	v22 =	vmul.f32 v25, v22;
	[tilespmem:s23+$0x1C0] =	vst v26;
	v25 =	vld [tilespmem:s26+$0xD0]  }
0x17f: {  	v26 =	vbroadcast v16, $0x6;
	v51 =	vld [tilespmem:s20+$0x1D0];
	v20 =	vmul.f32 v31, v20;
	[tilespmem:s21+$0x40] =	vst v23  }
0x180: {  	[tilespmem:s23+$0xFFFFFF90] =	vst v22;
	v22 =	vmul.f32 v30, v24;
	v23 =	vld [tilespmem:s9+$0x50]  }
0x181: {  	v30 =	vld [tilespmem:s20+$0xFFFFFFA0];
	[tilespmem:s24+$0xFFFFFF30] =	vst v20;
	v20 =	vmul.f32 v50, v26  }
0x182: {  	v31 =	vld [tilespmem:s25+$0xFFFFFF40];
	[tilespmem:s21+$0xFFFFFE40] =	vst v22;
	v19 =	vmul.f32 v19, v21  }
0x183: {  	v21 =	vld [tilespmem:s9+$0xFFFFFE50];
	[tilespmem:s28+$0xFFFFFEC0] =	vst v20;
	v20 =	vmul.f32 v25, v28  }
0x184: {  	v22 =	vbroadcast v14, $0xD;
	v25 =	vmul.f32 v51, v29;
	v28 =	vld [tilespmem:s26+$0xFFFFFED0];
	[tilespmem:s24+$0x150] =	vst v19  }
0x185: {  	v29 =	vbroadcast v15, $0xA;
	v52 =	vld [tilespmem:s25+$0x160];
	v19 =	vmul.f32 v23, v27;
	[tilespmem:s28+$0xD0] =	vst v20  }
0x186: {  	v20 =	vmul.f32 v30, v22;
	[tilespmem:s23+$0x1D0] =	vst v25;
	v23 =	vld [tilespmem:s26+$0xE0]  }
0x187: {  	v25 =	vld [tilespmem:s20+$0x1E0];
	v27 =	vmul.f32 v31, v29;
	[tilespmem:s21+$0x50] =	vst v19  }
0x188: {  	[tilespmem:s23+$0xFFFFFFA0] =	vst v20;
	v20 =	vmul.f32 v21, v24;
	v21 =	vbroadcast v13, $0xB;
	v24 =	vld [tilespmem:s9+$0x60]  }
0x189: {  	v30 =	vld [tilespmem:s20+$0xFFFFFFB0];
	[tilespmem:s24+$0xFFFFFF40] =	vst v27;
	v26 =	vmul.f32 v28, v26;
	v27 =	vbroadcast v17, $0x7  }
0x18a: {  	v19 =	vbroadcast v12, $0xF;
	v12 =	vld [tilespmem:s25+$0xFFFFFF50];
	[tilespmem:s21+$0xFFFFFE50] =	vst v20;
	v20 =	vmul.f32 v52, v21  }
0x18b: {  	v28 =	vld [tilespmem:s9+$0xFFFFFE60];
	[tilespmem:s28+$0xFFFFFED0] =	vst v26;
	v26 =	vbroadcast v11, $0x3;
	v23 =	vmul.f32 v23, v27  }
0x18c: {  	v25 =	vmul.f32 v25, v19;
	v31 =	vld [tilespmem:s26+$0xFFFFFEE0];
	[tilespmem:s24+$0x160] =	vst v20  }
0x18d: {  	v53 =	vld [tilespmem:s25+$0x170];
	v24 =	vmul.f32 v24, v26;
	[tilespmem:s28+$0xE0] =	vst v23  }
0x18e: {  	v23 =	vbroadcast v18, $0x3;
	v22 =	vmul.f32 v30, v22;
	[tilespmem:s23+$0x1E0] =	vst v25;
	v25 =	vld [tilespmem:s26+$0xF0]  }
0x18f: {  	v30 =	vbroadcast v16, $0x7;
	v12 =	vmul.f32 v12, v29;
	[tilespmem:s21+$0x60] =	vst v24  }
0x190: {  	[tilespmem:s23+$0xFFFFFFB0] =	vst v22;
	v22 =	vmul.f32 v28, v23;
	v24 =	vld [tilespmem:s9+$0x70]  }
0x191: {  	v20 =	vld [tilespmem:s20+$0x1F0];
	[tilespmem:s24+$0xFFFFFF50] =	vst v12;
	v12 =	vmul.f32 v31, v30  }
0x192: {  	v28 =	vld [tilespmem:s20+$0xFFFFFFC0];
	[tilespmem:s21+$0xFFFFFE60] =	vst v22;
	v21 =	vmul.f32 v53, v21  }
0x193: {  	v22 =	vld [tilespmem:s9+$0xFFFFFE70];
	[tilespmem:s28+$0xFFFFFEE0] =	vst v12;
	v12 =	vmul.f32 v25, v27  }
0x194: {  	v25 =	vld [tilespmem:s26+$0xFFFFFEF0];
	[tilespmem:s24+$0x170] =	vst v21  }
0x195: {  	v27 =	vld [tilespmem:s25+$0x180];
	v21 =	vmul.f32 v24, v26;
	[tilespmem:s28+$0xF0] =	vst v12  }
0x196: {  	s13 =	simm.s32 $0x390;
	v24 =	vbroadcast v14, $0xE;
	v26 =	vld [tilespmem:s26+$0x100]  }
0x197: {  	v12 =	vld [tilespmem:s13+$0x0];
	[tilespmem:s21+$0x70] =	vst v21  }
0x198: {  	v28 =	vmul.f32 v28, v24;
	v31 =	vld [tilespmem:s9+$0x80]  }
0x199: {  	s19 =	simm.s32 $0x1800;
	v54 =	vbroadcast v17, $0x8;
	v21 =	vld [tilespmem:s13+$0xFFFFFFF0]  }
0x19a: {  	v22 =	vmul.f32 v22, v23;
	v23 =	vbroadcast v13, $0xC;
	[tilespmem:s23+$0xFFFFFFC0] =	vst v28;
	v28 =	vld [tilespmem:s19+$0x0]  }
0x19b: {  	v34 =	vbroadcast v11, $0x4;
	v29 =	vld [tilespmem:s25+$0xFFFFFF60];
	v26 =	vmul.f32 v26, v54  }
0x19c: {  	[tilespmem:s21+$0xFFFFFE70] =	vst v22;
	v22 =	vmul.f32 v27, v23;
	v27 =	vld [tilespmem:s19+$0xFFFFFE00]  }
0x19d: {  	v35 =	vbroadcast v12, $0x0;
	v36 =	vld [tilespmem:s9+$0xFFFFFE80];
	v31 =	vmul.f32 v31, v34;
	[tilespmem:s28+$0x100] =	vst v26  }
0x19e: {  	v25 =	vmul.f32 v25, v30;
	[tilespmem:s24+$0x180] =	vst v22;
	v26 =	vbroadcast v15, $0xB;
	v22 =	vld [tilespmem:s26+$0x110]  }
0x19f: {  	v37 =	vbroadcast v21, $0x0;
	v30 =	vld [tilespmem:s25+$0x190];
	v28 =	vmul.f32 v35, v28;
	[tilespmem:s21+$0x80] =	vst v31  }
0x1a0: {  	s8 =	simm.s32 $0x6800;
	[tilespmem:s28+$0xFFFFFEF0] =	vst v25;
	v31 =	vbroadcast v18, $0x4;
	v29 =	vmul.f32 v29, v26;
	v25 =	vld [tilespmem:s9+$0x90]  }
0x1a1: {  	v55 =	vld [tilespmem:s20+$0xFFFFFFD0];
	v27 =	vmul.f32 v37, v27;
	[tilespmem:s8+$0x0] =	vst v28  }
0x1a2: {  	[tilespmem:s24+$0xFFFFFF60] =	vst v29;
	v28 =	vld [tilespmem:s19+$0x10];
	v29 =	vmul.f32 v36, v31  }
0x1a3: {  	v38 =	vld [tilespmem:s26+$0xFFFFFF00];
	[tilespmem:s8+$0xFFFFFE00] =	vst v27;
	v22 =	vmul.f32 v22, v54  }
0x1a4: {  	v23 =	vmul.f32 v30, v23;
	v27 =	vld [tilespmem:s19+$0xFFFFFE10];
	[tilespmem:s21+$0xFFFFFE80] =	vst v29  }
0x1a5: {  	v29 =	vld [tilespmem:s9+$0xFFFFFE90];
	v25 =	vmul.f32 v25, v34;
	[tilespmem:s28+$0x110] =	vst v22  }
0x1a6: {  	v30 =	vbroadcast v16, $0x8;
	[tilespmem:s24+$0x190] =	vst v23;
	v22 =	vmul.f32 v55, v24;
	v23 =	vld [tilespmem:s26+$0x120]  }
0x1a7: {  	v56 =	vld [tilespmem:s25+$0xFFFFFF70];
	v28 =	vmul.f32 v28, v35;
	[tilespmem:s21+$0x90] =	vst v25  }
0x1a8: {  	[tilespmem:s23+$0xFFFFFFD0] =	vst v22;
	v25 =	vmul.f32 v38, v30;
	v57 =	vld [tilespmem:s9+$0xA0]  }
0x1a9: {  	v24 =	vld [tilespmem:s25+$0x1A0];
	v27 =	vmul.f32 v27, v37;
	[tilespmem:s8+$0x10] =	vst v28;
	v28 =	vbroadcast v17, $0x9  }
0x1aa: {  	[tilespmem:s28+$0xFFFFFF00] =	vst v25;
	v25 =	vld [tilespmem:s19+$0x20];
	v29 =	vmul.f32 v29, v31  }
0x1ab: {  	[tilespmem:s8+$0xFFFFFE10] =	vst v27;
	v27 =	vbroadcast v11, $0x5;
	v31 =	vld [tilespmem:s26+$0xFFFFFF10];
	v23 =	vmul.f32 v23, v28  }
0x1ac: {  	v58 =	vbroadcast v13, $0xD;
	v26 =	vmul.f32 v56, v26;
	v59 =	vld [tilespmem:s19+$0xFFFFFE20];
	[tilespmem:s21+$0xFFFFFE90] =	vst v29  }
0x1ad: {  	v29 =	vbroadcast v12, $0x1;
	v60 =	vld [tilespmem:s9+$0xFFFFFEA0];
	v32 =	vmul.f32 v57, v27;
	[tilespmem:s28+$0x120] =	vst v23  }
0x1ae: {  	[tilespmem:s24+$0xFFFFFF70] =	vst v26;
	v23 =	vmul.f32 v24, v58;
	v24 =	vld [tilespmem:s26+$0x130]  }
0x1af: {  	v26 =	vbroadcast v21, $0x1;
	v61 =	vld [tilespmem:s25+$0xFFFFFF80];
	v25 =	vmul.f32 v25, v29;
	[tilespmem:s21+$0xA0] =	vst v32  }
0x1b0: {  	v62 =	vbroadcast v18, $0x5;
	[tilespmem:s24+$0x1A0] =	vst v23;
	v23 =	vmul.f32 v31, v30;
	v30 =	vld [tilespmem:s9+$0xB0]  }
0x1b1: {  	v34 =	vmul.f32 v59, v26;
	v31 =	vld [tilespmem:s25+$0x1B0];
	[tilespmem:s8+$0x20] =	vst v25  }
0x1b2: {  	v25 =	vbroadcast v15, $0xC;
	[tilespmem:s28+$0xFFFFFF10] =	vst v23;
	v23 =	vld [tilespmem:s19+$0x30];
	v35 =	vmul.f32 v60, v62  }
0x1b3: {  	[tilespmem:s8+$0xFFFFFE20] =	vst v34;
	v63 =	vld [tilespmem:s26+$0xFFFFFF20];
	v24 =	vmul.f32 v24, v28  }
0x1b4: {  	v32 =	vmul.f32 v61, v25;
	v28 =	vld [tilespmem:s19+$0xFFFFFE30];
	[tilespmem:s21+$0xFFFFFEA0] =	vst v35  }
0x1b5: {  	v38 =	vld [tilespmem:s9+$0xFFFFFEB0];
	v27 =	vmul.f32 v30, v27;
	[tilespmem:s28+$0x130] =	vst v24  }
0x1b6: {  	[tilespmem:s24+$0xFFFFFF80] =	vst v32;
	v24 =	vbroadcast v16, $0x9;
	v30 =	vmul.f32 v31, v58;
	v31 =	vld [tilespmem:s26+$0x140]  }
0x1b7: {  	v23 =	vmul.f32 v23, v29;
	[tilespmem:s21+$0xB0] =	vst v27;
	v27 =	vld [tilespmem:s25+$0xFFFFFF90]  }
0x1b8: {  	[tilespmem:s24+$0x1B0] =	vst v30;
	v29 =	vmul.f32 v63, v24;
	v30 =	vld [tilespmem:s9+$0xC0]  }
0x1b9: {  	v39 =	vld [tilespmem:s25+$0x1C0];
	v26 =	vmul.f32 v28, v26;
	[tilespmem:s8+$0x30] =	vst v23;
	v23 =	vbroadcast v17, $0xA  }
0x1ba: {  	[tilespmem:s28+$0xFFFFFF20] =	vst v29;
	v28 =	vld [tilespmem:s19+$0x40];
	v29 =	vmul.f32 v38, v62  }
0x1bb: {  	v40 =	vld [tilespmem:s26+$0xFFFFFF30];
	[tilespmem:s8+$0xFFFFFE30] =	vst v26;
	v26 =	vbroadcast v11, $0x6;
	v31 =	vmul.f32 v31, v23  }
0x1bc: {  	v41 =	vbroadcast v13, $0xE;
	v42 =	vld [tilespmem:s19+$0xFFFFFE40];
	[tilespmem:s21+$0xFFFFFEB0] =	vst v29;
	v25 =	vmul.f32 v27, v25  }
0x1bd: {  	v27 =	vbroadcast v12, $0x2;
	v29 =	vld [tilespmem:s9+$0xFFFFFEC0];
	v30 =	vmul.f32 v30, v26;
	[tilespmem:s28+$0x140] =	vst v31  }
0x1be: {  	v31 =	vmul.f32 v39, v41;
	v43 =	vld [tilespmem:s26+$0x150];
	[tilespmem:s24+$0xFFFFFF90] =	vst v25  }
0x1bf: {  	v25 =	vbroadcast v21, $0x2;
	v28 =	vmul.f32 v28, v27;
	[tilespmem:s21+$0xC0] =	vst v30;
	v30 =	vld [tilespmem:s25+$0xFFFFFFA0]  }
0x1c0: {  	v44 =	vbroadcast v18, $0x6;
	[tilespmem:s24+$0x1C0] =	vst v31;
	v24 =	vmul.f32 v40, v24;
	v31 =	vld [tilespmem:s9+$0xD0]  }
0x1c1: {  	v45 =	vld [tilespmem:s25+$0x1D0];
	v35 =	vmul.f32 v42, v25;
	[tilespmem:s8+$0x40] =	vst v28  }
0x1c2: {  	v28 =	vbroadcast v15, $0xD;
	[tilespmem:s28+$0xFFFFFF30] =	vst v24;
	v24 =	vld [tilespmem:s19+$0x50];
	v29 =	vmul.f32 v29, v44  }
0x1c3: {  	v46 =	vld [tilespmem:s26+$0xFFFFFF40];
	[tilespmem:s8+$0xFFFFFE40] =	vst v35;
	v23 =	vmul.f32 v43, v23  }
0x1c4: {  	v47 =	vld [tilespmem:s19+$0xFFFFFE50];
	[tilespmem:s21+$0xFFFFFEC0] =	vst v29;
	v29 =	vmul.f32 v30, v28  }
0x1c5: {  	v30 =	vld [tilespmem:s9+$0xFFFFFED0];
	v26 =	vmul.f32 v31, v26;
	[tilespmem:s28+$0x150] =	vst v23  }
0x1c6: {  	v23 =	vbroadcast v16, $0xA;
	v31 =	vmul.f32 v45, v41;
	v48 =	vld [tilespmem:s26+$0x160];
	[tilespmem:s24+$0xFFFFFFA0] =	vst v29  }
0x1c7: {  	v24 =	vmul.f32 v24, v27;
	[tilespmem:s21+$0xD0] =	vst v26;
	v26 =	vld [tilespmem:s25+$0xFFFFFFB0]  }
0x1c8: {  	[tilespmem:s24+$0x1D0] =	vst v31;
	v27 =	vmul.f32 v46, v23;
	v29 =	vld [tilespmem:s9+$0xE0]  }
0x1c9: {  	v31 =	vld [tilespmem:s25+$0x1E0];
	v25 =	vmul.f32 v47, v25;
	[tilespmem:s8+$0x50] =	vst v24;
	v24 =	vbroadcast v17, $0xB  }
0x1ca: {  	[tilespmem:s28+$0xFFFFFF40] =	vst v27;
	v27 =	vld [tilespmem:s19+$0x60];
	v30 =	vmul.f32 v30, v44  }
0x1cb: {  	v49 =	vld [tilespmem:s26+$0xFFFFFF50];
	[tilespmem:s8+$0xFFFFFE50] =	vst v25;
	v25 =	vbroadcast v11, $0x7;
	v33 =	vmul.f32 v48, v24  }
0x1cc: {  	v13 =	vbroadcast v13, $0xF;
	v22 =	vld [tilespmem:s20+$0xFFFFFFE0];
	[tilespmem:s21+$0xFFFFFED0] =	vst v30;
	v26 =	vmul.f32 v26, v28  }
0x1cd: {  	v50 =	vld [tilespmem:s19+$0xFFFFFE60];
	v28 =	vbroadcast v12, $0x3;
	v29 =	vmul.f32 v29, v25;
	[tilespmem:s28+$0x160] =	vst v33  }
0x1ce: {  	v30 =	vld [tilespmem:s9+$0xFFFFFEE0];
	v31 =	vmul.f32 v31, v13;
	[tilespmem:s24+$0xFFFFFFB0] =	vst v26  }
0x1cf: {  	v33 =	vld [tilespmem:s26+$0x170];
	v27 =	vmul.f32 v27, v28;
	[tilespmem:s21+$0xE0] =	vst v29  }
0x1d0: {  	v26 =	vbroadcast v21, $0x3;
	[tilespmem:s24+$0x1E0] =	vst v31;
	v23 =	vmul.f32 v49, v23;
	v31 =	vld [tilespmem:s9+$0xF0]  }
0x1d1: {  	v51 =	vbroadcast v18, $0x7;
	v29 =	vld [tilespmem:s25+$0xFFFFFFC0];
	[tilespmem:s8+$0x60] =	vst v27  }
0x1d2: {  	v34 =	vmul.f32 v50, v26;
	[tilespmem:s28+$0xFFFFFF50] =	vst v23;
	v23 =	vld [tilespmem:s19+$0x70]  }
0x1d3: {  	v52 =	vld [tilespmem:s25+$0x1F0];
	v30 =	vmul.f32 v30, v51  }
0x1d4: {  	v27 =	vbroadcast v15, $0xE;
	v53 =	vld [tilespmem:s26+$0xFFFFFF60];
	[tilespmem:s8+$0xFFFFFE60] =	vst v34;
	v24 =	vmul.f32 v33, v24  }
0x1d5: {  	v54 =	vld [tilespmem:s19+$0xFFFFFE70];
	[tilespmem:s21+$0xFFFFFEE0] =	vst v30;
	v25 =	vmul.f32 v31, v25  }
0x1d6: {  	v29 =	vmul.f32 v29, v27;
	v30 =	vld [tilespmem:s9+$0xFFFFFEF0];
	[tilespmem:s28+$0x170] =	vst v24  }
0x1d7: {  	v24 =	vld [tilespmem:s26+$0x180];
	v23 =	vmul.f32 v23, v28;
	[tilespmem:s21+$0xF0] =	vst v25  }
0x1d8: {  	s17 =	simm.s32 $0x3B0;
	v19 =	vmul.f32 v20, v19;
	[tilespmem:s24+$0xFFFFFFC0] =	vst v29;
	v28 =	vbroadcast v16, $0xB;
	v20 =	vld [tilespmem:s9+$0x100]  }
0x1d9: {  	v29 =	vmul.f32 v52, v13;
	v13 =	vld [tilespmem:s17+$0x0];
	[tilespmem:s8+$0x70] =	vst v23  }
0x1da: {  	[tilespmem:s23+$0x1F0] =	vst v19;
	v23 =	vbroadcast v17, $0xC;
	v19 =	vmul.f32 v53, v28;
	v55 =	vld [tilespmem:s19+$0x80]  }
0x1db: {  	s31 =	simm.s32 $0x1C00;
	v31 =	vld [tilespmem:s17+$0xFFFFFFF0];
	[tilespmem:s24+$0x1F0] =	vst v29;
	v29 =	vbroadcast v11, $0x8;
	v26 =	vmul.f32 v54, v26  }
0x1dc: {  	[tilespmem:s28+$0xFFFFFF60] =	vst v19;
	v19 =	vld [tilespmem:s31+$0x0];
	v24 =	vmul.f32 v24, v23  }
0x1dd: {  	v57 =	vbroadcast v12, $0x4;
	[tilespmem:s8+$0xFFFFFE70] =	vst v26;
	v62 =	vld [tilespmem:s26+$0xFFFFFF70];
	v20 =	vmul.f32 v20, v29  }
0x1de: {  	v14 =	vbroadcast v14, $0xF;
	v56 =	vld [tilespmem:s31+$0xFFFFFE00];
	[tilespmem:s28+$0x180] =	vst v24;
	v24 =	vmul.f32 v30, v51  }
0x1df: {  	v30 =	vbroadcast v13, $0x0;
	v26 =	vld [tilespmem:s26+$0x190];
	v32 =	vmul.f32 v55, v57;
	[tilespmem:s21+$0x100] =	vst v20  }
0x1e0: {  	v58 =	vld [tilespmem:s19+$0xFFFFFE80];
	v20 =	vmul.f32 v22, v14;
	[tilespmem:s21+$0xFFFFFEF0] =	vst v24  }
0x1e1: {  	v22 =	vbroadcast v31, $0x0;
	v19 =	vmul.f32 v30, v19;
	v24 =	vld [tilespmem:s9+$0x110];
	[tilespmem:s8+$0x80] =	vst v32  }
0x1e2: {  	s13 =	simm.s32 $0x6C00;
	v25 =	vld [tilespmem:s25+$0xFFFFFFD0];
	v28 =	vmul.f32 v62, v28;
	[tilespmem:s23+$0xFFFFFFE0] =	vst v20  }
0x1e3: {  	v60 =	vbroadcast v21, $0x4;
	v20 =	vmul.f32 v22, v56;
	v61 =	vld [tilespmem:s19+$0x90];
	[tilespmem:s13+$0x0] =	vst v19  }
0x1e4: {  	v59 =	vld [tilespmem:s9+$0xFFFFFF00];
	[tilespmem:s28+$0xFFFFFF70] =	vst v28;
	v19 =	vmul.f32 v26, v23  }
0x1e5: {  	[tilespmem:s13+$0xFFFFFE00] =	vst v20;
	v20 =	vld [tilespmem:s31+$0x10];
	v23 =	vmul.f32 v58, v60  }
0x1e6: {  	v26 =	vld [tilespmem:s31+$0xFFFFFE10];
	v24 =	vmul.f32 v24, v29;
	[tilespmem:s28+$0x190] =	vst v19  }
0x1e7: {  	v29 =	vbroadcast v18, $0x8;
	v19 =	vmul.f32 v25, v27;
	[tilespmem:s8+$0xFFFFFE80] =	vst v23;
	v23 =	vld [tilespmem:s26+$0x1A0]  }
0x1e8: {  	v25 =	vld [tilespmem:s19+$0xFFFFFE90];
	v27 =	vmul.f32 v61, v57;
	[tilespmem:s21+$0x110] =	vst v24  }
0x1e9: {  	[tilespmem:s24+$0xFFFFFFD0] =	vst v19;
	v19 =	vmul.f32 v59, v29;
	v24 =	vld [tilespmem:s9+$0x120]  }
0x1ea: {  	v28 =	vld [tilespmem:s26+$0xFFFFFF80];
	v20 =	vmul.f32 v20, v30;
	[tilespmem:s8+$0x90] =	vst v27;
	v27 =	vbroadcast v17, $0xD  }
0x1eb: {  	v36 =	vbroadcast v21, $0x7;
	v22 =	vmul.f32 v26, v22;
	v26 =	vld [tilespmem:s19+$0xA0];
	[tilespmem:s21+$0xFFFFFF00] =	vst v19  }
0x1ec: {  	v48 =	vbroadcast v11, $0x9;
	[tilespmem:s13+$0x10] =	vst v20;
	v20 =	vld [tilespmem:s9+$0xFFFFFF10];
	v19 =	vmul.f32 v23, v27  }
0x1ed: {  	v63 =	vbroadcast v16, $0xC;
	[tilespmem:s13+$0xFFFFFE10] =	vst v22;
	v22 =	vld [tilespmem:s31+$0x20];
	v23 =	vmul.f32 v25, v60  }
0x1ee: {  	v49 =	vbroadcast v12, $0x5;
	v25 =	vld [tilespmem:s31+$0xFFFFFE20];
	v24 =	vmul.f32 v24, v48;
	[tilespmem:s28+$0x1A0] =	vst v19  }
0x1ef: {  	v40 =	vbroadcast v18, $0x9;
	v42 =	vbroadcast v12, $0x6;
	[tilespmem:s8+$0xFFFFFE90] =	vst v23;
	v23 =	vld [tilespmem:s26+$0x1B0]  }
0x1f0: {  	v50 =	vbroadcast v13, $0x1;
	v51 =	vld [tilespmem:s19+$0xFFFFFEA0];
	v26 =	vmul.f32 v26, v49;
	[tilespmem:s21+$0x120] =	vst v24  }
0x1f1: {  	v52 =	vbroadcast v31, $0x1;
	v20 =	vmul.f32 v20, v29;
	v24 =	vld [tilespmem:s9+$0x130]  }
0x1f2: {  	v35 =	vbroadcast v21, $0x8;
	v38 =	vld [tilespmem:s25+$0xFFFFFFE0];
	v22 =	vmul.f32 v22, v50;
	[tilespmem:s8+$0xA0] =	vst v26  }
0x1f3: {  	v29 =	vbroadcast v21, $0x5;
	v25 =	vmul.f32 v25, v52;
	v39 =	vld [tilespmem:s19+$0xB0];
	[tilespmem:s21+$0xFFFFFF10] =	vst v20  }
0x1f4: {  	v44 =	vbroadcast v18, $0xA;
	[tilespmem:s13+$0x20] =	vst v22;
	v41 =	vld [tilespmem:s9+$0xFFFFFF20];
	v20 =	vmul.f32 v23, v27  }
0x1f5: {  	v15 =	vbroadcast v15, $0xF;
	[tilespmem:s13+$0xFFFFFE20] =	vst v25;
	v23 =	vld [tilespmem:s31+$0x30];
	v22 =	vmul.f32 v51, v29  }
0x1f6: {  	v33 =	vbroadcast v21, $0x6;
	v25 =	vld [tilespmem:s31+$0xFFFFFE30];
	v27 =	vmul.f32 v24, v48;
	[tilespmem:s28+$0x1B0] =	vst v20  }
0x1f7: {  	v43 =	vbroadcast v13, $0x2;
	v28 =	vmul.f32 v28, v63;
	[tilespmem:s8+$0xFFFFFEA0] =	vst v22;
	v53 =	vld [tilespmem:s26+$0x1C0]  }
0x1f8: {  	v32 =	vbroadcast v21, $0x9;
	v54 =	vld [tilespmem:s19+$0xFFFFFEB0];
	v34 =	vmul.f32 v39, v49;
	[tilespmem:s21+$0x130] =	vst v27  }
0x1f9: {  	v56 =	vbroadcast v17, $0xE;
	[tilespmem:s28+$0xFFFFFF80] =	vst v28;
	v27 =	vmul.f32 v41, v40;
	v55 =	vld [tilespmem:s9+$0x140]  }
0x1fa: {  	v58 =	vbroadcast v11, $0xA;
	v28 =	vld [tilespmem:s26+$0xFFFFFF90];
	v23 =	vmul.f32 v23, v50;
	[tilespmem:s8+$0xB0] =	vst v34  }
0x1fb: {  	v30 =	vbroadcast v16, $0xD;
	v25 =	vmul.f32 v25, v52;
	v57 =	vld [tilespmem:s19+$0xC0];
	[tilespmem:s21+$0xFFFFFF20] =	vst v27  }
0x1fc: {  	v17 =	vbroadcast v17, $0xF;
	[tilespmem:s13+$0x30] =	vst v23;
	v23 =	vld [tilespmem:s9+$0xFFFFFF30];
	v27 =	vmul.f32 v53, v56  }
0x1fd: {  	v60 =	vbroadcast v31, $0x2;
	[tilespmem:s13+$0xFFFFFE30] =	vst v25;
	v25 =	vld [tilespmem:s31+$0x40];
	v29 =	vmul.f32 v54, v29  }
0x1fe: {  	v19 =	vbroadcast v16, $0xE;
	v59 =	vld [tilespmem:s31+$0xFFFFFE40];
	v39 =	vmul.f32 v55, v58;
	[tilespmem:s28+$0x1C0] =	vst v27  }
0x1ff: {  	v16 =	vbroadcast v16, $0xF;
	[tilespmem:s8+$0xFFFFFEB0] =	vst v29;
	v27 =	vmul.f32 v28, v63;
	v28 =	vld [tilespmem:s26+$0x1D0]  }
0x200: {  	v38 =	vmul.f32 v38, v15;
	v45 =	vld [tilespmem:s19+$0xFFFFFEC0];
	v29 =	vmul.f32 v57, v42;
	[tilespmem:s21+$0x140] =	vst v39  }
0x201: {  	v26 =	vbroadcast v18, $0xB;
	v23 =	vmul.f32 v23, v40;
	[tilespmem:s28+$0xFFFFFF90] =	vst v27;
	v61 =	vld [tilespmem:s9+$0x150]  }
0x202: {  	v51 =	vbroadcast v13, $0x3;
	v25 =	vmul.f32 v25, v43;
	[tilespmem:s8+$0xC0] =	vst v29;
	v46 =	vld [tilespmem:s26+$0xFFFFFFA0]  }
0x203: {  	v24 =	vbroadcast v18, $0xC;
	v27 =	vmul.f32 v59, v60;
	v62 =	vld [tilespmem:s19+$0xD0];
	[tilespmem:s21+$0xFFFFFF30] =	vst v23  }
0x204: {  	v22 =	vbroadcast v18, $0xD;
	[tilespmem:s13+$0x40] =	vst v25;
	v47 =	vld [tilespmem:s9+$0xFFFFFF40];
	v23 =	vmul.f32 v28, v56  }
0x205: {  	v20 =	vbroadcast v18, $0xE;
	[tilespmem:s13+$0xFFFFFE40] =	vst v27;
	v63 =	vld [tilespmem:s31+$0x50];
	v45 =	vmul.f32 v45, v33  }
0x206: {  	v18 =	vbroadcast v18, $0xF;
	v48 =	vld [tilespmem:s31+$0xFFFFFE50];
	v37 =	vmul.f32 v61, v58;
	[tilespmem:s28+$0x1D0] =	vst v23  }
0x207: {  	v29 =	vbroadcast v21, $0xA;
	[tilespmem:s8+$0xFFFFFEC0] =	vst v45;
	v52 =	vmul.f32 v46, v30;
	v53 =	vld [tilespmem:s26+$0x1E0]  }
0x208: {  	v25 =	vbroadcast v21, $0xD;
	v54 =	vld [tilespmem:s19+$0xFFFFFED0];
	v41 =	vmul.f32 v62, v42;
	[tilespmem:s21+$0x150] =	vst v37  }
0x209: {  	v28 =	vbroadcast v21, $0xB;
	v55 =	vmul.f32 v47, v44;
	[tilespmem:s28+$0xFFFFFFA0] =	vst v52;
	v56 =	vld [tilespmem:s9+$0x160]  }
0x20a: {  	v27 =	vbroadcast v21, $0xC;
	v34 =	vmul.f32 v63, v43;
	[tilespmem:s8+$0xD0] =	vst v41;
	v40 =	vld [tilespmem:s26+$0xFFFFFFB0]  }
0x20b: {  	v23 =	vbroadcast v21, $0xE;
	v39 =	vmul.f32 v48, v60;
	v41 =	vld [tilespmem:s19+$0xE0];
	[tilespmem:s21+$0xFFFFFF40] =	vst v55  }
0x20c: {  	v48 =	vbroadcast v11, $0xB;
	[tilespmem:s13+$0x50] =	vst v34;
	v57 =	vld [tilespmem:s9+$0xFFFFFF50];
	v58 =	vmul.f32 v53, v17  }
0x20d: {  	v21 =	vbroadcast v21, $0xF;
	[tilespmem:s13+$0xFFFFFE50] =	vst v39;
	v59 =	vld [tilespmem:s31+$0x60];
	v33 =	vmul.f32 v54, v33  }
0x20e: {  	v63 =	vbroadcast v12, $0x7;
	v62 =	vld [tilespmem:s31+$0xFFFFFE60];
	v49 =	vmul.f32 v56, v48;
	[tilespmem:s28+$0x1E0] =	vst v58  }
0x20f: {  	v42 =	vbroadcast v31, $0x5;
	[tilespmem:s8+$0xFFFFFED0] =	vst v33;
	v30 =	vmul.f32 v40, v30;
	v60 =	vld [tilespmem:s26+$0x1F0]  }
0x210: {  	v47 =	vbroadcast v31, $0x3;
	v50 =	vld [tilespmem:s19+$0xFFFFFEE0];
	v61 =	vmul.f32 v41, v63;
	[tilespmem:s21+$0x160] =	vst v49  }
0x211: {  	v37 =	vbroadcast v31, $0xA;
	v34 =	vmul.f32 v57, v44;
	[tilespmem:s28+$0xFFFFFFB0] =	vst v30;
	v49 =	vld [tilespmem:s9+$0x170]  }
0x212: {  	v43 =	vbroadcast v31, $0x4;
	v30 =	vmul.f32 v59, v51;
	[tilespmem:s8+$0xE0] =	vst v61;
	v52 =	vld [tilespmem:s26+$0xFFFFFFC0]  }
0x213: {  	v39 =	vbroadcast v31, $0x9;
	v45 =	vmul.f32 v62, v47;
	v53 =	vld [tilespmem:s19+$0xF0];
	[tilespmem:s21+$0xFFFFFF50] =	vst v34  }
0x214: {  	v40 =	vbroadcast v31, $0x8;
	[tilespmem:s13+$0x60] =	vst v30;
	v54 =	vld [tilespmem:s9+$0xFFFFFF60];
	v17 =	vmul.f32 v60, v17  }
0x215: {  	v33 =	vbroadcast v31, $0xE;
	[tilespmem:s13+$0xFFFFFE60] =	vst v45;
	v55 =	vld [tilespmem:s31+$0x70];
	v62 =	vmul.f32 v50, v36  }
0x216: {  	v41 =	vbroadcast v31, $0x6;
	v56 =	vld [tilespmem:s31+$0xFFFFFE70];
	v48 =	vmul.f32 v49, v48;
	[tilespmem:s28+$0x1F0] =	vst v17  }
0x217: {  	v44 =	vbroadcast v31, $0x7;
	v45 =	vld [tilespmem:s20+$0xFFFFFFF0];
	[tilespmem:s8+$0xFFFFFEE0] =	vst v62;
	v52 =	vmul.f32 v52, v19  }
0x218: {  	v34 =	vbroadcast v31, $0xB;
	v50 =	vld [tilespmem:s19+$0xFFFFFEF0];
	v46 =	vmul.f32 v53, v63;
	[tilespmem:s21+$0x170] =	vst v48  }
0x219: {  	v30 =	vbroadcast v31, $0xC;
	v63 =	vmul.f32 v54, v26;
	[tilespmem:s28+$0xFFFFFFC0] =	vst v52;
	v49 =	vld [tilespmem:s9+$0x180]  }
0x21a: {  	v17 =	vbroadcast v31, $0xD;
	[tilespmem:s8+$0xF0] =	vst v46;
	v46 =	vld [tilespmem:s26+$0xFFFFFFD0];
	v52 =	vmul.f32 v55, v51  }
0x21b: {  	s3 =	simm.s32 $0xA;
	s17 =	simm.s32 $0x3D0;
	s20 =	simm.s32 $0x1C00;
	v31 =	vbroadcast v31, $0xF;
	v51 =	vmul.f32 v56, v47;
	v47 =	vld [tilespmem:s19+$0x100];
	[tilespmem:s21+$0xFFFFFF60] =	vst v63  }
.LBB2_5:
0x21c: {  	v48 =	vld [tilespmem:s17+$0x0];
	[tilespmem:s13+$0x70] =	vst v52;
	v52 =	vbroadcast v11, $0xC;
	v45 =	vmul.f32 v45, v14;
	v14 =	vmovc v15;
	v15 =	vmovc v16;
	v16 =	vmov v18  }
0x21d: {  	s3 =	sadd.s32 $0x2, s3;
	v18 =	vmovc v21;
	v21 =	vmov v31;
	[tilespmem:s13+$0xFFFFFE70] =	vst v51;
	v51 =	vld [tilespmem:s31+$0x80];
	v50 =	vmul.f32 v50, v36;
	v36 =	vmov v44  }
0x21e: {  	p0 =	slt.u32 s3, $0x12;
	s31 =	sadd.s32 $0x400, s31;
	v44 =	vbroadcast v12, $0x8;
	v31 =	vld [tilespmem:s17+$0xFFFFFFF0];
	v49 =	vmul.f32 v49, v52;
	[tilespmem:s24+$0xFFFFFFE0] =	vst v38  }
0x21f: {  	v38 =	vld [tilespmem:s31+$0x0];
	[tilespmem:s8+$0xFFFFFEF0] =	vst v50;
	v46 =	vmul.f32 v46, v19;
	v19 =	vmovc v20;
	v20 =	vmov v23;
	v23 =	vmov v33  }
0x220: {  	v50 =	vbroadcast v13, $0x4;
	v33 =	vld [tilespmem:s31+$0xFFFFFE00];
	v47 =	vmul.f32 v47, v44;
	[tilespmem:s21+$0x180] =	vst v49  }
0x221: {  	v49 =	vld [tilespmem:s9+$0x190];
	[tilespmem:s28+$0xFFFFFFD0] =	vst v46  }
0x222: {  	v53 =	vbroadcast v48, $0x0;
	v46 =	vld [tilespmem:s20+$0xFFFFFE80];
	v54 =	vmul.f32 v51, v50;
	[tilespmem:s8+$0x100] =	vst v47  }
0x223: {  	v55 =	vbroadcast v31, $0x0;
	v51 =	vbroadcast v31, $0x1;
	v56 =	vld [tilespmem:s19+$0x110];
	[tilespmem:s23+$0xFFFFFFF0] =	vst v45;
	s23 =	smov.u32 s24;
	s24 =	smov.u32 s28;
	s28 =	smov.u32 s21  }
0x224: {  	v45 =	vbroadcast v31, $0x2;
	s21 =	smov.u32 s8;
	s8 =	smov.u32 s13;
	v38 =	vmul.f32 v53, v38;
	[tilespmem:s13+$0x80] =	vst v54;
	v54 =	vld [tilespmem:s19+$0xFFFFFF00]  }
0x225: {  	v47 =	vbroadcast v31, $0x3;
	s13 =	sadd.s32 $0x400, s13;
	v33 =	vmul.f32 v55, v33;
	v57 =	vld [tilespmem:s20+$0x90]  }
0x226: {  	v58 =	vbroadcast v31, $0x4;
	[tilespmem:s13+$0x0] =	vst v38;
	v38 =	vld [tilespmem:s9+$0xFFFFFF70];
	v52 =	vmul.f32 v49, v52  }
0x227: {  	v59 =	vbroadcast v31, $0x5;
	[tilespmem:s13+$0xFFFFFE00] =	vst v33;
	v33 =	vld [tilespmem:s31+$0x10];
	v46 =	vmul.f32 v46, v43  }
0x228: {  	v49 =	vbroadcast v31, $0x6;
	v60 =	vld [tilespmem:s31+$0xFFFFFE10];
	v56 =	vmul.f32 v56, v44;
	[tilespmem:s28+$0x190] =	vst v52  }
0x229: {  	v44 =	vbroadcast v31, $0x7;
	v52 =	vbroadcast v31, $0x8;
	[tilespmem:s8+$0xFFFFFE80] =	vst v46;
	v61 =	vld [tilespmem:s9+$0x1A0]  }
0x22a: {  	v54 =	vmul.f32 v54, v35;
	v62 =	vld [tilespmem:s20+$0xFFFFFE90];
	v50 =	vmul.f32 v57, v50;
	[tilespmem:s21+$0x110] =	vst v56  }
0x22b: {  	v46 =	vbroadcast v31, $0xA;
	v56 =	vbroadcast v31, $0x9;
	v57 =	vld [tilespmem:s19+$0x120]  }
0x22c: {  	v33 =	vmul.f32 v33, v53;
	[tilespmem:s8+$0x90] =	vst v50;
	v53 =	vbroadcast v11, $0xD;
	v63 =	vld [tilespmem:s26+$0xFFFFFFE0]  }
0x22d: {  	v50 =	vmul.f32 v60, v55;
	v55 =	vbroadcast v31, $0xB;
	v60 =	vld [tilespmem:s20+$0xA0];
	[tilespmem:s21+$0xFFFFFF00] =	vst v54  }
0x22e: {  	v2 =	vbroadcast v12, $0x9;
	[tilespmem:s13+$0x10] =	vst v33;
	v54 =	vld [tilespmem:s19+$0xFFFFFF10];
	v33 =	vmul.f32 v61, v53  }
0x22f: {  	v38 =	vmul.f32 v38, v26;
	v26 =	vmovc v28;
	[tilespmem:s13+$0xFFFFFE10] =	vst v50;
	v61 =	vld [tilespmem:s31+$0x20];
	v62 =	vmul.f32 v62, v43;
	v43 =	vmov v58  }
0x230: {  	v4 =	vbroadcast v13, $0x5;
	v28 =	vmovc v34;
	v34 =	vmov v55;
	v58 =	vld [tilespmem:s31+$0xFFFFFE20];
	v57 =	vmul.f32 v57, v2;
	[tilespmem:s28+$0x1A0] =	vst v33  }
0x231: {  	v55 =	vbroadcast v31, $0xC;
	v50 =	vbroadcast v31, $0xD;
	[tilespmem:s8+$0xFFFFFE90] =	vst v62;
	v62 =	vld [tilespmem:s9+$0x1B0]  }
0x232: {  	v6 =	vbroadcast v48, $0x1;
	v8 =	vld [tilespmem:s20+$0xFFFFFEA0];
	v60 =	vmul.f32 v60, v4;
	[tilespmem:s21+$0x120] =	vst v57  }
0x233: {  	v33 =	vbroadcast v31, $0xE;
	v54 =	vmul.f32 v54, v35;
	v57 =	vld [tilespmem:s19+$0x130];
	[tilespmem:s28+$0xFFFFFF70] =	vst v38;
	v35 =	vmovc v40;
	v40 =	vmov v52  }
0x234: {  	v31 =	vbroadcast v31, $0xF;
	v52 =	vmul.f32 v61, v6;
	[tilespmem:s8+$0xA0] =	vst v60;
	v60 =	vld [tilespmem:s9+$0xFFFFFF80]  }
0x235: {  	v38 =	vmul.f32 v63, v15;
	v58 =	vmul.f32 v58, v51;
	v61 =	vld [tilespmem:s20+$0xB0];
	[tilespmem:s21+$0xFFFFFF10] =	vst v54  }
0x236: {  	[tilespmem:s13+$0x20] =	vst v52;
	v52 =	vld [tilespmem:s19+$0xFFFFFF20];
	v53 =	vmul.f32 v62, v53  }
0x237: {  	[tilespmem:s13+$0xFFFFFE20] =	vst v58;
	v54 =	vld [tilespmem:s31+$0x30];
	v8 =	vmul.f32 v8, v42  }
0x238: {  	v58 =	vld [tilespmem:s31+$0xFFFFFE30];
	v2 =	vmul.f32 v57, v2;
	[tilespmem:s28+$0x1B0] =	vst v53  }
0x239: {  	[tilespmem:s8+$0xFFFFFEA0] =	vst v8;
	v8 =	vmul.f32 v60, v24;
	v53 =	vld [tilespmem:s9+$0x1C0]  }
0x23a: {  	v57 =	vld [tilespmem:s20+$0xFFFFFEB0];
	v4 =	vmul.f32 v61, v4;
	[tilespmem:s21+$0x130] =	vst v2  }
0x23b: {  	v2 =	vmul.f32 v52, v32;
	v52 =	vld [tilespmem:s19+$0x140];
	[tilespmem:s28+$0xFFFFFF80] =	vst v8  }
0x23c: {  	v8 =	vbroadcast v11, $0xE;
	v6 =	vmul.f32 v54, v6;
	[tilespmem:s8+$0xB0] =	vst v4;
	v4 =	vld [tilespmem:s9+$0xFFFFFF90]  }
0x23d: {  	v51 =	vmul.f32 v58, v51;
	v54 =	vld [tilespmem:s20+$0xC0];
	[tilespmem:s21+$0xFFFFFF20] =	vst v2  }
0x23e: {  	[tilespmem:s13+$0x30] =	vst v6;
	v2 =	vld [tilespmem:s19+$0xFFFFFF30];
	v6 =	vbroadcast v12, $0xA;
	v53 =	vmul.f32 v53, v8  }
0x23f: {  	[tilespmem:s13+$0xFFFFFE30] =	vst v51;
	v51 =	vld [tilespmem:s31+$0x40];
	v57 =	vmul.f32 v57, v42;
	v42 =	vmov v59  }
0x240: {  	v59 =	vbroadcast v13, $0x6;
	v58 =	vld [tilespmem:s31+$0xFFFFFE40];
	v52 =	vmul.f32 v52, v6;
	[tilespmem:s28+$0x1C0] =	vst v53  }
0x241: {  	[tilespmem:s8+$0xFFFFFEB0] =	vst v57;
	v4 =	vmul.f32 v4, v24;
	v53 =	vld [tilespmem:s9+$0x1D0];
	v24 =	vmovc v27;
	v27 =	vmov v30;
	v30 =	vmov v55  }
0x242: {  	v55 =	vbroadcast v48, $0x2;
	v57 =	vld [tilespmem:s20+$0xFFFFFEC0];
	v54 =	vmul.f32 v54, v59;
	[tilespmem:s21+$0x140] =	vst v52  }
0x243: {  	v2 =	vmul.f32 v2, v32;
	v52 =	vld [tilespmem:s19+$0x150];
	[tilespmem:s28+$0xFFFFFF90] =	vst v4;
	v32 =	vmov v39;
	v39 =	vmov v56  }
0x244: {  	v4 =	vmul.f32 v51, v55;
	[tilespmem:s8+$0xC0] =	vst v54;
	v51 =	vld [tilespmem:s9+$0xFFFFFFA0]  }
0x245: {  	v54 =	vmul.f32 v58, v45;
	v56 =	vld [tilespmem:s20+$0xD0];
	[tilespmem:s21+$0xFFFFFF30] =	vst v2  }
0x246: {  	[tilespmem:s13+$0x40] =	vst v4;
	v2 =	vld [tilespmem:s19+$0xFFFFFF40];
	v4 =	vmul.f32 v53, v8  }
0x247: {  	[tilespmem:s13+$0xFFFFFE40] =	vst v54;
	v8 =	vld [tilespmem:s31+$0x50];
	v53 =	vmul.f32 v57, v41  }
0x248: {  	v54 =	vld [tilespmem:s31+$0xFFFFFE50];
	v6 =	vmul.f32 v52, v6;
	[tilespmem:s28+$0x1D0] =	vst v4  }
0x249: {  	[tilespmem:s8+$0xFFFFFEC0] =	vst v53;
	v4 =	vmul.f32 v51, v22;
	v51 =	vld [tilespmem:s9+$0x1E0]  }
0x24a: {  	v52 =	vld [tilespmem:s20+$0xFFFFFED0];
	v53 =	vmul.f32 v56, v59;
	[tilespmem:s21+$0x150] =	vst v6  }
0x24b: {  	v2 =	vmul.f32 v2, v29;
	v6 =	vld [tilespmem:s19+$0x160];
	[tilespmem:s28+$0xFFFFFFA0] =	vst v4  }
0x24c: {  	v4 =	vmul.f32 v8, v55;
	[tilespmem:s8+$0xD0] =	vst v53;
	v8 =	vld [tilespmem:s9+$0xFFFFFFB0];
	v53 =	vbroadcast v11, $0xF;
	v11 =	vmovc v12;
	v12 =	vmovc v13;
	v13 =	vmov v48  }
0x24d: {  	v45 =	vmul.f32 v54, v45;
	v48 =	vld [tilespmem:s20+$0xE0];
	[tilespmem:s21+$0xFFFFFF40] =	vst v2  }
0x24e: {  	[tilespmem:s13+$0x50] =	vst v4;
	v2 =	vld [tilespmem:s19+$0xFFFFFF50];
	v4 =	vbroadcast v11, $0xB;
	v51 =	vmul.f32 v51, v53  }
0x24f: {  	[tilespmem:s13+$0xFFFFFE50] =	vst v45;
	v45 =	vld [tilespmem:s31+$0x60];
	v52 =	vmul.f32 v52, v41;
	v41 =	vmov v49  }
0x250: {  	v54 =	vbroadcast v12, $0x7;
	v49 =	vld [tilespmem:s31+$0xFFFFFE60];
	v6 =	vmul.f32 v6, v4;
	[tilespmem:s28+$0x1E0] =	vst v51  }
0x251: {  	[tilespmem:s8+$0xFFFFFED0] =	vst v52;
	v8 =	vmul.f32 v8, v22;
	v51 =	vld [tilespmem:s9+$0x1F0];
	v22 =	vmovc v25;
	v25 =	vmov v17;
	v17 =	vmov v50  }
0x252: {  	v52 =	vbroadcast v13, $0x3;
	v50 =	vld [tilespmem:s20+$0xFFFFFEE0];
	v48 =	vmul.f32 v48, v54;
	[tilespmem:s21+$0x160] =	vst v6  }
0x253: {  	v2 =	vmul.f32 v2, v29;
	v6 =	vld [tilespmem:s19+$0x170];
	[tilespmem:s28+$0xFFFFFFB0] =	vst v8;
	v29 =	vmov v37;
	v37 =	vmov v46  }
0x254: {  	v8 =	vmul.f32 v45, v52;
	[tilespmem:s8+$0xE0] =	vst v48;
	v45 =	vld [tilespmem:s9+$0xFFFFFFC0]  }
0x255: {  	v46 =	vmul.f32 v49, v47;
	v48 =	vld [tilespmem:s20+$0xF0];
	[tilespmem:s21+$0xFFFFFF50] =	vst v2  }
0x256: {  	[tilespmem:s13+$0x60] =	vst v8;
	v2 =	vld [tilespmem:s19+$0xFFFFFF60];
	v8 =	vmul.f32 v51, v53  }
0x257: {  	[tilespmem:s13+$0xFFFFFE60] =	vst v46;
	v46 =	vld [tilespmem:s31+$0x70];
	v49 =	vmul.f32 v50, v36  }
0x258: {  	v51 =	vld [tilespmem:s31+$0xFFFFFE70];
	v4 =	vmul.f32 v6, v4;
	[tilespmem:s28+$0x1F0] =	vst v8  }
.Ltmp3:
0x259: {  	[tilespmem:s8+$0xFFFFFEE0] =	vst v49;
	v6 =	vmul.f32 v45, v19;
	v45 =	vld [tilespmem:s25+$0xFFFFFFF0];
	s25 =	smov.u32 s26;
	s26 =	smov.u32 s9;
	(pc) =	sbr.rel @p0 .LBB2_5-.Ltmp3, $4  }
0x25a: {  	s9 =	smov.u32 s19;
	s19 =	smov.u32 s20;
	v50 =	vld [tilespmem:s20+$0xFFFFFEF0];
	v8 =	vmul.f32 v48, v54;
	[tilespmem:s21+$0x170] =	vst v4;
	s20 =	smov.u32 s31  }
0x25b: {  	v2 =	vmul.f32 v2, v26;
	v49 =	vld [tilespmem:s9+$0x180];
	[tilespmem:s28+$0xFFFFFFC0] =	vst v6  }
0x25c: {  	v52 =	vmul.f32 v46, v52;
	[tilespmem:s8+$0xF0] =	vst v8;
	v46 =	vld [tilespmem:s26+$0xFFFFFFD0]  }
0x25d: {  	s17 =	sadd.s32 $0x20, s17;
	v51 =	vmul.f32 v51, v47;
	v47 =	vld [tilespmem:s19+$0x100];
	[tilespmem:s21+$0xFFFFFF60] =	vst v2  }
0x25e: {  	[tilespmem:s13+$0x70] =	vst v52  }
0x25f: {  	v2 =	vld [tilespmem:s31+$0x80]  }
0x260: {  	[tilespmem:s13+$0xFFFFFE70] =	vst v51  }
0x261: {  	v6 =	vld [tilespmem:s20+$0xFFFFFE80]  }
0x262: {  	v4 =	vbroadcast v13, $0x4;
	_ =	sdelay $0x1  }
0x263: {  	v2 =	vmul.f32 v2, v4;
	_ =	sdelay $0x1  }
0x264: {  	v6 =	vmul.f32 v6, v43;
	[tilespmem:s13+$0x80] =	vst v2  }
0x265: {  	v2 =	vld [tilespmem:s20+$0x90]  }
0x266: {  	[tilespmem:s13+$0xFFFFFE80] =	vst v6  }
0x267: {  	v6 =	vld [tilespmem:s20+$0xFFFFFE90];
	_ =	sdelay $0x2  }
0x268: {  	v2 =	vmul.f32 v2, v4;
	_ =	sdelay $0x1  }
0x269: {  	v4 =	vmul.f32 v6, v43;
	[tilespmem:s13+$0x90] =	vst v2  }
0x26a: {  	v2 =	vld [tilespmem:s20+$0xA0]  }
0x26b: {  	[tilespmem:s13+$0xFFFFFE90] =	vst v4  }
0x26c: {  	v6 =	vld [tilespmem:s20+$0xFFFFFEA0]  }
0x26d: {  	v4 =	vbroadcast v13, $0x5;
	_ =	sdelay $0x1  }
0x26e: {  	v2 =	vmul.f32 v2, v4;
	_ =	sdelay $0x1  }
0x26f: {  	v6 =	vmul.f32 v6, v42;
	[tilespmem:s13+$0xA0] =	vst v2  }
0x270: {  	v2 =	vld [tilespmem:s20+$0xB0]  }
0x271: {  	[tilespmem:s13+$0xFFFFFEA0] =	vst v6  }
0x272: {  	v6 =	vld [tilespmem:s20+$0xFFFFFEB0];
	_ =	sdelay $0x2  }
0x273: {  	v2 =	vmul.f32 v2, v4;
	_ =	sdelay $0x1  }
0x274: {  	v4 =	vmul.f32 v6, v42;
	[tilespmem:s13+$0xB0] =	vst v2  }
0x275: {  	v2 =	vld [tilespmem:s20+$0xC0]  }
0x276: {  	[tilespmem:s13+$0xFFFFFEB0] =	vst v4  }
0x277: {  	v6 =	vld [tilespmem:s20+$0xFFFFFEC0]  }
0x278: {  	v4 =	vbroadcast v13, $0x6;
	_ =	sdelay $0x1  }
0x279: {  	v2 =	vmul.f32 v2, v4;
	_ =	sdelay $0x1  }
0x27a: {  	v6 =	vmul.f32 v6, v41;
	[tilespmem:s13+$0xC0] =	vst v2  }
0x27b: {  	v2 =	vld [tilespmem:s20+$0xD0]  }
0x27c: {  	[tilespmem:s13+$0xFFFFFEC0] =	vst v6  }
0x27d: {  	v6 =	vld [tilespmem:s20+$0xFFFFFED0];
	_ =	sdelay $0x2  }
0x27e: {  	v2 =	vmul.f32 v2, v4;
	_ =	sdelay $0x1  }
0x27f: {  	v4 =	vmul.f32 v6, v41;
	[tilespmem:s13+$0xD0] =	vst v2  }
0x280: {  	v2 =	vld [tilespmem:s20+$0xE0]  }
0x281: {  	[tilespmem:s13+$0xFFFFFED0] =	vst v4  }
0x282: {  	v6 =	vld [tilespmem:s20+$0xFFFFFEE0]  }
0x283: {  	v4 =	vbroadcast v13, $0x7;
	_ =	sdelay $0x1  }
0x284: {  	v2 =	vmul.f32 v2, v4;
	_ =	sdelay $0x1  }
0x285: {  	v6 =	vmul.f32 v6, v44;
	[tilespmem:s13+$0xE0] =	vst v2  }
0x286: {  	v2 =	vld [tilespmem:s20+$0xF0]  }
0x287: {  	[tilespmem:s13+$0xFFFFFEE0] =	vst v6  }
0x288: {  	v6 =	vld [tilespmem:s20+$0xFFFFFEF0];
	_ =	sdelay $0x2  }
0x289: {  	v2 =	vmul.f32 v2, v4  }
0x28a: {  	v4 =	vmul.f32 v50, v36  }
0x28b: {  	v6 =	vmul.f32 v6, v44;
	[tilespmem:s13+$0xF0] =	vst v2  }
0x28c: {  	v8 =	vbroadcast v12, $0x8;
	[tilespmem:s8+$0xFFFFFEF0] =	vst v4;
	v2 =	vld [tilespmem:s20+$0x100]  }
0x28d: {  	v4 =	vld [tilespmem:s19+$0xFFFFFF00];
	[tilespmem:s13+$0xFFFFFEF0] =	vst v6  }
0x28e: {  	v6 =	vmul.f32 v47, v8;
	v61 =	vld [tilespmem:s20+$0xFFFFFF00]  }
0x28f: {  	v60 =	vbroadcast v13, $0x8  }
0x290: {  	[tilespmem:s8+$0x100] =	vst v6  }
0x291: {  	v6 =	vld [tilespmem:s19+$0x110];
	v2 =	vmul.f32 v2, v60  }
0x292: {  	v4 =	vmul.f32 v4, v35  }
0x293: {  	v41 =	vmul.f32 v61, v40;
	[tilespmem:s13+$0x100] =	vst v2  }
0x294: {  	[tilespmem:s8+$0xFFFFFF00] =	vst v4;
	v2 =	vld [tilespmem:s20+$0x110]  }
0x295: {  	v4 =	vld [tilespmem:s19+$0xFFFFFF10];
	[tilespmem:s13+$0xFFFFFF00] =	vst v41  }
0x296: {  	v6 =	vmul.f32 v6, v8;
	v8 =	vld [tilespmem:s20+$0xFFFFFF10];
	_ =	sdelay $0x1  }
0x297: {  	[tilespmem:s8+$0x110] =	vst v6  }
0x298: {  	v6 =	vld [tilespmem:s19+$0x120];
	v2 =	vmul.f32 v2, v60  }
0x299: {  	v4 =	vmul.f32 v4, v35  }
0x29a: {  	v8 =	vmul.f32 v8, v40;
	[tilespmem:s13+$0x110] =	vst v2  }
0x29b: {  	v62 =	vbroadcast v12, $0x9;
	[tilespmem:s8+$0xFFFFFF10] =	vst v4;
	v2 =	vld [tilespmem:s20+$0x120]  }
0x29c: {  	v4 =	vld [tilespmem:s19+$0xFFFFFF20];
	[tilespmem:s13+$0xFFFFFF10] =	vst v8  }
0x29d: {  	v6 =	vmul.f32 v6, v62;
	v63 =	vld [tilespmem:s20+$0xFFFFFF20]  }
0x29e: {  	v8 =	vbroadcast v13, $0x9  }
0x29f: {  	[tilespmem:s8+$0x120] =	vst v6  }
0x2a0: {  	v6 =	vld [tilespmem:s19+$0x130];
	v2 =	vmul.f32 v2, v8  }
0x2a1: {  	v4 =	vmul.f32 v4, v32  }
0x2a2: {  	v36 =	vmul.f32 v63, v39;
	[tilespmem:s13+$0x120] =	vst v2  }
0x2a3: {  	[tilespmem:s8+$0xFFFFFF20] =	vst v4;
	v2 =	vld [tilespmem:s20+$0x130]  }
0x2a4: {  	v4 =	vld [tilespmem:s19+$0xFFFFFF30];
	[tilespmem:s13+$0xFFFFFF20] =	vst v36  }
0x2a5: {  	v6 =	vmul.f32 v6, v62;
	v40 =	vld [tilespmem:s20+$0xFFFFFF30];
	_ =	sdelay $0x1  }
0x2a6: {  	[tilespmem:s8+$0x130] =	vst v6  }
0x2a7: {  	v6 =	vld [tilespmem:s19+$0x140];
	v2 =	vmul.f32 v2, v8  }
0x2a8: {  	v4 =	vmul.f32 v4, v32  }
0x2a9: {  	v8 =	vmul.f32 v40, v39;
	[tilespmem:s13+$0x130] =	vst v2  }
0x2aa: {  	v41 =	vbroadcast v12, $0xA;
	[tilespmem:s8+$0xFFFFFF30] =	vst v4;
	v2 =	vld [tilespmem:s20+$0x140]  }
0x2ab: {  	v4 =	vld [tilespmem:s19+$0xFFFFFF40];
	[tilespmem:s13+$0xFFFFFF30] =	vst v8  }
0x2ac: {  	v6 =	vmul.f32 v6, v41;
	v42 =	vld [tilespmem:s20+$0xFFFFFF40]  }
0x2ad: {  	v8 =	vbroadcast v13, $0xA  }
0x2ae: {  	[tilespmem:s8+$0x140] =	vst v6  }
0x2af: {  	v6 =	vld [tilespmem:s19+$0x150];
	v2 =	vmul.f32 v2, v8  }
0x2b0: {  	v4 =	vmul.f32 v4, v29  }
0x2b1: {  	v35 =	vmul.f32 v42, v37;
	[tilespmem:s13+$0x140] =	vst v2  }
0x2b2: {  	[tilespmem:s8+$0xFFFFFF40] =	vst v4;
	v2 =	vld [tilespmem:s20+$0x150]  }
0x2b3: {  	v4 =	vld [tilespmem:s19+$0xFFFFFF50];
	[tilespmem:s13+$0xFFFFFF40] =	vst v35  }
0x2b4: {  	v6 =	vmul.f32 v6, v41;
	v43 =	vld [tilespmem:s20+$0xFFFFFF50];
	_ =	sdelay $0x1  }
0x2b5: {  	[tilespmem:s8+$0x150] =	vst v6  }
0x2b6: {  	v6 =	vld [tilespmem:s19+$0x160];
	v2 =	vmul.f32 v2, v8  }
0x2b7: {  	v4 =	vmul.f32 v4, v29  }
0x2b8: {  	v8 =	vmul.f32 v43, v37;
	[tilespmem:s13+$0x150] =	vst v2  }
0x2b9: {  	v44 =	vbroadcast v12, $0xB;
	[tilespmem:s8+$0xFFFFFF50] =	vst v4;
	v2 =	vld [tilespmem:s20+$0x160]  }
0x2ba: {  	v4 =	vld [tilespmem:s19+$0xFFFFFF60];
	[tilespmem:s13+$0xFFFFFF50] =	vst v8  }
0x2bb: {  	v6 =	vmul.f32 v6, v44;
	v47 =	vld [tilespmem:s20+$0xFFFFFF60]  }
0x2bc: {  	v8 =	vbroadcast v13, $0xB  }
0x2bd: {  	[tilespmem:s8+$0x160] =	vst v6  }
0x2be: {  	v6 =	vld [tilespmem:s19+$0x170];
	v2 =	vmul.f32 v2, v8  }
0x2bf: {  	v4 =	vmul.f32 v4, v28  }
0x2c0: {  	v48 =	vld [tilespmem:s9+$0xFFFFFF70];
	v32 =	vmul.f32 v47, v34;
	[tilespmem:s13+$0x160] =	vst v2  }
0x2c1: {  	[tilespmem:s8+$0xFFFFFF60] =	vst v4;
	v2 =	vld [tilespmem:s20+$0x170]  }
0x2c2: {  	v4 =	vld [tilespmem:s19+$0xFFFFFF70];
	[tilespmem:s13+$0xFFFFFF60] =	vst v32  }
0x2c3: {  	v6 =	vmul.f32 v6, v44;
	v50 =	vld [tilespmem:s20+$0xFFFFFF70];
	_ =	sdelay $0x1  }
0x2c4: {  	[tilespmem:s8+$0x170] =	vst v6;
	v6 =	vmul.f32 v48, v26  }
0x2c5: {  	v2 =	vmul.f32 v2, v8;
	v8 =	vld [tilespmem:s19+$0x180]  }
0x2c6: {  	[tilespmem:s21+$0xFFFFFF70] =	vst v6;
	v4 =	vmul.f32 v4, v28  }
0x2c7: {  	v51 =	vbroadcast v11, $0xC;
	v53 =	vld [tilespmem:s9+$0xFFFFFF80];
	v6 =	vmul.f32 v50, v34;
	[tilespmem:s13+$0x170] =	vst v2  }
0x2c8: {  	v54 =	vbroadcast v12, $0xC;
	[tilespmem:s8+$0xFFFFFF70] =	vst v4;
	v2 =	vld [tilespmem:s20+$0x180]  }
0x2c9: {  	v52 =	vmul.f32 v49, v51;
	v4 =	vld [tilespmem:s19+$0xFFFFFF80];
	[tilespmem:s13+$0xFFFFFF70] =	vst v6  }
0x2ca: {  	v55 =	vld [tilespmem:s20+$0xFFFFFF80];
	v6 =	vmul.f32 v8, v54  }
0x2cb: {  	[tilespmem:s21+$0x180] =	vst v52;
	v8 =	vbroadcast v13, $0xC  }
0x2cc: {  	v56 =	vld [tilespmem:s9+$0x190];
	[tilespmem:s8+$0x180] =	vst v6;
	v6 =	vmul.f32 v53, v24  }
0x2cd: {  	v2 =	vmul.f32 v2, v8;
	v57 =	vld [tilespmem:s19+$0x190]  }
0x2ce: {  	v4 =	vmul.f32 v4, v27;
	[tilespmem:s21+$0xFFFFFF80] =	vst v6  }
0x2cf: {  	v6 =	vmul.f32 v55, v30;
	[tilespmem:s13+$0x180] =	vst v2;
	v58 =	vld [tilespmem:s9+$0xFFFFFF90]  }
0x2d0: {  	[tilespmem:s8+$0xFFFFFF80] =	vst v4;
	v2 =	vld [tilespmem:s20+$0x190]  }
0x2d1: {  	v26 =	vmul.f32 v56, v51;
	v4 =	vld [tilespmem:s19+$0xFFFFFF90];
	[tilespmem:s13+$0xFFFFFF80] =	vst v6  }
0x2d2: {  	v59 =	vld [tilespmem:s20+$0xFFFFFF90];
	v6 =	vmul.f32 v57, v54  }
0x2d3: {  	[tilespmem:s21+$0x190] =	vst v26  }
0x2d4: {  	v60 =	vld [tilespmem:s9+$0x1A0];
	[tilespmem:s8+$0x190] =	vst v6;
	v6 =	vmul.f32 v58, v24  }
0x2d5: {  	v2 =	vmul.f32 v2, v8;
	v8 =	vld [tilespmem:s19+$0x1A0]  }
0x2d6: {  	v4 =	vmul.f32 v4, v27;
	[tilespmem:s21+$0xFFFFFF90] =	vst v6  }
0x2d7: {  	v61 =	vbroadcast v11, $0xD;
	v6 =	vmul.f32 v59, v30;
	[tilespmem:s13+$0x190] =	vst v2;
	v63 =	vld [tilespmem:s9+$0xFFFFFFA0]  }
0x2d8: {  	v32 =	vbroadcast v12, $0xD;
	[tilespmem:s8+$0xFFFFFF90] =	vst v4;
	v2 =	vld [tilespmem:s20+$0x1A0]  }
0x2d9: {  	v62 =	vmul.f32 v60, v61;
	v4 =	vld [tilespmem:s19+$0xFFFFFFA0];
	[tilespmem:s13+$0xFFFFFF90] =	vst v6  }
0x2da: {  	v34 =	vld [tilespmem:s20+$0xFFFFFFA0];
	v6 =	vmul.f32 v8, v32  }
0x2db: {  	[tilespmem:s21+$0x1A0] =	vst v62;
	v8 =	vbroadcast v13, $0xD  }
0x2dc: {  	v35 =	vld [tilespmem:s9+$0x1B0];
	[tilespmem:s8+$0x1A0] =	vst v6;
	v6 =	vmul.f32 v63, v22  }
0x2dd: {  	v2 =	vmul.f32 v2, v8;
	v36 =	vld [tilespmem:s19+$0x1B0]  }
0x2de: {  	v4 =	vmul.f32 v4, v25;
	[tilespmem:s21+$0xFFFFFFA0] =	vst v6  }
0x2df: {  	v6 =	vmul.f32 v34, v17;
	[tilespmem:s13+$0x1A0] =	vst v2;
	v37 =	vld [tilespmem:s9+$0xFFFFFFB0]  }
0x2e0: {  	[tilespmem:s8+$0xFFFFFFA0] =	vst v4;
	v2 =	vld [tilespmem:s20+$0x1B0]  }
0x2e1: {  	v24 =	vmul.f32 v35, v61;
	v4 =	vld [tilespmem:s19+$0xFFFFFFB0];
	[tilespmem:s13+$0xFFFFFFA0] =	vst v6  }
0x2e2: {  	v39 =	vld [tilespmem:s20+$0xFFFFFFB0];
	v6 =	vmul.f32 v36, v32  }
0x2e3: {  	[tilespmem:s21+$0x1B0] =	vst v24  }
0x2e4: {  	v40 =	vld [tilespmem:s9+$0x1C0];
	[tilespmem:s8+$0x1B0] =	vst v6;
	v6 =	vmul.f32 v37, v22  }
0x2e5: {  	v2 =	vmul.f32 v2, v8;
	v8 =	vld [tilespmem:s19+$0x1C0]  }
0x2e6: {  	v4 =	vmul.f32 v4, v25;
	[tilespmem:s21+$0xFFFFFFB0] =	vst v6  }
0x2e7: {  	v41 =	vbroadcast v11, $0xE;
	v6 =	vmul.f32 v39, v17;
	[tilespmem:s13+$0x1B0] =	vst v2;
	v43 =	vld [tilespmem:s9+$0xFFFFFFC0]  }
0x2e8: {  	v44 =	vbroadcast v12, $0xE;
	[tilespmem:s8+$0xFFFFFFB0] =	vst v4;
	v2 =	vld [tilespmem:s20+$0x1C0]  }
0x2e9: {  	v42 =	vmul.f32 v40, v41;
	v4 =	vld [tilespmem:s19+$0xFFFFFFC0];
	[tilespmem:s13+$0xFFFFFFB0] =	vst v6  }
0x2ea: {  	v47 =	vld [tilespmem:s20+$0xFFFFFFC0];
	v6 =	vmul.f32 v8, v44  }
0x2eb: {  	[tilespmem:s21+$0x1C0] =	vst v42;
	v8 =	vbroadcast v13, $0xE  }
0x2ec: {  	v48 =	vld [tilespmem:s9+$0x1D0];
	[tilespmem:s8+$0x1C0] =	vst v6;
	v6 =	vmul.f32 v43, v20  }
0x2ed: {  	v2 =	vmul.f32 v2, v8;
	v49 =	vld [tilespmem:s19+$0x1D0]  }
0x2ee: {  	v4 =	vmul.f32 v4, v23;
	[tilespmem:s21+$0xFFFFFFC0] =	vst v6  }
0x2ef: {  	v6 =	vmul.f32 v47, v33;
	[tilespmem:s13+$0x1C0] =	vst v2;
	v51 =	vld [tilespmem:s9+$0xFFFFFFD0]  }
0x2f0: {  	v19 =	vmul.f32 v46, v19;
	[tilespmem:s8+$0xFFFFFFC0] =	vst v4;
	v2 =	vld [tilespmem:s20+$0x1D0]  }
0x2f1: {  	v50 =	vmul.f32 v48, v41;
	v4 =	vld [tilespmem:s19+$0xFFFFFFD0];
	[tilespmem:s13+$0xFFFFFFC0] =	vst v6  }
0x2f2: {  	[tilespmem:s28+$0xFFFFFFD0] =	vst v19;
	v52 =	vld [tilespmem:s20+$0xFFFFFFD0];
	v6 =	vmul.f32 v49, v44  }
0x2f3: {  	[tilespmem:s21+$0x1D0] =	vst v50  }
0x2f4: {  	v53 =	vld [tilespmem:s9+$0x1E0];
	[tilespmem:s8+$0x1D0] =	vst v6;
	v6 =	vmul.f32 v51, v20  }
0x2f5: {  	[tilespmem:s24+$0xFFFFFFE0] =	vst v38;
	v19 =	vld [tilespmem:s26+$0xFFFFFFE0];
	v2 =	vmul.f32 v2, v8  }
0x2f6: {  	v8 =	vld [tilespmem:s19+$0x1E0];
	v4 =	vmul.f32 v4, v23;
	[tilespmem:s21+$0xFFFFFFD0] =	vst v6  }
0x2f7: {  	v11 =	vbroadcast v11, $0xF;
	v59 =	vld [tilespmem:s25+$0xFFFFFFF0];
	v6 =	vmul.f32 v52, v33;
	[tilespmem:s13+$0x1D0] =	vst v2  }
0x2f8: {  	[tilespmem:s8+$0xFFFFFFD0] =	vst v4;
	v4 =	vmul.f32 v45, v14;
	v2 =	vld [tilespmem:s20+$0x1E0]  }
0x2f9: {  	v56 =	vbroadcast v12, $0xF;
	v54 =	vmul.f32 v53, v11;
	v55 =	vld [tilespmem:s9+$0xFFFFFFE0];
	[tilespmem:s13+$0xFFFFFFD0] =	vst v6  }
0x2fa: {  	v57 =	vld [tilespmem:s19+$0xFFFFFFE0];
	[tilespmem:s23+$0xFFFFFFF0] =	vst v4;
	v4 =	vmul.f32 v19, v16  }
0x2fb: {  	[tilespmem:s21+$0x1E0] =	vst v54;
	v58 =	vld [tilespmem:s20+$0xFFFFFFE0];
	v6 =	vmul.f32 v8, v56;
	v8 =	vbroadcast v13, $0xF  }
0x2fc: {  	v17 =	vld [tilespmem:s9+$0x1F0];
	[tilespmem:s28+$0xFFFFFFE0] =	vst v4  }
0x2fd: {  	[tilespmem:s8+$0x1E0] =	vst v6;
	v60 =	vld [tilespmem:s26+$0xFFFFFFF0];
	v2 =	vmul.f32 v2, v8  }
0x2fe: {  	v4 =	vmul.f32 v55, v18;
	v6 =	vld [tilespmem:s19+$0x1F0]  }
0x2ff: {  	v14 =	vmul.f32 v57, v21;
	[tilespmem:s13+$0x1E0] =	vst v2  }
0x300: {  	[tilespmem:s21+$0xFFFFFFE0] =	vst v4;
	v4 =	vmul.f32 v58, v31;
	v2 =	vld [tilespmem:s20+$0x1F0]  }
0x301: {  	v11 =	vmul.f32 v17, v11;
	v61 =	vld [tilespmem:s9+$0xFFFFFFF0];
	[tilespmem:s8+$0xFFFFFFE0] =	vst v14  }
0x302: {  	v62 =	vmul.f32 v59, v15;
	v63 =	vld [tilespmem:s19+$0xFFFFFFF0];
	[tilespmem:s13+$0xFFFFFFE0] =	vst v4  }
0x303: {  	[tilespmem:s21+$0x1F0] =	vst v11;
	v11 =	vmul.f32 v60, v16;
	v4 =	vmul.f32 v6, v56;
	v6 =	vld [tilespmem:s20+$0xFFFFFFF0]  }
0x304: {  	[tilespmem:s24+$0xFFFFFFF0] =	vst v62  }
0x305: {  	[tilespmem:s28+$0xFFFFFFF0] =	vst v11;
	v2 =	vmul.f32 v2, v8  }
0x306: {  	[tilespmem:s8+$0x1F0] =	vst v4;
	v4 =	vmul.f32 v61, v18  }
0x307: {  	[tilespmem:s13+$0x1F0] =	vst v2;
	v2 =	vmul.f32 v63, v21  }
0x308: {  	[tilespmem:s21+$0xFFFFFFF0] =	vst v4;
	v4 =	vmul.f32 v6, v31  }
0x309: {  	[tilespmem:s8+$0xFFFFFFF0] =	vst v2  }
0x30a: {  	s3 =	simm.s32 $0x100;
	[tilespmem:s13+$0xFFFFFFF0] =	vst v4  }
0x30b: {  	[spmem:s2] =	stream.indirect.scatter.add.f32 [tilespmem:s14], [sflag:$0x3], $0x80, s3, s18, $0xb8;
	[tilespmem:$0x1F600] =	vst v63  }
0x30c: {  	_ =	swait.ge [sflag:s30], $0x5000  }
0x30d: {  	[sflag:s30] =	ssyncset.done $0x0  }
0x30e: {  	p0 =	por $0x1, $0x1;
	s3 =	simm.s32 $0x0;
	[sflag:s30] =	ssyncadd.s32 $0xFFFFB000  }
.LBB2_7:
0x30f: {  	v2 =	vld [tilespmem:s3+$0x100];
	_ =	sdelay $0x1  }
0x310: {  	v6 =	vld [tilespmem:s3+$0x110]  }
0x311: {  	s8 =	sor.u32 $0x50, s3  }
0x312: {  	v4 =	vmov s8  }
0x313: {  	s31 =	sadd.s32 $0x60, s3;
	v4 =	vshll.u32 v4, $0x7;
	v2 =	vshll.u32 v2, $0x2  }
0x314: {  	v8 =	vmov s31;
	v4 =	vor.u32 v1, v4;
	v2 =	vand.u32 $0x7C, v2  }
0x315: {  	v8 =	vshll.u32 v8, $0x7;
	v6 =	vshll.u32 v6, $0x2;
	v2 =	vor.u32 v4, v2  }
0x316: {  	v8 =	vor.u32 v1, v8;
	v6 =	vand.u32 $0x7C, v6;
	v4 =	vor.u32 $0x1, v2  }
0x317: {  	v6 =	vor.u32 v8, v6  }
0x318: {  	v11 =	vor.u32 $0x2, v2  }
0x319: {  	v12 =	vor.u32 $0x3, v2  }
0x31a: {  	[tilespmem:v2+s14+$0x0] =	vst.idx.msk $0xffff, v10;
	v2 =	vor.u32 $0x1, v6  }
0x31b: {  	[tilespmem:v4+s14+$0x0] =	vst.idx.msk $0xffff, v10;
	v4 =	vor.u32 $0x2, v6  }
0x31c: {  	p1 =	por p0, p0;
	v8 =	vor.u32 $0x3, v6;
	[tilespmem:v6+s14+$0x0] =	vst.idx.msk $0xffff, v10  }
.Ltmp4:
0x31d: {  	[tilespmem:v11+s14+$0x0] =	vst.idx.msk $0xffff, v10;
	(pc) =	sbr.rel @p1 .LBB2_7-.Ltmp4, $4  }
0x31e: {  	[tilespmem:v12+s14+$0x0] =	vst.idx.msk $0xffff, v10  }
0x31f: {  	[tilespmem:v2+s14+$0x0] =	vst.idx.msk $0xffff, v10  }
0x320: {  	[tilespmem:v4+s14+$0x0] =	vst.idx.msk $0xffff, v10  }
0x321: {  	s3 =	simm.s32 $0x20;
	p0 =	por $0x0, $0x0;
	[tilespmem:v8+s14+$0x0] =	vst.idx.msk $0xffff, v10  }
0x322: {  	v2 =	vld [tilespmem:$0x140];
	_ =	sdelay $0x4  }
0x323: {  	v2 =	vshll.u32 v2, $0x2  }
0x324: {  	v2 =	vand.u32 $0x7C, v2  }
0x325: {  	v4 =	vor.u32 v3, v2  }
0x326: {  	v6 =	vor.u32 v5, v2  }
0x327: {  	v8 =	vor.u32 v7, v2  }
0x328: {  	p0 =	seq.s32 s22, $0x3F;
	v2 =	vor.u32 v9, v2  }
0x329: {  	s3 =	smul.u32 @!p0 $0xA0, s22  }
0x32a: {  	[tilespmem:v4+s14+$0x0] =	vst.idx.msk $0xffff, v10  }
0x32b: {  	s3 =	sadd.s32 @!p0 s3, s16;
	[tilespmem:v6+s14+$0x0] =	vst.idx.msk $0xffff, v10  }
0x32c: {  	s8 =	sshrl.u32 @!p0 s3, $0x3;
	[tilespmem:v8+s14+$0x0] =	vst.idx.msk $0xffff, v10  }
0x32d: {  	s13 =	simm.s32 @!p0 $0x0;
	s9 =	sadd.s32 @!p0 s5, s8;
	[tilespmem:v2+s14+$0x0] =	vst.idx.msk $0xffff, v10  }
0x32e: {  	[tilespmem:s13], [sflag:$0x2] =	stream.linear.gather @!p0 [hbm4b:s9+s13], $0x50, $0x38;
	[tilespmem:$0x1F600] =	vst v63  }
0x32f: {  	s3 =	sshrl.u32 @!p0 s3, $0x1;
	s8 =	sadd.s32 @!p0 s6, s8;
	s9 =	simm.s32 @!p0 $0x100  }
0x330: {  	[tilespmem:s9], [sflag:$0x2] =	stream.linear.gather @!p0 [hbm4b:s8+s13], $0x50, $0x38;
	[tilespmem:$0x1F600] =	vst v63  }
0x331: {  	s3 =	sadd.s32 @!p0 s7, s3;
	s8 =	simm.s32 @!p0 $0x300  }
0x332: {  	[tilespmem:s8], [sflag:$0x2] =	stream.linear.gather @!p0 [hbm4b:s3+s13], $0x140, $0x38;
	[tilespmem:$0x1F600] =	vst v63  }
0x333: {  	s3 =	simm.s32 @!p0 $0x2  }
0x334: {  	_ =	swait.ge @!p0 [sflag:s3], $0x50  }
0x335: {  	[sflag:s3] =	ssyncset.done @!p0 $0x0  }
0x336: {  	[sflag:s3] =	ssyncadd.s32 @!p0 $0xFFFFFFB0  }
0x337: {  	_ =	swait.ge @!p0 [sflag:s3], $0x50  }
0x338: {  	[sflag:s3] =	ssyncset.done @!p0 $0x0  }
0x339: {  	[sflag:s3] =	ssyncadd.s32 @!p0 $0xFFFFFFB0  }
0x33a: {  	_ =	swait.ge @!p0 [sflag:s3], $0x140  }
0x33b: {  	[sflag:s3] =	ssyncset.done @!p0 $0x0  }
0x33c: {  	s8 =	simm.s32 @!p0 $0x600;
	[sflag:s3] =	ssyncadd.s32 @!p0 $0xFFFFFEC0;
	s3 =	simm.s32 @!p0 $0x50  }
0x33d: {  	[tilespmem:s8], [sflag:$0x1] =	stream.indirect.gather @!p0 [hbm4b:s1+s3], $0x80, s13, s3, $0xb8;
	[tilespmem:$0x1F600] =	vst v63  }
0x33e: {  	p1 =	por $0x1, $0x1;
	s3 =	simm.s32 $0x0  }
.LBB2_9:
0x33f: {  	v2 =	vld [tilespmem:s3+$0x200]  }
0x340: {  	v4 =	vmov s3;
	s8 =	sor.u32 $0x10, s3;
	v6 =	vld [tilespmem:s3+$0x210]  }
0x341: {  	s9 =	sor.u32 $0x50, s3;
	v4 =	vshll.u32 v4, $0x2;
	v8 =	vmov s8  }
0x342: {  	s31 =	sadd.s32 $0x60, s3;
	v11 =	vmov s9;
	v4 =	vor.u32 v0, v4;
	v8 =	vshll.u32 v8, $0x2  }
0x343: {  	v13 =	vmov s31;
	v11 =	vshll.u32 v11, $0x7;
	v8 =	vor.u32 v0, v8  }
0x344: {  	v11 =	vor.u32 v1, v11;
	v12 =	vshll.u32 v2, $0x2;
	v2 =	vshrl.u32 v2, $0x5  }
0x345: {  	v14 =	vshrl.u32 v6, $0x5;
	v6 =	vshll.u32 v6, $0x2;
	v2 =	vadd.s32 $0x2800, v2  }
0x346: {  	v12 =	vand.u32 $0x7C, v12;
	v57 =	vadd.s32 $0x2800, v14;
	[tilespmem:s3+$0x250] =	vst v2;
	v2 =	vshll.u32 v13, $0x7  }
0x347: {  	v6 =	vand.u32 $0x7C, v6;
	v11 =	vor.u32 v11, v12;
	[tilespmem:s3+$0x260] =	vst v57;
	v58 =	vld.idx.msk [tilespmem:v4+s12+$0x0], $0xffff;
	v2 =	vor.u32 v1, v2  }
0x348: {  	v59 =	vor.u32 $0x1, v4;
	v13 =	vld.idx.msk [tilespmem:v8+s12+$0x0], $0xffff;
	v2 =	vor.u32 v2, v6  }
0x349: {  	v6 =	vor.u32 $0x1, v8;
	_ =	sdelay $0x2  }
0x34a: {  	[tilespmem:v11+s14+$0x0] =	vst.idx.msk $0xffff, v58  }
0x34b: {  	v60 =	vor.u32 $0x1, v11;
	v12 =	vld.idx.msk [tilespmem:v59+s12+$0x0], $0xffff;
	[tilespmem:v2+s14+$0x0] =	vst.idx.msk $0xffff, v13  }
0x34c: {  	v61 =	vor.u32 $0x2, v4;
	v15 =	vor.u32 $0x1, v2;
	v6 =	vld.idx.msk [tilespmem:v6+s12+$0x0], $0xffff  }
0x34d: {  	v16 =	vor.u32 $0x2, v8;
	_ =	sdelay $0x2  }
0x34e: {  	[tilespmem:v60+s14+$0x0] =	vst.idx.msk $0xffff, v12  }
0x34f: {  	v12 =	vld.idx.msk [tilespmem:v61+s12+$0x0], $0xffff;
	[tilespmem:v15+s14+$0x0] =	vst.idx.msk $0xffff, v6;
	v6 =	vor.u32 $0x2, v11  }
0x350: {  	v4 =	vor.u32 $0x3, v4;
	v63 =	vor.u32 $0x2, v2;
	v62 =	vld.idx.msk [tilespmem:v16+s12+$0x0], $0xffff  }
0x351: {  	v8 =	vor.u32 $0x3, v8;
	_ =	sdelay $0x2  }
0x352: {  	[tilespmem:v6+s14+$0x0] =	vst.idx.msk $0xffff, v12  }
0x353: {  	v6 =	vor.u32 $0x3, v11;
	[tilespmem:v63+s14+$0x0] =	vst.idx.msk $0xffff, v62;
	v4 =	vld.idx.msk [tilespmem:v4+s12+$0x0], $0xffff  }
0x354: {  	p2 =	por p1, p1;
	v2 =	vor.u32 $0x3, v2;
	v8 =	vld.idx.msk [tilespmem:v8+s12+$0x0], $0xffff  }
.Ltmp5:
0x355: {  	_ = 	snop;
	(pc) =	sbr.rel @p2 .LBB2_9-.Ltmp5, $3  }
0x356: {  	_ =	sdelay $0x1  }
0x357: {  	[tilespmem:v6+s14+$0x0] =	vst.idx.msk $0xffff, v4  }
0x358: {  	p1 =	por $0x0, $0x0;
	s3 =	simm.s32 $0x20;
	[tilespmem:v2+s14+$0x0] =	vst.idx.msk $0xffff, v8  }
0x359: {  	v2 =	vld [tilespmem:$0x240];
	_ =	sdelay $0x4  }
0x35a: {  	v4 =	vshrl.u32 v2, $0x5  }
0x35b: {  	v4 =	vadd.s32 $0x2800, v4  }
0x35c: {  	[tilespmem:$0x290] =	vst v4;
	v4 =	vld [tilespmem:$0x1FFC0];
	_ =	sdelay $0x5  }
0x35d: {  	v2 =	vshll.u32 v2, $0x2  }
0x35e: {  	v2 =	vand.u32 $0x7C, v2  }
0x35f: {  	v6 =	vor.u32 v3, v2;
	v4 =	vld.idx.msk [tilespmem:v4+s12+$0x0], $0xffff;
	_ =	sdelay $0x4  }
0x360: {  	[tilespmem:v6+s14+$0x0] =	vst.idx.msk $0xffff, v4;
	v4 =	vld [tilespmem:$0x1FFD0];
	_ =	sdelay $0x7  }
0x361: {  	v6 =	vor.u32 v5, v2;
	v4 =	vld.idx.msk [tilespmem:v4+s12+$0x0], $0xffff;
	_ =	sdelay $0x4  }
0x362: {  	[tilespmem:v6+s14+$0x0] =	vst.idx.msk $0xffff, v4;
	v4 =	vld [tilespmem:$0x1FFE0];
	_ =	sdelay $0x7  }
0x363: {  	v6 =	vor.u32 v7, v2;
	v4 =	vld.idx.msk [tilespmem:v4+s12+$0x0], $0xffff;
	_ =	sdelay $0x4  }
0x364: {  	[tilespmem:v6+s14+$0x0] =	vst.idx.msk $0xffff, v4;
	v4 =	vld [tilespmem:$0x1FFF0];
	_ =	sdelay $0x7  }
0x365: {  	v2 =	vor.u32 v9, v2;
	v4 =	vld.idx.msk [tilespmem:v4+s12+$0x0], $0xffff;
	_ =	sdelay $0x4  }
0x366: {  	[tilespmem:v2+s14+$0x0] =	vst.idx.msk $0xffff, v4  }
0x367: {  	_ =	swait.ge [sflag:s15], $0x2800  }
0x368: {  	[sflag:s15] =	ssyncset.done $0x0  }
0x369: {  	s3 =	simm.s32 $0x490;
	[sflag:s15] =	ssyncadd.s32 $0xFFFFD800  }
0x36a: {  	v12 =	vld [tilespmem:s3+$0x0]  }
0x36b: {  	s20 =	simm.s32 $0x3000  }
0x36c: {  	v2 =	vld [tilespmem:s20+$0x0];
	_ =	sdelay $0x2  }
0x36d: {  	v4 =	vbroadcast v12, $0x0;
	_ =	sdelay $0x1  }
0x36e: {  	v14 =	vld [tilespmem:s3+$0xFFFFFFF0];
	v2 =	vmul.f32 v4, v2  }
0x36f: {  	s23 =	simm.s32 $0x5800  }
0x370: {  	v6 =	vld [tilespmem:s20+$0xFFFFFE00];
	[tilespmem:s23+$0x0] =	vst v2  }
0x371: {  	v2 =	vld [tilespmem:s20+$0x10];
	_ =	sdelay $0x1  }
0x372: {  	v8 =	vbroadcast v14, $0x0;
	_ =	sdelay $0x1  }
0x373: {  	v6 =	vmul.f32 v8, v6  }
0x374: {  	v2 =	vmul.f32 v2, v4  }
0x375: {  	[tilespmem:s23+$0xFFFFFE00] =	vst v6  }
0x376: {  	v4 =	vld [tilespmem:s20+$0xFFFFFE10];
	[tilespmem:s23+$0x10] =	vst v2  }
0x377: {  	v2 =	vld [tilespmem:s20+$0x20];
	_ =	sdelay $0x2  }
0x378: {  	v6 =	vbroadcast v12, $0x1  }
0x379: {  	v4 =	vmul.f32 v4, v8  }
0x37a: {  	v2 =	vmul.f32 v2, v6  }
0x37b: {  	[tilespmem:s23+$0xFFFFFE10] =	vst v4  }
0x37c: {  	v4 =	vld [tilespmem:s20+$0xFFFFFE20];
	[tilespmem:s23+$0x20] =	vst v2  }
0x37d: {  	v2 =	vld [tilespmem:s20+$0x30];
	_ =	sdelay $0x1  }
0x37e: {  	v8 =	vbroadcast v14, $0x1;
	_ =	sdelay $0x1  }
0x37f: {  	v4 =	vmul.f32 v4, v8  }
0x380: {  	v2 =	vmul.f32 v2, v6  }
0x381: {  	[tilespmem:s23+$0xFFFFFE20] =	vst v4  }
0x382: {  	v4 =	vld [tilespmem:s20+$0xFFFFFE30];
	[tilespmem:s23+$0x30] =	vst v2  }
0x383: {  	v2 =	vld [tilespmem:s20+$0x40];
	_ =	sdelay $0x2  }
0x384: {  	v6 =	vbroadcast v12, $0x2  }
0x385: {  	v4 =	vmul.f32 v4, v8  }
0x386: {  	v2 =	vmul.f32 v2, v6  }
0x387: {  	[tilespmem:s23+$0xFFFFFE30] =	vst v4  }
0x388: {  	v4 =	vld [tilespmem:s20+$0xFFFFFE40];
	[tilespmem:s23+$0x40] =	vst v2  }
0x389: {  	v2 =	vld [tilespmem:s20+$0x50];
	_ =	sdelay $0x1  }
0x38a: {  	v8 =	vbroadcast v14, $0x2;
	_ =	sdelay $0x1  }
0x38b: {  	v4 =	vmul.f32 v4, v8  }
0x38c: {  	v2 =	vmul.f32 v2, v6  }
0x38d: {  	[tilespmem:s23+$0xFFFFFE40] =	vst v4  }
0x38e: {  	v4 =	vld [tilespmem:s20+$0xFFFFFE50];
	[tilespmem:s23+$0x50] =	vst v2  }
0x38f: {  	v2 =	vld [tilespmem:s20+$0x60];
	_ =	sdelay $0x2  }
0x390: {  	v6 =	vbroadcast v12, $0x3  }
0x391: {  	v4 =	vmul.f32 v4, v8  }
0x392: {  	v2 =	vmul.f32 v2, v6  }
0x393: {  	[tilespmem:s23+$0xFFFFFE50] =	vst v4  }
0x394: {  	v4 =	vld [tilespmem:s20+$0xFFFFFE60];
	[tilespmem:s23+$0x60] =	vst v2  }
0x395: {  	v2 =	vld [tilespmem:s20+$0x70];
	_ =	sdelay $0x1  }
0x396: {  	v8 =	vbroadcast v14, $0x3;
	_ =	sdelay $0x1  }
0x397: {  	s19 =	simm.s32 $0x4B0;
	v4 =	vmul.f32 v4, v8  }
0x398: {  	v13 =	vld [tilespmem:s19+$0x0];
	v2 =	vmul.f32 v2, v6  }
0x399: {  	v15 =	vld [tilespmem:s19+$0xFFFFFFF0];
	[tilespmem:s23+$0xFFFFFE60] =	vst v4  }
0x39a: {  	v4 =	vld [tilespmem:s20+$0xFFFFFE70];
	[tilespmem:s23+$0x70] =	vst v2  }
0x39b: {  	s25 =	simm.s32 $0x3400;
	v2 =	vld [tilespmem:s20+$0x80]  }
0x39c: {  	v6 =	vld [tilespmem:s25+$0x0]  }
0x39d: {  	v11 =	vld [tilespmem:s25+$0xFFFFFE00]  }
0x39e: {  	v16 =	vbroadcast v12, $0x4  }
0x39f: {  	v4 =	vmul.f32 v4, v8;
	v8 =	vbroadcast v13, $0x0  }
0x3a0: {  	v17 =	vbroadcast v15, $0x0;
	v2 =	vmul.f32 v2, v16  }
0x3a1: {  	[tilespmem:s23+$0xFFFFFE70] =	vst v4;
	v4 =	vmul.f32 v8, v6  }
0x3a2: {  	s24 =	simm.s32 $0x5C00;
	v6 =	vld [tilespmem:s20+$0xFFFFFE80];
	[tilespmem:s23+$0x80] =	vst v2;
	v2 =	vmul.f32 v17, v11  }
0x3a3: {  	[tilespmem:s24+$0x0] =	vst v4;
	v11 =	vld [tilespmem:s20+$0x90]  }
0x3a4: {  	[tilespmem:s24+$0xFFFFFE00] =	vst v2;
	v2 =	vld [tilespmem:s25+$0x10]  }
0x3a5: {  	v4 =	vbroadcast v14, $0x4;
	v18 =	vld [tilespmem:s25+$0xFFFFFE10];
	_ =	sdelay $0x1  }
0x3a6: {  	v6 =	vmul.f32 v6, v4  }
0x3a7: {  	v11 =	vmul.f32 v11, v16  }
0x3a8: {  	[tilespmem:s23+$0xFFFFFE80] =	vst v6;
	v2 =	vmul.f32 v2, v8  }
0x3a9: {  	v6 =	vld [tilespmem:s20+$0xFFFFFE90];
	[tilespmem:s23+$0x90] =	vst v11;
	v8 =	vmul.f32 v18, v17  }
0x3aa: {  	v11 =	vld [tilespmem:s20+$0xA0];
	[tilespmem:s24+$0x10] =	vst v2  }
0x3ab: {  	[tilespmem:s24+$0xFFFFFE10] =	vst v8;
	v2 =	vld [tilespmem:s25+$0x20]  }
0x3ac: {  	v8 =	vld [tilespmem:s25+$0xFFFFFE20]  }
0x3ad: {  	v16 =	vbroadcast v12, $0x5  }
0x3ae: {  	v4 =	vmul.f32 v6, v4;
	v6 =	vbroadcast v13, $0x1  }
0x3af: {  	v17 =	vbroadcast v15, $0x1;
	v11 =	vmul.f32 v11, v16  }
0x3b0: {  	[tilespmem:s23+$0xFFFFFE90] =	vst v4;
	v2 =	vmul.f32 v2, v6  }
0x3b1: {  	v4 =	vld [tilespmem:s20+$0xFFFFFEA0];
	[tilespmem:s23+$0xA0] =	vst v11;
	v8 =	vmul.f32 v8, v17  }
0x3b2: {  	v11 =	vld [tilespmem:s20+$0xB0];
	[tilespmem:s24+$0x20] =	vst v2  }
0x3b3: {  	[tilespmem:s24+$0xFFFFFE20] =	vst v8;
	v2 =	vld [tilespmem:s25+$0x30]  }
0x3b4: {  	v8 =	vbroadcast v14, $0x5;
	v18 =	vld [tilespmem:s25+$0xFFFFFE30];
	_ =	sdelay $0x1  }
0x3b5: {  	v4 =	vmul.f32 v4, v8  }
0x3b6: {  	v11 =	vmul.f32 v11, v16  }
0x3b7: {  	[tilespmem:s23+$0xFFFFFEA0] =	vst v4;
	v2 =	vmul.f32 v2, v6  }
0x3b8: {  	v4 =	vld [tilespmem:s20+$0xFFFFFEB0];
	[tilespmem:s23+$0xB0] =	vst v11;
	v6 =	vmul.f32 v18, v17  }
0x3b9: {  	v11 =	vld [tilespmem:s20+$0xC0];
	[tilespmem:s24+$0x30] =	vst v2  }
0x3ba: {  	[tilespmem:s24+$0xFFFFFE30] =	vst v6;
	v2 =	vld [tilespmem:s25+$0x40]  }
0x3bb: {  	v6 =	vld [tilespmem:s25+$0xFFFFFE40]  }
0x3bc: {  	v16 =	vbroadcast v12, $0x6  }
0x3bd: {  	v4 =	vmul.f32 v4, v8;
	v8 =	vbroadcast v13, $0x2  }
0x3be: {  	v17 =	vbroadcast v15, $0x2;
	v11 =	vmul.f32 v11, v16  }
0x3bf: {  	[tilespmem:s23+$0xFFFFFEB0] =	vst v4;
	v2 =	vmul.f32 v2, v8  }
0x3c0: {  	[tilespmem:s23+$0xC0] =	vst v11;
	v4 =	vmul.f32 v6, v17  }
0x3c1: {  	v6 =	vld [tilespmem:s20+$0xFFFFFEC0];
	[tilespmem:s24+$0x40] =	vst v2  }
0x3c2: {  	v2 =	vld [tilespmem:s20+$0xD0];
	[tilespmem:s24+$0xFFFFFE40] =	vst v4  }
0x3c3: {  	v4 =	vld [tilespmem:s25+$0x50];
	_ =	sdelay $0x4  }
0x3c4: {  	v4 =	vmul.f32 v4, v8;
	_ =	sdelay $0x1  }
0x3c5: {  	v2 =	vmul.f32 v2, v16;
	[tilespmem:s24+$0x50] =	vst v4  }
0x3c6: {  	v4 =	vld [tilespmem:s25+$0x60]  }
0x3c7: {  	[tilespmem:s23+$0xD0] =	vst v2  }
0x3c8: {  	v2 =	vld [tilespmem:s20+$0xE0]  }
0x3c9: {  	v8 =	vbroadcast v13, $0x3;
	_ =	sdelay $0x1  }
0x3ca: {  	v11 =	vld [tilespmem:s25+$0xFFFFFE50];
	v16 =	vbroadcast v12, $0x7;
	v4 =	vmul.f32 v4, v8  }
0x3cb: {  	v18 =	vbroadcast v14, $0x6  }
0x3cc: {  	v2 =	vmul.f32 v2, v16;
	[tilespmem:s24+$0x60] =	vst v4  }
0x3cd: {  	v6 =	vmul.f32 v6, v18;
	v4 =	vld [tilespmem:s25+$0x70]  }
0x3ce: {  	[tilespmem:s23+$0xE0] =	vst v2  }
0x3cf: {  	[tilespmem:s23+$0xFFFFFEC0] =	vst v6;
	v2 =	vmul.f32 v11, v17;
	v6 =	vld [tilespmem:s20+$0xF0]  }
0x3d0: {  	v11 =	vld [tilespmem:s20+$0xFFFFFED0]  }
0x3d1: {  	[tilespmem:s24+$0xFFFFFE50] =	vst v2  }
0x3d2: {  	v2 =	vmul.f32 v4, v8;
	v4 =	vld [tilespmem:s25+$0xFFFFFE60]  }
0x3d3: {  	s21 =	simm.s32 $0x4D0  }
0x3d4: {  	v17 =	vld [tilespmem:s21+$0x0];
	[tilespmem:s24+$0x70] =	vst v2;
	v2 =	vmul.f32 v6, v16  }
0x3d5: {  	s26 =	simm.s32 $0x3800;
	v11 =	vmul.f32 v11, v18;
	v8 =	vbroadcast v15, $0x3;
	v6 =	vld [tilespmem:s25+$0x80]  }
0x3d6: {  	[tilespmem:s23+$0xF0] =	vst v2;
	v2 =	vld [tilespmem:s26+$0x0]  }
0x3d7: {  	[tilespmem:s23+$0xFFFFFED0] =	vst v11;
	v4 =	vmul.f32 v4, v8;
	v11 =	vld [tilespmem:s20+$0x100]  }
0x3d8: {  	v18 =	vbroadcast v13, $0x4;
	v19 =	vld [tilespmem:s20+$0xFFFFFEE0]  }
0x3d9: {  	v16 =	vld [tilespmem:s21+$0xFFFFFFF0];
	[tilespmem:s24+$0xFFFFFE60] =	vst v4;
	v4 =	vbroadcast v17, $0x0  }
0x3da: {  	v21 =	vbroadcast v12, $0x8;
	v6 =	vmul.f32 v6, v18;
	v20 =	vld [tilespmem:s25+$0xFFFFFE70]  }
0x3db: {  	v22 =	vld [tilespmem:s26+$0xFFFFFE00];
	v2 =	vmul.f32 v4, v2  }
0x3dc: {  	s28 =	simm.s32 $0x6000;
	[tilespmem:s24+$0x80] =	vst v6;
	v6 =	vbroadcast v14, $0x7;
	v11 =	vmul.f32 v11, v21  }
0x3dd: {  	v23 =	vld [tilespmem:s25+$0x90];
	[tilespmem:s28+$0x0] =	vst v2  }
0x3de: {  	v2 =	vmul.f32 v19, v6;
	[tilespmem:s23+$0x100] =	vst v11;
	v11 =	vbroadcast v16, $0x0;
	v19 =	vld [tilespmem:s26+$0x10]  }
0x3df: {  	v8 =	vmul.f32 v20, v8;
	v20 =	vld [tilespmem:s20+$0x110]  }
0x3e0: {  	[tilespmem:s23+$0xFFFFFEE0] =	vst v2;
	v2 =	vmul.f32 v11, v22  }
0x3e1: {  	v22 =	vld [tilespmem:s20+$0xFFFFFEF0];
	[tilespmem:s24+$0xFFFFFE70] =	vst v8  }
0x3e2: {  	v8 =	vmul.f32 v23, v18;
	v18 =	vld [tilespmem:s25+$0xFFFFFE80];
	[tilespmem:s28+$0xFFFFFE00] =	vst v2  }
0x3e3: {  	v2 =	vld [tilespmem:s26+$0xFFFFFE10];
	v4 =	vmul.f32 v19, v4  }
0x3e4: {  	[tilespmem:s24+$0x90] =	vst v8;
	v8 =	vmul.f32 v20, v21  }
0x3e5: {  	v20 =	vbroadcast v15, $0x4;
	v19 =	vld [tilespmem:s25+$0xA0];
	[tilespmem:s28+$0x10] =	vst v4  }
0x3e6: {  	v4 =	vmul.f32 v22, v6;
	[tilespmem:s23+$0x110] =	vst v8;
	v6 =	vld [tilespmem:s26+$0x20]  }
0x3e7: {  	v8 =	vmul.f32 v18, v20;
	v18 =	vld [tilespmem:s20+$0x120]  }
0x3e8: {  	v21 =	vbroadcast v13, $0x5;
	[tilespmem:s23+$0xFFFFFEF0] =	vst v4;
	v2 =	vmul.f32 v2, v11  }
0x3e9: {  	v4 =	vld [tilespmem:s20+$0xFFFFFF00];
	[tilespmem:s24+$0xFFFFFE80] =	vst v8;
	v8 =	vbroadcast v17, $0x1  }
0x3ea: {  	v22 =	vbroadcast v12, $0x9;
	v11 =	vmul.f32 v19, v21;
	v19 =	vld [tilespmem:s25+$0xFFFFFE90];
	[tilespmem:s28+$0xFFFFFE10] =	vst v2  }
0x3eb: {  	v2 =	vld [tilespmem:s26+$0xFFFFFE20];
	v6 =	vmul.f32 v6, v8  }
0x3ec: {  	[tilespmem:s24+$0xA0] =	vst v11;
	v11 =	vbroadcast v14, $0x8;
	v18 =	vmul.f32 v18, v22  }
0x3ed: {  	v23 =	vld [tilespmem:s25+$0xB0];
	[tilespmem:s28+$0x20] =	vst v6  }
0x3ee: {  	v6 =	vbroadcast v16, $0x1;
	v4 =	vmul.f32 v4, v11;
	[tilespmem:s23+$0x120] =	vst v18;
	v18 =	vld [tilespmem:s26+$0x30]  }
0x3ef: {  	v19 =	vmul.f32 v19, v20;
	v20 =	vld [tilespmem:s20+$0x130]  }
0x3f0: {  	[tilespmem:s23+$0xFFFFFF00] =	vst v4;
	v2 =	vmul.f32 v2, v6  }
0x3f1: {  	v4 =	vld [tilespmem:s20+$0xFFFFFF10];
	[tilespmem:s24+$0xFFFFFE90] =	vst v19  }
0x3f2: {  	v19 =	vmul.f32 v23, v21;
	v21 =	vld [tilespmem:s25+$0xFFFFFEA0];
	[tilespmem:s28+$0xFFFFFE20] =	vst v2  }
0x3f3: {  	v2 =	vld [tilespmem:s26+$0xFFFFFE30];
	v8 =	vmul.f32 v18, v8  }
0x3f4: {  	[tilespmem:s24+$0xB0] =	vst v19;
	v18 =	vmul.f32 v20, v22  }
0x3f5: {  	v20 =	vbroadcast v15, $0x5;
	v19 =	vld [tilespmem:s25+$0xC0];
	[tilespmem:s28+$0x30] =	vst v8  }
0x3f6: {  	v4 =	vmul.f32 v4, v11;
	[tilespmem:s23+$0x130] =	vst v18;
	v8 =	vld [tilespmem:s26+$0x40]  }
0x3f7: {  	v11 =	vmul.f32 v21, v20;
	v18 =	vld [tilespmem:s20+$0x140]  }
0x3f8: {  	v21 =	vbroadcast v13, $0x6;
	[tilespmem:s23+$0xFFFFFF10] =	vst v4;
	v2 =	vmul.f32 v2, v6  }
0x3f9: {  	v6 =	vbroadcast v17, $0x2;
	v4 =	vld [tilespmem:s20+$0xFFFFFF20];
	[tilespmem:s24+$0xFFFFFEA0] =	vst v11  }
0x3fa: {  	v22 =	vbroadcast v12, $0xA;
	v11 =	vmul.f32 v19, v21;
	v19 =	vld [tilespmem:s25+$0xFFFFFEB0];
	[tilespmem:s28+$0xFFFFFE30] =	vst v2  }
0x3fb: {  	v2 =	vld [tilespmem:s26+$0xFFFFFE40];
	v8 =	vmul.f32 v8, v6  }
0x3fc: {  	[tilespmem:s24+$0xC0] =	vst v11;
	v11 =	vbroadcast v14, $0x9;
	v18 =	vmul.f32 v18, v22  }
0x3fd: {  	v23 =	vld [tilespmem:s25+$0xD0];
	[tilespmem:s28+$0x40] =	vst v8  }
0x3fe: {  	v8 =	vbroadcast v16, $0x2;
	v4 =	vmul.f32 v4, v11;
	[tilespmem:s23+$0x140] =	vst v18;
	v18 =	vld [tilespmem:s26+$0x50]  }
0x3ff: {  	v19 =	vmul.f32 v19, v20;
	v20 =	vld [tilespmem:s20+$0x150]  }
0x400: {  	[tilespmem:s23+$0xFFFFFF20] =	vst v4;
	v2 =	vmul.f32 v2, v8  }
0x401: {  	v4 =	vld [tilespmem:s20+$0xFFFFFF30];
	[tilespmem:s24+$0xFFFFFEB0] =	vst v19  }
0x402: {  	v19 =	vmul.f32 v23, v21;
	v21 =	vld [tilespmem:s25+$0xFFFFFEC0];
	[tilespmem:s28+$0xFFFFFE40] =	vst v2  }
0x403: {  	v2 =	vld [tilespmem:s26+$0xFFFFFE50];
	v6 =	vmul.f32 v18, v6  }
0x404: {  	[tilespmem:s24+$0xD0] =	vst v19;
	v18 =	vmul.f32 v20, v22  }
0x405: {  	v20 =	vbroadcast v15, $0x6;
	v19 =	vld [tilespmem:s25+$0xE0];
	[tilespmem:s28+$0x50] =	vst v6  }
0x406: {  	[tilespmem:s23+$0x150] =	vst v18;
	v6 =	vld [tilespmem:s26+$0x60]  }
0x407: {  	v4 =	vmul.f32 v4, v11;
	v11 =	vmul.f32 v21, v20;
	v18 =	vld [tilespmem:s20+$0x160]  }
0x408: {  	v21 =	vbroadcast v13, $0x7;
	v2 =	vmul.f32 v2, v8  }
0x409: {  	v8 =	vbroadcast v17, $0x3;
	[tilespmem:s24+$0xFFFFFEC0] =	vst v11  }
0x40a: {  	v22 =	vbroadcast v12, $0xB;
	v11 =	vmul.f32 v19, v21;
	v19 =	vld [tilespmem:s25+$0xFFFFFED0];
	[tilespmem:s28+$0xFFFFFE50] =	vst v2  }
0x40b: {  	v2 =	vld [tilespmem:s26+$0xFFFFFE60];
	v6 =	vmul.f32 v6, v8  }
0x40c: {  	[tilespmem:s24+$0xE0] =	vst v11;
	v11 =	vmul.f32 v18, v22  }
0x40d: {  	v18 =	vld [tilespmem:s25+$0xF0];
	[tilespmem:s28+$0x60] =	vst v6  }
0x40e: {  	v6 =	vbroadcast v16, $0x3;
	[tilespmem:s23+$0x160] =	vst v11;
	v11 =	vld [tilespmem:s26+$0x70]  }
0x40f: {  	[tilespmem:s23+$0xFFFFFF30] =	vst v4;
	v19 =	vmul.f32 v19, v20;
	v20 =	vld [tilespmem:s20+$0x170]  }
0x410: {  	s9 =	simm.s32 $0x3C00;
	v4 =	vld [tilespmem:s20+$0xFFFFFF40];
	v2 =	vmul.f32 v2, v6  }
0x411: {  	v24 =	vld [tilespmem:s9+$0x0];
	[tilespmem:s24+$0xFFFFFED0] =	vst v19  }
0x412: {  	v18 =	vmul.f32 v18, v21;
	v19 =	vld [tilespmem:s25+$0xFFFFFEE0];
	[tilespmem:s28+$0xFFFFFE60] =	vst v2  }
0x413: {  	s8 =	simm.s32 $0x4F0;
	v23 =	vbroadcast v14, $0xA;
	v2 =	vld [tilespmem:s26+$0xFFFFFE70];
	v8 =	vmul.f32 v11, v8  }
0x414: {  	v11 =	vld [tilespmem:s8+$0x0];
	[tilespmem:s24+$0xF0] =	vst v18;
	v18 =	vmul.f32 v20, v22  }
0x415: {  	v4 =	vmul.f32 v4, v23;
	v21 =	vbroadcast v15, $0x7;
	v20 =	vld [tilespmem:s25+$0x100];
	[tilespmem:s28+$0x70] =	vst v8  }
0x416: {  	[tilespmem:s23+$0x170] =	vst v18;
	v8 =	vld [tilespmem:s26+$0x80]  }
0x417: {  	[tilespmem:s23+$0xFFFFFF40] =	vst v4;
	v18 =	vmul.f32 v19, v21;
	v19 =	vld [tilespmem:s20+$0x180]  }
0x418: {  	v4 =	vld [tilespmem:s20+$0xFFFFFF50];
	v22 =	vbroadcast v13, $0x8  }
0x419: {  	v2 =	vmul.f32 v2, v6;
	v6 =	vbroadcast v17, $0x4;
	[tilespmem:s24+$0xFFFFFEE0] =	vst v18;
	v18 =	vld [tilespmem:s8+$0xFFFFFFF0]  }
0x41a: {  	v26 =	vbroadcast v12, $0xC;
	v25 =	vld [tilespmem:s25+$0xFFFFFEF0];
	v20 =	vmul.f32 v20, v22  }
0x41b: {  	v27 =	vbroadcast v11, $0x0;
	[tilespmem:s28+$0xFFFFFE70] =	vst v2;
	v2 =	vld [tilespmem:s9+$0xFFFFFE00];
	v8 =	vmul.f32 v8, v6  }
0x41c: {  	v28 =	vld [tilespmem:s26+$0xFFFFFE80];
	v19 =	vmul.f32 v19, v26;
	[tilespmem:s24+$0x100] =	vst v20  }
0x41d: {  	v24 =	vmul.f32 v27, v24;
	v20 =	vld [tilespmem:s25+$0x110];
	[tilespmem:s28+$0x80] =	vst v8  }
0x41e: {  	s21 =	simm.s32 $0x6400;
	v4 =	vmul.f32 v4, v23;
	[tilespmem:s23+$0x180] =	vst v19;
	v8 =	vbroadcast v18, $0x0;
	v19 =	vld [tilespmem:s26+$0x90]  }
0x41f: {  	v23 =	vbroadcast v16, $0x4;
	[tilespmem:s21+$0x0] =	vst v24;
	v21 =	vmul.f32 v25, v21;
	v25 =	vld [tilespmem:s20+$0x190]  }
0x420: {  	[tilespmem:s23+$0xFFFFFF50] =	vst v4;
	v4 =	vld [tilespmem:s9+$0x10];
	v2 =	vmul.f32 v8, v2  }
0x421: {  	v24 =	vld [tilespmem:s20+$0xFFFFFF60];
	[tilespmem:s24+$0xFFFFFEF0] =	vst v21;
	v21 =	vmul.f32 v28, v23  }
0x422: {  	v28 =	vld [tilespmem:s25+$0xFFFFFF00];
	[tilespmem:s21+$0xFFFFFE00] =	vst v2;
	v2 =	vmul.f32 v20, v22  }
0x423: {  	v20 =	vld [tilespmem:s9+$0xFFFFFE10];
	[tilespmem:s28+$0xFFFFFE80] =	vst v21;
	v6 =	vmul.f32 v19, v6  }
0x424: {  	v19 =	vbroadcast v14, $0xB;
	v21 =	vmul.f32 v25, v26;
	v22 =	vld [tilespmem:s26+$0xFFFFFE90];
	[tilespmem:s24+$0x110] =	vst v2  }
0x425: {  	v4 =	vmul.f32 v4, v27;
	v2 =	vbroadcast v15, $0x8;
	v25 =	vld [tilespmem:s25+$0x120];
	[tilespmem:s28+$0x90] =	vst v6  }
0x426: {  	v6 =	vmul.f32 v24, v19;
	[tilespmem:s23+$0x190] =	vst v21;
	v21 =	vld [tilespmem:s26+$0xA0]  }
0x427: {  	[tilespmem:s21+$0x10] =	vst v4;
	v24 =	vld [tilespmem:s20+$0x1A0];
	v26 =	vmul.f32 v28, v2  }
0x428: {  	[tilespmem:s23+$0xFFFFFF60] =	vst v6;
	v6 =	vbroadcast v13, $0x9;
	v4 =	vmul.f32 v20, v8;
	v8 =	vld [tilespmem:s9+$0x20]  }
0x429: {  	v20 =	vld [tilespmem:s20+$0xFFFFFF70];
	[tilespmem:s24+$0xFFFFFF00] =	vst v26;
	v22 =	vmul.f32 v22, v23;
	v23 =	vbroadcast v17, $0x5  }
0x42a: {  	v26 =	vbroadcast v12, $0xD;
	v27 =	vld [tilespmem:s25+$0xFFFFFF10];
	[tilespmem:s21+$0xFFFFFE10] =	vst v4;
	v4 =	vmul.f32 v25, v6  }
0x42b: {  	v25 =	vld [tilespmem:s9+$0xFFFFFE20];
	[tilespmem:s28+$0xFFFFFE90] =	vst v22;
	v22 =	vbroadcast v11, $0x1;
	v21 =	vmul.f32 v21, v23  }
0x42c: {  	v24 =	vmul.f32 v24, v26;
	v28 =	vld [tilespmem:s26+$0xFFFFFEA0];
	[tilespmem:s24+$0x120] =	vst v4  }
0x42d: {  	v4 =	vld [tilespmem:s25+$0x130];
	v8 =	vmul.f32 v8, v22;
	[tilespmem:s28+$0xA0] =	vst v21  }
0x42e: {  	v21 =	vbroadcast v18, $0x1;
	v19 =	vmul.f32 v20, v19;
	[tilespmem:s23+$0x1A0] =	vst v24;
	v20 =	vld [tilespmem:s26+$0xB0]  }
0x42f: {  	v24 =	vbroadcast v16, $0x5;
	v29 =	vld [tilespmem:s20+$0x1B0];
	v2 =	vmul.f32 v27, v2;
	[tilespmem:s21+$0x20] =	vst v8  }
0x430: {  	[tilespmem:s23+$0xFFFFFF70] =	vst v19;
	v8 =	vmul.f32 v25, v21;
	v19 =	vld [tilespmem:s9+$0x30]  }
0x431: {  	v25 =	vld [tilespmem:s20+$0xFFFFFF80];
	[tilespmem:s24+$0xFFFFFF10] =	vst v2;
	v2 =	vmul.f32 v28, v24  }
0x432: {  	v27 =	vld [tilespmem:s25+$0xFFFFFF20];
	[tilespmem:s21+$0xFFFFFE20] =	vst v8;
	v4 =	vmul.f32 v4, v6  }
0x433: {  	v6 =	vld [tilespmem:s9+$0xFFFFFE30];
	[tilespmem:s28+$0xFFFFFEA0] =	vst v2;
	v2 =	vmul.f32 v20, v23  }
0x434: {  	v8 =	vbroadcast v14, $0xC;
	v20 =	vmul.f32 v29, v26;
	v23 =	vld [tilespmem:s26+$0xFFFFFEB0];
	[tilespmem:s24+$0x130] =	vst v4  }
0x435: {  	v4 =	vbroadcast v15, $0x9;
	v26 =	vld [tilespmem:s25+$0x140];
	v19 =	vmul.f32 v19, v22;
	[tilespmem:s28+$0xB0] =	vst v2  }
0x436: {  	v2 =	vmul.f32 v25, v8;
	[tilespmem:s23+$0x1B0] =	vst v20;
	v20 =	vld [tilespmem:s26+$0xC0]  }
0x437: {  	v22 =	vld [tilespmem:s20+$0x1C0];
	v25 =	vmul.f32 v27, v4;
	[tilespmem:s21+$0x30] =	vst v19  }
0x438: {  	[tilespmem:s23+$0xFFFFFF80] =	vst v2;
	v2 =	vmul.f32 v6, v21;
	v6 =	vbroadcast v13, $0xA;
	v19 =	vld [tilespmem:s9+$0x40]  }
0x439: {  	v21 =	vld [tilespmem:s20+$0xFFFFFF90];
	[tilespmem:s24+$0xFFFFFF20] =	vst v25;
	v23 =	vmul.f32 v23, v24;
	v24 =	vbroadcast v17, $0x6  }
0x43a: {  	v25 =	vbroadcast v12, $0xE;
	v27 =	vld [tilespmem:s25+$0xFFFFFF30];
	[tilespmem:s21+$0xFFFFFE30] =	vst v2;
	v2 =	vmul.f32 v26, v6  }
0x43b: {  	v26 =	vld [tilespmem:s9+$0xFFFFFE40];
	[tilespmem:s28+$0xFFFFFEB0] =	vst v23;
	v23 =	vbroadcast v11, $0x2;
	v20 =	vmul.f32 v20, v24  }
0x43c: {  	v22 =	vmul.f32 v22, v25;
	v28 =	vld [tilespmem:s26+$0xFFFFFEC0];
	[tilespmem:s24+$0x140] =	vst v2  }
0x43d: {  	v2 =	vld [tilespmem:s25+$0x150];
	v19 =	vmul.f32 v19, v23;
	[tilespmem:s28+$0xC0] =	vst v20  }
0x43e: {  	v20 =	vbroadcast v18, $0x2;
	v8 =	vmul.f32 v21, v8;
	[tilespmem:s23+$0x1C0] =	vst v22;
	v21 =	vld [tilespmem:s26+$0xD0]  }
0x43f: {  	v22 =	vbroadcast v16, $0x6;
	v29 =	vld [tilespmem:s20+$0x1D0];
	v4 =	vmul.f32 v27, v4;
	[tilespmem:s21+$0x40] =	vst v19  }
0x440: {  	[tilespmem:s23+$0xFFFFFF90] =	vst v8;
	v8 =	vmul.f32 v26, v20;
	v19 =	vld [tilespmem:s9+$0x50]  }
0x441: {  	v26 =	vld [tilespmem:s20+$0xFFFFFFA0];
	[tilespmem:s24+$0xFFFFFF30] =	vst v4;
	v4 =	vmul.f32 v28, v22  }
0x442: {  	v27 =	vld [tilespmem:s25+$0xFFFFFF40];
	[tilespmem:s21+$0xFFFFFE40] =	vst v8;
	v2 =	vmul.f32 v2, v6  }
0x443: {  	v6 =	vld [tilespmem:s9+$0xFFFFFE50];
	[tilespmem:s28+$0xFFFFFEC0] =	vst v4;
	v4 =	vmul.f32 v21, v24  }
0x444: {  	v8 =	vbroadcast v14, $0xD;
	v21 =	vmul.f32 v29, v25;
	v24 =	vld [tilespmem:s26+$0xFFFFFED0];
	[tilespmem:s24+$0x150] =	vst v2  }
0x445: {  	v2 =	vbroadcast v15, $0xA;
	v25 =	vld [tilespmem:s25+$0x160];
	v19 =	vmul.f32 v19, v23;
	[tilespmem:s28+$0xD0] =	vst v4  }
0x446: {  	v4 =	vmul.f32 v26, v8;
	[tilespmem:s23+$0x1D0] =	vst v21;
	v21 =	vld [tilespmem:s26+$0xE0]  }
0x447: {  	v23 =	vld [tilespmem:s20+$0x1E0];
	v26 =	vmul.f32 v27, v2;
	[tilespmem:s21+$0x50] =	vst v19  }
0x448: {  	[tilespmem:s23+$0xFFFFFFA0] =	vst v4;
	v4 =	vmul.f32 v6, v20;
	v6 =	vbroadcast v13, $0xB;
	v20 =	vld [tilespmem:s9+$0x60]  }
0x449: {  	v27 =	vld [tilespmem:s20+$0xFFFFFFB0];
	[tilespmem:s24+$0xFFFFFF40] =	vst v26;
	v22 =	vmul.f32 v24, v22;
	v24 =	vbroadcast v17, $0x7  }
0x44a: {  	v19 =	vbroadcast v12, $0xF;
	v12 =	vld [tilespmem:s25+$0xFFFFFF50];
	[tilespmem:s21+$0xFFFFFE50] =	vst v4;
	v4 =	vmul.f32 v25, v6  }
0x44b: {  	v25 =	vld [tilespmem:s9+$0xFFFFFE60];
	[tilespmem:s28+$0xFFFFFED0] =	vst v22;
	v22 =	vbroadcast v11, $0x3;
	v21 =	vmul.f32 v21, v24  }
0x44c: {  	v23 =	vmul.f32 v23, v19;
	v26 =	vld [tilespmem:s26+$0xFFFFFEE0];
	[tilespmem:s24+$0x160] =	vst v4  }
0x44d: {  	v4 =	vld [tilespmem:s25+$0x170];
	v28 =	vmul.f32 v20, v22;
	[tilespmem:s28+$0xE0] =	vst v21  }
0x44e: {  	v29 =	vbroadcast v18, $0x3;
	v8 =	vmul.f32 v27, v8;
	[tilespmem:s23+$0x1E0] =	vst v23;
	v21 =	vld [tilespmem:s26+$0xF0]  }
0x44f: {  	v23 =	vbroadcast v16, $0x7;
	v20 =	vld [tilespmem:s20+$0x1F0];
	v2 =	vmul.f32 v12, v2;
	[tilespmem:s21+$0x60] =	vst v28  }
0x450: {  	[tilespmem:s23+$0xFFFFFFB0] =	vst v8;
	v8 =	vmul.f32 v25, v29;
	v12 =	vld [tilespmem:s9+$0x70]  }
0x451: {  	v25 =	vld [tilespmem:s20+$0xFFFFFFC0];
	[tilespmem:s24+$0xFFFFFF50] =	vst v2;
	v2 =	vmul.f32 v26, v23  }
0x452: {  	v26 =	vld [tilespmem:s25+$0xFFFFFF60];
	[tilespmem:s21+$0xFFFFFE60] =	vst v8;
	v4 =	vmul.f32 v4, v6  }
0x453: {  	v6 =	vld [tilespmem:s9+$0xFFFFFE70];
	[tilespmem:s28+$0xFFFFFEE0] =	vst v2;
	v2 =	vmul.f32 v21, v24  }
0x454: {  	v8 =	vld [tilespmem:s26+$0xFFFFFEF0];
	[tilespmem:s24+$0x170] =	vst v4  }
0x455: {  	v4 =	vld [tilespmem:s25+$0x180];
	v21 =	vmul.f32 v12, v22;
	[tilespmem:s28+$0xF0] =	vst v2  }
0x456: {  	s13 =	simm.s32 $0x510;
	v2 =	vbroadcast v14, $0xE;
	v22 =	vld [tilespmem:s26+$0x100]  }
0x457: {  	v12 =	vld [tilespmem:s13+$0x0];
	[tilespmem:s21+$0x70] =	vst v21  }
0x458: {  	v33 =	vbroadcast v15, $0xB;
	v24 =	vmul.f32 v25, v2;
	v25 =	vld [tilespmem:s9+$0x80]  }
0x459: {  	s19 =	simm.s32 $0x4000;
	v27 =	vbroadcast v17, $0x8;
	v21 =	vld [tilespmem:s13+$0xFFFFFFF0];
	v6 =	vmul.f32 v6, v29  }
0x45a: {  	v28 =	vld [tilespmem:s19+$0x0];
	v26 =	vmul.f32 v26, v33;
	[tilespmem:s23+$0xFFFFFFC0] =	vst v24;
	v24 =	vbroadcast v13, $0xC  }
0x45b: {  	v30 =	vbroadcast v11, $0x4;
	[tilespmem:s21+$0xFFFFFE70] =	vst v6;
	v6 =	vld [tilespmem:s19+$0xFFFFFE00];
	v22 =	vmul.f32 v22, v27  }
0x45c: {  	[tilespmem:s24+$0xFFFFFF60] =	vst v26;
	v29 =	vld [tilespmem:s20+$0xFFFFFFD0];
	v4 =	vmul.f32 v4, v24  }
0x45d: {  	v31 =	vbroadcast v12, $0x0;
	v32 =	vld [tilespmem:s9+$0xFFFFFE80];
	v25 =	vmul.f32 v25, v30;
	[tilespmem:s28+$0x100] =	vst v22  }
0x45e: {  	v8 =	vmul.f32 v8, v23;
	v23 =	vbroadcast v21, $0x0;
	[tilespmem:s24+$0x180] =	vst v4;
	v4 =	vld [tilespmem:s26+$0x110]  }
0x45f: {  	v28 =	vmul.f32 v31, v28;
	v22 =	vld [tilespmem:s25+$0x190];
	[tilespmem:s21+$0x80] =	vst v25  }
0x460: {  	s8 =	simm.s32 $0x6800;
	[tilespmem:s28+$0xFFFFFEF0] =	vst v8;
	v25 =	vbroadcast v18, $0x4;
	v6 =	vmul.f32 v23, v6;
	v8 =	vld [tilespmem:s9+$0x90]  }
0x461: {  	v41 =	vld [tilespmem:s25+$0xFFFFFF70];
	[tilespmem:s8+$0x0] =	vst v28;
	v2 =	vmul.f32 v29, v2  }
0x462: {  	v26 =	vld [tilespmem:s19+$0x10];
	v28 =	vmul.f32 v32, v25;
	[tilespmem:s8+$0xFFFFFE00] =	vst v6  }
0x463: {  	v34 =	vld [tilespmem:s26+$0xFFFFFF00];
	[tilespmem:s23+$0xFFFFFFD0] =	vst v2;
	v4 =	vmul.f32 v4, v27  }
0x464: {  	v6 =	vmul.f32 v22, v24;
	v24 =	vld [tilespmem:s19+$0xFFFFFE10];
	[tilespmem:s21+$0xFFFFFE80] =	vst v28  }
0x465: {  	v27 =	vld [tilespmem:s9+$0xFFFFFE90];
	v8 =	vmul.f32 v8, v30;
	[tilespmem:s28+$0x110] =	vst v4  }
0x466: {  	v4 =	vbroadcast v16, $0x8;
	[tilespmem:s24+$0x190] =	vst v6;
	v6 =	vld [tilespmem:s26+$0x120]  }
0x467: {  	v22 =	vld [tilespmem:s20+$0xFFFFFFE0];
	v26 =	vmul.f32 v26, v31;
	[tilespmem:s21+$0x90] =	vst v8  }
0x468: {  	v2 =	vmul.f32 v34, v4;
	v8 =	vld [tilespmem:s9+$0xA0]  }
0x469: {  	v28 =	vld [tilespmem:s25+$0x1A0];
	[tilespmem:s8+$0x10] =	vst v26;
	v23 =	vmul.f32 v24, v23;
	v24 =	vbroadcast v17, $0x9  }
0x46a: {  	[tilespmem:s28+$0xFFFFFF00] =	vst v2;
	v2 =	vld [tilespmem:s19+$0x20];
	v25 =	vmul.f32 v27, v25  }
0x46b: {  	v26 =	vld [tilespmem:s26+$0xFFFFFF10];
	[tilespmem:s8+$0xFFFFFE10] =	vst v23;
	v23 =	vbroadcast v11, $0x5;
	v6 =	vmul.f32 v6, v24  }
0x46c: {  	v29 =	vmul.f32 v41, v33;
	v27 =	vbroadcast v13, $0xD;
	v30 =	vld [tilespmem:s19+$0xFFFFFE20];
	[tilespmem:s21+$0xFFFFFE90] =	vst v25  }
0x46d: {  	v25 =	vbroadcast v12, $0x1;
	v31 =	vld [tilespmem:s9+$0xFFFFFEA0];
	v8 =	vmul.f32 v8, v23;
	[tilespmem:s28+$0x120] =	vst v6  }
0x46e: {  	[tilespmem:s24+$0xFFFFFF70] =	vst v29;
	v6 =	vmul.f32 v28, v27;
	v28 =	vld [tilespmem:s26+$0x130]  }
0x46f: {  	v29 =	vbroadcast v21, $0x1;
	v2 =	vmul.f32 v2, v25;
	[tilespmem:s21+$0xA0] =	vst v8;
	v8 =	vld [tilespmem:s25+$0xFFFFFF80]  }
0x470: {  	v42 =	vbroadcast v18, $0x5;
	[tilespmem:s24+$0x1A0] =	vst v6;
	v4 =	vmul.f32 v26, v4;
	v6 =	vld [tilespmem:s9+$0xB0]  }
0x471: {  	v26 =	vld [tilespmem:s25+$0x1B0];
	v30 =	vmul.f32 v30, v29;
	[tilespmem:s8+$0x20] =	vst v2  }
0x472: {  	v2 =	vbroadcast v15, $0xC;
	[tilespmem:s28+$0xFFFFFF10] =	vst v4;
	v4 =	vld [tilespmem:s19+$0x30];
	v31 =	vmul.f32 v31, v42  }
0x473: {  	v43 =	vld [tilespmem:s26+$0xFFFFFF20];
	[tilespmem:s8+$0xFFFFFE20] =	vst v30;
	v24 =	vmul.f32 v28, v24  }
0x474: {  	v28 =	vld [tilespmem:s19+$0xFFFFFE30];
	[tilespmem:s21+$0xFFFFFEA0] =	vst v31;
	v8 =	vmul.f32 v8, v2  }
0x475: {  	v30 =	vld [tilespmem:s9+$0xFFFFFEB0];
	v6 =	vmul.f32 v6, v23;
	[tilespmem:s28+$0x130] =	vst v24  }
0x476: {  	v23 =	vbroadcast v16, $0x9;
	v24 =	vmul.f32 v26, v27;
	v26 =	vld [tilespmem:s26+$0x140];
	[tilespmem:s24+$0xFFFFFF80] =	vst v8  }
0x477: {  	v4 =	vmul.f32 v4, v25;
	[tilespmem:s21+$0xB0] =	vst v6;
	v6 =	vld [tilespmem:s25+$0xFFFFFF90]  }
0x478: {  	[tilespmem:s24+$0x1B0] =	vst v24;
	v8 =	vmul.f32 v43, v23;
	v24 =	vld [tilespmem:s9+$0xC0]  }
0x479: {  	v25 =	vld [tilespmem:s25+$0x1C0];
	v27 =	vmul.f32 v28, v29;
	[tilespmem:s8+$0x30] =	vst v4;
	v4 =	vbroadcast v17, $0xA  }
0x47a: {  	[tilespmem:s28+$0xFFFFFF20] =	vst v8;
	v8 =	vld [tilespmem:s19+$0x40];
	v28 =	vmul.f32 v30, v42  }
0x47b: {  	v29 =	vld [tilespmem:s26+$0xFFFFFF30];
	[tilespmem:s8+$0xFFFFFE30] =	vst v27;
	v27 =	vbroadcast v11, $0x6;
	v26 =	vmul.f32 v26, v4  }
0x47c: {  	v30 =	vbroadcast v13, $0xE;
	v31 =	vld [tilespmem:s19+$0xFFFFFE40];
	[tilespmem:s21+$0xFFFFFEB0] =	vst v28;
	v2 =	vmul.f32 v6, v2  }
0x47d: {  	v6 =	vbroadcast v12, $0x2;
	v28 =	vld [tilespmem:s9+$0xFFFFFEC0];
	v24 =	vmul.f32 v24, v27;
	[tilespmem:s28+$0x140] =	vst v26  }
0x47e: {  	v25 =	vmul.f32 v25, v30;
	v26 =	vld [tilespmem:s26+$0x150];
	[tilespmem:s24+$0xFFFFFF90] =	vst v2  }
0x47f: {  	v2 =	vbroadcast v21, $0x2;
	v8 =	vmul.f32 v8, v6;
	[tilespmem:s21+$0xC0] =	vst v24;
	v24 =	vld [tilespmem:s25+$0xFFFFFFA0]  }
0x480: {  	v44 =	vbroadcast v18, $0x6;
	[tilespmem:s24+$0x1C0] =	vst v25;
	v23 =	vmul.f32 v29, v23;
	v25 =	vld [tilespmem:s9+$0xD0]  }
0x481: {  	v29 =	vld [tilespmem:s25+$0x1D0];
	v31 =	vmul.f32 v31, v2;
	[tilespmem:s8+$0x40] =	vst v8  }
0x482: {  	v8 =	vbroadcast v15, $0xD;
	[tilespmem:s28+$0xFFFFFF30] =	vst v23;
	v23 =	vld [tilespmem:s19+$0x50];
	v28 =	vmul.f32 v28, v44  }
0x483: {  	v45 =	vld [tilespmem:s26+$0xFFFFFF40];
	[tilespmem:s8+$0xFFFFFE40] =	vst v31;
	v4 =	vmul.f32 v26, v4  }
0x484: {  	v26 =	vld [tilespmem:s19+$0xFFFFFE50];
	[tilespmem:s21+$0xFFFFFEC0] =	vst v28;
	v24 =	vmul.f32 v24, v8  }
0x485: {  	v28 =	vld [tilespmem:s9+$0xFFFFFED0];
	v25 =	vmul.f32 v25, v27;
	[tilespmem:s28+$0x150] =	vst v4  }
0x486: {  	v4 =	vbroadcast v16, $0xA;
	v27 =	vmul.f32 v29, v30;
	v29 =	vld [tilespmem:s26+$0x160];
	[tilespmem:s24+$0xFFFFFFA0] =	vst v24  }
0x487: {  	v6 =	vmul.f32 v23, v6;
	[tilespmem:s21+$0xD0] =	vst v25;
	v23 =	vld [tilespmem:s25+$0xFFFFFFB0]  }
0x488: {  	[tilespmem:s24+$0x1D0] =	vst v27;
	v24 =	vmul.f32 v45, v4;
	v25 =	vld [tilespmem:s9+$0xE0]  }
0x489: {  	v27 =	vld [tilespmem:s25+$0x1E0];
	v2 =	vmul.f32 v26, v2;
	[tilespmem:s8+$0x50] =	vst v6;
	v6 =	vbroadcast v17, $0xB  }
0x48a: {  	[tilespmem:s28+$0xFFFFFF40] =	vst v24;
	v24 =	vld [tilespmem:s19+$0x60];
	v26 =	vmul.f32 v28, v44  }
0x48b: {  	v28 =	vld [tilespmem:s26+$0xFFFFFF50];
	[tilespmem:s8+$0xFFFFFE50] =	vst v2;
	v2 =	vbroadcast v11, $0x7;
	v29 =	vmul.f32 v29, v6  }
0x48c: {  	v13 =	vbroadcast v13, $0xF;
	v30 =	vld [tilespmem:s19+$0xFFFFFE60];
	[tilespmem:s21+$0xFFFFFED0] =	vst v26;
	v8 =	vmul.f32 v23, v8  }
0x48d: {  	v23 =	vbroadcast v12, $0x3;
	v26 =	vld [tilespmem:s9+$0xFFFFFEE0];
	v25 =	vmul.f32 v25, v2;
	[tilespmem:s28+$0x160] =	vst v29  }
0x48e: {  	v27 =	vmul.f32 v27, v13;
	v29 =	vld [tilespmem:s26+$0x170];
	[tilespmem:s24+$0xFFFFFFB0] =	vst v8  }
0x48f: {  	v8 =	vbroadcast v21, $0x3;
	v24 =	vmul.f32 v24, v23;
	[tilespmem:s21+$0xE0] =	vst v25;
	v25 =	vld [tilespmem:s25+$0xFFFFFFC0]  }
0x490: {  	v46 =	vbroadcast v18, $0x7;
	[tilespmem:s24+$0x1E0] =	vst v27;
	v4 =	vmul.f32 v28, v4;
	v27 =	vld [tilespmem:s9+$0xF0]  }
0x491: {  	v28 =	vld [tilespmem:s25+$0x1F0];
	v30 =	vmul.f32 v30, v8;
	[tilespmem:s8+$0x60] =	vst v24  }
0x492: {  	v24 =	vbroadcast v15, $0xE;
	[tilespmem:s28+$0xFFFFFF50] =	vst v4;
	v4 =	vld [tilespmem:s19+$0x70];
	v26 =	vmul.f32 v26, v46  }
0x493: {  	v31 =	vld [tilespmem:s26+$0xFFFFFF60];
	[tilespmem:s8+$0xFFFFFE60] =	vst v30;
	v6 =	vmul.f32 v29, v6  }
0x494: {  	v29 =	vld [tilespmem:s19+$0xFFFFFE70];
	[tilespmem:s21+$0xFFFFFEE0] =	vst v26;
	v25 =	vmul.f32 v25, v24  }
0x495: {  	v26 =	vld [tilespmem:s9+$0xFFFFFEF0];
	v2 =	vmul.f32 v27, v2;
	[tilespmem:s28+$0x170] =	vst v6  }
0x496: {  	s17 =	simm.s32 $0x530;
	v6 =	vld [tilespmem:s26+$0x180];
	[tilespmem:s24+$0xFFFFFFC0] =	vst v25  }
0x497: {  	v4 =	vmul.f32 v4, v23;
	v25 =	vmul.f32 v28, v13;
	v13 =	vld [tilespmem:s17+$0x0];
	[tilespmem:s21+$0xF0] =	vst v2  }
0x498: {  	s31 =	simm.s32 $0x4400;
	v19 =	vmul.f32 v20, v19;
	v23 =	vbroadcast v16, $0xB;
	v20 =	vld [tilespmem:s9+$0x100]  }
0x499: {  	v28 =	vld [tilespmem:s31+$0xFFFFFE00];
	[tilespmem:s8+$0x70] =	vst v4;
	v4 =	vbroadcast v17, $0xC  }
0x49a: {  	[tilespmem:s23+$0x1F0] =	vst v19;
	v19 =	vmul.f32 v31, v23;
	v27 =	vld [tilespmem:s19+$0x80]  }
0x49b: {  	[tilespmem:s24+$0x1F0] =	vst v25;
	v31 =	vld [tilespmem:s17+$0xFFFFFFF0];
	v25 =	vbroadcast v11, $0x8;
	v6 =	vmul.f32 v6, v4  }
0x49c: {  	v8 =	vmul.f32 v29, v8;
	[tilespmem:s28+$0xFFFFFF60] =	vst v19;
	v19 =	vld [tilespmem:s31+$0x0]  }
0x49d: {  	v2 =	vld [tilespmem:s25+$0xFFFFFFD0];
	v29 =	vbroadcast v12, $0x4;
	v20 =	vmul.f32 v20, v25;
	[tilespmem:s28+$0x180] =	vst v6  }
0x49e: {  	v14 =	vbroadcast v14, $0xF;
	[tilespmem:s8+$0xFFFFFE70] =	vst v8;
	v6 =	vmul.f32 v26, v46;
	v8 =	vld [tilespmem:s26+$0x190]  }
0x49f: {  	v30 =	vld [tilespmem:s19+$0xFFFFFE80];
	v26 =	vbroadcast v13, $0x0;
	v27 =	vmul.f32 v27, v29;
	[tilespmem:s21+$0x100] =	vst v20  }
0x4a0: {  	v20 =	vmul.f32 v22, v14;
	[tilespmem:s21+$0xFFFFFEF0] =	vst v6;
	v6 =	vbroadcast v31, $0x0;
	v22 =	vld [tilespmem:s9+$0x110]  }
0x4a1: {  	v48 =	vld [tilespmem:s26+$0xFFFFFF70];
	v19 =	vmul.f32 v26, v19;
	[tilespmem:s8+$0x80] =	vst v27  }
0x4a2: {  	s13 =	simm.s32 $0x6C00;
	v47 =	vbroadcast v21, $0x4;
	[tilespmem:s23+$0xFFFFFFE0] =	vst v20;
	v20 =	vmul.f32 v6, v28;
	v28 =	vld [tilespmem:s19+$0x90]  }
0x4a3: {  	v27 =	vld [tilespmem:s9+$0xFFFFFF00];
	[tilespmem:s13+$0x0] =	vst v19;
	v4 =	vmul.f32 v8, v4  }
0x4a4: {  	v19 =	vmul.f32 v30, v47;
	[tilespmem:s13+$0xFFFFFE00] =	vst v20;
	v8 =	vld [tilespmem:s31+$0x10]  }
0x4a5: {  	v20 =	vld [tilespmem:s31+$0xFFFFFE10];
	v22 =	vmul.f32 v22, v25;
	[tilespmem:s28+$0x190] =	vst v4  }
0x4a6: {  	v2 =	vmul.f32 v2, v24;
	[tilespmem:s8+$0xFFFFFE80] =	vst v19;
	v4 =	vbroadcast v18, $0x8;
	v19 =	vld [tilespmem:s26+$0x1A0]  }
0x4a7: {  	v24 =	vld [tilespmem:s19+$0xFFFFFE90];
	v25 =	vmul.f32 v28, v29;
	[tilespmem:s21+$0x110] =	vst v22  }
0x4a8: {  	v37 =	vbroadcast v18, $0xA;
	[tilespmem:s24+$0xFFFFFFD0] =	vst v2;
	v2 =	vmul.f32 v27, v4;
	v22 =	vld [tilespmem:s9+$0x120]  }
0x4a9: {  	v38 =	vld [tilespmem:s25+$0xFFFFFFE0];
	v8 =	vmul.f32 v8, v26;
	[tilespmem:s8+$0x90] =	vst v25;
	v25 =	vbroadcast v17, $0xD  }
0x4aa: {  	v40 =	vbroadcast v12, $0x6;
	v6 =	vmul.f32 v20, v6;
	v20 =	vld [tilespmem:s19+$0xA0];
	[tilespmem:s21+$0xFFFFFF00] =	vst v2  }
0x4ab: {  	[tilespmem:s13+$0x10] =	vst v8;
	v2 =	vld [tilespmem:s9+$0xFFFFFF10];
	v8 =	vbroadcast v11, $0x9;
	v19 =	vmul.f32 v19, v25  }
0x4ac: {  	v55 =	vbroadcast v21, $0x6;
	v24 =	vmul.f32 v24, v47;
	[tilespmem:s13+$0xFFFFFE10] =	vst v6;
	v6 =	vld [tilespmem:s31+$0x20]  }
0x4ad: {  	v28 =	vbroadcast v12, $0x5;
	v26 =	vld [tilespmem:s31+$0xFFFFFE20];
	v22 =	vmul.f32 v22, v8;
	[tilespmem:s28+$0x1A0] =	vst v19  }
0x4ae: {  	v15 =	vbroadcast v15, $0xF;
	v23 =	vmul.f32 v48, v23;
	[tilespmem:s8+$0xFFFFFE90] =	vst v24;
	v24 =	vld [tilespmem:s26+$0x1B0]  }
0x4af: {  	v29 =	vbroadcast v13, $0x1;
	v49 =	vld [tilespmem:s19+$0xFFFFFEA0];
	v20 =	vmul.f32 v20, v28;
	[tilespmem:s21+$0x120] =	vst v22  }
0x4b0: {  	v50 =	vbroadcast v31, $0x1;
	[tilespmem:s28+$0xFFFFFF70] =	vst v23;
	v2 =	vmul.f32 v2, v4;
	v4 =	vld [tilespmem:s9+$0x130]  }
0x4b1: {  	v56 =	vbroadcast v13, $0x2;
	v6 =	vmul.f32 v6, v29;
	[tilespmem:s8+$0xA0] =	vst v20;
	v20 =	vld [tilespmem:s26+$0xFFFFFF80]  }
0x4b2: {  	v23 =	vbroadcast v21, $0x5;
	v22 =	vmul.f32 v26, v50;
	v51 =	vld [tilespmem:s19+$0xB0];
	[tilespmem:s21+$0xFFFFFF10] =	vst v2  }
0x4b3: {  	v46 =	vbroadcast v12, $0x7;
	[tilespmem:s13+$0x20] =	vst v6;
	v6 =	vld [tilespmem:s9+$0xFFFFFF20];
	v24 =	vmul.f32 v24, v25  }
0x4b4: {  	v27 =	vbroadcast v16, $0xC;
	[tilespmem:s13+$0xFFFFFE20] =	vst v22;
	v25 =	vld [tilespmem:s31+$0x30];
	v22 =	vmul.f32 v49, v23  }
0x4b5: {  	v33 =	vbroadcast v31, $0xE;
	v52 =	vld [tilespmem:s31+$0xFFFFFE30];
	v4 =	vmul.f32 v4, v8;
	[tilespmem:s28+$0x1B0] =	vst v24  }
0x4b6: {  	v2 =	vbroadcast v18, $0x9;
	[tilespmem:s8+$0xFFFFFEA0] =	vst v22;
	v8 =	vmul.f32 v20, v27;
	v35 =	vld [tilespmem:s26+$0x1C0]  }
0x4b7: {  	v48 =	vbroadcast v13, $0x3;
	v36 =	vld [tilespmem:s19+$0xFFFFFEB0];
	v28 =	vmul.f32 v51, v28;
	[tilespmem:s21+$0x130] =	vst v4  }
0x4b8: {  	v30 =	vbroadcast v16, $0xD;
	v4 =	vmul.f32 v6, v2;
	[tilespmem:s28+$0xFFFFFF80] =	vst v8;
	v6 =	vld [tilespmem:s9+$0x140]  }
0x4b9: {  	v8 =	vmul.f32 v25, v29;
	[tilespmem:s8+$0xB0] =	vst v28;
	v25 =	vld [tilespmem:s26+$0xFFFFFF90];
	v28 =	vbroadcast v17, $0xE  }
0x4ba: {  	v38 =	vmul.f32 v38, v15;
	v29 =	vmul.f32 v52, v50;
	v53 =	vld [tilespmem:s19+$0xC0];
	[tilespmem:s21+$0xFFFFFF20] =	vst v4  }
0x4bb: {  	[tilespmem:s13+$0x30] =	vst v8;
	v4 =	vld [tilespmem:s9+$0xFFFFFF30];
	v8 =	vbroadcast v11, $0xA;
	v54 =	vmul.f32 v35, v28  }
0x4bc: {  	v47 =	vbroadcast v31, $0x3;
	[tilespmem:s13+$0xFFFFFE30] =	vst v29;
	v29 =	vld [tilespmem:s31+$0x40];
	v23 =	vmul.f32 v36, v23  }
0x4bd: {  	v19 =	vbroadcast v16, $0xE;
	v39 =	vld [tilespmem:s31+$0xFFFFFE40];
	v6 =	vmul.f32 v6, v8;
	[tilespmem:s28+$0x1C0] =	vst v54  }
0x4be: {  	v16 =	vbroadcast v16, $0xF;
	[tilespmem:s8+$0xFFFFFEB0] =	vst v23;
	v23 =	vmul.f32 v25, v27;
	v25 =	vld [tilespmem:s26+$0x1D0]  }
0x4bf: {  	v26 =	vbroadcast v18, $0xB;
	v27 =	vld [tilespmem:s19+$0xFFFFFEC0];
	v32 =	vmul.f32 v53, v40;
	[tilespmem:s21+$0x140] =	vst v6  }
0x4c0: {  	v6 =	vbroadcast v31, $0x2;
	v2 =	vmul.f32 v4, v2;
	[tilespmem:s28+$0xFFFFFF90] =	vst v23;
	v4 =	vld [tilespmem:s9+$0x150]  }
0x4c1: {  	v24 =	vbroadcast v18, $0xC;
	v23 =	vmul.f32 v29, v56;
	[tilespmem:s8+$0xC0] =	vst v32;
	v41 =	vld [tilespmem:s26+$0xFFFFFFA0]  }
0x4c2: {  	v22 =	vbroadcast v18, $0xD;
	v39 =	vmul.f32 v39, v6;
	v42 =	vld [tilespmem:s19+$0xD0];
	[tilespmem:s21+$0xFFFFFF30] =	vst v2  }
0x4c3: {  	v20 =	vbroadcast v18, $0xE;
	[tilespmem:s13+$0x40] =	vst v23;
	v2 =	vld [tilespmem:s9+$0xFFFFFF40];
	v23 =	vmul.f32 v25, v28  }
0x4c4: {  	v18 =	vbroadcast v18, $0xF;
	[tilespmem:s13+$0xFFFFFE40] =	vst v39;
	v57 =	vld [tilespmem:s31+$0x50];
	v43 =	vmul.f32 v27, v55  }
0x4c5: {  	v17 =	vbroadcast v17, $0xF;
	v44 =	vld [tilespmem:s31+$0xFFFFFE50];
	v4 =	vmul.f32 v4, v8;
	[tilespmem:s28+$0x1D0] =	vst v23  }
0x4c6: {  	v36 =	vbroadcast v21, $0x7;
	[tilespmem:s8+$0xFFFFFEC0] =	vst v43;
	v8 =	vmul.f32 v41, v30;
	v58 =	vld [tilespmem:s26+$0x1E0]  }
0x4c7: {  	v35 =	vbroadcast v21, $0x8;
	v45 =	vld [tilespmem:s19+$0xFFFFFED0];
	v40 =	vmul.f32 v42, v40;
	[tilespmem:s21+$0x150] =	vst v4  }
0x4c8: {  	v32 =	vbroadcast v21, $0x9;
	v2 =	vmul.f32 v2, v37;
	[tilespmem:s28+$0xFFFFFFA0] =	vst v8;
	v4 =	vld [tilespmem:s9+$0x160]  }
0x4c9: {  	v29 =	vbroadcast v21, $0xA;
	v8 =	vmul.f32 v57, v56;
	[tilespmem:s8+$0xD0] =	vst v40;
	v59 =	vld [tilespmem:s26+$0xFFFFFFB0]  }
0x4ca: {  	v28 =	vbroadcast v21, $0xB;
	v6 =	vmul.f32 v44, v6;
	v60 =	vld [tilespmem:s19+$0xE0];
	[tilespmem:s21+$0xFFFFFF40] =	vst v2  }
0x4cb: {  	[tilespmem:s13+$0x50] =	vst v8;
	v2 =	vld [tilespmem:s9+$0xFFFFFF50];
	v8 =	vbroadcast v11, $0xB;
	v61 =	vmul.f32 v58, v17  }
0x4cc: {  	v27 =	vbroadcast v21, $0xC;
	[tilespmem:s13+$0xFFFFFE50] =	vst v6;
	v6 =	vld [tilespmem:s31+$0x60];
	v34 =	vmul.f32 v45, v55  }
0x4cd: {  	v25 =	vbroadcast v21, $0xD;
	v62 =	vld [tilespmem:s31+$0xFFFFFE60];
	v4 =	vmul.f32 v4, v8;
	[tilespmem:s28+$0x1E0] =	vst v61  }
0x4ce: {  	v23 =	vbroadcast v21, $0xE;
	[tilespmem:s8+$0xFFFFFED0] =	vst v34;
	v30 =	vmul.f32 v59, v30;
	v63 =	vld [tilespmem:s26+$0x1F0]  }
0x4cf: {  	v21 =	vbroadcast v21, $0xF;
	v34 =	vld [tilespmem:s19+$0xFFFFFEE0];
	v39 =	vmul.f32 v60, v46;
	[tilespmem:s21+$0x160] =	vst v4  }
0x4d0: {  	v43 =	vbroadcast v31, $0x4;
	v2 =	vmul.f32 v2, v37;
	[tilespmem:s28+$0xFFFFFFB0] =	vst v30;
	v4 =	vld [tilespmem:s9+$0x170]  }
0x4d1: {  	v41 =	vbroadcast v31, $0x6;
	v6 =	vmul.f32 v6, v48;
	[tilespmem:s8+$0xE0] =	vst v39;
	v49 =	vld [tilespmem:s26+$0xFFFFFFC0]  }
0x4d2: {  	v42 =	vbroadcast v31, $0x5;
	v30 =	vmul.f32 v62, v47;
	v51 =	vld [tilespmem:s19+$0xF0];
	[tilespmem:s21+$0xFFFFFF50] =	vst v2  }
0x4d3: {  	v40 =	vbroadcast v31, $0x8;
	[tilespmem:s13+$0x60] =	vst v6;
	v2 =	vld [tilespmem:s9+$0xFFFFFF60];
	v6 =	vmul.f32 v63, v17  }
0x4d4: {  	v44 =	vbroadcast v31, $0x7;
	[tilespmem:s13+$0xFFFFFE60] =	vst v30;
	v52 =	vld [tilespmem:s31+$0x70];
	v17 =	vmul.f32 v34, v36  }
0x4d5: {  	v37 =	vbroadcast v31, $0xA;
	v53 =	vld [tilespmem:s31+$0xFFFFFE70];
	v4 =	vmul.f32 v4, v8;
	[tilespmem:s28+$0x1F0] =	vst v6  }
0x4d6: {  	v45 =	vld [tilespmem:s20+$0xFFFFFFF0];
	v39 =	vbroadcast v31, $0x9;
	[tilespmem:s8+$0xFFFFFEE0] =	vst v17;
	v6 =	vmul.f32 v49, v19  }
0x4d7: {  	v34 =	vbroadcast v31, $0xB;
	v50 =	vld [tilespmem:s19+$0xFFFFFEF0];
	v8 =	vmul.f32 v51, v46;
	[tilespmem:s21+$0x170] =	vst v4  }
0x4d8: {  	v30 =	vbroadcast v31, $0xC;
	v2 =	vmul.f32 v2, v26;
	[tilespmem:s28+$0xFFFFFFC0] =	vst v6;
	v49 =	vld [tilespmem:s9+$0x180]  }
0x4d9: {  	v17 =	vbroadcast v31, $0xD;
	[tilespmem:s8+$0xF0] =	vst v8;
	v46 =	vld [tilespmem:s26+$0xFFFFFFD0];
	v52 =	vmul.f32 v52, v48  }
0x4da: {  	s3 =	simm.s32 $0xA;
	s17 =	simm.s32 $0x550;
	s20 =	simm.s32 $0x4400;
	v31 =	vbroadcast v31, $0xF;
	v51 =	vmul.f32 v53, v47;
	v47 =	vld [tilespmem:s19+$0x100];
	[tilespmem:s21+$0xFFFFFF60] =	vst v2  }
.LBB2_11:
0x4db: {  	v48 =	vld [tilespmem:s17+$0x0];
	[tilespmem:s13+$0x70] =	vst v52;
	v2 =	vbroadcast v11, $0xC;
	v4 =	vmul.f32 v45, v14;
	v14 =	vmovc v15;
	v15 =	vmovc v16;
	v16 =	vmov v18  }
0x4dc: {  	s3 =	sadd.s32 $0x2, s3;
	v18 =	vmovc v21;
	v21 =	vmov v31;
	[tilespmem:s13+$0xFFFFFE70] =	vst v51;
	v6 =	vld [tilespmem:s31+$0x80];
	v8 =	vmul.f32 v50, v36;
	v36 =	vmov v44  }
0x4dd: {  	p1 =	slt.u32 s3, $0x12;
	s31 =	sadd.s32 $0x400, s31;
	v44 =	vbroadcast v12, $0x8;
	v31 =	vld [tilespmem:s17+$0xFFFFFFF0];
	v45 =	vmul.f32 v49, v2;
	[tilespmem:s24+$0xFFFFFFE0] =	vst v38  }
0x4de: {  	v38 =	vld [tilespmem:s31+$0x0];
	[tilespmem:s8+$0xFFFFFEF0] =	vst v8;
	v8 =	vmul.f32 v46, v19;
	v19 =	vmovc v20;
	v20 =	vmov v23;
	v23 =	vmov v33  }
0x4df: {  	v46 =	vbroadcast v13, $0x4;
	v33 =	vld [tilespmem:s31+$0xFFFFFE00];
	v47 =	vmul.f32 v47, v44;
	[tilespmem:s21+$0x180] =	vst v45  }
0x4e0: {  	v49 =	vld [tilespmem:s9+$0x190];
	[tilespmem:s28+$0xFFFFFFD0] =	vst v8  }
0x4e1: {  	v8 =	vbroadcast v48, $0x0;
	v50 =	vld [tilespmem:s20+$0xFFFFFE80];
	v6 =	vmul.f32 v6, v46;
	[tilespmem:s8+$0x100] =	vst v47  }
0x4e2: {  	v52 =	vbroadcast v31, $0x0;
	v51 =	vbroadcast v31, $0x1;
	v53 =	vld [tilespmem:s19+$0x110];
	[tilespmem:s23+$0xFFFFFFF0] =	vst v4;
	s23 =	smov.u32 s24;
	s24 =	smov.u32 s28;
	s28 =	smov.u32 s21  }
0x4e3: {  	v45 =	vbroadcast v31, $0x2;
	s21 =	smov.u32 s8;
	s8 =	smov.u32 s13;
	v4 =	vmul.f32 v8, v38;
	[tilespmem:s13+$0x80] =	vst v6;
	v6 =	vld [tilespmem:s19+$0xFFFFFF00]  }
0x4e4: {  	v47 =	vbroadcast v31, $0x3;
	s13 =	sadd.s32 $0x400, s13;
	v33 =	vmul.f32 v52, v33;
	v38 =	vld [tilespmem:s20+$0x90]  }
0x4e5: {  	v54 =	vbroadcast v31, $0x4;
	[tilespmem:s13+$0x0] =	vst v4;
	v4 =	vld [tilespmem:s9+$0xFFFFFF70];
	v2 =	vmul.f32 v49, v2  }
0x4e6: {  	v55 =	vbroadcast v31, $0x5;
	[tilespmem:s13+$0xFFFFFE00] =	vst v33;
	v33 =	vld [tilespmem:s31+$0x10];
	v50 =	vmul.f32 v50, v43  }
0x4e7: {  	v49 =	vbroadcast v31, $0x6;
	v56 =	vld [tilespmem:s31+$0xFFFFFE10];
	v53 =	vmul.f32 v53, v44;
	[tilespmem:s28+$0x190] =	vst v2  }
0x4e8: {  	v44 =	vbroadcast v31, $0x7;
	v2 =	vbroadcast v31, $0x8;
	[tilespmem:s8+$0xFFFFFE80] =	vst v50;
	v50 =	vld [tilespmem:s9+$0x1A0]  }
0x4e9: {  	v6 =	vmul.f32 v6, v35;
	v57 =	vld [tilespmem:s20+$0xFFFFFE90];
	v38 =	vmul.f32 v38, v46;
	[tilespmem:s21+$0x110] =	vst v53  }
0x4ea: {  	v53 =	vbroadcast v31, $0x9;
	v46 =	vbroadcast v31, $0xA;
	v58 =	vld [tilespmem:s19+$0x120]  }
0x4eb: {  	v59 =	vbroadcast v11, $0xD;
	v8 =	vmul.f32 v33, v8;
	[tilespmem:s8+$0x90] =	vst v38;
	v38 =	vld [tilespmem:s26+$0xFFFFFFE0]  }
0x4ec: {  	v33 =	vmul.f32 v56, v52;
	v52 =	vbroadcast v31, $0xB;
	v56 =	vld [tilespmem:s20+$0xA0];
	[tilespmem:s21+$0xFFFFFF00] =	vst v6  }
0x4ed: {  	[tilespmem:s13+$0x10] =	vst v8;
	v6 =	vld [tilespmem:s19+$0xFFFFFF10];
	v8 =	vbroadcast v12, $0x9;
	v50 =	vmul.f32 v50, v59  }
0x4ee: {  	v4 =	vmul.f32 v4, v26;
	v26 =	vmovc v28;
	[tilespmem:s13+$0xFFFFFE10] =	vst v33;
	v60 =	vld [tilespmem:s31+$0x20];
	v33 =	vmul.f32 v57, v43;
	v43 =	vmov v54  }
0x4ef: {  	v28 =	vmovc v34;
	v57 =	vbroadcast v13, $0x5;
	v34 =	vmov v52;
	v54 =	vld [tilespmem:s31+$0xFFFFFE20];
	v58 =	vmul.f32 v58, v8;
	[tilespmem:s28+$0x1A0] =	vst v50  }
0x4f0: {  	v52 =	vbroadcast v31, $0xC;
	v50 =	vbroadcast v31, $0xD;
	[tilespmem:s8+$0xFFFFFE90] =	vst v33;
	v61 =	vld [tilespmem:s9+$0x1B0]  }
0x4f1: {  	v62 =	vbroadcast v48, $0x1;
	v63 =	vld [tilespmem:s20+$0xFFFFFEA0];
	v56 =	vmul.f32 v56, v57;
	[tilespmem:s21+$0x120] =	vst v58  }
0x4f2: {  	v33 =	vbroadcast v31, $0xE;
	v6 =	vmul.f32 v6, v35;
	v58 =	vld [tilespmem:s19+$0x130];
	[tilespmem:s28+$0xFFFFFF70] =	vst v4;
	v35 =	vmovc v40;
	v40 =	vmov v2  }
0x4f3: {  	v31 =	vbroadcast v31, $0xF;
	v2 =	vmul.f32 v60, v62;
	[tilespmem:s8+$0xA0] =	vst v56;
	v4 =	vld [tilespmem:s9+$0xFFFFFF80]  }
0x4f4: {  	v38 =	vmul.f32 v38, v15;
	v54 =	vmul.f32 v54, v51;
	v56 =	vld [tilespmem:s20+$0xB0];
	[tilespmem:s21+$0xFFFFFF10] =	vst v6  }
0x4f5: {  	[tilespmem:s13+$0x20] =	vst v2;
	v2 =	vld [tilespmem:s19+$0xFFFFFF20];
	v6 =	vmul.f32 v61, v59  }
0x4f6: {  	[tilespmem:s13+$0xFFFFFE20] =	vst v54;
	v54 =	vld [tilespmem:s31+$0x30];
	v59 =	vmul.f32 v63, v42  }
0x4f7: {  	v60 =	vld [tilespmem:s31+$0xFFFFFE30];
	v8 =	vmul.f32 v58, v8;
	[tilespmem:s28+$0x1B0] =	vst v6  }
0x4f8: {  	[tilespmem:s8+$0xFFFFFEA0] =	vst v59;
	v4 =	vmul.f32 v4, v24;
	v6 =	vld [tilespmem:s9+$0x1C0]  }
0x4f9: {  	v58 =	vld [tilespmem:s20+$0xFFFFFEB0];
	v56 =	vmul.f32 v56, v57;
	[tilespmem:s21+$0x130] =	vst v8  }
0x4fa: {  	v2 =	vmul.f32 v2, v32;
	v8 =	vld [tilespmem:s19+$0x140];
	[tilespmem:s28+$0xFFFFFF80] =	vst v4  }
0x4fb: {  	v4 =	vmul.f32 v54, v62;
	[tilespmem:s8+$0xB0] =	vst v56;
	v54 =	vld [tilespmem:s9+$0xFFFFFF90];
	v56 =	vbroadcast v11, $0xE  }
0x4fc: {  	v51 =	vmul.f32 v60, v51;
	v57 =	vld [tilespmem:s20+$0xC0];
	[tilespmem:s21+$0xFFFFFF20] =	vst v2  }
0x4fd: {  	[tilespmem:s13+$0x30] =	vst v4;
	v2 =	vld [tilespmem:s19+$0xFFFFFF30];
	v4 =	vbroadcast v12, $0xA;
	v6 =	vmul.f32 v6, v56  }
0x4fe: {  	[tilespmem:s13+$0xFFFFFE30] =	vst v51;
	v51 =	vld [tilespmem:s31+$0x40];
	v58 =	vmul.f32 v58, v42;
	v42 =	vmov v55  }
0x4ff: {  	v59 =	vbroadcast v13, $0x6;
	v55 =	vld [tilespmem:s31+$0xFFFFFE40];
	v8 =	vmul.f32 v8, v4;
	[tilespmem:s28+$0x1C0] =	vst v6  }
0x500: {  	[tilespmem:s8+$0xFFFFFEB0] =	vst v58;
	v6 =	vmul.f32 v54, v24;
	v54 =	vld [tilespmem:s9+$0x1D0];
	v24 =	vmovc v27;
	v27 =	vmov v30;
	v30 =	vmov v52  }
0x501: {  	v52 =	vbroadcast v48, $0x2;
	v58 =	vld [tilespmem:s20+$0xFFFFFEC0];
	v57 =	vmul.f32 v57, v59;
	[tilespmem:s21+$0x140] =	vst v8  }
0x502: {  	v2 =	vmul.f32 v2, v32;
	v8 =	vld [tilespmem:s19+$0x150];
	[tilespmem:s28+$0xFFFFFF90] =	vst v6;
	v32 =	vmov v39;
	v39 =	vmov v53  }
0x503: {  	v6 =	vmul.f32 v51, v52;
	[tilespmem:s8+$0xC0] =	vst v57;
	v51 =	vld [tilespmem:s9+$0xFFFFFFA0]  }
0x504: {  	v53 =	vmul.f32 v55, v45;
	v55 =	vld [tilespmem:s20+$0xD0];
	[tilespmem:s21+$0xFFFFFF30] =	vst v2  }
0x505: {  	[tilespmem:s13+$0x40] =	vst v6;
	v2 =	vld [tilespmem:s19+$0xFFFFFF40];
	v6 =	vmul.f32 v54, v56  }
0x506: {  	[tilespmem:s13+$0xFFFFFE40] =	vst v53;
	v53 =	vld [tilespmem:s31+$0x50];
	v54 =	vmul.f32 v58, v41  }
0x507: {  	v56 =	vld [tilespmem:s31+$0xFFFFFE50];
	v4 =	vmul.f32 v8, v4;
	[tilespmem:s28+$0x1D0] =	vst v6  }
0x508: {  	[tilespmem:s8+$0xFFFFFEC0] =	vst v54;
	v6 =	vmul.f32 v51, v22;
	v8 =	vld [tilespmem:s9+$0x1E0]  }
0x509: {  	v51 =	vld [tilespmem:s20+$0xFFFFFED0];
	v54 =	vmul.f32 v55, v59;
	[tilespmem:s21+$0x150] =	vst v4  }
0x50a: {  	v2 =	vmul.f32 v2, v29;
	v4 =	vld [tilespmem:s19+$0x160];
	[tilespmem:s28+$0xFFFFFFA0] =	vst v6  }
0x50b: {  	v6 =	vmul.f32 v53, v52;
	[tilespmem:s8+$0xD0] =	vst v54;
	v52 =	vld [tilespmem:s9+$0xFFFFFFB0];
	v53 =	vbroadcast v11, $0xF;
	v11 =	vmovc v12;
	v12 =	vmovc v13;
	v13 =	vmov v48  }
0x50c: {  	v45 =	vmul.f32 v56, v45;
	v48 =	vld [tilespmem:s20+$0xE0];
	[tilespmem:s21+$0xFFFFFF40] =	vst v2  }
0x50d: {  	[tilespmem:s13+$0x50] =	vst v6;
	v2 =	vld [tilespmem:s19+$0xFFFFFF50];
	v6 =	vbroadcast v11, $0xB;
	v8 =	vmul.f32 v8, v53  }
0x50e: {  	[tilespmem:s13+$0xFFFFFE50] =	vst v45;
	v45 =	vld [tilespmem:s31+$0x60];
	v51 =	vmul.f32 v51, v41;
	v41 =	vmov v49  }
0x50f: {  	v54 =	vbroadcast v12, $0x7;
	v49 =	vld [tilespmem:s31+$0xFFFFFE60];
	v4 =	vmul.f32 v4, v6;
	[tilespmem:s28+$0x1E0] =	vst v8  }
0x510: {  	[tilespmem:s8+$0xFFFFFED0] =	vst v51;
	v8 =	vmul.f32 v52, v22;
	v51 =	vld [tilespmem:s9+$0x1F0];
	v22 =	vmovc v25;
	v25 =	vmov v17;
	v17 =	vmov v50  }
0x511: {  	v52 =	vbroadcast v13, $0x3;
	v50 =	vld [tilespmem:s20+$0xFFFFFEE0];
	v48 =	vmul.f32 v48, v54;
	[tilespmem:s21+$0x160] =	vst v4  }
0x512: {  	v2 =	vmul.f32 v2, v29;
	v4 =	vld [tilespmem:s19+$0x170];
	[tilespmem:s28+$0xFFFFFFB0] =	vst v8;
	v29 =	vmov v37;
	v37 =	vmov v46  }
0x513: {  	v8 =	vmul.f32 v45, v52;
	[tilespmem:s8+$0xE0] =	vst v48;
	v45 =	vld [tilespmem:s9+$0xFFFFFFC0]  }
0x514: {  	v46 =	vmul.f32 v49, v47;
	v48 =	vld [tilespmem:s20+$0xF0];
	[tilespmem:s21+$0xFFFFFF50] =	vst v2  }
0x515: {  	[tilespmem:s13+$0x60] =	vst v8;
	v2 =	vld [tilespmem:s19+$0xFFFFFF60];
	v8 =	vmul.f32 v51, v53  }
0x516: {  	[tilespmem:s13+$0xFFFFFE60] =	vst v46;
	v46 =	vld [tilespmem:s31+$0x70];
	v49 =	vmul.f32 v50, v36  }
0x517: {  	v51 =	vld [tilespmem:s31+$0xFFFFFE70];
	v4 =	vmul.f32 v4, v6;
	[tilespmem:s28+$0x1F0] =	vst v8  }
.Ltmp6:
0x518: {  	[tilespmem:s8+$0xFFFFFEE0] =	vst v49;
	v6 =	vmul.f32 v45, v19;
	v45 =	vld [tilespmem:s25+$0xFFFFFFF0];
	s25 =	smov.u32 s26;
	s26 =	smov.u32 s9;
	(pc) =	sbr.rel @p1 .LBB2_11-.Ltmp6, $4  }
0x519: {  	s9 =	smov.u32 s19;
	s19 =	smov.u32 s20;
	v50 =	vld [tilespmem:s20+$0xFFFFFEF0];
	v8 =	vmul.f32 v48, v54;
	[tilespmem:s21+$0x170] =	vst v4;
	s20 =	smov.u32 s31  }
0x51a: {  	v2 =	vmul.f32 v2, v26;
	v49 =	vld [tilespmem:s9+$0x180];
	[tilespmem:s28+$0xFFFFFFC0] =	vst v6  }
0x51b: {  	v52 =	vmul.f32 v46, v52;
	[tilespmem:s8+$0xF0] =	vst v8;
	v46 =	vld [tilespmem:s26+$0xFFFFFFD0]  }
0x51c: {  	s17 =	sadd.s32 $0x20, s17;
	v51 =	vmul.f32 v51, v47;
	v47 =	vld [tilespmem:s19+$0x100];
	[tilespmem:s21+$0xFFFFFF60] =	vst v2  }
0x51d: {  	[tilespmem:s13+$0x70] =	vst v52  }
0x51e: {  	v2 =	vld [tilespmem:s31+$0x80]  }
0x51f: {  	[tilespmem:s13+$0xFFFFFE70] =	vst v51  }
0x520: {  	v6 =	vld [tilespmem:s20+$0xFFFFFE80]  }
0x521: {  	v4 =	vbroadcast v13, $0x4;
	_ =	sdelay $0x1  }
0x522: {  	v2 =	vmul.f32 v2, v4;
	_ =	sdelay $0x1  }
0x523: {  	v6 =	vmul.f32 v6, v43;
	[tilespmem:s13+$0x80] =	vst v2  }
0x524: {  	v2 =	vld [tilespmem:s20+$0x90]  }
0x525: {  	[tilespmem:s13+$0xFFFFFE80] =	vst v6  }
0x526: {  	v6 =	vld [tilespmem:s20+$0xFFFFFE90];
	_ =	sdelay $0x2  }
0x527: {  	v2 =	vmul.f32 v2, v4;
	_ =	sdelay $0x1  }
0x528: {  	v4 =	vmul.f32 v6, v43;
	[tilespmem:s13+$0x90] =	vst v2  }
0x529: {  	v2 =	vld [tilespmem:s20+$0xA0]  }
0x52a: {  	[tilespmem:s13+$0xFFFFFE90] =	vst v4  }
0x52b: {  	v6 =	vld [tilespmem:s20+$0xFFFFFEA0]  }
0x52c: {  	v4 =	vbroadcast v13, $0x5;
	_ =	sdelay $0x1  }
0x52d: {  	v2 =	vmul.f32 v2, v4;
	_ =	sdelay $0x1  }
0x52e: {  	v6 =	vmul.f32 v6, v42;
	[tilespmem:s13+$0xA0] =	vst v2  }
0x52f: {  	v2 =	vld [tilespmem:s20+$0xB0]  }
0x530: {  	[tilespmem:s13+$0xFFFFFEA0] =	vst v6  }
0x531: {  	v6 =	vld [tilespmem:s20+$0xFFFFFEB0];
	_ =	sdelay $0x2  }
0x532: {  	v2 =	vmul.f32 v2, v4;
	_ =	sdelay $0x1  }
0x533: {  	v4 =	vmul.f32 v6, v42;
	[tilespmem:s13+$0xB0] =	vst v2  }
0x534: {  	v2 =	vld [tilespmem:s20+$0xC0]  }
0x535: {  	[tilespmem:s13+$0xFFFFFEB0] =	vst v4  }
0x536: {  	v6 =	vld [tilespmem:s20+$0xFFFFFEC0]  }
0x537: {  	v4 =	vbroadcast v13, $0x6;
	_ =	sdelay $0x1  }
0x538: {  	v2 =	vmul.f32 v2, v4;
	_ =	sdelay $0x1  }
0x539: {  	v6 =	vmul.f32 v6, v41;
	[tilespmem:s13+$0xC0] =	vst v2  }
0x53a: {  	v2 =	vld [tilespmem:s20+$0xD0]  }
0x53b: {  	[tilespmem:s13+$0xFFFFFEC0] =	vst v6  }
0x53c: {  	v6 =	vld [tilespmem:s20+$0xFFFFFED0];
	_ =	sdelay $0x2  }
0x53d: {  	v2 =	vmul.f32 v2, v4;
	_ =	sdelay $0x1  }
0x53e: {  	v4 =	vmul.f32 v6, v41;
	[tilespmem:s13+$0xD0] =	vst v2  }
0x53f: {  	v2 =	vld [tilespmem:s20+$0xE0]  }
0x540: {  	[tilespmem:s13+$0xFFFFFED0] =	vst v4  }
0x541: {  	v6 =	vld [tilespmem:s20+$0xFFFFFEE0]  }
0x542: {  	v4 =	vbroadcast v13, $0x7;
	_ =	sdelay $0x1  }
0x543: {  	v2 =	vmul.f32 v2, v4;
	_ =	sdelay $0x1  }
0x544: {  	v6 =	vmul.f32 v6, v44;
	[tilespmem:s13+$0xE0] =	vst v2  }
0x545: {  	v2 =	vld [tilespmem:s20+$0xF0]  }
0x546: {  	[tilespmem:s13+$0xFFFFFEE0] =	vst v6  }
0x547: {  	v6 =	vld [tilespmem:s20+$0xFFFFFEF0];
	_ =	sdelay $0x2  }
0x548: {  	v2 =	vmul.f32 v2, v4  }
0x549: {  	v4 =	vmul.f32 v50, v36  }
0x54a: {  	v6 =	vmul.f32 v6, v44;
	[tilespmem:s13+$0xF0] =	vst v2  }
0x54b: {  	v8 =	vbroadcast v12, $0x8;
	[tilespmem:s8+$0xFFFFFEF0] =	vst v4;
	v2 =	vld [tilespmem:s20+$0x100]  }
0x54c: {  	v4 =	vld [tilespmem:s19+$0xFFFFFF00];
	[tilespmem:s13+$0xFFFFFEF0] =	vst v6  }
0x54d: {  	v6 =	vmul.f32 v47, v8;
	v61 =	vld [tilespmem:s20+$0xFFFFFF00]  }
0x54e: {  	v60 =	vbroadcast v13, $0x8  }
0x54f: {  	[tilespmem:s8+$0x100] =	vst v6  }
0x550: {  	v6 =	vld [tilespmem:s19+$0x110];
	v2 =	vmul.f32 v2, v60  }
0x551: {  	v4 =	vmul.f32 v4, v35  }
0x552: {  	v41 =	vmul.f32 v61, v40;
	[tilespmem:s13+$0x100] =	vst v2  }
0x553: {  	[tilespmem:s8+$0xFFFFFF00] =	vst v4;
	v2 =	vld [tilespmem:s20+$0x110]  }
0x554: {  	v4 =	vld [tilespmem:s19+$0xFFFFFF10];
	[tilespmem:s13+$0xFFFFFF00] =	vst v41  }
0x555: {  	v6 =	vmul.f32 v6, v8;
	v8 =	vld [tilespmem:s20+$0xFFFFFF10];
	_ =	sdelay $0x1  }
0x556: {  	[tilespmem:s8+$0x110] =	vst v6  }
0x557: {  	v6 =	vld [tilespmem:s19+$0x120];
	v2 =	vmul.f32 v2, v60  }
0x558: {  	v4 =	vmul.f32 v4, v35  }
0x559: {  	v8 =	vmul.f32 v8, v40;
	[tilespmem:s13+$0x110] =	vst v2  }
0x55a: {  	v62 =	vbroadcast v12, $0x9;
	[tilespmem:s8+$0xFFFFFF10] =	vst v4;
	v2 =	vld [tilespmem:s20+$0x120]  }
0x55b: {  	v4 =	vld [tilespmem:s19+$0xFFFFFF20];
	[tilespmem:s13+$0xFFFFFF10] =	vst v8  }
0x55c: {  	v6 =	vmul.f32 v6, v62;
	v63 =	vld [tilespmem:s20+$0xFFFFFF20]  }
0x55d: {  	v8 =	vbroadcast v13, $0x9  }
0x55e: {  	[tilespmem:s8+$0x120] =	vst v6  }
0x55f: {  	v6 =	vld [tilespmem:s19+$0x130];
	v2 =	vmul.f32 v2, v8  }
0x560: {  	v4 =	vmul.f32 v4, v32  }
0x561: {  	v36 =	vmul.f32 v63, v39;
	[tilespmem:s13+$0x120] =	vst v2  }
0x562: {  	[tilespmem:s8+$0xFFFFFF20] =	vst v4;
	v2 =	vld [tilespmem:s20+$0x130]  }
0x563: {  	v4 =	vld [tilespmem:s19+$0xFFFFFF30];
	[tilespmem:s13+$0xFFFFFF20] =	vst v36  }
0x564: {  	v6 =	vmul.f32 v6, v62;
	v40 =	vld [tilespmem:s20+$0xFFFFFF30];
	_ =	sdelay $0x1  }
0x565: {  	[tilespmem:s8+$0x130] =	vst v6  }
0x566: {  	v6 =	vld [tilespmem:s19+$0x140];
	v2 =	vmul.f32 v2, v8  }
0x567: {  	v4 =	vmul.f32 v4, v32  }
0x568: {  	v8 =	vmul.f32 v40, v39;
	[tilespmem:s13+$0x130] =	vst v2  }
0x569: {  	v41 =	vbroadcast v12, $0xA;
	[tilespmem:s8+$0xFFFFFF30] =	vst v4;
	v2 =	vld [tilespmem:s20+$0x140]  }
0x56a: {  	v4 =	vld [tilespmem:s19+$0xFFFFFF40];
	[tilespmem:s13+$0xFFFFFF30] =	vst v8  }
0x56b: {  	v6 =	vmul.f32 v6, v41;
	v42 =	vld [tilespmem:s20+$0xFFFFFF40]  }
0x56c: {  	v8 =	vbroadcast v13, $0xA  }
0x56d: {  	[tilespmem:s8+$0x140] =	vst v6  }
0x56e: {  	v6 =	vld [tilespmem:s19+$0x150];
	v2 =	vmul.f32 v2, v8  }
0x56f: {  	v4 =	vmul.f32 v4, v29  }
0x570: {  	v35 =	vmul.f32 v42, v37;
	[tilespmem:s13+$0x140] =	vst v2  }
0x571: {  	[tilespmem:s8+$0xFFFFFF40] =	vst v4;
	v2 =	vld [tilespmem:s20+$0x150]  }
0x572: {  	v4 =	vld [tilespmem:s19+$0xFFFFFF50];
	[tilespmem:s13+$0xFFFFFF40] =	vst v35  }
0x573: {  	v6 =	vmul.f32 v6, v41;
	v43 =	vld [tilespmem:s20+$0xFFFFFF50];
	_ =	sdelay $0x1  }
0x574: {  	[tilespmem:s8+$0x150] =	vst v6  }
0x575: {  	v6 =	vld [tilespmem:s19+$0x160];
	v2 =	vmul.f32 v2, v8  }
0x576: {  	v4 =	vmul.f32 v4, v29  }
0x577: {  	v8 =	vmul.f32 v43, v37;
	[tilespmem:s13+$0x150] =	vst v2  }
0x578: {  	v44 =	vbroadcast v12, $0xB;
	[tilespmem:s8+$0xFFFFFF50] =	vst v4;
	v2 =	vld [tilespmem:s20+$0x160]  }
0x579: {  	v4 =	vld [tilespmem:s19+$0xFFFFFF60];
	[tilespmem:s13+$0xFFFFFF50] =	vst v8  }
0x57a: {  	v6 =	vmul.f32 v6, v44;
	v47 =	vld [tilespmem:s20+$0xFFFFFF60]  }
0x57b: {  	v8 =	vbroadcast v13, $0xB  }
0x57c: {  	[tilespmem:s8+$0x160] =	vst v6  }
0x57d: {  	v6 =	vld [tilespmem:s19+$0x170];
	v2 =	vmul.f32 v2, v8  }
0x57e: {  	v4 =	vmul.f32 v4, v28  }
0x57f: {  	v48 =	vld [tilespmem:s9+$0xFFFFFF70];
	v32 =	vmul.f32 v47, v34;
	[tilespmem:s13+$0x160] =	vst v2  }
0x580: {  	[tilespmem:s8+$0xFFFFFF60] =	vst v4;
	v2 =	vld [tilespmem:s20+$0x170]  }
0x581: {  	v4 =	vld [tilespmem:s19+$0xFFFFFF70];
	[tilespmem:s13+$0xFFFFFF60] =	vst v32  }
0x582: {  	v6 =	vmul.f32 v6, v44;
	v50 =	vld [tilespmem:s20+$0xFFFFFF70];
	_ =	sdelay $0x1  }
0x583: {  	[tilespmem:s8+$0x170] =	vst v6;
	v6 =	vmul.f32 v48, v26  }
0x584: {  	v2 =	vmul.f32 v2, v8;
	v8 =	vld [tilespmem:s19+$0x180]  }
0x585: {  	[tilespmem:s21+$0xFFFFFF70] =	vst v6;
	v4 =	vmul.f32 v4, v28  }
0x586: {  	v51 =	vbroadcast v11, $0xC;
	v53 =	vld [tilespmem:s9+$0xFFFFFF80];
	v6 =	vmul.f32 v50, v34;
	[tilespmem:s13+$0x170] =	vst v2  }
0x587: {  	v54 =	vbroadcast v12, $0xC;
	[tilespmem:s8+$0xFFFFFF70] =	vst v4;
	v2 =	vld [tilespmem:s20+$0x180]  }
0x588: {  	v52 =	vmul.f32 v49, v51;
	v4 =	vld [tilespmem:s19+$0xFFFFFF80];
	[tilespmem:s13+$0xFFFFFF70] =	vst v6  }
0x589: {  	v55 =	vld [tilespmem:s20+$0xFFFFFF80];
	v6 =	vmul.f32 v8, v54  }
0x58a: {  	[tilespmem:s21+$0x180] =	vst v52;
	v8 =	vbroadcast v13, $0xC  }
0x58b: {  	v56 =	vld [tilespmem:s9+$0x190];
	[tilespmem:s8+$0x180] =	vst v6;
	v6 =	vmul.f32 v53, v24  }
0x58c: {  	v2 =	vmul.f32 v2, v8;
	v57 =	vld [tilespmem:s19+$0x190]  }
0x58d: {  	v4 =	vmul.f32 v4, v27;
	[tilespmem:s21+$0xFFFFFF80] =	vst v6  }
0x58e: {  	v6 =	vmul.f32 v55, v30;
	[tilespmem:s13+$0x180] =	vst v2;
	v58 =	vld [tilespmem:s9+$0xFFFFFF90]  }
0x58f: {  	[tilespmem:s8+$0xFFFFFF80] =	vst v4;
	v2 =	vld [tilespmem:s20+$0x190]  }
0x590: {  	v26 =	vmul.f32 v56, v51;
	v4 =	vld [tilespmem:s19+$0xFFFFFF90];
	[tilespmem:s13+$0xFFFFFF80] =	vst v6  }
0x591: {  	v59 =	vld [tilespmem:s20+$0xFFFFFF90];
	v6 =	vmul.f32 v57, v54  }
0x592: {  	[tilespmem:s21+$0x190] =	vst v26  }
0x593: {  	v60 =	vld [tilespmem:s9+$0x1A0];
	[tilespmem:s8+$0x190] =	vst v6;
	v6 =	vmul.f32 v58, v24  }
0x594: {  	v2 =	vmul.f32 v2, v8;
	v8 =	vld [tilespmem:s19+$0x1A0]  }
0x595: {  	v4 =	vmul.f32 v4, v27;
	[tilespmem:s21+$0xFFFFFF90] =	vst v6  }
0x596: {  	v61 =	vbroadcast v11, $0xD;
	v6 =	vmul.f32 v59, v30;
	[tilespmem:s13+$0x190] =	vst v2;
	v63 =	vld [tilespmem:s9+$0xFFFFFFA0]  }
0x597: {  	v32 =	vbroadcast v12, $0xD;
	[tilespmem:s8+$0xFFFFFF90] =	vst v4;
	v2 =	vld [tilespmem:s20+$0x1A0]  }
0x598: {  	v62 =	vmul.f32 v60, v61;
	v4 =	vld [tilespmem:s19+$0xFFFFFFA0];
	[tilespmem:s13+$0xFFFFFF90] =	vst v6  }
0x599: {  	v34 =	vld [tilespmem:s20+$0xFFFFFFA0];
	v6 =	vmul.f32 v8, v32  }
0x59a: {  	[tilespmem:s21+$0x1A0] =	vst v62;
	v8 =	vbroadcast v13, $0xD  }
0x59b: {  	v35 =	vld [tilespmem:s9+$0x1B0];
	[tilespmem:s8+$0x1A0] =	vst v6;
	v6 =	vmul.f32 v63, v22  }
0x59c: {  	v2 =	vmul.f32 v2, v8;
	v36 =	vld [tilespmem:s19+$0x1B0]  }
0x59d: {  	v4 =	vmul.f32 v4, v25;
	[tilespmem:s21+$0xFFFFFFA0] =	vst v6  }
0x59e: {  	v6 =	vmul.f32 v34, v17;
	[tilespmem:s13+$0x1A0] =	vst v2;
	v37 =	vld [tilespmem:s9+$0xFFFFFFB0]  }
0x59f: {  	[tilespmem:s8+$0xFFFFFFA0] =	vst v4;
	v2 =	vld [tilespmem:s20+$0x1B0]  }
0x5a0: {  	v24 =	vmul.f32 v35, v61;
	v4 =	vld [tilespmem:s19+$0xFFFFFFB0];
	[tilespmem:s13+$0xFFFFFFA0] =	vst v6  }
0x5a1: {  	v39 =	vld [tilespmem:s20+$0xFFFFFFB0];
	v6 =	vmul.f32 v36, v32  }
0x5a2: {  	[tilespmem:s21+$0x1B0] =	vst v24  }
0x5a3: {  	v40 =	vld [tilespmem:s9+$0x1C0];
	[tilespmem:s8+$0x1B0] =	vst v6;
	v6 =	vmul.f32 v37, v22  }
0x5a4: {  	v2 =	vmul.f32 v2, v8;
	v8 =	vld [tilespmem:s19+$0x1C0]  }
0x5a5: {  	v4 =	vmul.f32 v4, v25;
	[tilespmem:s21+$0xFFFFFFB0] =	vst v6  }
0x5a6: {  	v41 =	vbroadcast v11, $0xE;
	v6 =	vmul.f32 v39, v17;
	[tilespmem:s13+$0x1B0] =	vst v2;
	v43 =	vld [tilespmem:s9+$0xFFFFFFC0]  }
0x5a7: {  	v44 =	vbroadcast v12, $0xE;
	[tilespmem:s8+$0xFFFFFFB0] =	vst v4;
	v2 =	vld [tilespmem:s20+$0x1C0]  }
0x5a8: {  	v42 =	vmul.f32 v40, v41;
	v4 =	vld [tilespmem:s19+$0xFFFFFFC0];
	[tilespmem:s13+$0xFFFFFFB0] =	vst v6  }
0x5a9: {  	v47 =	vld [tilespmem:s20+$0xFFFFFFC0];
	v6 =	vmul.f32 v8, v44  }
0x5aa: {  	[tilespmem:s21+$0x1C0] =	vst v42;
	v8 =	vbroadcast v13, $0xE  }
0x5ab: {  	v48 =	vld [tilespmem:s9+$0x1D0];
	[tilespmem:s8+$0x1C0] =	vst v6;
	v6 =	vmul.f32 v43, v20  }
0x5ac: {  	v2 =	vmul.f32 v2, v8;
	v49 =	vld [tilespmem:s19+$0x1D0]  }
0x5ad: {  	v4 =	vmul.f32 v4, v23;
	[tilespmem:s21+$0xFFFFFFC0] =	vst v6  }
0x5ae: {  	v6 =	vmul.f32 v47, v33;
	[tilespmem:s13+$0x1C0] =	vst v2;
	v51 =	vld [tilespmem:s9+$0xFFFFFFD0]  }
0x5af: {  	v19 =	vmul.f32 v46, v19;
	[tilespmem:s8+$0xFFFFFFC0] =	vst v4;
	v2 =	vld [tilespmem:s20+$0x1D0]  }
0x5b0: {  	v50 =	vmul.f32 v48, v41;
	v4 =	vld [tilespmem:s19+$0xFFFFFFD0];
	[tilespmem:s13+$0xFFFFFFC0] =	vst v6  }
0x5b1: {  	[tilespmem:s28+$0xFFFFFFD0] =	vst v19;
	v52 =	vld [tilespmem:s20+$0xFFFFFFD0];
	v6 =	vmul.f32 v49, v44  }
0x5b2: {  	[tilespmem:s21+$0x1D0] =	vst v50  }
0x5b3: {  	v53 =	vld [tilespmem:s9+$0x1E0];
	[tilespmem:s8+$0x1D0] =	vst v6;
	v6 =	vmul.f32 v51, v20  }
0x5b4: {  	[tilespmem:s24+$0xFFFFFFE0] =	vst v38;
	v19 =	vld [tilespmem:s26+$0xFFFFFFE0];
	v2 =	vmul.f32 v2, v8  }
0x5b5: {  	v8 =	vld [tilespmem:s19+$0x1E0];
	v4 =	vmul.f32 v4, v23;
	[tilespmem:s21+$0xFFFFFFD0] =	vst v6  }
0x5b6: {  	v11 =	vbroadcast v11, $0xF;
	v59 =	vld [tilespmem:s25+$0xFFFFFFF0];
	v6 =	vmul.f32 v52, v33;
	[tilespmem:s13+$0x1D0] =	vst v2  }
0x5b7: {  	[tilespmem:s8+$0xFFFFFFD0] =	vst v4;
	v4 =	vmul.f32 v45, v14;
	v2 =	vld [tilespmem:s20+$0x1E0]  }
0x5b8: {  	v56 =	vbroadcast v12, $0xF;
	v54 =	vmul.f32 v53, v11;
	v55 =	vld [tilespmem:s9+$0xFFFFFFE0];
	[tilespmem:s13+$0xFFFFFFD0] =	vst v6  }
0x5b9: {  	v57 =	vld [tilespmem:s19+$0xFFFFFFE0];
	[tilespmem:s23+$0xFFFFFFF0] =	vst v4;
	v4 =	vmul.f32 v19, v16  }
0x5ba: {  	[tilespmem:s21+$0x1E0] =	vst v54;
	v58 =	vld [tilespmem:s20+$0xFFFFFFE0];
	v6 =	vmul.f32 v8, v56;
	v8 =	vbroadcast v13, $0xF  }
0x5bb: {  	v17 =	vld [tilespmem:s9+$0x1F0];
	[tilespmem:s28+$0xFFFFFFE0] =	vst v4  }
0x5bc: {  	[tilespmem:s8+$0x1E0] =	vst v6;
	v60 =	vld [tilespmem:s26+$0xFFFFFFF0];
	v2 =	vmul.f32 v2, v8  }
0x5bd: {  	v4 =	vmul.f32 v55, v18;
	v6 =	vld [tilespmem:s19+$0x1F0]  }
0x5be: {  	v14 =	vmul.f32 v57, v21;
	[tilespmem:s13+$0x1E0] =	vst v2  }
0x5bf: {  	[tilespmem:s21+$0xFFFFFFE0] =	vst v4;
	v4 =	vmul.f32 v58, v31;
	v2 =	vld [tilespmem:s20+$0x1F0]  }
0x5c0: {  	v11 =	vmul.f32 v17, v11;
	v61 =	vld [tilespmem:s9+$0xFFFFFFF0];
	[tilespmem:s8+$0xFFFFFFE0] =	vst v14  }
0x5c1: {  	v62 =	vmul.f32 v59, v15;
	v63 =	vld [tilespmem:s19+$0xFFFFFFF0];
	[tilespmem:s13+$0xFFFFFFE0] =	vst v4  }
0x5c2: {  	[tilespmem:s21+$0x1F0] =	vst v11;
	v11 =	vmul.f32 v60, v16;
	v4 =	vmul.f32 v6, v56;
	v6 =	vld [tilespmem:s20+$0xFFFFFFF0]  }
0x5c3: {  	[tilespmem:s24+$0xFFFFFFF0] =	vst v62  }
0x5c4: {  	[tilespmem:s28+$0xFFFFFFF0] =	vst v11;
	v2 =	vmul.f32 v2, v8  }
0x5c5: {  	[tilespmem:s8+$0x1F0] =	vst v4;
	v4 =	vmul.f32 v61, v18  }
0x5c6: {  	[tilespmem:s13+$0x1F0] =	vst v2;
	v2 =	vmul.f32 v63, v21  }
0x5c7: {  	[tilespmem:s21+$0xFFFFFFF0] =	vst v4;
	v4 =	vmul.f32 v6, v31  }
0x5c8: {  	[tilespmem:s8+$0xFFFFFFF0] =	vst v2  }
0x5c9: {  	[tilespmem:s13+$0xFFFFFFF0] =	vst v4  }
0x5ca: {  	[spmem:s2] =	stream.indirect.scatter.add.f32 [tilespmem:s14], [sflag:$0x3], $0x80, s11, s18, $0xb8;
	[tilespmem:$0x1F600] =	vst v63  }
0x5cb: {  	_ =	swait.ge [sflag:s30], $0x5000  }
0x5cc: {  	[sflag:s30] =	ssyncset.done $0x0  }
0x5cd: {  	s3 =	simm.s32 $0x0;
	p1 =	por $0x1, $0x1;
	[sflag:s30] =	ssyncadd.s32 $0xFFFFB000  }
.LBB2_13:
0x5ce: {  	v2 =	vld [tilespmem:s3+$0x200];
	_ =	sdelay $0x1  }
0x5cf: {  	v6 =	vld [tilespmem:s3+$0x210]  }
0x5d0: {  	s8 =	sor.u32 $0x50, s3  }
0x5d1: {  	v4 =	vmov s8  }
0x5d2: {  	s31 =	sadd.s32 $0x60, s3;
	v4 =	vshll.u32 v4, $0x7;
	v2 =	vshll.u32 v2, $0x2  }
0x5d3: {  	v8 =	vmov s31;
	v4 =	vor.u32 v1, v4;
	v2 =	vand.u32 $0x7C, v2  }
0x5d4: {  	v8 =	vshll.u32 v8, $0x7;
	v6 =	vshll.u32 v6, $0x2;
	v2 =	vor.u32 v4, v2  }
0x5d5: {  	v8 =	vor.u32 v1, v8;
	v6 =	vand.u32 $0x7C, v6;
	v4 =	vor.u32 $0x1, v2  }
0x5d6: {  	v6 =	vor.u32 v8, v6  }
0x5d7: {  	v11 =	vor.u32 $0x2, v2  }
0x5d8: {  	v12 =	vor.u32 $0x3, v2  }
0x5d9: {  	[tilespmem:v2+s14+$0x0] =	vst.idx.msk $0xffff, v10;
	v2 =	vor.u32 $0x1, v6  }
0x5da: {  	[tilespmem:v4+s14+$0x0] =	vst.idx.msk $0xffff, v10;
	v4 =	vor.u32 $0x2, v6  }
0x5db: {  	p2 =	por p1, p1;
	v8 =	vor.u32 $0x3, v6;
	[tilespmem:v6+s14+$0x0] =	vst.idx.msk $0xffff, v10  }
.Ltmp7:
0x5dc: {  	[tilespmem:v11+s14+$0x0] =	vst.idx.msk $0xffff, v10;
	(pc) =	sbr.rel @p2 .LBB2_13-.Ltmp7, $4  }
0x5dd: {  	[tilespmem:v12+s14+$0x0] =	vst.idx.msk $0xffff, v10  }
0x5de: {  	[tilespmem:v2+s14+$0x0] =	vst.idx.msk $0xffff, v10  }
0x5df: {  	[tilespmem:v4+s14+$0x0] =	vst.idx.msk $0xffff, v10  }
0x5e0: {  	s3 =	simm.s32 $0x20;
	p1 =	por $0x0, $0x0;
	[tilespmem:v8+s14+$0x0] =	vst.idx.msk $0xffff, v10  }
0x5e1: {  	v2 =	vld [tilespmem:$0x240];
	_ =	sdelay $0x4  }
0x5e2: {  	v2 =	vshll.u32 v2, $0x2  }
0x5e3: {  	v2 =	vand.u32 $0x7C, v2  }
0x5e4: {  	v4 =	vor.u32 v3, v2  }
0x5e5: {  	v6 =	vor.u32 v5, v2  }
0x5e6: {  	v8 =	vor.u32 v7, v2  }
0x5e7: {  	v2 =	vor.u32 v9, v2  }
.Ltmp8:
0x5e8: {  	_ = 	snop;
	(pc) =	sbr.rel @p0 .LBB2_16-.Ltmp8, $4  }
0x5e9: {  	[tilespmem:v4+s14+$0x0] =	vst.idx.msk $0xffff, v10  }
0x5ea: {  	[tilespmem:v6+s14+$0x0] =	vst.idx.msk $0xffff, v10  }
0x5eb: {  	[tilespmem:v8+s14+$0x0] =	vst.idx.msk $0xffff, v10  }
0x5ec: {  	[tilespmem:v2+s14+$0x0] =	vst.idx.msk $0xffff, v10  }
0x5ed: {  	s3 =	smul.u32 $0xA0, s22  }
0x5ee: {  	s8 =	rddreg [dreg:$0xc]  }
0x5ef: {  	s3 =	sadd.s32 s3, s8  }
0x5f0: {  	s8 =	sshrl.u32 s3, $0x3  }
0x5f1: {  	s9 =	sadd.s32 s5, s8  }
0x5f2: {  	[tilespmem:s10], [sflag:$0x2] =	stream.linear.gather [hbm4b:s9+s4], $0x50, $0x38;
	[tilespmem:$0x1F600] =	vst v63  }
.Ltmp9:
0x5f3: {  	_ = 	snop;
	(pc) =	sbr.rel .LBB2_2-.Ltmp9, $4  }
0x5f4: {  	s3 =	sshrl.u32 s3, $0x1;
	s8 =	sadd.s32 s6, s8  }
0x5f5: {  	[tilespmem:s11], [sflag:$0x2] =	stream.linear.gather [hbm4b:s8+s4], $0x50, $0x38;
	[tilespmem:$0x1F600] =	vst v63  }
0x5f6: {  	s22 =	sadd.s32 $0x1, s22;
	s3 =	sadd.s32 s7, s3  }
0x5f7: {  	[tilespmem:s12], [sflag:$0x2] =	stream.linear.gather [hbm4b:s3+s4], $0x140, $0x38;
	[tilespmem:$0x1F600] =	vst v63  }
.LBB2_17:
0x5f8: {  	_ =	sfence.sel $0x180000  }
0x5f9: {  	[bflag:$0x0] =	sbarrier.arrive $0xFFFF  }
0x5fa: {  	_ =	strace $0x9000004A  }
0x5fb: {  	s0 =	stileid.u32;
	[bflag:$0x2] =	sbarrier.arrive $0xFFFF  }
0x5fc: {  	p0 =	sne.s32 s0, $0x0;
	s0 =	rddreg [dreg:$0x3]  }
0x5fd: {  	s0 =	sadd.s32 @!p0 $0x100000, s0  }
0x5fe: {  	[sflag:s0] =	ssyncadd.tile.s32 @!p0 $0x1;
	_ =	shalt  }
.Lfunc_end2:
_tile_overlayer_lowered:
.L_overlay_start_2:
0x5ff: {  	(tag) =	ssettag $0x2  }
0x600: {  	s0 =	rddreg [dreg:$0x0];
	s2 =	stileid.u32  }
0x601: {  	s1 =	rddreg [dreg:$0x1];
	p0 =	sne.s32 s2, $0x0  }
0x602: {  	s3 =	rddreg [dreg:$0x2];
	[bflag:$0x3] =	sbarrier.arrive $0xFFFF;
	s2 =	simm.s32 @!p0 $0x1C03  }
0x603: {  	[timem:s3], [sflag:s2] =	dma.local @!p0 [hbm:s0], s1  }
0x604: {  	s0 =	simm.s32 @!p0 $0x3  }
0x605: {  	_ =	swait.ge @!p0 [sflag:s0], s1  }
0x606: {  	s1 =	ssub.s32 @!p0 $0x0, s1;
	[sflag:s0] =	ssyncset.done @!p0 $0x0  }
0x607: {  	[sflag:s0] =	ssyncadd.s32 @!p0 s1  }
0x608: {  	[bflag:$0x3] =	sbarrier.arrive $0xFFFF  }
0x609: {  	_ =	shalt  }

// kernel: kernel.7.cloned.1.call-start
scs
__scs_entry_jumppad:
0x0: {  	(pc) =	sbr.rel $0x88, $3  }
0x1: {  	(tag) =	ssettag $0x0;
	lr =	simm.s32 $0x1  }
0x2: {  	[smem:$0x3F99] =	sst lr;
	_ =	strace $0xD0000000  }
0x3: {  	_ = 	snop  }
0x4: {  	_ = 	snop  }
0x5: {  	_ = 	snop  }
0x6: {  	_ = 	snop  }
0x7: {  	_ = 	snop  }
__scs_overlays_trampoline_lowered:
0x8: {  	[smem:$0x3FA8] =	sst s0  }
0x9: {  	[smem:$0x3FA9] =	sst s1  }
0xa: {  	[smem:$0x3FAA] =	sst s2  }
0xb: {  	[smem:$0x3FAB] =	sst s3  }
0xc: {  	[smem:$0x3FAC] =	sst s4  }
0xd: {  	[smem:$0x3FAD] =	sst s5  }
0xe: {  	[smem:$0x3FAE] =	sst s6  }
0xf: {  	[smem:$0x3FAF] =	sst s7  }
0x10: {  	[smem:$0x3FB0] =	sst s8  }
0x11: {  	[smem:$0x3FB1] =	sst s9;
	s0 =	simm.s32 @!p0 $0x0  }
0x12: {  	s1 =	sld [smem:$0x3F97];
	s0 =	simm.s32 @p0 $0x1  }
0x13: {  	[smem:$0x3FB2] =	sst s0;
	s0 =	simm.s32 @!p1 $0x0  }
0x14: {  	s2 =	sld [smem:$0x3F96];
	s0 =	simm.s32 @p1 $0x1  }
0x15: {  	[smem:$0x3FB3] =	sst s0;
	s0 =	simm.s32 @!p2 $0x0  }
0x16: {  	s3 =	sld [smem:$0x3FDB];
	s0 =	simm.s32 @p2 $0x1  }
0x17: {  	s4 =	simm.s32 $0x1BF5;
	[smem:$0x3FB5] =	sst s0  }
0x18: {  	s0 =	sld [smem:$0x3F98];
	_ =	swait.ge [sflag:s4], $0x0  }
0x19: {  	s7 =	sld [smem:$0x3F99]  }
0x1a: {  	s8 =	sadd.s32 $0xFFFFE003, lr  }
0x1b: {  	s9 =	sadd.s32 $0xFFFFFEF7, lr;
	s5 =	simm.s32 $0xFFFFFFFF;
	p2 =	slt.u32 s8, $0xFFFFF086  }
0x1c: {  	p1 =	slt.u32 s9, $0xF7A;
	s5 =	simm.s32 @!p2 $0x0  }
0x1d: {  	s5 =	simm.s32 @p1 $0x1;
	p0 =	seq.s32 s7, s2  }
0x1e: {  	s7 =	smul.u32 @!p0 $0xF7A, s2;
	p2 =	seq.s32 @!p0 s5, $0x0  }
0x1f: {  	s9 =	smul.u32 $0xF7A, s1;
	s8 =	simm.s32 @!p0 $0x1BF5;
	p2 =	por !p2, p0  }
0x20: {  	[sflag:s8] =	ssyncset.s32 @!p0 $0xFFFFF086;
	s6 =	sadd.s32 @!p0 s3, s7;
	s7 =	simm.s32 @!p0 $0x108  }
0x21: {  	s3 =	sadd.s32 s3, s9;
	s6 =	sadd.s32 @!p0 $0x88, s6;
	s7 =	simm.s32 @p2 $0x1082  }
0x22: {  	[simem:s7], [sflag:s8] =	dma.local @!p0 [hbm:s6], $0xF7A  }
0x23: {  	s9 =	sor.u32 $0xD0000000, s2;
	s6 =	simm.s32 $0x108;
	_ =	swait.ge @!p0 [sflag:s8], $0x0  }
0x24: {  	s3 =	sadd.s32 $0x88, s3;
	s6 =	simm.s32 @!p1 $0x1082;
	[sflag:s4] =	ssyncset.s32 $0xFFFFF086  }
0x25: {  	[simem:s6], [sflag:s4] =	dma.local [hbm:s3], $0xF7A  }
0x26: {  	[smem:$0x3F99] =	sst s1;
	(tag) =	ssettag s2;
	_ =	strace s9  }
0x27: {  	s1 =	sld [smem:$0x3FA9]  }
0x28: {  	s2 =	sld [smem:$0x3FAA]  }
0x29: {  	s4 =	sld [smem:$0x3FAC]  }
0x2a: {  	p0 =	seq.s32 s5, $0x0;
	s5 =	sld [smem:$0x3FAD]  }
0x2b: {  	s6 =	sld [smem:$0x3FAE]  }
0x2c: {  	s7 =	sld [smem:$0x3FAF]  }
0x2d: {  	s3 =	simm.s32 $0x108;
	s8 =	sld [smem:$0x3FB0]  }
0x2e: {  	s3 =	simm.s32 @!p0 $0x1082;
	s9 =	sld [smem:$0x3FB1]  }
0x2f: {  	lr =	sadd.s32 s0, s3;
	s0 =	sld [smem:$0x3FA8]  }
0x30: {  	s3 =	sld [smem:$0x3FAB]  }
0x31: {  	[smem:$0x3FB4] =	sst s10  }
0x32: {  	s10 =	sld [smem:$0x3FB2];
	_ =	sdelay $0x3  }
0x33: {  	p0 =	seq.s32 s10, $0x1;
	s10 =	sld [smem:$0x3FB4];
	_ =	sdelay $0x3  }
0x34: {  	[smem:$0x3FB4] =	sst s10  }
0x35: {  	s10 =	sld [smem:$0x3FB3];
	_ =	sdelay $0x3  }
0x36: {  	p1 =	seq.s32 s10, $0x1;
	s10 =	sld [smem:$0x3FB4];
	_ =	sdelay $0x3  }
0x37: {  	[smem:$0x3FB4] =	sst s10  }
0x38: {  	s10 =	sld [smem:$0x3FB5]  }
0x39: {  	_ = 	snop;
	(pc) =	sbr.ind lr, $3  }
0x3a: {  	_ = 	snop  }
0x3b: {  	_ = 	snop  }
0x3c: {  	p2 =	seq.s32 s10, $0x1;
	s10 =	sld [smem:$0x3FB4]  }
0x3d: {  	_ =	shalt  }
0x3e: {  	_ =	shalt  }
0x3f: {  	_ =	shalt  }
0x40: {  	_ =	shalt  }
0x41: {  	_ =	shalt  }
0x42: {  	_ =	shalt  }
0x43: {  	_ =	shalt  }
0x44: {  	_ =	shalt  }
0x45: {  	_ =	shalt  }
0x46: {  	_ =	shalt  }
0x47: {  	_ =	shalt  }
0x48: {  	_ =	shalt  }
0x49: {  	_ =	shalt  }
0x4a: {  	_ =	shalt  }
0x4b: {  	_ =	shalt  }
0x4c: {  	_ =	shalt  }
0x4d: {  	_ =	shalt  }
0x4e: {  	_ =	shalt  }
0x4f: {  	_ =	shalt  }
0x50: {  	_ =	shalt  }
0x51: {  	_ =	shalt  }
0x52: {  	_ =	shalt  }
0x53: {  	_ =	shalt  }
0x54: {  	_ =	shalt  }
0x55: {  	_ =	shalt  }
0x56: {  	_ =	shalt  }
0x57: {  	_ =	shalt  }
0x58: {  	_ =	shalt  }
0x59: {  	_ =	shalt  }
0x5a: {  	_ =	shalt  }
0x5b: {  	_ =	shalt  }
0x5c: {  	_ =	shalt  }
0x5d: {  	_ =	shalt  }
0x5e: {  	_ =	shalt  }
0x5f: {  	_ =	shalt  }
0x60: {  	_ =	shalt  }
0x61: {  	_ =	shalt  }
0x62: {  	_ =	shalt  }
0x63: {  	_ =	shalt  }
0x64: {  	_ =	shalt  }
0x65: {  	_ =	shalt  }
0x66: {  	_ =	shalt  }
0x67: {  	_ =	shalt  }
0x68: {  	_ =	shalt  }
0x69: {  	_ =	shalt  }
0x6a: {  	_ =	shalt  }
0x6b: {  	_ =	shalt  }
0x6c: {  	_ =	shalt  }
0x6d: {  	_ =	shalt  }
0x6e: {  	_ =	shalt  }
0x6f: {  	_ =	shalt  }
0x70: {  	_ =	shalt  }
0x71: {  	_ =	shalt  }
0x72: {  	_ =	shalt  }
0x73: {  	_ =	shalt  }
0x74: {  	_ =	shalt  }
0x75: {  	_ =	shalt  }
0x76: {  	_ =	shalt  }
0x77: {  	_ =	shalt  }
0x78: {  	_ =	shalt  }
0x79: {  	_ =	shalt  }
0x7a: {  	_ =	shalt  }
0x7b: {  	_ =	shalt  }
0x7c: {  	_ =	shalt  }
0x7d: {  	_ =	shalt  }
0x7e: {  	_ =	shalt  }
0x7f: {  	_ =	shalt  }
0x80: {  	_ =	shalt  }
0x81: {  	_ =	shalt  }
0x82: {  	_ =	shalt  }
0x83: {  	_ =	shalt  }
0x84: {  	_ =	shalt  }
0x85: {  	_ =	shalt  }
0x86: {  	_ =	shalt  }
0x87: {  	_ =	shalt  }
.Lfunc_end0:
.L_simem_size_0:
called_computation_lowered:
.L_overlay_start_0:
0x88: {  	s2 =	sld [smem:$0x3FD9]  }
0x89: {  	s3 =	sld [smem:$0x3FFE];
	_ =	sdelay $0x1  }
0x8a: {  	s1 =	srdreg.scid  }
0x8b: {  	s0 =	sand.u32 $0x1, s1  }
0x8c: {  	s16 =	sshll.u32 s0, $0xA;
	s2 =	sadd.s32 s3, s2  }
0x8d: {  	s2 =	sadd.s32 s2, s16  }
0x8e: {  	[smem:$0x3FC0] =	sst s2  }
0x8f: {  	_ = 	snop  }
0x90: {  	(tm) =	ssettm $0x1  }
0x91: {  	s17 =	sld [smem:$0x3FFB];
	_ =	sdelay $0x3  }
0x92: {  	_ =	strace s17  }
0x93: {  	s2 =	sld [smem:$0x3FFC];
	_ =	sdelay $0x3  }
0x94: {  	_ =	strace s2  }
0x95: {  	s2 =	sld [smem:$0x3FFD];
	_ =	sdelay $0x3  }
0x96: {  	_ =	strace s2  }
0x97: {  	_ =	strace $0x8FFFFFFF  }
0x98: {  	s18 =	sld [smem:$0x3FDB];
	_ =	sdelay $0x1  }
0x99: {  	s19 =	simm.s32 $_scs_section_size  }
0x9a: {  	s4 =	simm.s32 $_size__tile_overlayer_lowered;
	s5 =	simm.s32 $_tile_overlayer_lowered  }
0x9b: {  	s22 =	simm.s32 $0x1BFF;
	s21 =	sshll.u32 s5, $0x1;
	s2 =	sadd.s32 s19, s18  }
0x9c: {  	s6 =	simm.s32 $0x0;
	s20 =	sshll.u32 s4, $0x1;
	s4 =	sadd.s32 s21, s2  }
0x9d: {  	[timem:s6], [sflag:s22] =	dma.local [hbm:s4], s20  }
0x9e: {  	_ =	swait.ge [sflag:s22], s20  }
0x9f: {  	s3 =	ssub.s32 $0x0, s20;
	[sflag:s22] =	ssyncset.done $0x0  }
0xa0: {  	[sflag:s22] =	ssyncadd.s32 s3;
	_ =	sdelay $0x1  }
0xa1: {  	s23 =	simm.s32 $0x1B8B  }
0xa2: {  	_ =	swait.ge [sflag:s23], $0x1  }
0xa3: {  	[sflag:s23] =	ssyncset.done $0x0  }
0xa4: {  	s25 =	simm.s32 $0x1B8E;
	s24 =	sld [smem:$0x3FFE];
	[sflag:s23] =	ssyncadd.s32 $0xFFFFFFFF  }
0xa5: {  	s26 =	simm.s32 $execute0_lowered;
	[smem:$0x3FD2] =	sst s25  }
0xa6: {  	s4 =	sshll.u32 s26, $0x1;
	_ =	strace $0x80000046;
	[dreg:$0x1] =	wrdreg $0xFFFFFFFF  }
0xa7: {  	s28 =	simm.s32 $_size_execute0_lowered;
	s2 =	sadd.s32 s2, s4;
	[dreg:$0x0] =	wrdreg $0x0  }
0xa8: {  	s4 =	sshll.u32 s28, $0x1;
	[dreg:$0x2] =	wrdreg s2  }
0xa9: {  	[dreg:$0x3] =	wrdreg s4  }
0xaa: {  	[dreg:$0x4] =	wrdreg $0xC0  }
0xab: {  	_ =	task [dreg:s6], $0x5FFFF  }
0xac: {  	[dreg:$0x1] =	wrdreg $0xFFFFFFFF  }
0xad: {  	[dreg:$0x0] =	wrdreg $0x60  }
0xae: {  	[dreg:$0x2] =	wrdreg s24  }
0xaf: {  	[dreg:$0x3] =	wrdreg $0x9  }
0xb0: {  	_ =	task.clear_ibuf [dreg:s6], $0x4FFFF;
	_ =	strace $0x90000046  }
0xb1: {  	s29 =	simm.s32 $0x9;
	_ =	strace $0x80000048  }
0xb2: {  	_ =	swait.ge [sflag:s29], $0x1  }
0xb3: {  	[sflag:s29] =	ssyncadd.s32 $0xFFFFFFFF  }
0xb4: {  	_ =	strace $0x90000048  }
0xb5: {  	_ =	sfence  }
0xb6: {  	s30 =	sld [smem:$0x0];
	_ =	sdelay $0x2  }
0xb7: {  	s31 =	sshll.u32 s1, $0xD;
	s1 =	sshrl.u32 s1, $0x2  }
0xb8: {  	s3 =	sand.u32 $0x4000, s31;
	s1 =	sadd.s32 s1, s30  }
0xb9: {  	s0 =	sor.u32 s3, s0;
	s1 =	sshll.u32 s1, $0x11  }
0xba: {  	s0 =	sor.u32 s1, s0  }
0xbb: {  	s0 =	sadd.s32 $0x8F2B, s0  }
0xbc: {  	[sflag:s0] =	ssyncadd.remote.s32 $0x1  }
0xbd: {  	_ =	sfence.sel $0xFFFF  }
0xbe: {  	[dreg:$0x0] =	wrdreg $0xFFFFFFFF;
	(pc) =	sbr.abs _section_cstart, $3  }
0xbf: {  	[dreg:$0x1] =	wrdreg $0xFFFFFFFF  }
0xc0: {  	_ =	task.clear_ibuf [dreg:s6], $0x2FFFF;
	_ =	strace $0x9FFFFFFF  }
0xc1: {  	(tm) =	ssettm $0x7FFFFFFF  }
tec
execute0_lowered:
.L_overlay_start_1:
0x0: {  	(tag) =	ssettag $0x1  }
0x1: {  	s8 =	rddreg [dreg:$0x0]  }
0x2: {  	s0 =	rddreg [dreg:$0x1];
	s1 =	simm.s32 $0x0;
	s5 =	srdreg.scid  }
0x3: {  	s12 =	simm.s32 $0xA080;
	s13 =	simm.s32 $0x14100;
	s14 =	simm.s32 $0x14180  }
0x4: {  	s15 =	simm.s32 $0x14380;
	s16 =	simm.s32 $0x14580;
	s17 =	simm.s32 $0x0  }
0x5: {  	[smem:$0x7FF] =	sst s1;
	s2 =	sadd.s32 $0x50600, s8;
	s3 =	sadd.s32 $0x51C00, s8  }
0x6: {  	s4 =	sadd.s32 $0x53400, s8;
	s9 =	sand.u32 $0x1, s5;
	s6 =	sadd.s32 $0x5D400, s8  }
0x7: {  	s7 =	sadd.s32 $0x53200, s8;
	s5 =	stileid.u32;
	s10 =	ssub.s32 $0x2, s9  }
0x8: {  	s8 =	sadd.s32 $0x67400, s8;
	s9 =	sshll.u32 s9, $0x4;
	s11 =	sshrl.u32 s10, $0x1  }
0x9: {  	v0 =	vlaneseq.u32;
	_ =	strace $0x80000047;
	s9 =	sor.u32 s5, s9;
	s10 =	ssub.s32 s10, s11  }
0xa: {  	v0 =	vmul.u32 $0x4, v0;
	s9 =	smul.u32 $0x2800, s9;
	s11 =	simm.s32 $0x1;
	s10 =	smax.u32 s10, $0x1  }
.LBB2_1:
0xb: {  	[tilespmem:s1], [sflag:$0x1] =	stream.linear.gather [hbm4b:s2+s1], $0xA080, $0x38;
	[tilespmem:$0x14D80] =	vst v63  }
0xc: {  	_ =	swait.ge [sflag:s11], $0xA080  }
0xd: {  	[sflag:s11] =	ssyncset.done $0x0  }
0xe: {  	[sflag:s11] =	ssyncadd.s32 $0xFFFF5F80  }
0xf: {  	[tilespmem:s12], [sflag:$0x1] =	stream.linear.gather [hbm4b:s3+s1], $0xA080, $0x38;
	[tilespmem:$0x14D80] =	vst v63  }
0x10: {  	_ =	swait.ge [sflag:s11], $0xA080  }
0x11: {  	[sflag:s11] =	ssyncset.done $0x0  }
0x12: {  	[sflag:s11] =	ssyncadd.s32 $0xFFFF5F80  }
0x13: {  	[tilespmem:s13], [sflag:$0x1] =	stream.linear.gather [hbm4b:s7+s1], $0x80, $0x38;
	[tilespmem:$0x14D80] =	vst v63  }
0x14: {  	_ =	swait.ge [sflag:s11], $0x80  }
0x15: {  	[sflag:s11] =	ssyncset.done $0x0  }
0x16: {  	[sflag:s11] =	ssyncadd.s32 $0xFFFFFF80  }
0x17: {  	v1 =	vld [tilespmem:$0x14100];
	_ =	sdelay $0x1  }
0x18: {  	s18 =	simm.s32 $0x0  }
.LBB2_2:
0x19: {  	s19 =	sshll.u32 s18, $0x9  }
0x1a: {  	s19 =	sadd.s32 s9, s19  }
0x1b: {  	s20 =	sshrl.u32 s19, $0x3  }
0x1c: {  	s21 =	sadd.s32 s4, s20  }
0x1d: {  	[tilespmem:s14], [sflag:$0x1] =	stream.linear.gather [hbm4b:s21+s1], $0x200, $0x38;
	[tilespmem:$0x14D80] =	vst v63  }
0x1e: {  	_ =	swait.ge [sflag:s11], $0x200  }
0x1f: {  	[sflag:s11] =	ssyncset.done $0x0  }
0x20: {  	s20 =	sadd.s32 s6, s20;
	[sflag:s11] =	ssyncadd.s32 $0xFFFFFE00  }
0x21: {  	[tilespmem:s15], [sflag:$0x1] =	stream.linear.gather [hbm4b:s20+s1], $0x200, $0x38;
	[tilespmem:$0x14D80] =	vst v63  }
0x22: {  	_ =	swait.ge [sflag:s11], $0x200  }
0x23: {  	[sflag:s11] =	ssyncset.done $0x0  }
0x24: {  	s24 =	simm.s32 $0x14190;
	[sflag:s11] =	ssyncadd.s32 $0xFFFFFE00  }
0x25: {  	s25 =	simm.s32 $0x14390;
	v2 =	vld [tilespmem:s24+$0x0]  }
0x26: {  	v3 =	vld [tilespmem:s25+$0x0];
	_ =	sdelay $0x3  }
0x27: {  	v9 =	vshll.u32 v2, $0x2  }
0x28: {  	v8 =	vshll.u32 v3, $0x2;
	_ =	sdelay $0x3  }
0x29: {  	v2 =	vld.idx.msk [tilespmem:v9+s1+$0x0], $0xffff  }
0x2a: {  	v3 =	vld.idx.msk [tilespmem:v8+s12+$0x0], $0xffff;
	_ =	sdelay $0x4  }
0x2b: {  	v4 =	vld [tilespmem:s24+$0xFFFFFFF0];
	v2 =	vadd.f32 v3, v2  }
0x2c: {  	v3 =	vld [tilespmem:s25+$0xFFFFFFF0]  }
0x2d: {  	v5 =	vmul.f32 $2.000000030e-01, v2;
	_ =	sdelay $0x1  }
0x2e: {  	v2 =	vmax.f32 v2, v5  }
0x2f: {  	v4 =	vshll.u32 v4, $0x2;
	v2 =	vsub.f32 v2, v1  }
0x30: {  	s26 =	simm.s32 $0x141B0;
	v3 =	vshll.u32 v3, $0x2  }
0x31: {  	v5 =	vld [tilespmem:s26+$0x0];
	v2 =	vmul.f32 $1.442695020e+00, v2  }
0x32: {  	s28 =	simm.s32 $0x143B0  }
0x33: {  	(erf) = vpow2.f32 v2;
	v2 =	vld [tilespmem:s28+$0x0]  }
0x34: {  	v6 =	vld.idx.msk [tilespmem:v4+s1+$0x0], $0xffff  }
0x35: {  	v7 =	vld.idx.msk [tilespmem:v3+s12+$0x0], $0xffff  }
0x36: {  	s22 =	simm.s32 $0x10;
	v26 =	vshll.u32 v5, $0x2  }
0x37: {  	v10 =	vmov s22  }
0x38: {  	v5 =	vshll.u32 v10, $0x2;
	v25 =	vshll.u32 v2, $0x2  }
0x39: {  	v28 =	vor.u32 v0, v5  }
0x3a: {  	v2 =	vor.u32 $0x1, v9;
	v5 =	vadd.f32 v7, v6  }
0x3b: {  	v12 =	vld.idx.msk [tilespmem:v26+s1+$0x0], $0xffff;
	v6 =	vor.u32 $0x1, v8  }
0x3c: {  	v7 =	vld [tilespmem:s26+$0xFFFFFFF0];
	v10 =	vmul.f32 $2.000000030e-01, v5  }
0x3d: {  	v11 =	vpop (erf);
	v13 =	vld.idx.msk [tilespmem:v25+s12+$0x0], $0xffff  }
0x3e: {  	[tilespmem:v28+s16+$0x0] =	vst.idx.msk $0xffff, v11;
	v5 =	vmax.f32 v5, v10;
	v10 =	vld [tilespmem:s28+$0xFFFFFFF0]  }
0x3f: {  	v2 =	vld.idx.msk [tilespmem:v2+s1+$0x0], $0xffff;
	v5 =	vsub.f32 v5, v1  }
0x40: {  	v6 =	vld.idx.msk [tilespmem:v6+s12+$0x0], $0xffff  }
0x41: {  	v5 =	vmul.f32 $1.442695020e+00, v5  }
0x42: {  	v11 =	vadd.f32 v13, v12  }
0x43: {  	(erf) = vpow2.f32 v5  }
0x44: {  	v5 =	vshll.u32 v7, $0x2;
	v7 =	vmul.f32 $2.000000030e-01, v11  }
0x45: {  	s29 =	simm.s32 $0x0;
	v12 =	vshll.u32 v10, $0x2;
	v2 =	vadd.f32 v6, v2  }
0x46: {  	v6 =	vmov s29;
	v7 =	vmax.f32 v11, v7  }
0x47: {  	v6 =	vshll.u32 v6, $0x2;
	v11 =	vmul.f32 $2.000000030e-01, v2;
	v7 =	vsub.f32 v7, v1  }
0x48: {  	s30 =	simm.s32 $0x141D0;
	v13 =	vor.u32 v0, v6  }
0x49: {  	v14 =	vld [tilespmem:s30+$0x0];
	v6 =	vor.u32 $0x1, v4;
	v2 =	vmax.f32 v2, v11;
	v7 =	vmul.f32 $1.442695020e+00, v7  }
0x4a: {  	s31 =	simm.s32 $0x143D0;
	v10 =	vor.u32 $0x1, v3;
	v15 =	vld.idx.msk [tilespmem:v12+s12+$0x0], $0xffff;
	v2 =	vsub.f32 v2, v1  }
0x4b: {  	(erf) = vpow2.f32 v7;
	v7 =	vld [tilespmem:s31+$0x0]  }
0x4c: {  	v11 =	vld.idx.msk [tilespmem:v5+s1+$0x0], $0xffff;
	v2 =	vmul.f32 $1.442695020e+00, v2;
	v16 =	vpop (erf)  }
0x4d: {  	s23 =	simm.s32 $0x30;
	[tilespmem:v13+s16+$0x0] =	vst.idx.msk $0xffff, v16  }
0x4e: {  	(erf) = vpow2.f32 v2;
	v16 =	vld.idx.msk [tilespmem:v6+s1+$0x0], $0xffff;
	v2 =	vmov s23  }
0x4f: {  	v17 =	vld.idx.msk [tilespmem:v10+s12+$0x0], $0xffff;
	v6 =	vshll.u32 v14, $0x2;
	v2 =	vshll.u32 v2, $0x2  }
0x50: {  	v2 =	vor.u32 v0, v2;
	v10 =	vshll.u32 v7, $0x2  }
0x51: {  	v20 =	vld [tilespmem:s31+$0xFFFFFFF0];
	v7 =	vadd.f32 v15, v11;
	v11 =	vor.u32 $0x1, v26  }
0x52: {  	s25 =	simm.s32 $0x141F0;
	v14 =	vld [tilespmem:s30+$0xFFFFFFF0];
	v15 =	vor.u32 $0x1, v25  }
0x53: {  	v36 =	vld [tilespmem:s25+$0xFFFFFFF0];
	v18 =	vor.u32 $0x1, v28;
	v19 =	vmul.f32 $2.000000030e-01, v7  }
0x54: {  	v21 =	vor.u32 $0x2, v9;
	v16 =	vadd.f32 v17, v16;
	v22 =	vld.idx.msk [tilespmem:v6+s1+$0x0], $0xffff;
	v17 =	vpop (erf)  }
0x55: {  	v23 =	vor.u32 $0x2, v8;
	v7 =	vmax.f32 v7, v19;
	v19 =	vld.idx.msk [tilespmem:v10+s12+$0x0], $0xffff;
	[tilespmem:v2+s16+$0x0] =	vst.idx.msk $0xffff, v17  }
0x56: {  	v24 =	vmul.f32 $2.000000030e-01, v16;
	v7 =	vsub.f32 v7, v1;
	v11 =	vld.idx.msk [tilespmem:v11+s1+$0x0], $0xffff  }
0x57: {  	v27 =	vor.u32 $0x2, v4;
	v29 =	vor.u32 $0x3, v4;
	v14 =	vshll.u32 v14, $0x2;
	v17 =	vpop (erf);
	v4 =	vld.idx.msk [tilespmem:v15+s12+$0x0], $0xffff  }
0x58: {  	v15 =	vmax.f32 v16, v24;
	[tilespmem:v18+s16+$0x0] =	vst.idx.msk $0xffff, v17;
	v18 =	vshll.u32 v20, $0x2;
	v7 =	vmul.f32 $1.442695020e+00, v7  }
0x59: {  	v33 =	vor.u32 $0x2, v3;
	v30 =	vor.u32 $0x3, v3;
	v16 =	vsub.f32 v15, v1;
	v17 =	vld.idx.msk [tilespmem:v21+s1+$0x0], $0xffff  }
0x5a: {  	v46 =	vshll.u32 v36, $0x2;
	v3 =	vld.idx.msk [tilespmem:v23+s12+$0x0], $0xffff;
	(erf) = vpow2.f32 v7;
	v7 =	vadd.f32 v19, v22  }
0x5b: {  	s24 =	simm.s32 $0x20;
	v31 =	vor.u32 $0x2, v12;
	v32 =	vor.u32 $0x2, v13;
	v16 =	vmul.f32 $1.442695020e+00, v16  }
0x5c: {  	v23 =	vld.idx.msk [tilespmem:v14+s1+$0x0], $0xffff;
	v22 =	vmov s24;
	v4 =	vadd.f32 v4, v11;
	v24 =	vmul.f32 $2.000000030e-01, v7  }
0x5d: {  	v20 =	vor.u32 $0x1, v5;
	v15 =	vor.u32 $0x2, v5;
	v11 =	vshll.u32 v22, $0x2;
	v22 =	vld.idx.msk [tilespmem:v18+s12+$0x0], $0xffff  }
0x5e: {  	(erf) = vpow2.f32 v16;
	v16 =	vmul.f32 $2.000000030e-01, v4;
	v7 =	vmax.f32 v7, v24  }
0x5f: {  	s26 =	simm.s32 $0x143F0;
	v24 =	vadd.f32 v3, v17;
	v17 =	vor.u32 $0x3, v5;
	v5 =	vor.u32 v0, v11  }
0x60: {  	v37 =	vld [tilespmem:s26+$0xFFFFFFF0];
	v21 =	vor.u32 $0x1, v12;
	v3 =	vsub.f32 v7, v1;
	v4 =	vmax.f32 v4, v16  }
0x61: {  	v19 =	vor.u32 $0x1, v13;
	v7 =	vmul.f32 $2.000000030e-01, v24;
	v4 =	vsub.f32 v4, v1  }
0x62: {  	v16 =	vor.u32 $0x3, v12;
	v11 =	vmul.f32 $1.442695020e+00, v3;
	v12 =	vadd.f32 v22, v23  }
0x63: {  	v3 =	vor.u32 $0x3, v13;
	v13 =	vld [tilespmem:s25+$0x0];
	v7 =	vmax.f32 v24, v7;
	v22 =	vpop (erf);
	v4 =	vmul.f32 $1.442695020e+00, v4  }
0x64: {  	(erf) = vpow2.f32 v11;
	v11 =	vld [tilespmem:s26+$0x0];
	v7 =	vsub.f32 v7, v1;
	[tilespmem:v5+s16+$0x0] =	vst.idx.msk $0xffff, v22;
	v22 =	vmul.f32 $2.000000030e-01, v12  }
0x65: {  	v57 =	vshll.u32 v37, $0x2  }
0x66: {  	v36 =	vor.u32 $0x1, v46;
	s28 =	simm.s32 $0x50;
	v20 =	vld.idx.msk [tilespmem:v20+s1+$0x0], $0xffff;
	(erf) = vpow2.f32 v4;
	v4 =	vmul.f32 $1.442695020e+00, v7  }
0x67: {  	v43 =	vor.u32 $0x2, v28;
	v21 =	vld.idx.msk [tilespmem:v21+s12+$0x0], $0xffff;
	v12 =	vmax.f32 v12, v22;
	v7 =	vmov s28  }
0x68: {  	v13 =	vshll.u32 v13, $0x2;
	v24 =	vshll.u32 v7, $0x2;
	v22 =	vpop (erf);
	(erf) = vpow2.f32 v4  }
0x69: {  	v59 =	vld.idx.msk [tilespmem:v46+s1+$0x0], $0xffff;
	v53 =	vor.u32 $0x1, v2;
	v4 =	vor.u32 v0, v24;
	v7 =	vshll.u32 v11, $0x2  }
0x6a: {  	v61 =	vld.idx.msk [tilespmem:v57+s12+$0x0], $0xffff;
	v35 =	vor.u32 $0x1, v14;
	v12 =	vsub.f32 v12, v1;
	[tilespmem:v19+s16+$0x0] =	vst.idx.msk $0xffff, v22;
	v19 =	vor.u32 $0x1, v6  }
0x6b: {  	v23 =	vor.u32 $0x2, v14;
	v11 =	vor.u32 $0x3, v14;
	v14 =	vld.idx.msk [tilespmem:v27+s1+$0x0], $0xffff;
	v27 =	vor.u32 $0x1, v10  }
0x6c: {  	v12 =	vmul.f32 $1.442695020e+00, v12;
	v22 =	vld.idx.msk [tilespmem:v33+s12+$0x0], $0xffff;
	v20 =	vadd.f32 v21, v20;
	v21 =	vor.u32 $0x2, v26  }
0x6d: {  	v9 =	vor.u32 $0x3, v9;
	v42 =	vor.u32 $0x2, v25;
	v38 =	vor.u32 $0x1, v18;
	v41 =	vld.idx.msk [tilespmem:v13+s1+$0x0], $0xffff;
	v40 =	vpop (erf)  }
0x6e: {  	s29 =	simm.s32 $0x40;
	v24 =	vor.u32 $0x2, v18;
	(erf) = vpow2.f32 v12;
	v12 =	vor.u32 $0x3, v18;
	v18 =	vld.idx.msk [tilespmem:v7+s12+$0x0], $0xffff;
	[tilespmem:v4+s16+$0x0] =	vst.idx.msk $0xffff, v40  }
0x6f: {  	v8 =	vor.u32 $0x3, v8;
	v54 =	vmov s29;
	v48 =	vadd.f32 v61, v59;
	v44 =	vpop (erf);
	v19 =	vld.idx.msk [tilespmem:v19+s1+$0x0], $0xffff  }
0x70: {  	v37 =	vor.u32 $0x1, v57;
	v55 =	vshll.u32 v54, $0x2;
	v45 =	vmul.f32 $2.000000030e-01, v20;
	v56 =	vld.idx.msk [tilespmem:v27+s12+$0x0], $0xffff;
	[tilespmem:v53+s16+$0x0] =	vst.idx.msk $0xffff, v44  }
0x71: {  	v58 =	vor.u32 v0, v55;
	v52 =	vmul.f32 $2.000000030e-01, v48;
	v14 =	vadd.f32 v22, v14;
	v47 =	vld.idx.msk [tilespmem:v21+s1+$0x0], $0xffff;
	v21 =	vpop (erf)  }
0x72: {  	v39 =	vor.u32 $0x1, v5;
	v34 =	vor.u32 $0x2, v5;
	v20 =	vmax.f32 v20, v45;
	v42 =	vld.idx.msk [tilespmem:v42+s12+$0x0], $0xffff;
	[tilespmem:v43+s16+$0x0] =	vst.idx.msk $0xffff, v21  }
0x73: {  	v20 =	vsub.f32 v20, v1;
	v21 =	vmul.f32 $2.000000030e-01, v14;
	v43 =	vld.idx.msk [tilespmem:v9+s1+$0x0], $0xffff;
	v22 =	vadd.f32 v18, v41  }
0x74: {  	v5 =	vor.u32 $0x3, v5;
	v59 =	vor.u32 $0x1, v13;
	v61 =	vor.u32 $0x1, v4;
	v8 =	vld.idx.msk [tilespmem:v8+s12+$0x0], $0xffff  }
0x75: {  	v20 =	vmul.f32 $1.442695020e+00, v20;
	v9 =	vmax.f32 v14, v21;
	v14 =	vmul.f32 $2.000000030e-01, v22  }
0x76: {  	v33 =	vmax.f32 v48, v52;
	v19 =	vadd.f32 v56, v19;
	v60 =	vsub.f32 v9, v1  }
0x77: {  	(erf) = vpow2.f32 v20;
	v42 =	vadd.f32 v42, v47;
	v14 =	vmax.f32 v22, v14  }
0x78: {  	s20 =	simm.s32 $0x14410;
	v63 =	vmul.f32 $2.000000030e-01, v19;
	v20 =	vmul.f32 $1.442695020e+00, v60;
	v14 =	vsub.f32 v14, v1  }
0x79: {  	v54 =	vld [tilespmem:s20+$0xFFFFFFF0];
	s30 =	simm.s32 $0x14210;
	v48 =	vor.u32 $0x2, v10;
	v47 =	vmul.f32 $2.000000030e-01, v42;
	v8 =	vadd.f32 v8, v43  }
0x7a: {  	v50 =	vld [tilespmem:s30+$0x0];
	v19 =	vmax.f32 v19, v63;
	(erf) = vpow2.f32 v20;
	v20 =	vmul.f32 $1.442695020e+00, v14  }
0x7b: {  	v52 =	vor.u32 $0x3, v28;
	v19 =	vsub.f32 v19, v1;
	v49 =	vmul.f32 $2.000000030e-01, v8  }
0x7c: {  	v33 =	vsub.f32 v33, v1;
	v62 =	vpop (erf);
	(erf) = vpow2.f32 v20;
	v20 =	vmax.f32 v42, v47  }
0x7d: {  	v51 =	vld [tilespmem:s20+$0x0];
	[tilespmem:v58+s16+$0x0] =	vst.idx.msk $0xffff, v62;
	v19 =	vmul.f32 $1.442695020e+00, v19;
	v40 =	vmax.f32 v8, v49;
	v20 =	vsub.f32 v20, v1  }
0x7e: {  	v45 =	vshll.u32 v54, $0x2;
	v27 =	vor.u32 $0x1, v58;
	v35 =	vld.idx.msk [tilespmem:v35+s1+$0x0], $0xffff;
	v40 =	vsub.f32 v40, v1  }
0x7f: {  	s21 =	simm.s32 $0x70;
	v38 =	vld.idx.msk [tilespmem:v38+s12+$0x0], $0xffff;
	(erf) = vpow2.f32 v19;
	v19 =	vshll.u32 v50, $0x2;
	v20 =	vmul.f32 $1.442695020e+00, v20  }
0x80: {  	v21 =	vor.u32 $0x2, v57;
	v56 =	vmov s21;
	v14 =	vor.u32 $0x3, v57;
	v55 =	vpop (erf)  }
0x81: {  	v53 =	vld [tilespmem:s30+$0xFFFFFFF0];
	v57 =	vshll.u32 v56, $0x2;
	[tilespmem:v39+s16+$0x0] =	vst.idx.msk $0xffff, v55;
	v40 =	vmul.f32 $1.442695020e+00, v40;
	(erf) = vpow2.f32 v20  }
0x82: {  	s31 =	simm.s32 $0x60;
	v22 =	vor.u32 $0x2, v58;
	v41 =	vld.idx.msk [tilespmem:v15+s1+$0x0], $0xffff;
	v15 =	vor.u32 v0, v57;
	v20 =	vshll.u32 v51, $0x2  }
0x83: {  	v8 =	vor.u32 $0x3, v58;
	v58 =	vpop (erf);
	(erf) = vpow2.f32 v40;
	v40 =	vld.idx.msk [tilespmem:v31+s12+$0x0], $0xffff;
	v31 =	vmov s31  }
0x84: {  	v54 =	vor.u32 $0x3, v25;
	v60 =	vor.u32 $0x1, v7;
	v38 =	vadd.f32 v38, v35;
	[tilespmem:v32+s16+$0x0] =	vst.idx.msk $0xffff, v58;
	v58 =	vld.idx.msk [tilespmem:v19+s1+$0x0], $0xffff  }
0x85: {  	v28 =	vor.u32 $0x2, v45;
	v62 =	vmul.f32 $1.442695020e+00, v33;
	v63 =	vor.u32 $0x2, v6;
	v29 =	vld.idx.msk [tilespmem:v29+s1+$0x0], $0xffff  }
0x86: {  	v49 =	vor.u32 $0x2, v2;
	v25 =	vmul.f32 $2.000000030e-01, v38;
	v57 =	vld.idx.msk [tilespmem:v30+s12+$0x0], $0xffff;
	v30 =	vshll.u32 v31, $0x2;
	v31 =	vpop (erf)  }
0x87: {  	v18 =	vor.u32 $0x2, v46;
	v9 =	vor.u32 $0x3, v46;
	v51 =	vor.u32 $0x3, v26;
	v50 =	vld.idx.msk [tilespmem:v20+s12+$0x0], $0xffff;
	[tilespmem:v15+s16+$0x0] =	vst.idx.msk $0xffff, v31  }
0x88: {  	v33 =	vor.u32 $0x3, v45;
	v25 =	vmax.f32 v38, v25;
	(erf) = vpow2.f32 v62;
	v26 =	vpop (erf);
	v43 =	vld.idx.msk [tilespmem:v59+s1+$0x0], $0xffff  }
0x89: {  	v42 =	vshll.u32 v53, $0x2;
	v32 =	vor.u32 $0x1, v45;
	v53 =	vor.u32 v0, v30;
	v39 =	vld.idx.msk [tilespmem:v60+s12+$0x0], $0xffff;
	[tilespmem:v61+s16+$0x0] =	vst.idx.msk $0xffff, v26  }
0x8a: {  	v30 =	vor.u32 $0x2, v42;
	v40 =	vadd.f32 v40, v41;
	v60 =	vsub.f32 v25, v1;
	v41 =	vld.idx.msk [tilespmem:v63+s1+$0x0], $0xffff;
	v59 =	vpop (erf)  }
0x8b: {  	v31 =	vor.u32 $0x1, v42;
	v35 =	vor.u32 $0x1, v53;
	v38 =	vld.idx.msk [tilespmem:v48+s12+$0x0], $0xffff;
	v46 =	vadd.f32 v57, v29;
	[tilespmem:v49+s16+$0x0] =	vst.idx.msk $0xffff, v59  }
0x8c: {  	v61 =	vmul.f32 $2.000000030e-01, v40;
	v44 =	vmul.f32 $1.442695020e+00, v60;
	v47 =	vadd.f32 v50, v58;
	v49 =	vld.idx.msk [tilespmem:v51+s1+$0x0], $0xffff  }
0x8d: {  	v26 =	vor.u32 $0x3, v42;
	v25 =	vor.u32 $0x2, v53;
	v63 =	vmul.f32 $2.000000030e-01, v46;
	v50 =	vld.idx.msk [tilespmem:v54+s12+$0x0], $0xffff  }
0x8e: {  	v42 =	vld.idx.msk [tilespmem:v42+s1+$0x0], $0xffff;
	v29 =	vmax.f32 v40, v61;
	(erf) = vpow2.f32 v44;
	v62 =	vmul.f32 $2.000000030e-01, v47  }
0x8f: {  	v57 =	vld.idx.msk [tilespmem:v45+s12+$0x0], $0xffff;
	v48 =	vsub.f32 v29, v1;
	v29 =	vor.u32 $0x3, v53;
	v43 =	vadd.f32 v39, v43  }
0x90: {  	v58 =	vpop (erf);
	v46 =	vmax.f32 v46, v63;
	v40 =	vadd.f32 v38, v41;
	v59 =	vmax.f32 v47, v62  }
0x91: {  	v60 =	vmul.f32 $1.442695020e+00, v48;
	v61 =	vpop (erf);
	v63 =	vmul.f32 $2.000000030e-01, v43;
	v62 =	vsub.f32 v59, v1  }
0x92: {  	v41 =	vsub.f32 v46, v1;
	[tilespmem:v53+s16+$0x0] =	vst.idx.msk $0xffff, v61;
	v45 =	vmul.f32 $2.000000030e-01, v40;
	v39 =	vadd.f32 v50, v49  }
0x93: {  	[tilespmem:v52+s16+$0x0] =	vst.idx.msk $0xffff, v58;
	(erf) = vpow2.f32 v60;
	v38 =	vld.idx.msk [tilespmem:v36+s1+$0x0], $0xffff;
	v43 =	vmax.f32 v43, v63;
	v44 =	vmul.f32 $1.442695020e+00, v62  }
0x94: {  	s22 =	simm.s32 $0x8;
	s23 =	simm.s32 $0x14230;
	v37 =	vld.idx.msk [tilespmem:v37+s12+$0x0], $0xffff;
	v36 =	vadd.f32 v57, v42;
	v43 =	vsub.f32 v43, v1;
	v42 =	vmul.f32 $2.000000030e-01, v39  }
.LBB2_3:
0x95: {  	(erf) = vpow2.f32 v44;
	v40 =	vmax.f32 v40, v45;
	v41 =	vmul.f32 $1.442695020e+00, v41;
	v44 =	vmovc v16;
	v16 =	vmovc v12  }
0x96: {  	v46 =	vld [tilespmem:s23+$0x0];
	s20 =	sadd.s32 $0x20, s20;
	v12 =	vmovc v14;
	v14 =	vmovc v33;
	v33 =	vmov v3;
	v3 =	vmov v5;
	v5 =	vmov v8  }
0x97: {  	v8 =	vmovc v29;
	v45 =	vld [tilespmem:s20+$0x0];
	v43 =	vmul.f32 $1.442695020e+00, v43;
	v47 =	vsub.f32 v40, v1;
	v39 =	vmax.f32 v39, v42  }
0x98: {  	v42 =	vmul.f32 $2.000000030e-01, v36;
	v29 =	vld [tilespmem:s23+$0xFFFFFFF0];
	v39 =	vsub.f32 v39, v1;
	(erf) = vpow2.f32 v41  }
0x99: {  	s21 =	sadd.s32 $0x20, s21;
	v37 =	vadd.f32 v37, v38;
	v41 =	vld [tilespmem:s20+$0xFFFFFFF0];
	(erf) = vpow2.f32 v43;
	v38 =	vmul.f32 $1.442695020e+00, v47;
	v40 =	vpop (erf)  }
0x9a: {  	s24 =	sadd.s32 $0xFFFFFFF0, s21;
	v36 =	vmax.f32 v36, v42;
	v42 =	vmov s21;
	[tilespmem:v27+s16+$0x0] =	vst.idx.msk $0xffff, v40;
	v39 =	vmul.f32 $1.442695020e+00, v39;
	v27 =	vmovc v35  }
0x9b: {  	v35 =	vshll.u32 v42, $0x2;
	v40 =	vshll.u32 v46, $0x2;
	v42 =	vld.idx.msk [tilespmem:v23+s1+$0x0], $0xffff;
	(erf) = vpow2.f32 v38;
	v23 =	vmovc v18;
	v18 =	vmovc v30  }
0x9c: {  	v43 =	vor.u32 v0, v35;
	v38 =	vshll.u32 v45, $0x2;
	v45 =	vld.idx.msk [tilespmem:v24+s12+$0x0], $0xffff;
	v24 =	vpop (erf);
	(erf) = vpow2.f32 v39  }
0x9d: {  	s22 =	sadd.s32 $0x2, s22;
	v35 =	vsub.f32 v36, v1;
	v30 =	vor.u32 $0x1, v19;
	v39 =	vshll.u32 v29, $0x2;
	[tilespmem:v34+s16+$0x0] =	vst.idx.msk $0xffff, v24;
	v24 =	vmovc v21  }
0x9e: {  	p0 =	slt.u32 s22, $0x1E;
	v36 =	vor.u32 $0x1, v20;
	v21 =	vmovc v28;
	v34 =	vshll.u32 v41, $0x2;
	v41 =	vor.u32 $0x1, v15;
	v46 =	vld.idx.msk [tilespmem:v17+s1+$0x0], $0xffff;
	v17 =	vmovc v11  }
0x9f: {  	v51 =	vmov s24;
	v47 =	vor.u32 $0x2, v13;
	v28 =	vmul.f32 $1.442695020e+00, v35;
	v29 =	vpop (erf);
	v44 =	vld.idx.msk [tilespmem:v44+s12+$0x0], $0xffff  }
0xa0: {  	v49 =	vor.u32 $0x2, v7;
	v50 =	vor.u32 $0x2, v4;
	v35 =	vshll.u32 v51, $0x2;
	v11 =	vmovc v9;
	v9 =	vmovc v26;
	v48 =	vld.idx.msk [tilespmem:v40+s1+$0x0], $0xffff  }
0xa1: {  	v2 =	vor.u32 $0x3, v2;
	v51 =	vld.idx.msk [tilespmem:v38+s12+$0x0], $0xffff;
	[tilespmem:v43+s16+$0x0] =	vst.idx.msk $0xffff, v29;
	(erf) = vpow2.f32 v28;
	v29 =	vor.u32 $0x3, v6;
	v6 =	vpop (erf)  }
0xa2: {  	v10 =	vor.u32 $0x3, v10;
	v52 =	vor.u32 $0x1, v39;
	v53 =	vor.u32 v0, v35;
	v54 =	vld.idx.msk [tilespmem:v30+s1+$0x0], $0xffff;
	v26 =	vpop (erf);
	[tilespmem:v33+s16+$0x0] =	vst.idx.msk $0xffff, v6  }
0xa3: {  	v55 =	vor.u32 $0x1, v34;
	v35 =	vor.u32 $0x1, v53;
	v33 =	vmul.f32 $2.000000030e-01, v37;
	v6 =	vmovc v13;
	v36 =	vld.idx.msk [tilespmem:v36+s12+$0x0], $0xffff;
	[tilespmem:v41+s16+$0x0] =	vst.idx.msk $0xffff, v26  }
0xa4: {  	v28 =	vor.u32 $0x2, v34;
	v42 =	vadd.f32 v45, v42;
	v30 =	vor.u32 $0x2, v39;
	v41 =	vld.idx.msk [tilespmem:v47+s1+$0x0], $0xffff;
	v13 =	vpop (erf)  }
0xa5: {  	v26 =	vor.u32 $0x3, v39;
	v47 =	vor.u32 $0x2, v53;
	v37 =	vmax.f32 v37, v33;
	v45 =	vld.idx.msk [tilespmem:v49+s12+$0x0], $0xffff;
	[tilespmem:v50+s16+$0x0] =	vst.idx.msk $0xffff, v13;
	v13 =	vpop (erf)  }
0xa6: {  	v33 =	vor.u32 $0x3, v34;
	v37 =	vsub.f32 v37, v1;
	v49 =	vmul.f32 $2.000000030e-01, v42;
	v50 =	vld.idx.msk [tilespmem:v29+s1+$0x0], $0xffff;
	[tilespmem:v2+s16+$0x0] =	vst.idx.msk $0xffff, v13  }
0xa7: {  	v44 =	vadd.f32 v44, v46;
	v48 =	vadd.f32 v51, v48;
	v29 =	vor.u32 $0x3, v53;
	v13 =	vmovc v19;
	v51 =	vld.idx.msk [tilespmem:v10+s12+$0x0], $0xffff  }
0xa8: {  	v19 =	vmovc v40;
	v37 =	vmul.f32 $1.442695020e+00, v37;
	v49 =	vmax.f32 v42, v49;
	v10 =	vmovc v7;
	v7 =	vmov v20;
	v46 =	vld.idx.msk [tilespmem:v39+s1+$0x0], $0xffff  }
0xa9: {  	v40 =	vmul.f32 $2.000000030e-01, v44;
	v2 =	vmovc v4;
	v20 =	vmovc v38;
	v39 =	vsub.f32 v49, v1;
	v42 =	vld.idx.msk [tilespmem:v34+s12+$0x0], $0xffff;
	v34 =	vmul.f32 $2.000000030e-01, v48  }
0xaa: {  	v4 =	vmov v15;
	v36 =	vadd.f32 v36, v54;
	v38 =	vpop (erf);
	(erf) = vpow2.f32 v37  }
.Ltmp0:
0xab: {  	v44 =	vmax.f32 v44, v40;
	v37 =	vmax.f32 v48, v34;
	[tilespmem:v53+s16+$0x0] =	vst.idx.msk $0xffff, v38;
	v53 =	vmul.f32 $1.442695020e+00, v39;
	(pc) =	sbr.rel @p0 .LBB2_3-.Ltmp0, $4  }
0xac: {  	v15 =	vmovc v43;
	v49 =	vmul.f32 $2.000000030e-01, v36;
	v40 =	vadd.f32 v45, v41;
	v48 =	vsub.f32 v37, v1;
	v38 =	vld.idx.msk [tilespmem:v31+s1+$0x0], $0xffff  }
0xad: {  	v41 =	vsub.f32 v44, v1;
	v39 =	vadd.f32 v51, v50;
	v31 =	vmovc v52;
	v37 =	vld.idx.msk [tilespmem:v32+s12+$0x0], $0xffff;
	(erf) = vpow2.f32 v53  }
0xae: {  	v43 =	vmax.f32 v36, v49;
	v45 =	vmul.f32 $2.000000030e-01, v40;
	v32 =	vmovc v55;
	v34 =	vmovc v22;
	v44 =	vmul.f32 $1.442695020e+00, v48  }
0xaf: {  	s23 =	sadd.s32 $0x20, s23;
	v43 =	vsub.f32 v43, v1;
	v22 =	vmovc v25;
	v25 =	vmovc v47;
	v36 =	vadd.f32 v42, v46;
	v42 =	vmul.f32 $2.000000030e-01, v39  }
0xb0: {  	(erf) = vpow2.f32 v44  }
0xb1: {  	v40 =	vmax.f32 v40, v45;
	v41 =	vmul.f32 $1.442695020e+00, v41;
	v63 =	vmul.f32 $2.000000030e-01, v36  }
0xb2: {  	v43 =	vmul.f32 $1.442695020e+00, v43;
	v40 =	vsub.f32 v40, v1;
	v39 =	vmax.f32 v39, v42  }
0xb3: {  	v39 =	vsub.f32 v39, v1;
	(erf) = vpow2.f32 v41;
	v36 =	vmax.f32 v36, v63  }
0xb4: {  	s20 =	sadd.s32 $0x20, s21;
	(erf) = vpow2.f32 v43;
	v40 =	vmul.f32 $1.442695020e+00, v40;
	v36 =	vsub.f32 v36, v1  }
0xb5: {  	v46 =	vmov s20;
	v39 =	vmul.f32 $1.442695020e+00, v39  }
0xb6: {  	v41 =	vshll.u32 v46, $0x2;
	(erf) = vpow2.f32 v40;
	v47 =	vmul.f32 $1.442695020e+00, v36  }
0xb7: {  	v48 =	vpop (erf);
	v36 =	vor.u32 v0, v41;
	(erf) = vpow2.f32 v39  }
0xb8: {  	v49 =	vor.u32 $0x1, v19;
	[tilespmem:v27+s16+$0x0] =	vst.idx.msk $0xffff, v48;
	(erf) = vpow2.f32 v47  }
0xb9: {  	v51 =	vor.u32 $0x1, v20;
	v52 =	vor.u32 $0x1, v15;
	v23 =	vld.idx.msk [tilespmem:v23+s1+$0x0], $0xffff;
	v50 =	vpop (erf)  }
0xba: {  	v53 =	vor.u32 $0x2, v13;
	s20 =	sadd.s32 $0xFFFFFFF0, s20;
	v24 =	vld.idx.msk [tilespmem:v24+s12+$0x0], $0xffff;
	[tilespmem:v34+s16+$0x0] =	vst.idx.msk $0xffff, v50  }
0xbb: {  	v56 =	vor.u32 $0x2, v7;
	v57 =	vor.u32 $0x2, v4;
	v54 =	vmov s20;
	v17 =	vld.idx.msk [tilespmem:v17+s1+$0x0], $0xffff;
	v55 =	vpop (erf)  }
0xbc: {  	v59 =	vor.u32 $0x3, v6;
	v39 =	vshll.u32 v54, $0x2;
	v58 =	vld.idx.msk [tilespmem:v16+s12+$0x0], $0xffff;
	[tilespmem:v36+s16+$0x0] =	vst.idx.msk $0xffff, v55;
	v16 =	vpop (erf)  }
0xbd: {  	v61 =	vor.u32 $0x3, v10;
	v37 =	vadd.f32 v37, v38;
	v6 =	vor.u32 v0, v39;
	v27 =	vld.idx.msk [tilespmem:v49+s1+$0x0], $0xffff;
	v60 =	vpop (erf)  }
0xbe: {  	v40 =	vld.idx.msk [tilespmem:v51+s12+$0x0], $0xffff;
	[tilespmem:v52+s16+$0x0] =	vst.idx.msk $0xffff, v60  }
0xbf: {  	v62 =	vmul.f32 $2.000000030e-01, v37;
	v34 =	vld.idx.msk [tilespmem:v53+s1+$0x0], $0xffff;
	v63 =	vpop (erf)  }
0xc0: {  	v41 =	vld.idx.msk [tilespmem:v56+s12+$0x0], $0xffff;
	[tilespmem:v57+s16+$0x0] =	vst.idx.msk $0xffff, v63;
	v10 =	vpop (erf)  }
0xc1: {  	v44 =	vmax.f32 v37, v62;
	v23 =	vadd.f32 v24, v23;
	v46 =	vld.idx.msk [tilespmem:v59+s1+$0x0], $0xffff;
	v47 =	vpop (erf)  }
0xc2: {  	v24 =	vsub.f32 v44, v1;
	v39 =	vld.idx.msk [tilespmem:v61+s12+$0x0], $0xffff;
	[tilespmem:v6+s16+$0x0] =	vst.idx.msk $0xffff, v47  }
0xc3: {  	v48 =	vmul.f32 $2.000000030e-01, v23;
	v17 =	vadd.f32 v58, v17;
	v31 =	vld.idx.msk [tilespmem:v31+s1+$0x0], $0xffff  }
0xc4: {  	v24 =	vmul.f32 $1.442695020e+00, v24;
	v32 =	vld.idx.msk [tilespmem:v32+s12+$0x0], $0xffff  }
0xc5: {  	v23 =	vmax.f32 v23, v48;
	v49 =	vmul.f32 $2.000000030e-01, v17;
	v27 =	vadd.f32 v40, v27  }
0xc6: {  	v23 =	vsub.f32 v23, v1;
	(erf) = vpow2.f32 v24  }
0xc7: {  	v17 =	vmax.f32 v17, v49;
	v50 =	vmul.f32 $2.000000030e-01, v27;
	v34 =	vadd.f32 v41, v34  }
0xc8: {  	v23 =	vmul.f32 $1.442695020e+00, v23;
	v17 =	vsub.f32 v17, v1;
	v37 =	vadd.f32 v39, v46  }
0xc9: {  	v24 =	vmax.f32 v27, v50;
	v51 =	vmul.f32 $2.000000030e-01, v34;
	v31 =	vadd.f32 v32, v31  }
0xca: {  	(erf) = vpow2.f32 v23;
	v52 =	vsub.f32 v24, v1;
	v53 =	vmul.f32 $2.000000030e-01, v37  }
0xcb: {  	v17 =	vmul.f32 $1.442695020e+00, v17;
	v27 =	vmax.f32 v34, v51;
	v32 =	vmul.f32 $2.000000030e-01, v31  }
0xcc: {  	v23 =	vmul.f32 $1.442695020e+00, v52;
	v27 =	vsub.f32 v27, v1;
	v24 =	vmax.f32 v37, v53  }
0xcd: {  	(erf) = vpow2.f32 v17;
	v24 =	vsub.f32 v24, v1;
	v54 =	vmax.f32 v31, v32  }
0xce: {  	(erf) = vpow2.f32 v23;
	v55 =	vmul.f32 $1.442695020e+00, v27;
	v17 =	vsub.f32 v54, v1  }
0xcf: {  	v24 =	vmul.f32 $1.442695020e+00, v24  }
0xd0: {  	(erf) = vpow2.f32 v55;
	v17 =	vmul.f32 $1.442695020e+00, v17  }
0xd1: {  	(erf) = vpow2.f32 v24  }
0xd2: {  	(erf) = vpow2.f32 v17  }
0xd3: {  	v57 =	vor.u32 $0x1, v36;
	v56 =	vpop (erf)  }
0xd4: {  	v58 =	vor.u32 $0x2, v19;
	[tilespmem:v35+s16+$0x0] =	vst.idx.msk $0xffff, v56  }
0xd5: {  	v60 =	vor.u32 $0x2, v20;
	v61 =	vor.u32 $0x2, v15;
	v18 =	vld.idx.msk [tilespmem:v18+s1+$0x0], $0xffff;
	v59 =	vpop (erf)  }
0xd6: {  	v62 =	vor.u32 $0x3, v13;
	v21 =	vld.idx.msk [tilespmem:v21+s12+$0x0], $0xffff;
	[tilespmem:v22+s16+$0x0] =	vst.idx.msk $0xffff, v59;
	v22 =	vpop (erf)  }
0xd7: {  	v38 =	vor.u32 $0x3, v7;
	v63 =	vor.u32 $0x1, v6;
	v11 =	vld.idx.msk [tilespmem:v11+s1+$0x0], $0xffff;
	v37 =	vpop (erf)  }
0xd8: {  	v12 =	vld.idx.msk [tilespmem:v12+s12+$0x0], $0xffff;
	[tilespmem:v57+s16+$0x0] =	vst.idx.msk $0xffff, v37  }
0xd9: {  	v17 =	vld.idx.msk [tilespmem:v58+s1+$0x0], $0xffff;
	v39 =	vpop (erf)  }
0xda: {  	v27 =	vld.idx.msk [tilespmem:v60+s12+$0x0], $0xffff;
	[tilespmem:v61+s16+$0x0] =	vst.idx.msk $0xffff, v39;
	v40 =	vpop (erf)  }
0xdb: {  	v13 =	vld.idx.msk [tilespmem:v62+s1+$0x0], $0xffff;
	v41 =	vpop (erf)  }
0xdc: {  	v7 =	vld.idx.msk [tilespmem:v38+s12+$0x0], $0xffff;
	[tilespmem:v63+s16+$0x0] =	vst.idx.msk $0xffff, v41  }
0xdd: {  	v24 =	vld.idx.msk [tilespmem:v30+s1+$0x0], $0xffff  }
0xde: {  	v28 =	vld.idx.msk [tilespmem:v28+s12+$0x0], $0xffff  }
0xdf: {  	v18 =	vadd.f32 v21, v18  }
0xe0: {  	v11 =	vadd.f32 v12, v11  }
0xe1: {  	v42 =	vmul.f32 $2.000000030e-01, v18;
	v17 =	vadd.f32 v27, v17  }
0xe2: {  	v43 =	vmul.f32 $2.000000030e-01, v11;
	v7 =	vadd.f32 v7, v13  }
0xe3: {  	v12 =	vmax.f32 v18, v42;
	v44 =	vmul.f32 $2.000000030e-01, v17;
	v45 =	vadd.f32 v28, v24  }
0xe4: {  	v12 =	vsub.f32 v12, v1;
	v11 =	vmax.f32 v11, v43;
	v46 =	vmul.f32 $2.000000030e-01, v7  }
0xe5: {  	v11 =	vsub.f32 v11, v1;
	v13 =	vmax.f32 v17, v44;
	v47 =	vmul.f32 $2.000000030e-01, v45  }
0xe6: {  	v12 =	vmul.f32 $1.442695020e+00, v12;
	v13 =	vsub.f32 v13, v1;
	v7 =	vmax.f32 v7, v46  }
0xe7: {  	v11 =	vmul.f32 $1.442695020e+00, v11;
	v7 =	vsub.f32 v7, v1;
	v17 =	vmax.f32 v45, v47  }
0xe8: {  	(erf) = vpow2.f32 v12;
	v48 =	vmul.f32 $1.442695020e+00, v13;
	v49 =	vsub.f32 v17, v1  }
0xe9: {  	(erf) = vpow2.f32 v11;
	v7 =	vmul.f32 $1.442695020e+00, v7  }
0xea: {  	(erf) = vpow2.f32 v48;
	v50 =	vmul.f32 $1.442695020e+00, v49  }
0xeb: {  	(erf) = vpow2.f32 v7  }
0xec: {  	(erf) = vpow2.f32 v50;
	_ =	sdelay $0x2  }
0xed: {  	v51 =	vor.u32 $0x2, v36  }
0xee: {  	v52 =	vor.u32 $0x3, v19  }
0xef: {  	v53 =	vor.u32 $0x2, v6;
	v55 =	vor.u32 $0x3, v20;
	v54 =	vpop (erf)  }
0xf0: {  	[tilespmem:v25+s16+$0x0] =	vst.idx.msk $0xffff, v54;
	v56 =	vpop (erf)  }
0xf1: {  	v9 =	vld.idx.msk [tilespmem:v9+s1+$0x0], $0xffff;
	v57 =	vpop (erf)  }
0xf2: {  	v14 =	vld.idx.msk [tilespmem:v14+s12+$0x0], $0xffff;
	[tilespmem:v51+s16+$0x0] =	vst.idx.msk $0xffff, v57;
	v58 =	vpop (erf)  }
0xf3: {  	v11 =	vld.idx.msk [tilespmem:v52+s1+$0x0], $0xffff;
	v59 =	vpop (erf)  }
0xf4: {  	v17 =	vld.idx.msk [tilespmem:v55+s12+$0x0], $0xffff;
	[tilespmem:v53+s16+$0x0] =	vst.idx.msk $0xffff, v59  }
0xf5: {  	v12 =	vld.idx.msk [tilespmem:v26+s1+$0x0], $0xffff  }
0xf6: {  	v18 =	vld.idx.msk [tilespmem:v33+s12+$0x0], $0xffff;
	_ =	sdelay $0x2  }
0xf7: {  	v9 =	vadd.f32 v14, v9  }
0xf8: {  	v11 =	vadd.f32 v17, v11  }
0xf9: {  	v14 =	vmul.f32 $2.000000030e-01, v9;
	v12 =	vadd.f32 v18, v12  }
0xfa: {  	v17 =	vmul.f32 $2.000000030e-01, v11  }
0xfb: {  	v9 =	vmax.f32 v9, v14;
	v60 =	vmul.f32 $2.000000030e-01, v12  }
0xfc: {  	v9 =	vsub.f32 v9, v1;
	v11 =	vmax.f32 v11, v17  }
0xfd: {  	v11 =	vsub.f32 v11, v1;
	v12 =	vmax.f32 v12, v60  }
0xfe: {  	v9 =	vmul.f32 $1.442695020e+00, v9;
	v12 =	vsub.f32 v12, v1  }
0xff: {  	v11 =	vmul.f32 $1.442695020e+00, v11  }
0x100: {  	v2 =	vor.u32 $0x3, v2;
	(erf) = vpow2.f32 v9;
	v61 =	vmul.f32 $1.442695020e+00, v12  }
0x101: {  	(erf) = vpow2.f32 v11  }
0x102: {  	v62 =	vor.u32 $0x3, v4;
	(erf) = vpow2.f32 v61;
	_ =	sdelay $0x1  }
0x103: {  	[tilespmem:v3+s16+$0x0] =	vst.idx.msk $0xffff, v16;
	v3 =	vor.u32 $0x3, v15  }
0x104: {  	[tilespmem:v2+s16+$0x0] =	vst.idx.msk $0xffff, v10  }
0x105: {  	v2 =	vor.u32 $0x3, v36;
	[tilespmem:v5+s16+$0x0] =	vst.idx.msk $0xffff, v22  }
0x106: {  	v63 =	vor.u32 $0x3, v6;
	[tilespmem:v62+s16+$0x0] =	vst.idx.msk $0xffff, v40  }
0x107: {  	[tilespmem:v8+s16+$0x0] =	vst.idx.msk $0xffff, v56  }
0x108: {  	[tilespmem:v3+s16+$0x0] =	vst.idx.msk $0xffff, v58;
	v3 =	vpop (erf)  }
0x109: {  	s18 =	sadd.s32 $0x1, s18;
	[tilespmem:v29+s16+$0x0] =	vst.idx.msk $0xffff, v3;
	v3 =	vpop (erf)  }
0x10a: {  	s19 =	sshrl.u32 s19, $0x1;
	p0 =	sne.s32 s18, $0x14;
	[tilespmem:v2+s16+$0x0] =	vst.idx.msk $0xffff, v3;
	v2 =	vpop (erf)  }
.Ltmp1:
0x10b: {  	s19 =	sadd.s32 s8, s19;
	[tilespmem:v63+s16+$0x0] =	vst.idx.msk $0xffff, v2;
	(pc) =	sbr.rel @p0 .LBB2_2-.Ltmp1, $4  }
0x10c: {  	[hbm4b:s19+s1] =	stream.linear.scatter [tilespmem:s16], [sflag:$0x1], $0x800, $0x38;
	[tilespmem:$0x14D80] =	vst v63  }
0x10d: {  	_ =	swait.ge [sflag:s11], $0x800  }
0x10e: {  	[sflag:s11] =	ssyncset.done $0x0  }
0x10f: {  	[sflag:s11] =	ssyncadd.s32 $0xFFFFF800  }
0x110: {  	s17 =	sadd.s32 $0x1, s17  }
0x111: {  	p0 =	sne.s32 s17, s10  }
.Ltmp2:
0x112: {  	_ = 	snop;
	(pc) =	sbr.rel @p0 .LBB2_1-.Ltmp2, $1  }
0x113: {  	_ =	sdelay $0x3  }
0x114: {  	_ =	sfence.sel $0x180000  }
0x115: {  	[bflag:$0x0] =	sbarrier.arrive $0xFFFF  }
0x116: {  	p0 =	sne.s32 s5, $0x0;
	_ =	strace $0x90000047  }
0x117: {  	s0 =	sadd.s32 @!p0 $0x100000, s0;
	[bflag:$0x2] =	sbarrier.arrive $0xFFFF  }
0x118: {  	[sflag:s0] =	ssyncadd.tile.s32 @!p0 $0x1;
	_ =	shalt  }
.Lfunc_end2:
_tile_overlayer_lowered:
.L_overlay_start_2:
0x119: {  	(tag) =	ssettag $0x2  }
0x11a: {  	s0 =	rddreg [dreg:$0x0];
	s2 =	stileid.u32  }
0x11b: {  	s1 =	rddreg [dreg:$0x1];
	p0 =	sne.s32 s2, $0x0  }
0x11c: {  	s3 =	rddreg [dreg:$0x2];
	[bflag:$0x3] =	sbarrier.arrive $0xFFFF;
	s2 =	simm.s32 @!p0 $0x1C01  }
0x11d: {  	[timem:s3], [sflag:s2] =	dma.local @!p0 [hbm:s0], s1  }
0x11e: {  	s0 =	simm.s32 @!p0 $0x1  }
0x11f: {  	_ =	swait.ge @!p0 [sflag:s0], s1  }
0x120: {  	s1 =	ssub.s32 @!p0 $0x0, s1;
	[sflag:s0] =	ssyncset.done @!p0 $0x0  }
0x121: {  	[sflag:s0] =	ssyncadd.s32 @!p0 s1  }
0x122: {  	[bflag:$0x3] =	sbarrier.arrive $0xFFFF  }
0x123: {  	_ =	shalt  }

</sc_bundles>
